<compile_context>
chip_gen: v7x
topology: tpu7x:2x2x1
jax: 0.10.2.dev20260603
libtpu: 0.0.44.dev20260713+nightly
codegen_flags: <defaults>
</compile_context>

<pallas_src>
import functools

import jax
import jax.numpy as jnp
from jax import lax
from jax.experimental import pallas as pl
from jax.experimental.pallas import tpu as pltpu
from jax.experimental.pallas import tpu_sc as plsc

N = 100000
D = 128
NSEG = 256
CHUNK = 80
SUPER = 2
SROWS = SUPER * CHUNK
NSUPER = N // SROWS
NBUF = 4
NC = 2
NS = 16
NW = NC * NS


def _seg_body(x_hbm, batch_hbm, sums_out, cnts_out,
              xbuf, idxbuf, cntloc, stage, acc, sem_in, sem_sc):
    cid = lax.axis_index("c")
    sid = lax.axis_index("s")
    wid = sid * NC + cid

    z16 = jnp.zeros((16,), jnp.float32)
    for r in range(16):
        for j in range(D // 16):
            stage[r, pl.ds(j * 16, 16)] = z16
    for j in range(NSEG // 16):
        cntloc[pl.ds(j * 16, 16)] = z16
    pltpu.sync_copy(stage, acc.at[pl.ds(sid * 16, 16)])

    plsc.subcore_barrier()

    base = NSUPER // NW
    rem = NSUPER - base * NW
    ntrip = base + jnp.where(wid < rem, 1, 0)
    o16 = jnp.ones((16,), jnp.float32)

    def issue_in(k, b):
        s = wid + k * NW
        pltpu.async_copy(x_hbm.at[pl.ds(s * SROWS, SROWS)], xbuf.at[b],
                         sem_in.at[b])
        for h in range(SUPER):
            pltpu.async_copy(batch_hbm.at[pl.ds(s * SROWS + h * CHUNK, CHUNK)],
                             idxbuf.at[b].at[h], sem_in.at[b])

    for b in range(NBUF):
        issue_in(b, b)

    @pl.loop(0, ntrip, step=NBUF)
    def _group(g):
        for b in range(NBUF):
            k = g + b

            @pl.when(k < ntrip)
            def _visit():
                pltpu.make_async_copy(x_hbm.at[pl.ds(0, SROWS)], xbuf.at[b],
                                      sem_in.at[b]).wait()
                for h in range(SUPER):
                    pltpu.make_async_copy(batch_hbm.at[pl.ds(0, CHUNK)],
                                          idxbuf.at[b].at[h],
                                          sem_in.at[b]).wait()
                for j in range(SUPER):
                    for l in range(CHUNK // 16):
                        idxv = idxbuf[b, j, pl.ds(l * 16, 16)]
                        plsc.addupdate_scatter(cntloc, [idxv], o16)
                descs = []
                for j in range(SUPER):
                    descs.append(pltpu.async_copy(
                        xbuf.at[b].at[pl.ds(j * CHUNK, CHUNK)],
                        acc.at[idxbuf.at[b].at[j]],
                        sem_sc.at[b], add=True))
                for d in descs:
                    d.wait()
                @pl.when(k + NBUF < ntrip)
                def _next():
                    issue_in(k + NBUF, b)

    pltpu.sync_copy(cntloc, cnts_out.at[wid])

    plsc.subcore_barrier()

    pltpu.sync_copy(acc.at[pl.ds(sid * 16, 16)], stage)
    pltpu.sync_copy(stage, sums_out.at[cid, pl.ds(sid * 16, 16)])


_seg_call = functools.partial(
    pl.kernel,
    out_type=[
        jax.ShapeDtypeStruct((NC, NSEG, D), jnp.float32),
        jax.ShapeDtypeStruct((NW, NSEG), jnp.float32),
    ],
    mesh=plsc.VectorSubcoreMesh(core_axis_name="c", subcore_axis_name="s",
                                num_cores=NC, num_subcores=NS),
    scratch_types=[
        pltpu.VMEM((NBUF, SROWS, D), jnp.float32),
        pltpu.VMEM((NBUF, SUPER, CHUNK), jnp.int32),
        pltpu.VMEM((NSEG,), jnp.float32),
        pltpu.VMEM((16, D), jnp.float32),
        pltpu.VMEM_SHARED((NSEG, D), jnp.float32),
        pltpu.SemaphoreType.DMA((NBUF,)),
        pltpu.SemaphoreType.DMA((NBUF,)),
    ],
    compiler_params=pltpu.CompilerParams(needs_layout_passes=False),
)(_seg_body)


def _mlp_body(sums_ref, cnts_ref, u_ref, W1_ref, b1_ref, gamma_ref,
              beta_ref, W2_ref, b2_ref, out_ref):
    sums = sums_ref[0] + sums_ref[1]
    cnt = jnp.sum(cnts_ref[...], axis=0)[:, None]
    mean = sums / jnp.maximum(cnt, 1.0)
    g_in = u_ref.shape[1]
    W1u = W1_ref[0:g_in, :]
    W1m = W1_ref[g_in:, :]
    h = (jnp.dot(u_ref[...], W1u, preferred_element_type=jnp.float32)
         + jnp.dot(mean, W1m, preferred_element_type=jnp.float32)
         + b1_ref[...])
    mu = jnp.mean(h, axis=-1, keepdims=True)
    var = jnp.mean((h - mu) ** 2, axis=-1, keepdims=True)
    h = (h - mu) * lax.rsqrt(var + 1e-5) * gamma_ref[...] + beta_ref[...]
    h = jnp.maximum(h, 0.0)
    out_ref[...] = (jnp.dot(h, W2_ref[...], preferred_element_type=jnp.float32)
                    + b2_ref[...])


def kernel(x, edge_index, edge_attr, u, batch, W1, b1, gamma, beta, W2, b2):
    del edge_index, edge_attr
    sums, cnts = _seg_call(x, batch)
    out = pl.pallas_call(
        _mlp_body,
        out_shape=jax.ShapeDtypeStruct((u.shape[0], W2.shape[1]), jnp.float32),
    )(sums, cnts, u, W1, b1, gamma, beta, W2, b2)
    return out

# --- scband reference (transcript-rebuilt; emitter-appended) ---
"""Pipeline reference for scband-global-model-13615046328671 (READ-ONLY COPY).

The authoritative reference and input builder live on the scoring server;
editing this copy changes nothing except your own understanding.
"""

import jax, jax.numpy as jnp
import numpy as np

N = 100000
E = 1600000
NODE_DIM = 128
G_IN = 64
B = 256
HIDDEN = 256
OUT = 128


def setup_inputs(seed: int = 0) -> dict:
    key = jax.random.key(seed)
    ks = jax.random.split(key, 12)
    x = jax.random.normal(ks[0], (N, NODE_DIM), dtype=jnp.float32)
    edge_index = jax.random.randint(ks[1], (2, E), 0, N, dtype=jnp.int32)
    edge_attr = jax.random.normal(ks[2], (E, 16), dtype=jnp.float32)
    u = jax.random.normal(ks[3], (B, G_IN), dtype=jnp.float32)
    batch = jnp.sort(jax.random.randint(ks[4], (N,), 0, B, dtype=jnp.int32))
    W1 = jax.random.normal(ks[5], (NODE_DIM + G_IN, HIDDEN), dtype=jnp.float32) * 0.05
    b1 = jnp.zeros((HIDDEN,), dtype=jnp.float32)
    gamma = jnp.ones((HIDDEN,), dtype=jnp.float32)
    beta = jnp.zeros((HIDDEN,), dtype=jnp.float32)
    W2 = jax.random.normal(ks[6], (HIDDEN, OUT), dtype=jnp.float32) * 0.05
    b2 = jnp.zeros((OUT,), dtype=jnp.float32)
    return {"x": x, "edge_index": edge_index, "edge_attr": edge_attr, "u": u,
            "batch": batch, "W1": W1, "b1": b1, "gamma": gamma, "beta": beta,
            "W2": W2, "b2": b2}


def _layer_norm(h, gamma, beta, eps=1e-5):
    mu = jnp.mean(h, axis=-1, keepdims=True)
    var = jnp.mean((h - mu) ** 2, axis=-1, keepdims=True)
    return (h - mu) / jnp.sqrt(var + eps) * gamma + beta


def reference(x, edge_index, edge_attr, u, batch, W1, b1, gamma, beta, W2, b2):
    # scatter_mean(x, batch, dim=0) -> per-graph mean of node features
    nb = u.shape[0]
    sums = jax.ops.segment_sum(x, batch, num_segments=nb)
    cnt = jax.ops.segment_sum(jnp.ones((x.shape[0], 1), x.dtype), batch, num_segments=nb)
    mean = sums / jnp.clip(cnt, 1.0, None)
    out = jnp.concatenate([u, mean], axis=1)
    # MLP: Linear -> LayerNorm -> ReLU -> (dropout=identity in eval) -> Linear
    h = out @ W1 + b1
    h = _layer_norm(h, gamma, beta)
    h = jax.nn.relu(h)
    y = h @ W2 + b2
    return y

if __name__ == "__main__":
    import jax
    _d = setup_inputs()
    print(jax.jit(kernel)(*tuple(_d.values())))

</pallas_src>

<mosaic_0001>
#map = affine_map<(d0, d1) -> (0, 0)>
#map1 = affine_map<(d0, d1) -> (0)>
#map2 = affine_map<(d0, d1) -> (0, 0, 0)>
module attributes {stable_mosaic.version = 14 : i64} {
  func.func @_seg_body(%arg0: i32, %arg1: i32, %arg2: memref<100000x128xf32, #tpu.memory_space<hbm>>, %arg3: memref<100000xi32, #tpu.memory_space<hbm>>, %arg4: memref<2x256x128xf32, #tpu.memory_space<hbm>>, %arg5: memref<32x256xf32, #tpu.memory_space<hbm>>, %arg6: memref<4x160x128xf32, #tpu.memory_space<vmem>>, %arg7: memref<4x2x80xi32, #tpu.memory_space<vmem>>, %arg8: memref<256xf32, #tpu.memory_space<vmem>>, %arg9: memref<16x128xf32, #tpu.memory_space<vmem>>, %arg10: memref<256x128xf32, #tpu.memory_space<vmem_shared>>, %arg11: memref<4x!tpu.dma_semaphore, #tpu.memory_space<semaphore_mem>>, %arg12: memref<4x!tpu.dma_semaphore, #tpu.memory_space<semaphore_mem>>) attributes {dimension_semantics = [#tpu.dimension_semantics<core_parallel>, #tpu.dimension_semantics<subcore_parallel>], iteration_bounds = array<i64: 2, 16>, scalar_prefetch = 0 : i64, scratch_operands = 7 : i64, tpu.core_type = #tpu.core_type<sc_vector_subcore>, window_params = [{transform_indices = #map}, {transform_indices = #map1}, {transform_indices = #map2}, {transform_indices = #map}]} {
    %mul3A = arith.constant 2 : i32
    %mul3A_0 = arith.muli %arg1, %mul3A : i32
    %add3A = arith.addi %mul3A_0, %arg0 : i32
    %broadcast_in_dim3A = arith.constant 0.000000e+00 : f32
    %broadcast_in_dim3A_1 = vector.broadcast %broadcast_in_dim3A : f32 to vector<16xf32>
    %swap3A = arith.constant 0 : i32
    %swap3A_2 = arith.index_cast %swap3A : i32 to index
    %swap3A_3 = arith.constant 0 : index
    %swap3A_4 = tpu.vector_load %arg9[%swap3A_2, %swap3A_3] {strides = array<i32>} : memref<16x128xf32, #tpu.memory_space<vmem>>, vector<16xf32>,
    tpu.vector_store %arg9[%swap3A_2, %swap3A_3], %broadcast_in_dim3A_1 {strides = array<i32>} : memref<16x128xf32, #tpu.memory_space<vmem>>, vector<16xf32>,
    %swap3A_5 = arith.constant 0 : i32
    %swap3A_6 = arith.index_cast %swap3A_5 : i32 to index
    %swap3A_7 = arith.constant 16 : index
    %swap3A_8 = tpu.vector_load %arg9[%swap3A_6, %swap3A_7] {strides = array<i32>} : memref<16x128xf32, #tpu.memory_space<vmem>>, vector<16xf32>,
    tpu.vector_store %arg9[%swap3A_6, %swap3A_7], %broadcast_in_dim3A_1 {strides = array<i32>} : memref<16x128xf32, #tpu.memory_space<vmem>>, vector<16xf32>,
    %swap3A_9 = arith.constant 0 : i32
    %swap3A_10 = arith.index_cast %swap3A_9 : i32 to index
    %swap3A_11 = arith.constant 32 : index
    %swap3A_12 = tpu.vector_load %arg9[%swap3A_10, %swap3A_11] {strides = array<i32>} : memref<16x128xf32, #tpu.memory_space<vmem>>, vector<16xf32>,
    tpu.vector_store %arg9[%swap3A_10, %swap3A_11], %broadcast_in_dim3A_1 {strides = array<i32>} : memref<16x128xf32, #tpu.memory_space<vmem>>, vector<16xf32>,
    %swap3A_13 = arith.constant 0 : i32
    %swap3A_14 = arith.index_cast %swap3A_13 : i32 to index
    %swap3A_15 = arith.constant 48 : index
    %swap3A_16 = tpu.vector_load %arg9[%swap3A_14, %swap3A_15] {strides = array<i32>} : memref<16x128xf32, #tpu.memory_space<vmem>>, vector<16xf32>,
    tpu.vector_store %arg9[%swap3A_14, %swap3A_15], %broadcast_in_dim3A_1 {strides = array<i32>} : memref<16x128xf32, #tpu.memory_space<vmem>>, vector<16xf32>,
    %swap3A_17 = arith.constant 0 : i32
    %swap3A_18 = arith.index_cast %swap3A_17 : i32 to index
    %swap3A_19 = arith.constant 64 : index
    %swap3A_20 = tpu.vector_load %arg9[%swap3A_18, %swap3A_19] {strides = array<i32>} : memref<16x128xf32, #tpu.memory_space<vmem>>, vector<16xf32>,
    tpu.vector_store %arg9[%swap3A_18, %swap3A_19], %broadcast_in_dim3A_1 {strides = array<i32>} : memref<16x128xf32, #tpu.memory_space<vmem>>, vector<16xf32>,
    %swap3A_21 = arith.constant 0 : i32
    %swap3A_22 = arith.index_cast %swap3A_21 : i32 to index
    %swap3A_23 = arith.constant 80 : index
    %swap3A_24 = tpu.vector_load %arg9[%swap3A_22, %swap3A_23] {strides = array<i32>} : memref<16x128xf32, #tpu.memory_space<vmem>>, vector<16xf32>,
    tpu.vector_store %arg9[%swap3A_22, %swap3A_23], %broadcast_in_dim3A_1 {strides = array<i32>} : memref<16x128xf32, #tpu.memory_space<vmem>>, vector<16xf32>,
    %swap3A_25 = arith.constant 0 : i32
    %swap3A_26 = arith.index_cast %swap3A_25 : i32 to index
    %swap3A_27 = arith.constant 96 : index
    %swap3A_28 = tpu.vector_load %arg9[%swap3A_26, %swap3A_27] {strides = array<i32>} : memref<16x128xf32, #tpu.memory_space<vmem>>, vector<16xf32>,
    tpu.vector_store %arg9[%swap3A_26, %swap3A_27], %broadcast_in_dim3A_1 {strides = array<i32>} : memref<16x128xf32, #tpu.memory_space<vmem>>, vector<16xf32>,
    %swap3A_29 = arith.constant 0 : i32
    %swap3A_30 = arith.index_cast %swap3A_29 : i32 to index
    %swap3A_31 = arith.constant 112 : index
    %swap3A_32 = tpu.vector_load %arg9[%swap3A_30, %swap3A_31] {strides = array<i32>} : memref<16x128xf32, #tpu.memory_space<vmem>>, vector<16xf32>,
    tpu.vector_store %arg9[%swap3A_30, %swap3A_31], %broadcast_in_dim3A_1 {strides = array<i32>} : memref<16x128xf32, #tpu.memory_space<vmem>>, vector<16xf32>,
    %swap3A_33 = arith.constant 1 : i32
    %swap3A_34 = arith.index_cast %swap3A_33 : i32 to index
    %swap3A_35 = arith.constant 0 : index
    %swap3A_36 = tpu.vector_load %arg9[%swap3A_34, %swap3A_35] {strides = array<i32>} : memref<16x128xf32, #tpu.memory_space<vmem>>, vector<16xf32>,
    tpu.vector_store %arg9[%swap3A_34, %swap3A_35], %broadcast_in_dim3A_1 {strides = array<i32>} : memref<16x128xf32, #tpu.memory_space<vmem>>, vector<16xf32>,
    %swap3A_37 = arith.constant 1 : i32
    %swap3A_38 = arith.index_cast %swap3A_37 : i32 to index
    %swap3A_39 = arith.constant 16 : index
    %swap3A_40 = tpu.vector_load %arg9[%swap3A_38, %swap3A_39] {strides = array<i32>} : memref<16x128xf32, #tpu.memory_space<vmem>>, vector<16xf32>,
    tpu.vector_store %arg9[%swap3A_38, %swap3A_39], %broadcast_in_dim3A_1 {strides = array<i32>} : memref<16x128xf32, #tpu.memory_space<vmem>>, vector<16xf32>,
    %swap3A_41 = arith.constant 1 : i32
    %swap3A_42 = arith.index_cast %swap3A_41 : i32 to index
    %swap3A_43 = arith.constant 32 : index
    %swap3A_44 = tpu.vector_load %arg9[%swap3A_42, %swap3A_43] {strides = array<i32>} : memref<16x128xf32, #tpu.memory_space<vmem>>, vector<16xf32>,
    tpu.vector_store %arg9[%swap3A_42, %swap3A_43], %broadcast_in_dim3A_1 {strides = array<i32>} : memref<16x128xf32, #tpu.memory_space<vmem>>, vector<16xf32>,
    %swap3A_45 = arith.constant 1 : i32
    %swap3A_46 = arith.index_cast %swap3A_45 : i32 to index
    %swap3A_47 = arith.constant 48 : index
    %swap3A_48 = tpu.vector_load %arg9[%swap3A_46, %swap3A_47] {strides = array<i32>} : memref<16x128xf32, #tpu.memory_space<vmem>>, vector<16xf32>,
    tpu.vector_store %arg9[%swap3A_46, %swap3A_47], %broadcast_in_dim3A_1 {strides = array<i32>} : memref<16x128xf32, #tpu.memory_space<vmem>>, vector<16xf32>,
    %swap3A_49 = arith.constant 1 : i32
    %swap3A_50 = arith.index_cast %swap3A_49 : i32 to index
    %swap3A_51 = arith.constant 64 : index
    %swap3A_52 = tpu.vector_load %arg9[%swap3A_50, %swap3A_51] {strides = array<i32>} : memref<16x128xf32, #tpu.memory_space<vmem>>, vector<16xf32>,
    tpu.vector_store %arg9[%swap3A_50, %swap3A_51], %broadcast_in_dim3A_1 {strides = array<i32>} : memref<16x128xf32, #tpu.memory_space<vmem>>, vector<16xf32>,
    %swap3A_53 = arith.constant 1 : i32
    %swap3A_54 = arith.index_cast %swap3A_53 : i32 to index
    %swap3A_55 = arith.constant 80 : index
    %swap3A_56 = tpu.vector_load %arg9[%swap3A_54, %swap3A_55] {strides = array<i32>} : memref<16x128xf32, #tpu.memory_space<vmem>>, vector<16xf32>,
    tpu.vector_store %arg9[%swap3A_54, %swap3A_55], %broadcast_in_dim3A_1 {strides = array<i32>} : memref<16x128xf32, #tpu.memory_space<vmem>>, vector<16xf32>,
    %swap3A_57 = arith.constant 1 : i32
    %swap3A_58 = arith.index_cast %swap3A_57 : i32 to index
    %swap3A_59 = arith.constant 96 : index
    %swap3A_60 = tpu.vector_load %arg9[%swap3A_58, %swap3A_59] {strides = array<i32>} : memref<16x128xf32, #tpu.memory_space<vmem>>, vector<16xf32>,
    tpu.vector_store %arg9[%swap3A_58, %swap3A_59], %broadcast_in_dim3A_1 {strides = array<i32>} : memref<16x128xf32, #tpu.memory_space<vmem>>, vector<16xf32>,
    %swap3A_61 = arith.constant 1 : i32
    %swap3A_62 = arith.index_cast %swap3A_61 : i32 to index
    %swap3A_63 = arith.constant 112 : index
    %swap3A_64 = tpu.vector_load %arg9[%swap3A_62, %swap3A_63] {strides = array<i32>} : memref<16x128xf32, #tpu.memory_space<vmem>>, vector<16xf32>,
    tpu.vector_store %arg9[%swap3A_62, %swap3A_63], %broadcast_in_dim3A_1 {strides = array<i32>} : memref<16x128xf32, #tpu.memory_space<vmem>>, vector<16xf32>,
    %swap3A_65 = arith.constant 2 : i32
    %swap3A_66 = arith.index_cast %swap3A_65 : i32 to index
    %swap3A_67 = arith.constant 0 : index
    %swap3A_68 = tpu.vector_load %arg9[%swap3A_66, %swap3A_67] {strides = array<i32>} : memref<16x128xf32, #tpu.memory_space<vmem>>, vector<16xf32>,
    tpu.vector_store %arg9[%swap3A_66, %swap3A_67], %broadcast_in_dim3A_1 {strides = array<i32>} : memref<16x128xf32, #tpu.memory_space<vmem>>, vector<16xf32>,
    %swap3A_69 = arith.constant 2 : i32
    %swap3A_70 = arith.index_cast %swap3A_69 : i32 to index
    %swap3A_71 = arith.constant 16 : index
    %swap3A_72 = tpu.vector_load %arg9[%swap3A_70, %swap3A_71] {strides = array<i32>} : memref<16x128xf32, #tpu.memory_space<vmem>>, vector<16xf32>,
    tpu.vector_store %arg9[%swap3A_70, %swap3A_71], %broadcast_in_dim3A_1 {strides = array<i32>} : memref<16x128xf32, #tpu.memory_space<vmem>>, vector<16xf32>,
    %swap3A_73 = arith.constant 2 : i32
    %swap3A_74 = arith.index_cast %swap3A_73 : i32 to index
    %swap3A_75 = arith.constant 32 : index
    %swap3A_76 = tpu.vector_load %arg9[%swap3A_74, %swap3A_75] {strides = array<i32>} : memref<16x128xf32, #tpu.memory_space<vmem>>, vector<16xf32>,
    tpu.vector_store %arg9[%swap3A_74, %swap3A_75], %broadcast_in_dim3A_1 {strides = array<i32>} : memref<16x128xf32, #tpu.memory_space<vmem>>, vector<16xf32>,
    %swap3A_77 = arith.constant 2 : i32
    %swap3A_78 = arith.index_cast %swap3A_77 : i32 to index
    %swap3A_79 = arith.constant 48 : index
    %swap3A_80 = tpu.vector_load %arg9[%swap3A_78, %swap3A_79] {strides = array<i32>} : memref<16x128xf32, #tpu.memory_space<vmem>>, vector<16xf32>,
    tpu.vector_store %arg9[%swap3A_78, %swap3A_79], %broadcast_in_dim3A_1 {strides = array<i32>} : memref<16x128xf32, #tpu.memory_space<vmem>>, vector<16xf32>,
    %swap3A_81 = arith.constant 2 : i32
    %swap3A_82 = arith.index_cast %swap3A_81 : i32 to index
    %swap3A_83 = arith.constant 64 : index
    %swap3A_84 = tpu.vector_load %arg9[%swap3A_82, %swap3A_83] {strides = array<i32>} : memref<16x128xf32, #tpu.memory_space<vmem>>, vector<16xf32>,
    tpu.vector_store %arg9[%swap3A_82, %swap3A_83], %broadcast_in_dim3A_1 {strides = array<i32>} : memref<16x128xf32, #tpu.memory_space<vmem>>, vector<16xf32>,
    %swap3A_85 = arith.constant 2 : i32
    %swap3A_86 = arith.index_cast %swap3A_85 : i32 to index
    %swap3A_87 = arith.constant 80 : index
    %swap3A_88 = tpu.vector_load %arg9[%swap3A_86, %swap3A_87] {strides = array<i32>} : memref<16x128xf32, #tpu.memory_space<vmem>>, vector<16xf32>,
    tpu.vector_store %arg9[%swap3A_86, %swap3A_87], %broadcast_in_dim3A_1 {strides = array<i32>} : memref<16x128xf32, #tpu.memory_space<vmem>>, vector<16xf32>,
    %swap3A_89 = arith.constant 2 : i32
    %swap3A_90 = arith.index_cast %swap3A_89 : i32 to index
    %swap3A_91 = arith.constant 96 : index
    %swap3A_92 = tpu.vector_load %arg9[%swap3A_90, %swap3A_91] {strides = array<i32>} : memref<16x128xf32, #tpu.memory_space<vmem>>, vector<16xf32>,
    tpu.vector_store %arg9[%swap3A_90, %swap3A_91], %broadcast_in_dim3A_1 {strides = array<i32>} : memref<16x128xf32, #tpu.memory_space<vmem>>, vector<16xf32>,
    %swap3A_93 = arith.constant 2 : i32
    %swap3A_94 = arith.index_cast %swap3A_93 : i32 to index
    %swap3A_95 = arith.constant 112 : index
    %swap3A_96 = tpu.vector_load %arg9[%swap3A_94, %swap3A_95] {strides = array<i32>} : memref<16x128xf32, #tpu.memory_space<vmem>>, vector<16xf32>,
    tpu.vector_store %arg9[%swap3A_94, %swap3A_95], %broadcast_in_dim3A_1 {strides = array<i32>} : memref<16x128xf32, #tpu.memory_space<vmem>>, vector<16xf32>,
    %swap3A_97 = arith.constant 3 : i32
    %swap3A_98 = arith.index_cast %swap3A_97 : i32 to index
    %swap3A_99 = arith.constant 0 : index
    %swap3A_100 = tpu.vector_load %arg9[%swap3A_98, %swap3A_99] {strides = array<i32>} : memref<16x128xf32, #tpu.memory_space<vmem>>, vector<16xf32>,
    tpu.vector_store %arg9[%swap3A_98, %swap3A_99], %broadcast_in_dim3A_1 {strides = array<i32>} : memref<16x128xf32, #tpu.memory_space<vmem>>, vector<16xf32>,
    %swap3A_101 = arith.constant 3 : i32
    %swap3A_102 = arith.index_cast %swap3A_101 : i32 to index
    %swap3A_103 = arith.constant 16 : index
    %swap3A_104 = tpu.vector_load %arg9[%swap3A_102, %swap3A_103] {strides = array<i32>} : memref<16x128xf32, #tpu.memory_space<vmem>>, vector<16xf32>,
    tpu.vector_store %arg9[%swap3A_102, %swap3A_103], %broadcast_in_dim3A_1 {strides = array<i32>} : memref<16x128xf32, #tpu.memory_space<vmem>>, vector<16xf32>,
    %swap3A_105 = arith.constant 3 : i32
    %swap3A_106 = arith.index_cast %swap3A_105 : i32 to index
    %swap3A_107 = arith.constant 32 : index
    %swap3A_108 = tpu.vector_load %arg9[%swap3A_106, %swap3A_107] {strides = array<i32>} : memref<16x128xf32, #tpu.memory_space<vmem>>, vector<16xf32>,
    tpu.vector_store %arg9[%swap3A_106, %swap3A_107], %broadcast_in_dim3A_1 {strides = array<i32>} : memref<16x128xf32, #tpu.memory_space<vmem>>, vector<16xf32>,
    %swap3A_109 = arith.constant 3 : i32
    %swap3A_110 = arith.index_cast %swap3A_109 : i32 to index
    %swap3A_111 = arith.constant 48 : index
    %swap3A_112 = tpu.vector_load %arg9[%swap3A_110, %swap3A_111] {strides = array<i32>} : memref<16x128xf32, #tpu.memory_space<vmem>>, vector<16xf32>,
    tpu.vector_store %arg9[%swap3A_110, %swap3A_111], %broadcast_in_dim3A_1 {strides = array<i32>} : memref<16x128xf32, #tpu.memory_space<vmem>>, vector<16xf32>,
    %swap3A_113 = arith.constant 3 : i32
    %swap3A_114 = arith.index_cast %swap3A_113 : i32 to index
    %swap3A_115 = arith.constant 64 : index
    %swap3A_116 = tpu.vector_load %arg9[%swap3A_114, %swap3A_115] {strides = array<i32>} : memref<16x128xf32, #tpu.memory_space<vmem>>, vector<16xf32>,
    tpu.vector_store %arg9[%swap3A_114, %swap3A_115], %broadcast_in_dim3A_1 {strides = array<i32>} : memref<16x128xf32, #tpu.memory_space<vmem>>, vector<16xf32>,
    %swap3A_117 = arith.constant 3 : i32
    %swap3A_118 = arith.index_cast %swap3A_117 : i32 to index
    %swap3A_119 = arith.constant 80 : index
    %swap3A_120 = tpu.vector_load %arg9[%swap3A_118, %swap3A_119] {strides = array<i32>} : memref<16x128xf32, #tpu.memory_space<vmem>>, vector<16xf32>,
    tpu.vector_store %arg9[%swap3A_118, %swap3A_119], %broadcast_in_dim3A_1 {strides = array<i32>} : memref<16x128xf32, #tpu.memory_space<vmem>>, vector<16xf32>,
    %swap3A_121 = arith.constant 3 : i32
    %swap3A_122 = arith.index_cast %swap3A_121 : i32 to index
    %swap3A_123 = arith.constant 96 : index
    %swap3A_124 = tpu.vector_load %arg9[%swap3A_122, %swap3A_123] {strides = array<i32>} : memref<16x128xf32, #tpu.memory_space<vmem>>, vector<16xf32>,
    tpu.vector_store %arg9[%swap3A_122, %swap3A_123], %broadcast_in_dim3A_1 {strides = array<i32>} : memref<16x128xf32, #tpu.memory_space<vmem>>, vector<16xf32>,
    %swap3A_125 = arith.constant 3 : i32
    %swap3A_126 = arith.index_cast %swap3A_125 : i32 to index
    %swap3A_127 = arith.constant 112 : index
    %swap3A_128 = tpu.vector_load %arg9[%swap3A_126, %swap3A_127] {strides = array<i32>} : memref<16x128xf32, #tpu.memory_space<vmem>>, vector<16xf32>,
    tpu.vector_store %arg9[%swap3A_126, %swap3A_127], %broadcast_in_dim3A_1 {strides = array<i32>} : memref<16x128xf32, #tpu.memory_space<vmem>>, vector<16xf32>,
    %swap3A_129 = arith.constant 4 : i32
    %swap3A_130 = arith.index_cast %swap3A_129 : i32 to index
    %swap3A_131 = arith.constant 0 : index
    %swap3A_132 = tpu.vector_load %arg9[%swap3A_130, %swap3A_131] {strides = array<i32>} : memref<16x128xf32, #tpu.memory_space<vmem>>, vector<16xf32>,
    tpu.vector_store %arg9[%swap3A_130, %swap3A_131], %broadcast_in_dim3A_1 {strides = array<i32>} : memref<16x128xf32, #tpu.memory_space<vmem>>, vector<16xf32>,
    %swap3A_133 = arith.constant 4 : i32
    %swap3A_134 = arith.index_cast %swap3A_133 : i32 to index
    %swap3A_135 = arith.constant 16 : index
    %swap3A_136 = tpu.vector_load %arg9[%swap3A_134, %swap3A_135] {strides = array<i32>} : memref<16x128xf32, #tpu.memory_space<vmem>>, vector<16xf32>,
    tpu.vector_store %arg9[%swap3A_134, %swap3A_135], %broadcast_in_dim3A_1 {strides = array<i32>} : memref<16x128xf32, #tpu.memory_space<vmem>>, vector<16xf32>,
    %swap3A_137 = arith.constant 4 : i32
    %swap3A_138 = arith.index_cast %swap3A_137 : i32 to index
    %swap3A_139 = arith.constant 32 : index
    %swap3A_140 = tpu.vector_load %arg9[%swap3A_138, %swap3A_139] {strides = array<i32>} : memref<16x128xf32, #tpu.memory_space<vmem>>, vector<16xf32>,
    tpu.vector_store %arg9[%swap3A_138, %swap3A_139], %broadcast_in_dim3A_1 {strides = array<i32>} : memref<16x128xf32, #tpu.memory_space<vmem>>, vector<16xf32>,
    %swap3A_141 = arith.constant 4 : i32
    %swap3A_142 = arith.index_cast %swap3A_141 : i32 to index
    %swap3A_143 = arith.constant 48 : index
    %swap3A_144 = tpu.vector_load %arg9[%swap3A_142, %swap3A_143] {strides = array<i32>} : memref<16x128xf32, #tpu.memory_space<vmem>>, vector<16xf32>,
    tpu.vector_store %arg9[%swap3A_142, %swap3A_143], %broadcast_in_dim3A_1 {strides = array<i32>} : memref<16x128xf32, #tpu.memory_space<vmem>>, vector<16xf32>,
    %swap3A_145 = arith.constant 4 : i32
    %swap3A_146 = arith.index_cast %swap3A_145 : i32 to index
    %swap3A_147 = arith.constant 64 : index
    %swap3A_148 = tpu.vector_load %arg9[%swap3A_146, %swap3A_147] {strides = array<i32>} : memref<16x128xf32, #tpu.memory_space<vmem>>, vector<16xf32>,
    tpu.vector_store %arg9[%swap3A_146, %swap3A_147], %broadcast_in_dim3A_1 {strides = array<i32>} : memref<16x128xf32, #tpu.memory_space<vmem>>, vector<16xf32>,
    %swap3A_149 = arith.constant 4 : i32
    %swap3A_150 = arith.index_cast %swap3A_149 : i32 to index
    %swap3A_151 = arith.constant 80 : index
    %swap3A_152 = tpu.vector_load %arg9[%swap3A_150, %swap3A_151] {strides = array<i32>} : memref<16x128xf32, #tpu.memory_space<vmem>>, vector<16xf32>,
    tpu.vector_store %arg9[%swap3A_150, %swap3A_151], %broadcast_in_dim3A_1 {strides = array<i32>} : memref<16x128xf32, #tpu.memory_space<vmem>>, vector<16xf32>,
    %swap3A_153 = arith.constant 4 : i32
    %swap3A_154 = arith.index_cast %swap3A_153 : i32 to index
    %swap3A_155 = arith.constant 96 : index
    %swap3A_156 = tpu.vector_load %arg9[%swap3A_154, %swap3A_155] {strides = array<i32>} : memref<16x128xf32, #tpu.memory_space<vmem>>, vector<16xf32>,
    tpu.vector_store %arg9[%swap3A_154, %swap3A_155], %broadcast_in_dim3A_1 {strides = array<i32>} : memref<16x128xf32, #tpu.memory_space<vmem>>, vector<16xf32>,
    %swap3A_157 = arith.constant 4 : i32
    %swap3A_158 = arith.index_cast %swap3A_157 : i32 to index
    %swap3A_159 = arith.constant 112 : index
    %swap3A_160 = tpu.vector_load %arg9[%swap3A_158, %swap3A_159] {strides = array<i32>} : memref<16x128xf32, #tpu.memory_space<vmem>>, vector<16xf32>,
    tpu.vector_store %arg9[%swap3A_158, %swap3A_159], %broadcast_in_dim3A_1 {strides = array<i32>} : memref<16x128xf32, #tpu.memory_space<vmem>>, vector<16xf32>,
    %swap3A_161 = arith.constant 5 : i32
    %swap3A_162 = arith.index_cast %swap3A_161 : i32 to index
    %swap3A_163 = arith.constant 0 : index
    %swap3A_164 = tpu.vector_load %arg9[%swap3A_162, %swap3A_163] {strides = array<i32>} : memref<16x128xf32, #tpu.memory_space<vmem>>, vector<16xf32>,
    tpu.vector_store %arg9[%swap3A_162, %swap3A_163], %broadcast_in_dim3A_1 {strides = array<i32>} : memref<16x128xf32, #tpu.memory_space<vmem>>, vector<16xf32>,
    %swap3A_165 = arith.constant 5 : i32
    %swap3A_166 = arith.index_cast %swap3A_165 : i32 to index
    %swap3A_167 = arith.constant 16 : index
    %swap3A_168 = tpu.vector_load %arg9[%swap3A_166, %swap3A_167] {strides = array<i32>} : memref<16x128xf32, #tpu.memory_space<vmem>>, vector<16xf32>,
    tpu.vector_store %arg9[%swap3A_166, %swap3A_167], %broadcast_in_dim3A_1 {strides = array<i32>} : memref<16x128xf32, #tpu.memory_space<vmem>>, vector<16xf32>,
    %swap3A_169 = arith.constant 5 : i32
    %swap3A_170 = arith.index_cast %swap3A_169 : i32 to index
    %swap3A_171 = arith.constant 32 : index
    %swap3A_172 = tpu.vector_load %arg9[%swap3A_170, %swap3A_171] {strides = array<i32>} : memref<16x128xf32, #tpu.memory_space<vmem>>, vector<16xf32>,
    tpu.vector_store %arg9[%swap3A_170, %swap3A_171], %broadcast_in_dim3A_1 {strides = array<i32>} : memref<16x128xf32, #tpu.memory_space<vmem>>, vector<16xf32>,
    %swap3A_173 = arith.constant 5 : i32
    %swap3A_174 = arith.index_cast %swap3A_173 : i32 to index
    %swap3A_175 = arith.constant 48 : index
    %swap3A_176 = tpu.vector_load %arg9[%swap3A_174, %swap3A_175] {strides = array<i32>} : memref<16x128xf32, #tpu.memory_space<vmem>>, vector<16xf32>,
    tpu.vector_store %arg9[%swap3A_174, %swap3A_175], %broadcast_in_dim3A_1 {strides = array<i32>} : memref<16x128xf32, #tpu.memory_space<vmem>>, vector<16xf32>,
    %swap3A_177 = arith.constant 5 : i32
    %swap3A_178 = arith.index_cast %swap3A_177 : i32 to index
    %swap3A_179 = arith.constant 64 : index
    %swap3A_180 = tpu.vector_load %arg9[%swap3A_178, %swap3A_179] {strides = array<i32>} : memref<16x128xf32, #tpu.memory_space<vmem>>, vector<16xf32>,
    tpu.vector_store %arg9[%swap3A_178, %swap3A_179], %broadcast_in_dim3A_1 {strides = array<i32>} : memref<16x128xf32, #tpu.memory_space<vmem>>, vector<16xf32>,
    %swap3A_181 = arith.constant 5 : i32
    %swap3A_182 = arith.index_cast %swap3A_181 : i32 to index
    %swap3A_183 = arith.constant 80 : index
    %swap3A_184 = tpu.vector_load %arg9[%swap3A_182, %swap3A_183] {strides = array<i32>} : memref<16x128xf32, #tpu.memory_space<vmem>>, vector<16xf32>,
    tpu.vector_store %arg9[%swap3A_182, %swap3A_183], %broadcast_in_dim3A_1 {strides = array<i32>} : memref<16x128xf32, #tpu.memory_space<vmem>>, vector<16xf32>,
    %swap3A_185 = arith.constant 5 : i32
    %swap3A_186 = arith.index_cast %swap3A_185 : i32 to index
    %swap3A_187 = arith.constant 96 : index
    %swap3A_188 = tpu.vector_load %arg9[%swap3A_186, %swap3A_187] {strides = array<i32>} : memref<16x128xf32, #tpu.memory_space<vmem>>, vector<16xf32>,
    tpu.vector_store %arg9[%swap3A_186, %swap3A_187], %broadcast_in_dim3A_1 {strides = array<i32>} : memref<16x128xf32, #tpu.memory_space<vmem>>, vector<16xf32>,
    %swap3A_189 = arith.constant 5 : i32
    %swap3A_190 = arith.index_cast %swap3A_189 : i32 to index
    %swap3A_191 = arith.constant 112 : index
    %swap3A_192 = tpu.vector_load %arg9[%swap3A_190, %swap3A_191] {strides = array<i32>} : memref<16x128xf32, #tpu.memory_space<vmem>>, vector<16xf32>,
    tpu.vector_store %arg9[%swap3A_190, %swap3A_191], %broadcast_in_dim3A_1 {strides = array<i32>} : memref<16x128xf32, #tpu.memory_space<vmem>>, vector<16xf32>,
    %swap3A_193 = arith.constant 6 : i32
    %swap3A_194 = arith.index_cast %swap3A_193 : i32 to index
    %swap3A_195 = arith.constant 0 : index
    %swap3A_196 = tpu.vector_load %arg9[%swap3A_194, %swap3A_195] {strides = array<i32>} : memref<16x128xf32, #tpu.memory_space<vmem>>, vector<16xf32>,
    tpu.vector_store %arg9[%swap3A_194, %swap3A_195], %broadcast_in_dim3A_1 {strides = array<i32>} : memref<16x128xf32, #tpu.memory_space<vmem>>, vector<16xf32>,
    %swap3A_197 = arith.constant 6 : i32
    %swap3A_198 = arith.index_cast %swap3A_197 : i32 to index
    %swap3A_199 = arith.constant 16 : index
    %swap3A_200 = tpu.vector_load %arg9[%swap3A_198, %swap3A_199] {strides = array<i32>} : memref<16x128xf32, #tpu.memory_space<vmem>>, vector<16xf32>,
    tpu.vector_store %arg9[%swap3A_198, %swap3A_199], %broadcast_in_dim3A_1 {strides = array<i32>} : memref<16x128xf32, #tpu.memory_space<vmem>>, vector<16xf32>,
    %swap3A_201 = arith.constant 6 : i32
    %swap3A_202 = arith.index_cast %swap3A_201 : i32 to index
    %swap3A_203 = arith.constant 32 : index
    %swap3A_204 = tpu.vector_load %arg9[%swap3A_202, %swap3A_203] {strides = array<i32>} : memref<16x128xf32, #tpu.memory_space<vmem>>, vector<16xf32>,
    tpu.vector_store %arg9[%swap3A_202, %swap3A_203], %broadcast_in_dim3A_1 {strides = array<i32>} : memref<16x128xf32, #tpu.memory_space<vmem>>, vector<16xf32>,
    %swap3A_205 = arith.constant 6 : i32
    %swap3A_206 = arith.index_cast %swap3A_205 : i32 to index
    %swap3A_207 = arith.constant 48 : index
    %swap3A_208 = tpu.vector_load %arg9[%swap3A_206, %swap3A_207] {strides = array<i32>} : memref<16x128xf32, #tpu.memory_space<vmem>>, vector<16xf32>,
    tpu.vector_store %arg9[%swap3A_206, %swap3A_207], %broadcast_in_dim3A_1 {strides = array<i32>} : memref<16x128xf32, #tpu.memory_space<vmem>>, vector<16xf32>,
    %swap3A_209 = arith.constant 6 : i32
    %swap3A_210 = arith.index_cast %swap3A_209 : i32 to index
    %swap3A_211 = arith.constant 64 : index
    %swap3A_212 = tpu.vector_load %arg9[%swap3A_210, %swap3A_211] {strides = array<i32>} : memref<16x128xf32, #tpu.memory_space<vmem>>, vector<16xf32>,
    tpu.vector_store %arg9[%swap3A_210, %swap3A_211], %broadcast_in_dim3A_1 {strides = array<i32>} : memref<16x128xf32, #tpu.memory_space<vmem>>, vector<16xf32>,
    %swap3A_213 = arith.constant 6 : i32
    %swap3A_214 = arith.index_cast %swap3A_213 : i32 to index
    %swap3A_215 = arith.constant 80 : index
    %swap3A_216 = tpu.vector_load %arg9[%swap3A_214, %swap3A_215] {strides = array<i32>} : memref<16x128xf32, #tpu.memory_space<vmem>>, vector<16xf32>,
    tpu.vector_store %arg9[%swap3A_214, %swap3A_215], %broadcast_in_dim3A_1 {strides = array<i32>} : memref<16x128xf32, #tpu.memory_space<vmem>>, vector<16xf32>,
    %swap3A_217 = arith.constant 6 : i32
    %swap3A_218 = arith.index_cast %swap3A_217 : i32 to index
    %swap3A_219 = arith.constant 96 : index
    %swap3A_220 = tpu.vector_load %arg9[%swap3A_218, %swap3A_219] {strides = array<i32>} : memref<16x128xf32, #tpu.memory_space<vmem>>, vector<16xf32>,
    tpu.vector_store %arg9[%swap3A_218, %swap3A_219], %broadcast_in_dim3A_1 {strides = array<i32>} : memref<16x128xf32, #tpu.memory_space<vmem>>, vector<16xf32>,
    %swap3A_221 = arith.constant 6 : i32
    %swap3A_222 = arith.index_cast %swap3A_221 : i32 to index
    %swap3A_223 = arith.constant 112 : index
    %swap3A_224 = tpu.vector_load %arg9[%swap3A_222, %swap3A_223] {strides = array<i32>} : memref<16x128xf32, #tpu.memory_space<vmem>>, vector<16xf32>,
    tpu.vector_store %arg9[%swap3A_222, %swap3A_223], %broadcast_in_dim3A_1 {strides = array<i32>} : memref<16x128xf32, #tpu.memory_space<vmem>>, vector<16xf32>,
    %swap3A_225 = arith.constant 7 : i32
    %swap3A_226 = arith.index_cast %swap3A_225 : i32 to index
    %swap3A_227 = arith.constant 0 : index
    %swap3A_228 = tpu.vector_load %arg9[%swap3A_226, %swap3A_227] {strides = array<i32>} : memref<16x128xf32, #tpu.memory_space<vmem>>, vector<16xf32>,
    tpu.vector_store %arg9[%swap3A_226, %swap3A_227], %broadcast_in_dim3A_1 {strides = array<i32>} : memref<16x128xf32, #tpu.memory_space<vmem>>, vector<16xf32>,
    %swap3A_229 = arith.constant 7 : i32
    %swap3A_230 = arith.index_cast %swap3A_229 : i32 to index
    %swap3A_231 = arith.constant 16 : index
    %swap3A_232 = tpu.vector_load %arg9[%swap3A_230, %swap3A_231] {strides = array<i32>} : memref<16x128xf32, #tpu.memory_space<vmem>>, vector<16xf32>,
    tpu.vector_store %arg9[%swap3A_230, %swap3A_231], %broadcast_in_dim3A_1 {strides = array<i32>} : memref<16x128xf32, #tpu.memory_space<vmem>>, vector<16xf32>,
    %swap3A_233 = arith.constant 7 : i32
    %swap3A_234 = arith.index_cast %swap3A_233 : i32 to index
    %swap3A_235 = arith.constant 32 : index
    %swap3A_236 = tpu.vector_load %arg9[%swap3A_234, %swap3A_235] {strides = array<i32>} : memref<16x128xf32, #tpu.memory_space<vmem>>, vector<16xf32>,
    tpu.vector_store %arg9[%swap3A_234, %swap3A_235], %broadcast_in_dim3A_1 {strides = array<i32>} : memref<16x128xf32, #tpu.memory_space<vmem>>, vector<16xf32>,
    %swap3A_237 = arith.constant 7 : i32
    %swap3A_238 = arith.index_cast %swap3A_237 : i32 to index
    %swap3A_239 = arith.constant 48 : index
    %swap3A_240 = tpu.vector_load %arg9[%swap3A_238, %swap3A_239] {strides = array<i32>} : memref<16x128xf32, #tpu.memory_space<vmem>>, vector<16xf32>,
    tpu.vector_store %arg9[%swap3A_238, %swap3A_239], %broadcast_in_dim3A_1 {strides = array<i32>} : memref<16x128xf32, #tpu.memory_space<vmem>>, vector<16xf32>,
    %swap3A_241 = arith.constant 7 : i32
    %swap3A_242 = arith.index_cast %swap3A_241 : i32 to index
    %swap3A_243 = arith.constant 64 : index
    %swap3A_244 = tpu.vector_load %arg9[%swap3A_242, %swap3A_243] {strides = array<i32>} : memref<16x128xf32, #tpu.memory_space<vmem>>, vector<16xf32>,
    tpu.vector_store %arg9[%swap3A_242, %swap3A_243], %broadcast_in_dim3A_1 {strides = array<i32>} : memref<16x128xf32, #tpu.memory_space<vmem>>, vector<16xf32>,
    %swap3A_245 = arith.constant 7 : i32
    %swap3A_246 = arith.index_cast %swap3A_245 : i32 to index
    %swap3A_247 = arith.constant 80 : index
    %swap3A_248 = tpu.vector_load %arg9[%swap3A_246, %swap3A_247] {strides = array<i32>} : memref<16x128xf32, #tpu.memory_space<vmem>>, vector<16xf32>,
    tpu.vector_store %arg9[%swap3A_246, %swap3A_247], %broadcast_in_dim3A_1 {strides = array<i32>} : memref<16x128xf32, #tpu.memory_space<vmem>>, vector<16xf32>,
    %swap3A_249 = arith.constant 7 : i32
    %swap3A_250 = arith.index_cast %swap3A_249 : i32 to index
    %swap3A_251 = arith.constant 96 : index
    %swap3A_252 = tpu.vector_load %arg9[%swap3A_250, %swap3A_251] {strides = array<i32>} : memref<16x128xf32, #tpu.memory_space<vmem>>, vector<16xf32>,
    tpu.vector_store %arg9[%swap3A_250, %swap3A_251], %broadcast_in_dim3A_1 {strides = array<i32>} : memref<16x128xf32, #tpu.memory_space<vmem>>, vector<16xf32>,
    %swap3A_253 = arith.constant 7 : i32
    %swap3A_254 = arith.index_cast %swap3A_253 : i32 to index
    %swap3A_255 = arith.constant 112 : index
    %swap3A_256 = tpu.vector_load %arg9[%swap3A_254, %swap3A_255] {strides = array<i32>} : memref<16x128xf32, #tpu.memory_space<vmem>>, vector<16xf32>,
    tpu.vector_store %arg9[%swap3A_254, %swap3A_255], %broadcast_in_dim3A_1 {strides = array<i32>} : memref<16x128xf32, #tpu.memory_space<vmem>>, vector<16xf32>,
    %swap3A_257 = arith.constant 8 : i32
    %swap3A_258 = arith.index_cast %swap3A_257 : i32 to index
    %swap3A_259 = arith.constant 0 : index
    %swap3A_260 = tpu.vector_load %arg9[%swap3A_258, %swap3A_259] {strides = array<i32>} : memref<16x128xf32, #tpu.memory_space<vmem>>, vector<16xf32>,
    tpu.vector_store %arg9[%swap3A_258, %swap3A_259], %broadcast_in_dim3A_1 {strides = array<i32>} : memref<16x128xf32, #tpu.memory_space<vmem>>, vector<16xf32>,
    %swap3A_261 = arith.constant 8 : i32
    %swap3A_262 = arith.index_cast %swap3A_261 : i32 to index
    %swap3A_263 = arith.constant 16 : index
    %swap3A_264 = tpu.vector_load %arg9[%swap3A_262, %swap3A_263] {strides = array<i32>} : memref<16x128xf32, #tpu.memory_space<vmem>>, vector<16xf32>,
    tpu.vector_store %arg9[%swap3A_262, %swap3A_263], %broadcast_in_dim3A_1 {strides = array<i32>} : memref<16x128xf32, #tpu.memory_space<vmem>>, vector<16xf32>,
    %swap3A_265 = arith.constant 8 : i32
    %swap3A_266 = arith.index_cast %swap3A_265 : i32 to index
    %swap3A_267 = arith.constant 32 : index
    %swap3A_268 = tpu.vector_load %arg9[%swap3A_266, %swap3A_267] {strides = array<i32>} : memref<16x128xf32, #tpu.memory_space<vmem>>, vector<16xf32>,
    tpu.vector_store %arg9[%swap3A_266, %swap3A_267], %broadcast_in_dim3A_1 {strides = array<i32>} : memref<16x128xf32, #tpu.memory_space<vmem>>, vector<16xf32>,
    %swap3A_269 = arith.constant 8 : i32
    %swap3A_270 = arith.index_cast %swap3A_269 : i32 to index
    %swap3A_271 = arith.constant 48 : index
    %swap3A_272 = tpu.vector_load %arg9[%swap3A_270, %swap3A_271] {strides = array<i32>} : memref<16x128xf32, #tpu.memory_space<vmem>>, vector<16xf32>,
    tpu.vector_store %arg9[%swap3A_270, %swap3A_271], %broadcast_in_dim3A_1 {strides = array<i32>} : memref<16x128xf32, #tpu.memory_space<vmem>>, vector<16xf32>,
    %swap3A_273 = arith.constant 8 : i32
    %swap3A_274 = arith.index_cast %swap3A_273 : i32 to index
    %swap3A_275 = arith.constant 64 : index
    %swap3A_276 = tpu.vector_load %arg9[%swap3A_274, %swap3A_275] {strides = array<i32>} : memref<16x128xf32, #tpu.memory_space<vmem>>, vector<16xf32>,
    tpu.vector_store %arg9[%swap3A_274, %swap3A_275], %broadcast_in_dim3A_1 {strides = array<i32>} : memref<16x128xf32, #tpu.memory_space<vmem>>, vector<16xf32>,
    %swap3A_277 = arith.constant 8 : i32
    %swap3A_278 = arith.index_cast %swap3A_277 : i32 to index
    %swap3A_279 = arith.constant 80 : index
    %swap3A_280 = tpu.vector_load %arg9[%swap3A_278, %swap3A_279] {strides = array<i32>} : memref<16x128xf32, #tpu.memory_space<vmem>>, vector<16xf32>,
    tpu.vector_store %arg9[%swap3A_278, %swap3A_279], %broadcast_in_dim3A_1 {strides = array<i32>} : memref<16x128xf32, #tpu.memory_space<vmem>>, vector<16xf32>,
    %swap3A_281 = arith.constant 8 : i32
    %swap3A_282 = arith.index_cast %swap3A_281 : i32 to index
    %swap3A_283 = arith.constant 96 : index
    %swap3A_284 = tpu.vector_load %arg9[%swap3A_282, %swap3A_283] {strides = array<i32>} : memref<16x128xf32, #tpu.memory_space<vmem>>, vector<16xf32>,
    tpu.vector_store %arg9[%swap3A_282, %swap3A_283], %broadcast_in_dim3A_1 {strides = array<i32>} : memref<16x128xf32, #tpu.memory_space<vmem>>, vector<16xf32>,
    %swap3A_285 = arith.constant 8 : i32
    %swap3A_286 = arith.index_cast %swap3A_285 : i32 to index
    %swap3A_287 = arith.constant 112 : index
    %swap3A_288 = tpu.vector_load %arg9[%swap3A_286, %swap3A_287] {strides = array<i32>} : memref<16x128xf32, #tpu.memory_space<vmem>>, vector<16xf32>,
    tpu.vector_store %arg9[%swap3A_286, %swap3A_287], %broadcast_in_dim3A_1 {strides = array<i32>} : memref<16x128xf32, #tpu.memory_space<vmem>>, vector<16xf32>,
    %swap3A_289 = arith.constant 9 : i32
    %swap3A_290 = arith.index_cast %swap3A_289 : i32 to index
    %swap3A_291 = arith.constant 0 : index
    %swap3A_292 = tpu.vector_load %arg9[%swap3A_290, %swap3A_291] {strides = array<i32>} : memref<16x128xf32, #tpu.memory_space<vmem>>, vector<16xf32>,
    tpu.vector_store %arg9[%swap3A_290, %swap3A_291], %broadcast_in_dim3A_1 {strides = array<i32>} : memref<16x128xf32, #tpu.memory_space<vmem>>, vector<16xf32>,
    %swap3A_293 = arith.constant 9 : i32
    %swap3A_294 = arith.index_cast %swap3A_293 : i32 to index
    %swap3A_295 = arith.constant 16 : index
    %swap3A_296 = tpu.vector_load %arg9[%swap3A_294, %swap3A_295] {strides = array<i32>} : memref<16x128xf32, #tpu.memory_space<vmem>>, vector<16xf32>,
    tpu.vector_store %arg9[%swap3A_294, %swap3A_295], %broadcast_in_dim3A_1 {strides = array<i32>} : memref<16x128xf32, #tpu.memory_space<vmem>>, vector<16xf32>,
    %swap3A_297 = arith.constant 9 : i32
    %swap3A_298 = arith.index_cast %swap3A_297 : i32 to index
    %swap3A_299 = arith.constant 32 : index
    %swap3A_300 = tpu.vector_load %arg9[%swap3A_298, %swap3A_299] {strides = array<i32>} : memref<16x128xf32, #tpu.memory_space<vmem>>, vector<16xf32>,
    tpu.vector_store %arg9[%swap3A_298, %swap3A_299], %broadcast_in_dim3A_1 {strides = array<i32>} : memref<16x128xf32, #tpu.memory_space<vmem>>, vector<16xf32>,
    %swap3A_301 = arith.constant 9 : i32
    %swap3A_302 = arith.index_cast %swap3A_301 : i32 to index
    %swap3A_303 = arith.constant 48 : index
    %swap3A_304 = tpu.vector_load %arg9[%swap3A_302, %swap3A_303] {strides = array<i32>} : memref<16x128xf32, #tpu.memory_space<vmem>>, vector<16xf32>,
    tpu.vector_store %arg9[%swap3A_302, %swap3A_303], %broadcast_in_dim3A_1 {strides = array<i32>} : memref<16x128xf32, #tpu.memory_space<vmem>>, vector<16xf32>,
    %swap3A_305 = arith.constant 9 : i32
    %swap3A_306 = arith.index_cast %swap3A_305 : i32 to index
    %swap3A_307 = arith.constant 64 : index
    %swap3A_308 = tpu.vector_load %arg9[%swap3A_306, %swap3A_307] {strides = array<i32>} : memref<16x128xf32, #tpu.memory_space<vmem>>, vector<16xf32>,
    tpu.vector_store %arg9[%swap3A_306, %swap3A_307], %broadcast_in_dim3A_1 {strides = array<i32>} : memref<16x128xf32, #tpu.memory_space<vmem>>, vector<16xf32>,
    %swap3A_309 = arith.constant 9 : i32
    %swap3A_310 = arith.index_cast %swap3A_309 : i32 to index
    %swap3A_311 = arith.constant 80 : index
    %swap3A_312 = tpu.vector_load %arg9[%swap3A_310, %swap3A_311] {strides = array<i32>} : memref<16x128xf32, #tpu.memory_space<vmem>>, vector<16xf32>,
    tpu.vector_store %arg9[%swap3A_310, %swap3A_311], %broadcast_in_dim3A_1 {strides = array<i32>} : memref<16x128xf32, #tpu.memory_space<vmem>>, vector<16xf32>,
    %swap3A_313 = arith.constant 9 : i32
    %swap3A_314 = arith.index_cast %swap3A_313 : i32 to index
    %swap3A_315 = arith.constant 96 : index
    %swap3A_316 = tpu.vector_load %arg9[%swap3A_314, %swap3A_315] {strides = array<i32>} : memref<16x128xf32, #tpu.memory_space<vmem>>, vector<16xf32>,
    tpu.vector_store %arg9[%swap3A_314, %swap3A_315], %broadcast_in_dim3A_1 {strides = array<i32>} : memref<16x128xf32, #tpu.memory_space<vmem>>, vector<16xf32>,
    %swap3A_317 = arith.constant 9 : i32
    %swap3A_318 = arith.index_cast %swap3A_317 : i32 to index
    %swap3A_319 = arith.constant 112 : index
    %swap3A_320 = tpu.vector_load %arg9[%swap3A_318, %swap3A_319] {strides = array<i32>} : memref<16x128xf32, #tpu.memory_space<vmem>>, vector<16xf32>,
    tpu.vector_store %arg9[%swap3A_318, %swap3A_319], %broadcast_in_dim3A_1 {strides = array<i32>} : memref<16x128xf32, #tpu.memory_space<vmem>>, vector<16xf32>,
    %swap3A_321 = arith.constant 10 : i32
    %swap3A_322 = arith.index_cast %swap3A_321 : i32 to index
    %swap3A_323 = arith.constant 0 : index
    %swap3A_324 = tpu.vector_load %arg9[%swap3A_322, %swap3A_323] {strides = array<i32>} : memref<16x128xf32, #tpu.memory_space<vmem>>, vector<16xf32>,
    tpu.vector_store %arg9[%swap3A_322, %swap3A_323], %broadcast_in_dim3A_1 {strides = array<i32>} : memref<16x128xf32, #tpu.memory_space<vmem>>, vector<16xf32>,
    %swap3A_325 = arith.constant 10 : i32
    %swap3A_326 = arith.index_cast %swap3A_325 : i32 to index
    %swap3A_327 = arith.constant 16 : index
    %swap3A_328 = tpu.vector_load %arg9[%swap3A_326, %swap3A_327] {strides = array<i32>} : memref<16x128xf32, #tpu.memory_space<vmem>>, vector<16xf32>,
    tpu.vector_store %arg9[%swap3A_326, %swap3A_327], %broadcast_in_dim3A_1 {strides = array<i32>} : memref<16x128xf32, #tpu.memory_space<vmem>>, vector<16xf32>,
    %swap3A_329 = arith.constant 10 : i32
    %swap3A_330 = arith.index_cast %swap3A_329 : i32 to index
    %swap3A_331 = arith.constant 32 : index
    %swap3A_332 = tpu.vector_load %arg9[%swap3A_330, %swap3A_331] {strides = array<i32>} : memref<16x128xf32, #tpu.memory_space<vmem>>, vector<16xf32>,
    tpu.vector_store %arg9[%swap3A_330, %swap3A_331], %broadcast_in_dim3A_1 {strides = array<i32>} : memref<16x128xf32, #tpu.memory_space<vmem>>, vector<16xf32>,
    %swap3A_333 = arith.constant 10 : i32
    %swap3A_334 = arith.index_cast %swap3A_333 : i32 to index
    %swap3A_335 = arith.constant 48 : index
    %swap3A_336 = tpu.vector_load %arg9[%swap3A_334, %swap3A_335] {strides = array<i32>} : memref<16x128xf32, #tpu.memory_space<vmem>>, vector<16xf32>,
    tpu.vector_store %arg9[%swap3A_334, %swap3A_335], %broadcast_in_dim3A_1 {strides = array<i32>} : memref<16x128xf32, #tpu.memory_space<vmem>>, vector<16xf32>,
    %swap3A_337 = arith.constant 10 : i32
    %swap3A_338 = arith.index_cast %swap3A_337 : i32 to index
    %swap3A_339 = arith.constant 64 : index
    %swap3A_340 = tpu.vector_load %arg9[%swap3A_338, %swap3A_339] {strides = array<i32>} : memref<16x128xf32, #tpu.memory_space<vmem>>, vector<16xf32>,
    tpu.vector_store %arg9[%swap3A_338, %swap3A_339], %broadcast_in_dim3A_1 {strides = array<i32>} : memref<16x128xf32, #tpu.memory_space<vmem>>, vector<16xf32>,
    %swap3A_341 = arith.constant 10 : i32
    %swap3A_342 = arith.index_cast %swap3A_341 : i32 to index
    %swap3A_343 = arith.constant 80 : index
    %swap3A_344 = tpu.vector_load %arg9[%swap3A_342, %swap3A_343] {strides = array<i32>} : memref<16x128xf32, #tpu.memory_space<vmem>>, vector<16xf32>,
    tpu.vector_store %arg9[%swap3A_342, %swap3A_343], %broadcast_in_dim3A_1 {strides = array<i32>} : memref<16x128xf32, #tpu.memory_space<vmem>>, vector<16xf32>,
    %swap3A_345 = arith.constant 10 : i32
    %swap3A_346 = arith.index_cast %swap3A_345 : i32 to index
    %swap3A_347 = arith.constant 96 : index
    %swap3A_348 = tpu.vector_load %arg9[%swap3A_346, %swap3A_347] {strides = array<i32>} : memref<16x128xf32, #tpu.memory_space<vmem>>, vector<16xf32>,
    tpu.vector_store %arg9[%swap3A_346, %swap3A_347], %broadcast_in_dim3A_1 {strides = array<i32>} : memref<16x128xf32, #tpu.memory_space<vmem>>, vector<16xf32>,
    %swap3A_349 = arith.constant 10 : i32
    %swap3A_350 = arith.index_cast %swap3A_349 : i32 to index
    %swap3A_351 = arith.constant 112 : index
    %swap3A_352 = tpu.vector_load %arg9[%swap3A_350, %swap3A_351] {strides = array<i32>} : memref<16x128xf32, #tpu.memory_space<vmem>>, vector<16xf32>,
    tpu.vector_store %arg9[%swap3A_350, %swap3A_351], %broadcast_in_dim3A_1 {strides = array<i32>} : memref<16x128xf32, #tpu.memory_space<vmem>>, vector<16xf32>,
    %swap3A_353 = arith.constant 11 : i32
    %swap3A_354 = arith.index_cast %swap3A_353 : i32 to index
    %swap3A_355 = arith.constant 0 : index
    %swap3A_356 = tpu.vector_load %arg9[%swap3A_354, %swap3A_355] {strides = array<i32>} : memref<16x128xf32, #tpu.memory_space<vmem>>, vector<16xf32>,
    tpu.vector_store %arg9[%swap3A_354, %swap3A_355], %broadcast_in_dim3A_1 {strides = array<i32>} : memref<16x128xf32, #tpu.memory_space<vmem>>, vector<16xf32>,
    %swap3A_357 = arith.constant 11 : i32
    %swap3A_358 = arith.index_cast %swap3A_357 : i32 to index
    %swap3A_359 = arith.constant 16 : index
    %swap3A_360 = tpu.vector_load %arg9[%swap3A_358, %swap3A_359] {strides = array<i32>} : memref<16x128xf32, #tpu.memory_space<vmem>>, vector<16xf32>,
    tpu.vector_store %arg9[%swap3A_358, %swap3A_359], %broadcast_in_dim3A_1 {strides = array<i32>} : memref<16x128xf32, #tpu.memory_space<vmem>>, vector<16xf32>,
    %swap3A_361 = arith.constant 11 : i32
    %swap3A_362 = arith.index_cast %swap3A_361 : i32 to index
    %swap3A_363 = arith.constant 32 : index
    %swap3A_364 = tpu.vector_load %arg9[%swap3A_362, %swap3A_363] {strides = array<i32>} : memref<16x128xf32, #tpu.memory_space<vmem>>, vector<16xf32>,
    tpu.vector_store %arg9[%swap3A_362, %swap3A_363], %broadcast_in_dim3A_1 {strides = array<i32>} : memref<16x128xf32, #tpu.memory_space<vmem>>, vector<16xf32>,
    %swap3A_365 = arith.constant 11 : i32
    %swap3A_366 = arith.index_cast %swap3A_365 : i32 to index
    %swap3A_367 = arith.constant 48 : index
    %swap3A_368 = tpu.vector_load %arg9[%swap3A_366, %swap3A_367] {strides = array<i32>} : memref<16x128xf32, #tpu.memory_space<vmem>>, vector<16xf32>,
    tpu.vector_store %arg9[%swap3A_366, %swap3A_367], %broadcast_in_dim3A_1 {strides = array<i32>} : memref<16x128xf32, #tpu.memory_space<vmem>>, vector<16xf32>,
    %swap3A_369 = arith.constant 11 : i32
    %swap3A_370 = arith.index_cast %swap3A_369 : i32 to index
    %swap3A_371 = arith.constant 64 : index
    %swap3A_372 = tpu.vector_load %arg9[%swap3A_370, %swap3A_371] {strides = array<i32>} : memref<16x128xf32, #tpu.memory_space<vmem>>, vector<16xf32>,
    tpu.vector_store %arg9[%swap3A_370, %swap3A_371], %broadcast_in_dim3A_1 {strides = array<i32>} : memref<16x128xf32, #tpu.memory_space<vmem>>, vector<16xf32>,
    %swap3A_373 = arith.constant 11 : i32
    %swap3A_374 = arith.index_cast %swap3A_373 : i32 to index
    %swap3A_375 = arith.constant 80 : index
    %swap3A_376 = tpu.vector_load %arg9[%swap3A_374, %swap3A_375] {strides = array<i32>} : memref<16x128xf32, #tpu.memory_space<vmem>>, vector<16xf32>,
    tpu.vector_store %arg9[%swap3A_374, %swap3A_375], %broadcast_in_dim3A_1 {strides = array<i32>} : memref<16x128xf32, #tpu.memory_space<vmem>>, vector<16xf32>,
    %swap3A_377 = arith.constant 11 : i32
    %swap3A_378 = arith.index_cast %swap3A_377 : i32 to index
    %swap3A_379 = arith.constant 96 : index
    %swap3A_380 = tpu.vector_load %arg9[%swap3A_378, %swap3A_379] {strides = array<i32>} : memref<16x128xf32, #tpu.memory_space<vmem>>, vector<16xf32>,
    tpu.vector_store %arg9[%swap3A_378, %swap3A_379], %broadcast_in_dim3A_1 {strides = array<i32>} : memref<16x128xf32, #tpu.memory_space<vmem>>, vector<16xf32>,
    %swap3A_381 = arith.constant 11 : i32
    %swap3A_382 = arith.index_cast %swap3A_381 : i32 to index
    %swap3A_383 = arith.constant 112 : index
    %swap3A_384 = tpu.vector_load %arg9[%swap3A_382, %swap3A_383] {strides = array<i32>} : memref<16x128xf32, #tpu.memory_space<vmem>>, vector<16xf32>,
    tpu.vector_store %arg9[%swap3A_382, %swap3A_383], %broadcast_in_dim3A_1 {strides = array<i32>} : memref<16x128xf32, #tpu.memory_space<vmem>>, vector<16xf32>,
    %swap3A_385 = arith.constant 12 : i32
    %swap3A_386 = arith.index_cast %swap3A_385 : i32 to index
    %swap3A_387 = arith.constant 0 : index
    %swap3A_388 = tpu.vector_load %arg9[%swap3A_386, %swap3A_387] {strides = array<i32>} : memref<16x128xf32, #tpu.memory_space<vmem>>, vector<16xf32>,
    tpu.vector_store %arg9[%swap3A_386, %swap3A_387], %broadcast_in_dim3A_1 {strides = array<i32>} : memref<16x128xf32, #tpu.memory_space<vmem>>, vector<16xf32>,
    %swap3A_389 = arith.constant 12 : i32
    %swap3A_390 = arith.index_cast %swap3A_389 : i32 to index
    %swap3A_391 = arith.constant 16 : index
    %swap3A_392 = tpu.vector_load %arg9[%swap3A_390, %swap3A_391] {strides = array<i32>} : memref<16x128xf32, #tpu.memory_space<vmem>>, vector<16xf32>,
    tpu.vector_store %arg9[%swap3A_390, %swap3A_391], %broadcast_in_dim3A_1 {strides = array<i32>} : memref<16x128xf32, #tpu.memory_space<vmem>>, vector<16xf32>,
    %swap3A_393 = arith.constant 12 : i32
    %swap3A_394 = arith.index_cast %swap3A_393 : i32 to index
    %swap3A_395 = arith.constant 32 : index
    %swap3A_396 = tpu.vector_load %arg9[%swap3A_394, %swap3A_395] {strides = array<i32>} : memref<16x128xf32, #tpu.memory_space<vmem>>, vector<16xf32>,
    tpu.vector_store %arg9[%swap3A_394, %swap3A_395], %broadcast_in_dim3A_1 {strides = array<i32>} : memref<16x128xf32, #tpu.memory_space<vmem>>, vector<16xf32>,
    %swap3A_397 = arith.constant 12 : i32
    %swap3A_398 = arith.index_cast %swap3A_397 : i32 to index
    %swap3A_399 = arith.constant 48 : index
    %swap3A_400 = tpu.vector_load %arg9[%swap3A_398, %swap3A_399] {strides = array<i32>} : memref<16x128xf32, #tpu.memory_space<vmem>>, vector<16xf32>,
    tpu.vector_store %arg9[%swap3A_398, %swap3A_399], %broadcast_in_dim3A_1 {strides = array<i32>} : memref<16x128xf32, #tpu.memory_space<vmem>>, vector<16xf32>,
    %swap3A_401 = arith.constant 12 : i32
    %swap3A_402 = arith.index_cast %swap3A_401 : i32 to index
    %swap3A_403 = arith.constant 64 : index
    %swap3A_404 = tpu.vector_load %arg9[%swap3A_402, %swap3A_403] {strides = array<i32>} : memref<16x128xf32, #tpu.memory_space<vmem>>, vector<16xf32>,
    tpu.vector_store %arg9[%swap3A_402, %swap3A_403], %broadcast_in_dim3A_1 {strides = array<i32>} : memref<16x128xf32, #tpu.memory_space<vmem>>, vector<16xf32>,
    %swap3A_405 = arith.constant 12 : i32
    %swap3A_406 = arith.index_cast %swap3A_405 : i32 to index
    %swap3A_407 = arith.constant 80 : index
    %swap3A_408 = tpu.vector_load %arg9[%swap3A_406, %swap3A_407] {strides = array<i32>} : memref<16x128xf32, #tpu.memory_space<vmem>>, vector<16xf32>,
    tpu.vector_store %arg9[%swap3A_406, %swap3A_407], %broadcast_in_dim3A_1 {strides = array<i32>} : memref<16x128xf32, #tpu.memory_space<vmem>>, vector<16xf32>,
    %swap3A_409 = arith.constant 12 : i32
    %swap3A_410 = arith.index_cast %swap3A_409 : i32 to index
    %swap3A_411 = arith.constant 96 : index
    %swap3A_412 = tpu.vector_load %arg9[%swap3A_410, %swap3A_411] {strides = array<i32>} : memref<16x128xf32, #tpu.memory_space<vmem>>, vector<16xf32>,
    tpu.vector_store %arg9[%swap3A_410, %swap3A_411], %broadcast_in_dim3A_1 {strides = array<i32>} : memref<16x128xf32, #tpu.memory_space<vmem>>, vector<16xf32>,
    %swap3A_413 = arith.constant 12 : i32
    %swap3A_414 = arith.index_cast %swap3A_413 : i32 to index
    %swap3A_415 = arith.constant 112 : index
    %swap3A_416 = tpu.vector_load %arg9[%swap3A_414, %swap3A_415] {strides = array<i32>} : memref<16x128xf32, #tpu.memory_space<vmem>>, vector<16xf32>,
    tpu.vector_store %arg9[%swap3A_414, %swap3A_415], %broadcast_in_dim3A_1 {strides = array<i32>} : memref<16x128xf32, #tpu.memory_space<vmem>>, vector<16xf32>,
    %swap3A_417 = arith.constant 13 : i32
    %swap3A_418 = arith.index_cast %swap3A_417 : i32 to index
    %swap3A_419 = arith.constant 0 : index
    %swap3A_420 = tpu.vector_load %arg9[%swap3A_418, %swap3A_419] {strides = array<i32>} : memref<16x128xf32, #tpu.memory_space<vmem>>, vector<16xf32>,
    tpu.vector_store %arg9[%swap3A_418, %swap3A_419], %broadcast_in_dim3A_1 {strides = array<i32>} : memref<16x128xf32, #tpu.memory_space<vmem>>, vector<16xf32>,
    %swap3A_421 = arith.constant 13 : i32
    %swap3A_422 = arith.index_cast %swap3A_421 : i32 to index
    %swap3A_423 = arith.constant 16 : index
    %swap3A_424 = tpu.vector_load %arg9[%swap3A_422, %swap3A_423] {strides = array<i32>} : memref<16x128xf32, #tpu.memory_space<vmem>>, vector<16xf32>,
    tpu.vector_store %arg9[%swap3A_422, %swap3A_423], %broadcast_in_dim3A_1 {strides = array<i32>} : memref<16x128xf32, #tpu.memory_space<vmem>>, vector<16xf32>,
    %swap3A_425 = arith.constant 13 : i32
    %swap3A_426 = arith.index_cast %swap3A_425 : i32 to index
    %swap3A_427 = arith.constant 32 : index
    %swap3A_428 = tpu.vector_load %arg9[%swap3A_426, %swap3A_427] {strides = array<i32>} : memref<16x128xf32, #tpu.memory_space<vmem>>, vector<16xf32>,
    tpu.vector_store %arg9[%swap3A_426, %swap3A_427], %broadcast_in_dim3A_1 {strides = array<i32>} : memref<16x128xf32, #tpu.memory_space<vmem>>, vector<16xf32>,
    %swap3A_429 = arith.constant 13 : i32
    %swap3A_430 = arith.index_cast %swap3A_429 : i32 to index
    %swap3A_431 = arith.constant 48 : index
    %swap3A_432 = tpu.vector_load %arg9[%swap3A_430, %swap3A_431] {strides = array<i32>} : memref<16x128xf32, #tpu.memory_space<vmem>>, vector<16xf32>,
    tpu.vector_store %arg9[%swap3A_430, %swap3A_431], %broadcast_in_dim3A_1 {strides = array<i32>} : memref<16x128xf32, #tpu.memory_space<vmem>>, vector<16xf32>,
    %swap3A_433 = arith.constant 13 : i32
    %swap3A_434 = arith.index_cast %swap3A_433 : i32 to index
    %swap3A_435 = arith.constant 64 : index
    %swap3A_436 = tpu.vector_load %arg9[%swap3A_434, %swap3A_435] {strides = array<i32>} : memref<16x128xf32, #tpu.memory_space<vmem>>, vector<16xf32>,
    tpu.vector_store %arg9[%swap3A_434, %swap3A_435], %broadcast_in_dim3A_1 {strides = array<i32>} : memref<16x128xf32, #tpu.memory_space<vmem>>, vector<16xf32>,
    %swap3A_437 = arith.constant 13 : i32
    %swap3A_438 = arith.index_cast %swap3A_437 : i32 to index
    %swap3A_439 = arith.constant 80 : index
    %swap3A_440 = tpu.vector_load %arg9[%swap3A_438, %swap3A_439] {strides = array<i32>} : memref<16x128xf32, #tpu.memory_space<vmem>>, vector<16xf32>,
    tpu.vector_store %arg9[%swap3A_438, %swap3A_439], %broadcast_in_dim3A_1 {strides = array<i32>} : memref<16x128xf32, #tpu.memory_space<vmem>>, vector<16xf32>,
    %swap3A_441 = arith.constant 13 : i32
    %swap3A_442 = arith.index_cast %swap3A_441 : i32 to index
    %swap3A_443 = arith.constant 96 : index
    %swap3A_444 = tpu.vector_load %arg9[%swap3A_442, %swap3A_443] {strides = array<i32>} : memref<16x128xf32, #tpu.memory_space<vmem>>, vector<16xf32>,
    tpu.vector_store %arg9[%swap3A_442, %swap3A_443], %broadcast_in_dim3A_1 {strides = array<i32>} : memref<16x128xf32, #tpu.memory_space<vmem>>, vector<16xf32>,
    %swap3A_445 = arith.constant 13 : i32
    %swap3A_446 = arith.index_cast %swap3A_445 : i32 to index
    %swap3A_447 = arith.constant 112 : index
    %swap3A_448 = tpu.vector_load %arg9[%swap3A_446, %swap3A_447] {strides = array<i32>} : memref<16x128xf32, #tpu.memory_space<vmem>>, vector<16xf32>,
    tpu.vector_store %arg9[%swap3A_446, %swap3A_447], %broadcast_in_dim3A_1 {strides = array<i32>} : memref<16x128xf32, #tpu.memory_space<vmem>>, vector<16xf32>,
    %swap3A_449 = arith.constant 14 : i32
    %swap3A_450 = arith.index_cast %swap3A_449 : i32 to index
    %swap3A_451 = arith.constant 0 : index
    %swap3A_452 = tpu.vector_load %arg9[%swap3A_450, %swap3A_451] {strides = array<i32>} : memref<16x128xf32, #tpu.memory_space<vmem>>, vector<16xf32>,
    tpu.vector_store %arg9[%swap3A_450, %swap3A_451], %broadcast_in_dim3A_1 {strides = array<i32>} : memref<16x128xf32, #tpu.memory_space<vmem>>, vector<16xf32>,
    %swap3A_453 = arith.constant 14 : i32
    %swap3A_454 = arith.index_cast %swap3A_453 : i32 to index
    %swap3A_455 = arith.constant 16 : index
    %swap3A_456 = tpu.vector_load %arg9[%swap3A_454, %swap3A_455] {strides = array<i32>} : memref<16x128xf32, #tpu.memory_space<vmem>>, vector<16xf32>,
    tpu.vector_store %arg9[%swap3A_454, %swap3A_455], %broadcast_in_dim3A_1 {strides = array<i32>} : memref<16x128xf32, #tpu.memory_space<vmem>>, vector<16xf32>,
    %swap3A_457 = arith.constant 14 : i32
    %swap3A_458 = arith.index_cast %swap3A_457 : i32 to index
    %swap3A_459 = arith.constant 32 : index
    %swap3A_460 = tpu.vector_load %arg9[%swap3A_458, %swap3A_459] {strides = array<i32>} : memref<16x128xf32, #tpu.memory_space<vmem>>, vector<16xf32>,
    tpu.vector_store %arg9[%swap3A_458, %swap3A_459], %broadcast_in_dim3A_1 {strides = array<i32>} : memref<16x128xf32, #tpu.memory_space<vmem>>, vector<16xf32>,
    %swap3A_461 = arith.constant 14 : i32
    %swap3A_462 = arith.index_cast %swap3A_461 : i32 to index
    %swap3A_463 = arith.constant 48 : index
    %swap3A_464 = tpu.vector_load %arg9[%swap3A_462, %swap3A_463] {strides = array<i32>} : memref<16x128xf32, #tpu.memory_space<vmem>>, vector<16xf32>,
    tpu.vector_store %arg9[%swap3A_462, %swap3A_463], %broadcast_in_dim3A_1 {strides = array<i32>} : memref<16x128xf32, #tpu.memory_space<vmem>>, vector<16xf32>,
    %swap3A_465 = arith.constant 14 : i32
    %swap3A_466 = arith.index_cast %swap3A_465 : i32 to index
    %swap3A_467 = arith.constant 64 : index
    %swap3A_468 = tpu.vector_load %arg9[%swap3A_466, %swap3A_467] {strides = array<i32>} : memref<16x128xf32, #tpu.memory_space<vmem>>, vector<16xf32>,
    tpu.vector_store %arg9[%swap3A_466, %swap3A_467], %broadcast_in_dim3A_1 {strides = array<i32>} : memref<16x128xf32, #tpu.memory_space<vmem>>, vector<16xf32>,
    %swap3A_469 = arith.constant 14 : i32
    %swap3A_470 = arith.index_cast %swap3A_469 : i32 to index
    %swap3A_471 = arith.constant 80 : index
    %swap3A_472 = tpu.vector_load %arg9[%swap3A_470, %swap3A_471] {strides = array<i32>} : memref<16x128xf32, #tpu.memory_space<vmem>>, vector<16xf32>,
    tpu.vector_store %arg9[%swap3A_470, %swap3A_471], %broadcast_in_dim3A_1 {strides = array<i32>} : memref<16x128xf32, #tpu.memory_space<vmem>>, vector<16xf32>,
    %swap3A_473 = arith.constant 14 : i32
    %swap3A_474 = arith.index_cast %swap3A_473 : i32 to index
    %swap3A_475 = arith.constant 96 : index
    %swap3A_476 = tpu.vector_load %arg9[%swap3A_474, %swap3A_475] {strides = array<i32>} : memref<16x128xf32, #tpu.memory_space<vmem>>, vector<16xf32>,
    tpu.vector_store %arg9[%swap3A_474, %swap3A_475], %broadcast_in_dim3A_1 {strides = array<i32>} : memref<16x128xf32, #tpu.memory_space<vmem>>, vector<16xf32>,
    %swap3A_477 = arith.constant 14 : i32
    %swap3A_478 = arith.index_cast %swap3A_477 : i32 to index
    %swap3A_479 = arith.constant 112 : index
    %swap3A_480 = tpu.vector_load %arg9[%swap3A_478, %swap3A_479] {strides = array<i32>} : memref<16x128xf32, #tpu.memory_space<vmem>>, vector<16xf32>,
    tpu.vector_store %arg9[%swap3A_478, %swap3A_479], %broadcast_in_dim3A_1 {strides = array<i32>} : memref<16x128xf32, #tpu.memory_space<vmem>>, vector<16xf32>,
    %swap3A_481 = arith.constant 15 : i32
    %swap3A_482 = arith.index_cast %swap3A_481 : i32 to index
    %swap3A_483 = arith.constant 0 : index
    %swap3A_484 = tpu.vector_load %arg9[%swap3A_482, %swap3A_483] {strides = array<i32>} : memref<16x128xf32, #tpu.memory_space<vmem>>, vector<16xf32>,
    tpu.vector_store %arg9[%swap3A_482, %swap3A_483], %broadcast_in_dim3A_1 {strides = array<i32>} : memref<16x128xf32, #tpu.memory_space<vmem>>, vector<16xf32>,
    %swap3A_485 = arith.constant 15 : i32
    %swap3A_486 = arith.index_cast %swap3A_485 : i32 to index
    %swap3A_487 = arith.constant 16 : index
    %swap3A_488 = tpu.vector_load %arg9[%swap3A_486, %swap3A_487] {strides = array<i32>} : memref<16x128xf32, #tpu.memory_space<vmem>>, vector<16xf32>,
    tpu.vector_store %arg9[%swap3A_486, %swap3A_487], %broadcast_in_dim3A_1 {strides = array<i32>} : memref<16x128xf32, #tpu.memory_space<vmem>>, vector<16xf32>,
    %swap3A_489 = arith.constant 15 : i32
    %swap3A_490 = arith.index_cast %swap3A_489 : i32 to index
    %swap3A_491 = arith.constant 32 : index
    %swap3A_492 = tpu.vector_load %arg9[%swap3A_490, %swap3A_491] {strides = array<i32>} : memref<16x128xf32, #tpu.memory_space<vmem>>, vector<16xf32>,
    tpu.vector_store %arg9[%swap3A_490, %swap3A_491], %broadcast_in_dim3A_1 {strides = array<i32>} : memref<16x128xf32, #tpu.memory_space<vmem>>, vector<16xf32>,
    %swap3A_493 = arith.constant 15 : i32
    %swap3A_494 = arith.index_cast %swap3A_493 : i32 to index
    %swap3A_495 = arith.constant 48 : index
    %swap3A_496 = tpu.vector_load %arg9[%swap3A_494, %swap3A_495] {strides = array<i32>} : memref<16x128xf32, #tpu.memory_space<vmem>>, vector<16xf32>,
    tpu.vector_store %arg9[%swap3A_494, %swap3A_495], %broadcast_in_dim3A_1 {strides = array<i32>} : memref<16x128xf32, #tpu.memory_space<vmem>>, vector<16xf32>,
    %swap3A_497 = arith.constant 15 : i32
    %swap3A_498 = arith.index_cast %swap3A_497 : i32 to index
    %swap3A_499 = arith.constant 64 : index
    %swap3A_500 = tpu.vector_load %arg9[%swap3A_498, %swap3A_499] {strides = array<i32>} : memref<16x128xf32, #tpu.memory_space<vmem>>, vector<16xf32>,
    tpu.vector_store %arg9[%swap3A_498, %swap3A_499], %broadcast_in_dim3A_1 {strides = array<i32>} : memref<16x128xf32, #tpu.memory_space<vmem>>, vector<16xf32>,
    %swap3A_501 = arith.constant 15 : i32
    %swap3A_502 = arith.index_cast %swap3A_501 : i32 to index
    %swap3A_503 = arith.constant 80 : index
    %swap3A_504 = tpu.vector_load %arg9[%swap3A_502, %swap3A_503] {strides = array<i32>} : memref<16x128xf32, #tpu.memory_space<vmem>>, vector<16xf32>,
    tpu.vector_store %arg9[%swap3A_502, %swap3A_503], %broadcast_in_dim3A_1 {strides = array<i32>} : memref<16x128xf32, #tpu.memory_space<vmem>>, vector<16xf32>,
    %swap3A_505 = arith.constant 15 : i32
    %swap3A_506 = arith.index_cast %swap3A_505 : i32 to index
    %swap3A_507 = arith.constant 96 : index
    %swap3A_508 = tpu.vector_load %arg9[%swap3A_506, %swap3A_507] {strides = array<i32>} : memref<16x128xf32, #tpu.memory_space<vmem>>, vector<16xf32>,
    tpu.vector_store %arg9[%swap3A_506, %swap3A_507], %broadcast_in_dim3A_1 {strides = array<i32>} : memref<16x128xf32, #tpu.memory_space<vmem>>, vector<16xf32>,
    %swap3A_509 = arith.constant 15 : i32
    %swap3A_510 = arith.index_cast %swap3A_509 : i32 to index
    %swap3A_511 = arith.constant 112 : index
    %swap3A_512 = tpu.vector_load %arg9[%swap3A_510, %swap3A_511] {strides = array<i32>} : memref<16x128xf32, #tpu.memory_space<vmem>>, vector<16xf32>,
    tpu.vector_store %arg9[%swap3A_510, %swap3A_511], %broadcast_in_dim3A_1 {strides = array<i32>} : memref<16x128xf32, #tpu.memory_space<vmem>>, vector<16xf32>,
    %swap3A_513 = arith.constant 0 : index
    %swap3A_514 = tpu.vector_load %arg8[%swap3A_513] {strides = array<i32>} : memref<256xf32, #tpu.memory_space<vmem>>, vector<16xf32>,
    tpu.vector_store %arg8[%swap3A_513], %broadcast_in_dim3A_1 {strides = array<i32>} : memref<256xf32, #tpu.memory_space<vmem>>, vector<16xf32>,
    %swap3A_515 = arith.constant 16 : index
    %swap3A_516 = tpu.vector_load %arg8[%swap3A_515] {strides = array<i32>} : memref<256xf32, #tpu.memory_space<vmem>>, vector<16xf32>,
    tpu.vector_store %arg8[%swap3A_515], %broadcast_in_dim3A_1 {strides = array<i32>} : memref<256xf32, #tpu.memory_space<vmem>>, vector<16xf32>,
    %swap3A_517 = arith.constant 32 : index
    %swap3A_518 = tpu.vector_load %arg8[%swap3A_517] {strides = array<i32>} : memref<256xf32, #tpu.memory_space<vmem>>, vector<16xf32>,
    tpu.vector_store %arg8[%swap3A_517], %broadcast_in_dim3A_1 {strides = array<i32>} : memref<256xf32, #tpu.memory_space<vmem>>, vector<16xf32>,
    %swap3A_519 = arith.constant 48 : index
    %swap3A_520 = tpu.vector_load %arg8[%swap3A_519] {strides = array<i32>} : memref<256xf32, #tpu.memory_space<vmem>>, vector<16xf32>,
    tpu.vector_store %arg8[%swap3A_519], %broadcast_in_dim3A_1 {strides = array<i32>} : memref<256xf32, #tpu.memory_space<vmem>>, vector<16xf32>,
    %swap3A_521 = arith.constant 64 : index
    %swap3A_522 = tpu.vector_load %arg8[%swap3A_521] {strides = array<i32>} : memref<256xf32, #tpu.memory_space<vmem>>, vector<16xf32>,
    tpu.vector_store %arg8[%swap3A_521], %broadcast_in_dim3A_1 {strides = array<i32>} : memref<256xf32, #tpu.memory_space<vmem>>, vector<16xf32>,
    %swap3A_523 = arith.constant 80 : index
    %swap3A_524 = tpu.vector_load %arg8[%swap3A_523] {strides = array<i32>} : memref<256xf32, #tpu.memory_space<vmem>>, vector<16xf32>,
    tpu.vector_store %arg8[%swap3A_523], %broadcast_in_dim3A_1 {strides = array<i32>} : memref<256xf32, #tpu.memory_space<vmem>>, vector<16xf32>,
    %swap3A_525 = arith.constant 96 : index
    %swap3A_526 = tpu.vector_load %arg8[%swap3A_525] {strides = array<i32>} : memref<256xf32, #tpu.memory_space<vmem>>, vector<16xf32>,
    tpu.vector_store %arg8[%swap3A_525], %broadcast_in_dim3A_1 {strides = array<i32>} : memref<256xf32, #tpu.memory_space<vmem>>, vector<16xf32>,
    %swap3A_527 = arith.constant 112 : index
    %swap3A_528 = tpu.vector_load %arg8[%swap3A_527] {strides = array<i32>} : memref<256xf32, #tpu.memory_space<vmem>>, vector<16xf32>,
    tpu.vector_store %arg8[%swap3A_527], %broadcast_in_dim3A_1 {strides = array<i32>} : memref<256xf32, #tpu.memory_space<vmem>>, vector<16xf32>,
    %swap3A_529 = arith.constant 128 : index
    %swap3A_530 = tpu.vector_load %arg8[%swap3A_529] {strides = array<i32>} : memref<256xf32, #tpu.memory_space<vmem>>, vector<16xf32>,
    tpu.vector_store %arg8[%swap3A_529], %broadcast_in_dim3A_1 {strides = array<i32>} : memref<256xf32, #tpu.memory_space<vmem>>, vector<16xf32>,
    %swap3A_531 = arith.constant 144 : index
    %swap3A_532 = tpu.vector_load %arg8[%swap3A_531] {strides = array<i32>} : memref<256xf32, #tpu.memory_space<vmem>>, vector<16xf32>,
    tpu.vector_store %arg8[%swap3A_531], %broadcast_in_dim3A_1 {strides = array<i32>} : memref<256xf32, #tpu.memory_space<vmem>>, vector<16xf32>,
    %swap3A_533 = arith.constant 160 : index
    %swap3A_534 = tpu.vector_load %arg8[%swap3A_533] {strides = array<i32>} : memref<256xf32, #tpu.memory_space<vmem>>, vector<16xf32>,
    tpu.vector_store %arg8[%swap3A_533], %broadcast_in_dim3A_1 {strides = array<i32>} : memref<256xf32, #tpu.memory_space<vmem>>, vector<16xf32>,
    %swap3A_535 = arith.constant 176 : index
    %swap3A_536 = tpu.vector_load %arg8[%swap3A_535] {strides = array<i32>} : memref<256xf32, #tpu.memory_space<vmem>>, vector<16xf32>,
    tpu.vector_store %arg8[%swap3A_535], %broadcast_in_dim3A_1 {strides = array<i32>} : memref<256xf32, #tpu.memory_space<vmem>>, vector<16xf32>,
    %swap3A_537 = arith.constant 192 : index
    %swap3A_538 = tpu.vector_load %arg8[%swap3A_537] {strides = array<i32>} : memref<256xf32, #tpu.memory_space<vmem>>, vector<16xf32>,
    tpu.vector_store %arg8[%swap3A_537], %broadcast_in_dim3A_1 {strides = array<i32>} : memref<256xf32, #tpu.memory_space<vmem>>, vector<16xf32>,
    %swap3A_539 = arith.constant 208 : index
    %swap3A_540 = tpu.vector_load %arg8[%swap3A_539] {strides = array<i32>} : memref<256xf32, #tpu.memory_space<vmem>>, vector<16xf32>,
    tpu.vector_store %arg8[%swap3A_539], %broadcast_in_dim3A_1 {strides = array<i32>} : memref<256xf32, #tpu.memory_space<vmem>>, vector<16xf32>,
    %swap3A_541 = arith.constant 224 : index
    %swap3A_542 = tpu.vector_load %arg8[%swap3A_541] {strides = array<i32>} : memref<256xf32, #tpu.memory_space<vmem>>, vector<16xf32>,
    tpu.vector_store %arg8[%swap3A_541], %broadcast_in_dim3A_1 {strides = array<i32>} : memref<256xf32, #tpu.memory_space<vmem>>, vector<16xf32>,
    %swap3A_543 = arith.constant 240 : index
    %swap3A_544 = tpu.vector_load %arg8[%swap3A_543] {strides = array<i32>} : memref<256xf32, #tpu.memory_space<vmem>>, vector<16xf32>,
    tpu.vector_store %arg8[%swap3A_543], %broadcast_in_dim3A_1 {strides = array<i32>} : memref<256xf32, #tpu.memory_space<vmem>>, vector<16xf32>,
    %mul3A_545 = arith.constant 16 : i32
    %mul3A_546 = arith.muli %arg1, %mul3A_545 : i32
    "tpu.region"() ({
      %run_scoped3A = tpu.sem_alloc : memref<!tpu.dma_semaphore, #tpu.memory_space<semaphore_mem>>
      %dma_start3A_853 = arith.constant 0 : i32
      %dma_start3A_854 = tpu.memref_slice %arg10[%mul3A_546, %dma_start3A_853] : memref<256x128xf32, #tpu.memory_space<vmem_shared>> -> memref<16x128xf32, #tpu.memory_space<vmem_shared>>
      %dma_start3A_855 = arith.constant 0 : i32
      %dma_start3A_856 = tpu.memref_slice %arg10[%mul3A_546, %dma_start3A_855] : memref<256x128xf32, #tpu.memory_space<vmem_shared>> -> memref<16x128xf32, #tpu.memory_space<vmem_shared>>
      tpu.enqueue_dma source(%arg9 : memref<16x128xf32, #tpu.memory_space<vmem>>) target(%dma_start3A_856 : memref<16x128xf32, #tpu.memory_space<vmem_shared>>) target_semaphore(%run_scoped3A : memref<!tpu.dma_semaphore, #tpu.memory_space<semaphore_mem>>)
      %dma_wait3A = arith.constant 0 : i32
      %dma_wait3A_857 = tpu.memref_slice %arg10[%mul3A_546, %dma_wait3A] : memref<256x128xf32, #tpu.memory_space<vmem_shared>> -> memref<16x128xf32, #tpu.memory_space<vmem_shared>>
      %dma_wait3A_858 = arith.constant 0 : i32
      %dma_wait3A_859 = tpu.memref_slice %arg10[%mul3A_546, %dma_wait3A_858] : memref<256x128xf32, #tpu.memory_space<vmem_shared>> -> memref<16x128xf32, #tpu.memory_space<vmem_shared>>
      tpu.wait_dma2 semaphore(%run_scoped3A : memref<!tpu.dma_semaphore, #tpu.memory_space<semaphore_mem>>) src(%arg9 : memref<16x128xf32, #tpu.memory_space<vmem>>) dst(%dma_wait3A_859 : memref<16x128xf32, #tpu.memory_space<vmem_shared>>)
      tpu.yield
    }) : () -> ()
    %barrier3A = arith.constant 0 : index
    tpu.barrier barrier_id(%barrier3A)
    %lt3A = arith.constant 17 : i32
    %lt3A_547 = arith.cmpi slt, %add3A, %lt3A : i32
    %jit3A = arith.constant 1 : i32
    %jit3A_548 = arith.constant 0 : i32
    %select_n3A = arith.select %lt3A_547, %jit3A, %jit3A_548 : i32
    %add3A_549 = arith.constant 19 : i32
    %add3A_550 = arith.addi %add3A_549, %select_n3A : i32
    %broadcast_in_dim3A_551 = arith.constant 1.000000e+00 : f32
    %broadcast_in_dim3A_552 = vector.broadcast %broadcast_in_dim3A_551 : f32 to vector<16xf32>
    %add3A_553 = arith.constant 0 : i32
    %add3A_554 = arith.addi %add3A, %add3A_553 : i32
    %mul3A_555 = arith.constant 160 : i32
    %mul3A_556 = arith.muli %add3A_554, %mul3A_555 : i32
    %dma_start3A = arith.constant 0 : i32
    %dma_start3A_557 = arith.constant 0 : i32
    %dma_start3A_558 = arith.constant 0 : i32
    %dma_start3A_559 = arith.constant 0 : i32
    %dma_start3A_560 = tpu.memref_slice %arg6[%dma_start3A, %dma_start3A_558, %dma_start3A_559] : memref<4x160x128xf32, #tpu.memory_space<vmem>> -> memref<1x160x128xf32, #tpu.memory_space<vmem>>
    %dma_start3A_561 = tpu.memref_squeeze %dma_start3A_560 : memref<1x160x128xf32, #tpu.memory_space<vmem>> -> memref<160x128xf32, #tpu.memory_space<vmem>>
    %dma_start3A_562 = arith.constant 0 : i32
    %dma_start3A_563 = tpu.memref_slice %arg2[%mul3A_556, %dma_start3A_562] : memref<100000x128xf32, #tpu.memory_space<hbm>> -> memref<160x128xf32, #tpu.memory_space<hbm>>
    %dma_start3A_564 = tpu.memref_slice %arg11[%dma_start3A_557] : memref<4x!tpu.dma_semaphore, #tpu.memory_space<semaphore_mem>> -> memref<1x!tpu.dma_semaphore, #tpu.memory_space<semaphore_mem>>
    %dma_start3A_565 = tpu.memref_squeeze %dma_start3A_564 : memref<1x!tpu.dma_semaphore, #tpu.memory_space<semaphore_mem>> -> memref<!tpu.dma_semaphore, #tpu.memory_space<semaphore_mem>>
    %dma_start3A_566 = arith.constant 0 : i32
    %dma_start3A_567 = arith.constant 0 : i32
    %dma_start3A_568 = tpu.memref_slice %arg6[%dma_start3A, %dma_start3A_566, %dma_start3A_567] : memref<4x160x128xf32, #tpu.memory_space<vmem>> -> memref<1x160x128xf32, #tpu.memory_space<vmem>>
    %dma_start3A_569 = tpu.memref_squeeze %dma_start3A_568 : memref<1x160x128xf32, #tpu.memory_space<vmem>> -> memref<160x128xf32, #tpu.memory_space<vmem>>
    %dma_start3A_570 = arith.constant 0 : i32
    %dma_start3A_571 = tpu.memref_slice %arg2[%mul3A_556, %dma_start3A_570] : memref<100000x128xf32, #tpu.memory_space<hbm>> -> memref<160x128xf32, #tpu.memory_space<hbm>>
    tpu.enqueue_dma source(%dma_start3A_571 : memref<160x128xf32, #tpu.memory_space<hbm>>) target(%dma_start3A_569 : memref<160x128xf32, #tpu.memory_space<vmem>>) target_semaphore(%dma_start3A_565 : memref<!tpu.dma_semaphore, #tpu.memory_space<semaphore_mem>>)
    %mul3A_572 = arith.constant 160 : i32
    %mul3A_573 = arith.muli %add3A_554, %mul3A_572 : i32
    %add3A_574 = arith.constant 0 : i32
    %add3A_575 = arith.addi %mul3A_573, %add3A_574 : i32
    %dma_start3A_576 = arith.constant 0 : i32
    %dma_start3A_577 = arith.constant 0 : i32
    %dma_start3A_578 = arith.constant 0 : i32
    %dma_start3A_579 = arith.constant 0 : i32
    %dma_start3A_580 = arith.constant 0 : i32
    %dma_start3A_581 = tpu.memref_slice %arg7[%dma_start3A_576, %dma_start3A_579, %dma_start3A_580] : memref<4x2x80xi32, #tpu.memory_space<vmem>> -> memref<1x2x80xi32, #tpu.memory_space<vmem>>
    %dma_start3A_582 = tpu.memref_squeeze %dma_start3A_581 : memref<1x2x80xi32, #tpu.memory_space<vmem>> -> memref<2x80xi32, #tpu.memory_space<vmem>>
    %dma_start3A_583 = arith.constant 0 : i32
    %dma_start3A_584 = tpu.memref_slice %dma_start3A_582[%dma_start3A_577, %dma_start3A_583] : memref<2x80xi32, #tpu.memory_space<vmem>> -> memref<1x80xi32, #tpu.memory_space<vmem>>
    %dma_start3A_585 = tpu.memref_squeeze %dma_start3A_584 : memref<1x80xi32, #tpu.memory_space<vmem>> -> memref<80xi32, #tpu.memory_space<vmem>>
    %dma_start3A_586 = tpu.memref_slice %arg3[%add3A_575] : memref<100000xi32, #tpu.memory_space<hbm>> -> memref<80xi32, #tpu.memory_space<hbm>>
    %dma_start3A_587 = tpu.memref_slice %arg11[%dma_start3A_578] : memref<4x!tpu.dma_semaphore, #tpu.memory_space<semaphore_mem>> -> memref<1x!tpu.dma_semaphore, #tpu.memory_space<semaphore_mem>>
    %dma_start3A_588 = tpu.memref_squeeze %dma_start3A_587 : memref<1x!tpu.dma_semaphore, #tpu.memory_space<semaphore_mem>> -> memref<!tpu.dma_semaphore, #tpu.memory_space<semaphore_mem>>
    %dma_start3A_589 = arith.constant 0 : i32
    %dma_start3A_590 = arith.constant 0 : i32
    %dma_start3A_591 = tpu.memref_slice %arg7[%dma_start3A_576, %dma_start3A_589, %dma_start3A_590] : memref<4x2x80xi32, #tpu.memory_space<vmem>> -> memref<1x2x80xi32, #tpu.memory_space<vmem>>
    %dma_start3A_592 = tpu.memref_squeeze %dma_start3A_591 : memref<1x2x80xi32, #tpu.memory_space<vmem>> -> memref<2x80xi32, #tpu.memory_space<vmem>>
    %dma_start3A_593 = arith.constant 0 : i32
    %dma_start3A_594 = tpu.memref_slice %dma_start3A_592[%dma_start3A_577, %dma_start3A_593] : memref<2x80xi32, #tpu.memory_space<vmem>> -> memref<1x80xi32, #tpu.memory_space<vmem>>
    %dma_start3A_595 = tpu.memref_squeeze %dma_start3A_594 : memref<1x80xi32, #tpu.memory_space<vmem>> -> memref<80xi32, #tpu.memory_space<vmem>>
    %dma_start3A_596 = tpu.memref_slice %arg3[%add3A_575] : memref<100000xi32, #tpu.memory_space<hbm>> -> memref<80xi32, #tpu.memory_space<hbm>>
    tpu.enqueue_dma source(%dma_start3A_596 : memref<80xi32, #tpu.memory_space<hbm>>) target(%dma_start3A_595 : memref<80xi32, #tpu.memory_space<vmem>>) target_semaphore(%dma_start3A_588 : memref<!tpu.dma_semaphore, #tpu.memory_space<semaphore_mem>>)
    %mul3A_597 = arith.constant 160 : i32
    %mul3A_598 = arith.muli %add3A_554, %mul3A_597 : i32
    %add3A_599 = arith.constant 80 : i32
    %add3A_600 = arith.addi %mul3A_598, %add3A_599 : i32
    %dma_start3A_601 = arith.constant 0 : i32
    %dma_start3A_602 = arith.constant 1 : i32
    %dma_start3A_603 = arith.constant 0 : i32
    %dma_start3A_604 = arith.constant 0 : i32
    %dma_start3A_605 = arith.constant 0 : i32
    %dma_start3A_606 = tpu.memref_slice %arg7[%dma_start3A_601, %dma_start3A_604, %dma_start3A_605] : memref<4x2x80xi32, #tpu.memory_space<vmem>> -> memref<1x2x80xi32, #tpu.memory_space<vmem>>
    %dma_start3A_607 = tpu.memref_squeeze %dma_start3A_606 : memref<1x2x80xi32, #tpu.memory_space<vmem>> -> memref<2x80xi32, #tpu.memory_space<vmem>>
    %dma_start3A_608 = arith.constant 0 : i32
    %dma_start3A_609 = tpu.memref_slice %dma_start3A_607[%dma_start3A_602, %dma_start3A_608] : memref<2x80xi32, #tpu.memory_space<vmem>> -> memref<1x80xi32, #tpu.memory_space<vmem>>
    %dma_start3A_610 = tpu.memref_squeeze %dma_start3A_609 : memref<1x80xi32, #tpu.memory_space<vmem>> -> memref<80xi32, #tpu.memory_space<vmem>>
    %dma_start3A_611 = tpu.memref_slice %arg3[%add3A_600] : memref<100000xi32, #tpu.memory_space<hbm>> -> memref<80xi32, #tpu.memory_space<hbm>>
    %dma_start3A_612 = tpu.memref_slice %arg11[%dma_start3A_603] : memref<4x!tpu.dma_semaphore, #tpu.memory_space<semaphore_mem>> -> memref<1x!tpu.dma_semaphore, #tpu.memory_space<semaphore_mem>>
    %dma_start3A_613 = tpu.memref_squeeze %dma_start3A_612 : memref<1x!tpu.dma_semaphore, #tpu.memory_space<semaphore_mem>> -> memref<!tpu.dma_semaphore, #tpu.memory_space<semaphore_mem>>
    %dma_start3A_614 = arith.constant 0 : i32
    %dma_start3A_615 = arith.constant 0 : i32
    %dma_start3A_616 = tpu.memref_slice %arg7[%dma_start3A_601, %dma_start3A_614, %dma_start3A_615] : memref<4x2x80xi32, #tpu.memory_space<vmem>> -> memref<1x2x80xi32, #tpu.memory_space<vmem>>
    %dma_start3A_617 = tpu.memref_squeeze %dma_start3A_616 : memref<1x2x80xi32, #tpu.memory_space<vmem>> -> memref<2x80xi32, #tpu.memory_space<vmem>>
    %dma_start3A_618 = arith.constant 0 : i32
    %dma_start3A_619 = tpu.memref_slice %dma_start3A_617[%dma_start3A_602, %dma_start3A_618] : memref<2x80xi32, #tpu.memory_space<vmem>> -> memref<1x80xi32, #tpu.memory_space<vmem>>
    %dma_start3A_620 = tpu.memref_squeeze %dma_start3A_619 : memref<1x80xi32, #tpu.memory_space<vmem>> -> memref<80xi32, #tpu.memory_space<vmem>>
    %dma_start3A_621 = tpu.memref_slice %arg3[%add3A_600] : memref<100000xi32, #tpu.memory_space<hbm>> -> memref<80xi32, #tpu.memory_space<hbm>>
    tpu.enqueue_dma source(%dma_start3A_621 : memref<80xi32, #tpu.memory_space<hbm>>) target(%dma_start3A_620 : memref<80xi32, #tpu.memory_space<vmem>>) target_semaphore(%dma_start3A_613 : memref<!tpu.dma_semaphore, #tpu.memory_space<semaphore_mem>>)
    %add3A_622 = arith.constant 32 : i32
    %add3A_623 = arith.addi %add3A, %add3A_622 : i32
    %mul3A_624 = arith.constant 160 : i32
    %mul3A_625 = arith.muli %add3A_623, %mul3A_624 : i32
    %dma_start3A_626 = arith.constant 1 : i32
    %dma_start3A_627 = arith.constant 1 : i32
    %dma_start3A_628 = arith.constant 0 : i32
    %dma_start3A_629 = arith.constant 0 : i32
    %dma_start3A_630 = tpu.memref_slice %arg6[%dma_start3A_626, %dma_start3A_628, %dma_start3A_629] : memref<4x160x128xf32, #tpu.memory_space<vmem>> -> memref<1x160x128xf32, #tpu.memory_space<vmem>>
    %dma_start3A_631 = tpu.memref_squeeze %dma_start3A_630 : memref<1x160x128xf32, #tpu.memory_space<vmem>> -> memref<160x128xf32, #tpu.memory_space<vmem>>
    %dma_start3A_632 = arith.constant 0 : i32
    %dma_start3A_633 = tpu.memref_slice %arg2[%mul3A_625, %dma_start3A_632] : memref<100000x128xf32, #tpu.memory_space<hbm>> -> memref<160x128xf32, #tpu.memory_space<hbm>>
    %dma_start3A_634 = tpu.memref_slice %arg11[%dma_start3A_627] : memref<4x!tpu.dma_semaphore, #tpu.memory_space<semaphore_mem>> -> memref<1x!tpu.dma_semaphore, #tpu.memory_space<semaphore_mem>>
    %dma_start3A_635 = tpu.memref_squeeze %dma_start3A_634 : memref<1x!tpu.dma_semaphore, #tpu.memory_space<semaphore_mem>> -> memref<!tpu.dma_semaphore, #tpu.memory_space<semaphore_mem>>
    %dma_start3A_636 = arith.constant 0 : i32
    %dma_start3A_637 = arith.constant 0 : i32
    %dma_start3A_638 = tpu.memref_slice %arg6[%dma_start3A_626, %dma_start3A_636, %dma_start3A_637] : memref<4x160x128xf32, #tpu.memory_space<vmem>> -> memref<1x160x128xf32, #tpu.memory_space<vmem>>
    %dma_start3A_639 = tpu.memref_squeeze %dma_start3A_638 : memref<1x160x128xf32, #tpu.memory_space<vmem>> -> memref<160x128xf32, #tpu.memory_space<vmem>>
    %dma_start3A_640 = arith.constant 0 : i32
    %dma_start3A_641 = tpu.memref_slice %arg2[%mul3A_625, %dma_start3A_640] : memref<100000x128xf32, #tpu.memory_space<hbm>> -> memref<160x128xf32, #tpu.memory_space<hbm>>
    tpu.enqueue_dma source(%dma_start3A_641 : memref<160x128xf32, #tpu.memory_space<hbm>>) target(%dma_start3A_639 : memref<160x128xf32, #tpu.memory_space<vmem>>) target_semaphore(%dma_start3A_635 : memref<!tpu.dma_semaphore, #tpu.memory_space<semaphore_mem>>)
    %mul3A_642 = arith.constant 160 : i32
    %mul3A_643 = arith.muli %add3A_623, %mul3A_642 : i32
    %add3A_644 = arith.constant 0 : i32
    %add3A_645 = arith.addi %mul3A_643, %add3A_644 : i32
    %dma_start3A_646 = arith.constant 1 : i32
    %dma_start3A_647 = arith.constant 0 : i32
    %dma_start3A_648 = arith.constant 1 : i32
    %dma_start3A_649 = arith.constant 0 : i32
    %dma_start3A_650 = arith.constant 0 : i32
    %dma_start3A_651 = tpu.memref_slice %arg7[%dma_start3A_646, %dma_start3A_649, %dma_start3A_650] : memref<4x2x80xi32, #tpu.memory_space<vmem>> -> memref<1x2x80xi32, #tpu.memory_space<vmem>>
    %dma_start3A_652 = tpu.memref_squeeze %dma_start3A_651 : memref<1x2x80xi32, #tpu.memory_space<vmem>> -> memref<2x80xi32, #tpu.memory_space<vmem>>
    %dma_start3A_653 = arith.constant 0 : i32
    %dma_start3A_654 = tpu.memref_slice %dma_start3A_652[%dma_start3A_647, %dma_start3A_653] : memref<2x80xi32, #tpu.memory_space<vmem>> -> memref<1x80xi32, #tpu.memory_space<vmem>>
    %dma_start3A_655 = tpu.memref_squeeze %dma_start3A_654 : memref<1x80xi32, #tpu.memory_space<vmem>> -> memref<80xi32, #tpu.memory_space<vmem>>
    %dma_start3A_656 = tpu.memref_slice %arg3[%add3A_645] : memref<100000xi32, #tpu.memory_space<hbm>> -> memref<80xi32, #tpu.memory_space<hbm>>
    %dma_start3A_657 = tpu.memref_slice %arg11[%dma_start3A_648] : memref<4x!tpu.dma_semaphore, #tpu.memory_space<semaphore_mem>> -> memref<1x!tpu.dma_semaphore, #tpu.memory_space<semaphore_mem>>
    %dma_start3A_658 = tpu.memref_squeeze %dma_start3A_657 : memref<1x!tpu.dma_semaphore, #tpu.memory_space<semaphore_mem>> -> memref<!tpu.dma_semaphore, #tpu.memory_space<semaphore_mem>>
    %dma_start3A_659 = arith.constant 0 : i32
    %dma_start3A_660 = arith.constant 0 : i32
    %dma_start3A_661 = tpu.memref_slice %arg7[%dma_start3A_646, %dma_start3A_659, %dma_start3A_660] : memref<4x2x80xi32, #tpu.memory_space<vmem>> -> memref<1x2x80xi32, #tpu.memory_space<vmem>>
    %dma_start3A_662 = tpu.memref_squeeze %dma_start3A_661 : memref<1x2x80xi32, #tpu.memory_space<vmem>> -> memref<2x80xi32, #tpu.memory_space<vmem>>
    %dma_start3A_663 = arith.constant 0 : i32
    %dma_start3A_664 = tpu.memref_slice %dma_start3A_662[%dma_start3A_647, %dma_start3A_663] : memref<2x80xi32, #tpu.memory_space<vmem>> -> memref<1x80xi32, #tpu.memory_space<vmem>>
    %dma_start3A_665 = tpu.memref_squeeze %dma_start3A_664 : memref<1x80xi32, #tpu.memory_space<vmem>> -> memref<80xi32, #tpu.memory_space<vmem>>
    %dma_start3A_666 = tpu.memref_slice %arg3[%add3A_645] : memref<100000xi32, #tpu.memory_space<hbm>> -> memref<80xi32, #tpu.memory_space<hbm>>
    tpu.enqueue_dma source(%dma_start3A_666 : memref<80xi32, #tpu.memory_space<hbm>>) target(%dma_start3A_665 : memref<80xi32, #tpu.memory_space<vmem>>) target_semaphore(%dma_start3A_658 : memref<!tpu.dma_semaphore, #tpu.memory_space<semaphore_mem>>)
    %mul3A_667 = arith.constant 160 : i32
    %mul3A_668 = arith.muli %add3A_623, %mul3A_667 : i32
    %add3A_669 = arith.constant 80 : i32
    %add3A_670 = arith.addi %mul3A_668, %add3A_669 : i32
    %dma_start3A_671 = arith.constant 1 : i32
    %dma_start3A_672 = arith.constant 1 : i32
    %dma_start3A_673 = arith.constant 1 : i32
    %dma_start3A_674 = arith.constant 0 : i32
    %dma_start3A_675 = arith.constant 0 : i32
    %dma_start3A_676 = tpu.memref_slice %arg7[%dma_start3A_671, %dma_start3A_674, %dma_start3A_675] : memref<4x2x80xi32, #tpu.memory_space<vmem>> -> memref<1x2x80xi32, #tpu.memory_space<vmem>>
    %dma_start3A_677 = tpu.memref_squeeze %dma_start3A_676 : memref<1x2x80xi32, #tpu.memory_space<vmem>> -> memref<2x80xi32, #tpu.memory_space<vmem>>
    %dma_start3A_678 = arith.constant 0 : i32
    %dma_start3A_679 = tpu.memref_slice %dma_start3A_677[%dma_start3A_672, %dma_start3A_678] : memref<2x80xi32, #tpu.memory_space<vmem>> -> memref<1x80xi32, #tpu.memory_space<vmem>>
    %dma_start3A_680 = tpu.memref_squeeze %dma_start3A_679 : memref<1x80xi32, #tpu.memory_space<vmem>> -> memref<80xi32, #tpu.memory_space<vmem>>
    %dma_start3A_681 = tpu.memref_slice %arg3[%add3A_670] : memref<100000xi32, #tpu.memory_space<hbm>> -> memref<80xi32, #tpu.memory_space<hbm>>
    %dma_start3A_682 = tpu.memref_slice %arg11[%dma_start3A_673] : memref<4x!tpu.dma_semaphore, #tpu.memory_space<semaphore_mem>> -> memref<1x!tpu.dma_semaphore, #tpu.memory_space<semaphore_mem>>
    %dma_start3A_683 = tpu.memref_squeeze %dma_start3A_682 : memref<1x!tpu.dma_semaphore, #tpu.memory_space<semaphore_mem>> -> memref<!tpu.dma_semaphore, #tpu.memory_space<semaphore_mem>>
    %dma_start3A_684 = arith.constant 0 : i32
    %dma_start3A_685 = arith.constant 0 : i32
    %dma_start3A_686 = tpu.memref_slice %arg7[%dma_start3A_671, %dma_start3A_684, %dma_start3A_685] : memref<4x2x80xi32, #tpu.memory_space<vmem>> -> memref<1x2x80xi32, #tpu.memory_space<vmem>>
    %dma_start3A_687 = tpu.memref_squeeze %dma_start3A_686 : memref<1x2x80xi32, #tpu.memory_space<vmem>> -> memref<2x80xi32, #tpu.memory_space<vmem>>
    %dma_start3A_688 = arith.constant 0 : i32
    %dma_start3A_689 = tpu.memref_slice %dma_start3A_687[%dma_start3A_672, %dma_start3A_688] : memref<2x80xi32, #tpu.memory_space<vmem>> -> memref<1x80xi32, #tpu.memory_space<vmem>>
    %dma_start3A_690 = tpu.memref_squeeze %dma_start3A_689 : memref<1x80xi32, #tpu.memory_space<vmem>> -> memref<80xi32, #tpu.memory_space<vmem>>
    %dma_start3A_691 = tpu.memref_slice %arg3[%add3A_670] : memref<100000xi32, #tpu.memory_space<hbm>> -> memref<80xi32, #tpu.memory_space<hbm>>
    tpu.enqueue_dma source(%dma_start3A_691 : memref<80xi32, #tpu.memory_space<hbm>>) target(%dma_start3A_690 : memref<80xi32, #tpu.memory_space<vmem>>) target_semaphore(%dma_start3A_683 : memref<!tpu.dma_semaphore, #tpu.memory_space<semaphore_mem>>)
    %add3A_692 = arith.constant 64 : i32
    %add3A_693 = arith.addi %add3A, %add3A_692 : i32
    %mul3A_694 = arith.constant 160 : i32
    %mul3A_695 = arith.muli %add3A_693, %mul3A_694 : i32
    %dma_start3A_696 = arith.constant 2 : i32
    %dma_start3A_697 = arith.constant 2 : i32
    %dma_start3A_698 = arith.constant 0 : i32
    %dma_start3A_699 = arith.constant 0 : i32
    %dma_start3A_700 = tpu.memref_slice %arg6[%dma_start3A_696, %dma_start3A_698, %dma_start3A_699] : memref<4x160x128xf32, #tpu.memory_space<vmem>> -> memref<1x160x128xf32, #tpu.memory_space<vmem>>
    %dma_start3A_701 = tpu.memref_squeeze %dma_start3A_700 : memref<1x160x128xf32, #tpu.memory_space<vmem>> -> memref<160x128xf32, #tpu.memory_space<vmem>>
    %dma_start3A_702 = arith.constant 0 : i32
    %dma_start3A_703 = tpu.memref_slice %arg2[%mul3A_695, %dma_start3A_702] : memref<100000x128xf32, #tpu.memory_space<hbm>> -> memref<160x128xf32, #tpu.memory_space<hbm>>
    %dma_start3A_704 = tpu.memref_slice %arg11[%dma_start3A_697] : memref<4x!tpu.dma_semaphore, #tpu.memory_space<semaphore_mem>> -> memref<1x!tpu.dma_semaphore, #tpu.memory_space<semaphore_mem>>
    %dma_start3A_705 = tpu.memref_squeeze %dma_start3A_704 : memref<1x!tpu.dma_semaphore, #tpu.memory_space<semaphore_mem>> -> memref<!tpu.dma_semaphore, #tpu.memory_space<semaphore_mem>>
    %dma_start3A_706 = arith.constant 0 : i32
    %dma_start3A_707 = arith.constant 0 : i32
    %dma_start3A_708 = tpu.memref_slice %arg6[%dma_start3A_696, %dma_start3A_706, %dma_start3A_707] : memref<4x160x128xf32, #tpu.memory_space<vmem>> -> memref<1x160x128xf32, #tpu.memory_space<vmem>>
    %dma_start3A_709 = tpu.memref_squeeze %dma_start3A_708 : memref<1x160x128xf32, #tpu.memory_space<vmem>> -> memref<160x128xf32, #tpu.memory_space<vmem>>
    %dma_start3A_710 = arith.constant 0 : i32
    %dma_start3A_711 = tpu.memref_slice %arg2[%mul3A_695, %dma_start3A_710] : memref<100000x128xf32, #tpu.memory_space<hbm>> -> memref<160x128xf32, #tpu.memory_space<hbm>>
    tpu.enqueue_dma source(%dma_start3A_711 : memref<160x128xf32, #tpu.memory_space<hbm>>) target(%dma_start3A_709 : memref<160x128xf32, #tpu.memory_space<vmem>>) target_semaphore(%dma_start3A_705 : memref<!tpu.dma_semaphore, #tpu.memory_space<semaphore_mem>>)
    %mul3A_712 = arith.constant 160 : i32
    %mul3A_713 = arith.muli %add3A_693, %mul3A_712 : i32
    %add3A_714 = arith.constant 0 : i32
    %add3A_715 = arith.addi %mul3A_713, %add3A_714 : i32
    %dma_start3A_716 = arith.constant 2 : i32
    %dma_start3A_717 = arith.constant 0 : i32
    %dma_start3A_718 = arith.constant 2 : i32
    %dma_start3A_719 = arith.constant 0 : i32
    %dma_start3A_720 = arith.constant 0 : i32
    %dma_start3A_721 = tpu.memref_slice %arg7[%dma_start3A_716, %dma_start3A_719, %dma_start3A_720] : memref<4x2x80xi32, #tpu.memory_space<vmem>> -> memref<1x2x80xi32, #tpu.memory_space<vmem>>
    %dma_start3A_722 = tpu.memref_squeeze %dma_start3A_721 : memref<1x2x80xi32, #tpu.memory_space<vmem>> -> memref<2x80xi32, #tpu.memory_space<vmem>>
    %dma_start3A_723 = arith.constant 0 : i32
    %dma_start3A_724 = tpu.memref_slice %dma_start3A_722[%dma_start3A_717, %dma_start3A_723] : memref<2x80xi32, #tpu.memory_space<vmem>> -> memref<1x80xi32, #tpu.memory_space<vmem>>
    %dma_start3A_725 = tpu.memref_squeeze %dma_start3A_724 : memref<1x80xi32, #tpu.memory_space<vmem>> -> memref<80xi32, #tpu.memory_space<vmem>>
    %dma_start3A_726 = tpu.memref_slice %arg3[%add3A_715] : memref<100000xi32, #tpu.memory_space<hbm>> -> memref<80xi32, #tpu.memory_space<hbm>>
    %dma_start3A_727 = tpu.memref_slice %arg11[%dma_start3A_718] : memref<4x!tpu.dma_semaphore, #tpu.memory_space<semaphore_mem>> -> memref<1x!tpu.dma_semaphore, #tpu.memory_space<semaphore_mem>>
    %dma_start3A_728 = tpu.memref_squeeze %dma_start3A_727 : memref<1x!tpu.dma_semaphore, #tpu.memory_space<semaphore_mem>> -> memref<!tpu.dma_semaphore, #tpu.memory_space<semaphore_mem>>
    %dma_start3A_729 = arith.constant 0 : i32
    %dma_start3A_730 = arith.constant 0 : i32
    %dma_start3A_731 = tpu.memref_slice %arg7[%dma_start3A_716, %dma_start3A_729, %dma_start3A_730] : memref<4x2x80xi32, #tpu.memory_space<vmem>> -> memref<1x2x80xi32, #tpu.memory_space<vmem>>
    %dma_start3A_732 = tpu.memref_squeeze %dma_start3A_731 : memref<1x2x80xi32, #tpu.memory_space<vmem>> -> memref<2x80xi32, #tpu.memory_space<vmem>>
    %dma_start3A_733 = arith.constant 0 : i32
    %dma_start3A_734 = tpu.memref_slice %dma_start3A_732[%dma_start3A_717, %dma_start3A_733] : memref<2x80xi32, #tpu.memory_space<vmem>> -> memref<1x80xi32, #tpu.memory_space<vmem>>
    %dma_start3A_735 = tpu.memref_squeeze %dma_start3A_734 : memref<1x80xi32, #tpu.memory_space<vmem>> -> memref<80xi32, #tpu.memory_space<vmem>>
    %dma_start3A_736 = tpu.memref_slice %arg3[%add3A_715] : memref<100000xi32, #tpu.memory_space<hbm>> -> memref<80xi32, #tpu.memory_space<hbm>>
    tpu.enqueue_dma source(%dma_start3A_736 : memref<80xi32, #tpu.memory_space<hbm>>) target(%dma_start3A_735 : memref<80xi32, #tpu.memory_space<vmem>>) target_semaphore(%dma_start3A_728 : memref<!tpu.dma_semaphore, #tpu.memory_space<semaphore_mem>>)
    %mul3A_737 = arith.constant 160 : i32
    %mul3A_738 = arith.muli %add3A_693, %mul3A_737 : i32
    %add3A_739 = arith.constant 80 : i32
    %add3A_740 = arith.addi %mul3A_738, %add3A_739 : i32
    %dma_start3A_741 = arith.constant 2 : i32
    %dma_start3A_742 = arith.constant 1 : i32
    %dma_start3A_743 = arith.constant 2 : i32
    %dma_start3A_744 = arith.constant 0 : i32
    %dma_start3A_745 = arith.constant 0 : i32
    %dma_start3A_746 = tpu.memref_slice %arg7[%dma_start3A_741, %dma_start3A_744, %dma_start3A_745] : memref<4x2x80xi32, #tpu.memory_space<vmem>> -> memref<1x2x80xi32, #tpu.memory_space<vmem>>
    %dma_start3A_747 = tpu.memref_squeeze %dma_start3A_746 : memref<1x2x80xi32, #tpu.memory_space<vmem>> -> memref<2x80xi32, #tpu.memory_space<vmem>>
    %dma_start3A_748 = arith.constant 0 : i32
    %dma_start3A_749 = tpu.memref_slice %dma_start3A_747[%dma_start3A_742, %dma_start3A_748] : memref<2x80xi32, #tpu.memory_space<vmem>> -> memref<1x80xi32, #tpu.memory_space<vmem>>
    %dma_start3A_750 = tpu.memref_squeeze %dma_start3A_749 : memref<1x80xi32, #tpu.memory_space<vmem>> -> memref<80xi32, #tpu.memory_space<vmem>>
    %dma_start3A_751 = tpu.memref_slice %arg3[%add3A_740] : memref<100000xi32, #tpu.memory_space<hbm>> -> memref<80xi32, #tpu.memory_space<hbm>>
    %dma_start3A_752 = tpu.memref_slice %arg11[%dma_start3A_743] : memref<4x!tpu.dma_semaphore, #tpu.memory_space<semaphore_mem>> -> memref<1x!tpu.dma_semaphore, #tpu.memory_space<semaphore_mem>>
    %dma_start3A_753 = tpu.memref_squeeze %dma_start3A_752 : memref<1x!tpu.dma_semaphore, #tpu.memory_space<semaphore_mem>> -> memref<!tpu.dma_semaphore, #tpu.memory_space<semaphore_mem>>
    %dma_start3A_754 = arith.constant 0 : i32
    %dma_start3A_755 = arith.constant 0 : i32
    %dma_start3A_756 = tpu.memref_slice %arg7[%dma_start3A_741, %dma_start3A_754, %dma_start3A_755] : memref<4x2x80xi32, #tpu.memory_space<vmem>> -> memref<1x2x80xi32, #tpu.memory_space<vmem>>
    %dma_start3A_757 = tpu.memref_squeeze %dma_start3A_756 : memref<1x2x80xi32, #tpu.memory_space<vmem>> -> memref<2x80xi32, #tpu.memory_space<vmem>>
    %dma_start3A_758 = arith.constant 0 : i32
    %dma_start3A_759 = tpu.memref_slice %dma_start3A_757[%dma_start3A_742, %dma_start3A_758] : memref<2x80xi32, #tpu.memory_space<vmem>> -> memref<1x80xi32, #tpu.memory_space<vmem>>
    %dma_start3A_760 = tpu.memref_squeeze %dma_start3A_759 : memref<1x80xi32, #tpu.memory_space<vmem>> -> memref<80xi32, #tpu.memory_space<vmem>>
    %dma_start3A_761 = tpu.memref_slice %arg3[%add3A_740] : memref<100000xi32, #tpu.memory_space<hbm>> -> memref<80xi32, #tpu.memory_space<hbm>>
    tpu.enqueue_dma source(%dma_start3A_761 : memref<80xi32, #tpu.memory_space<hbm>>) target(%dma_start3A_760 : memref<80xi32, #tpu.memory_space<vmem>>) target_semaphore(%dma_start3A_753 : memref<!tpu.dma_semaphore, #tpu.memory_space<semaphore_mem>>)
    %add3A_762 = arith.constant 96 : i32
    %add3A_763 = arith.addi %add3A, %add3A_762 : i32
    %mul3A_764 = arith.constant 160 : i32
    %mul3A_765 = arith.muli %add3A_763, %mul3A_764 : i32
    %dma_start3A_766 = arith.constant 3 : i32
    %dma_start3A_767 = arith.constant 3 : i32
    %dma_start3A_768 = arith.constant 0 : i32
    %dma_start3A_769 = arith.constant 0 : i32
    %dma_start3A_770 = tpu.memref_slice %arg6[%dma_start3A_766, %dma_start3A_768, %dma_start3A_769] : memref<4x160x128xf32, #tpu.memory_space<vmem>> -> memref<1x160x128xf32, #tpu.memory_space<vmem>>
    %dma_start3A_771 = tpu.memref_squeeze %dma_start3A_770 : memref<1x160x128xf32, #tpu.memory_space<vmem>> -> memref<160x128xf32, #tpu.memory_space<vmem>>
    %dma_start3A_772 = arith.constant 0 : i32
    %dma_start3A_773 = tpu.memref_slice %arg2[%mul3A_765, %dma_start3A_772] : memref<100000x128xf32, #tpu.memory_space<hbm>> -> memref<160x128xf32, #tpu.memory_space<hbm>>
    %dma_start3A_774 = tpu.memref_slice %arg11[%dma_start3A_767] : memref<4x!tpu.dma_semaphore, #tpu.memory_space<semaphore_mem>> -> memref<1x!tpu.dma_semaphore, #tpu.memory_space<semaphore_mem>>
    %dma_start3A_775 = tpu.memref_squeeze %dma_start3A_774 : memref<1x!tpu.dma_semaphore, #tpu.memory_space<semaphore_mem>> -> memref<!tpu.dma_semaphore, #tpu.memory_space<semaphore_mem>>
    %dma_start3A_776 = arith.constant 0 : i32
    %dma_start3A_777 = arith.constant 0 : i32
    %dma_start3A_778 = tpu.memref_slice %arg6[%dma_start3A_766, %dma_start3A_776, %dma_start3A_777] : memref<4x160x128xf32, #tpu.memory_space<vmem>> -> memref<1x160x128xf32, #tpu.memory_space<vmem>>
    %dma_start3A_779 = tpu.memref_squeeze %dma_start3A_778 : memref<1x160x128xf32, #tpu.memory_space<vmem>> -> memref<160x128xf32, #tpu.memory_space<vmem>>
    %dma_start3A_780 = arith.constant 0 : i32
    %dma_start3A_781 = tpu.memref_slice %arg2[%mul3A_765, %dma_start3A_780] : memref<100000x128xf32, #tpu.memory_space<hbm>> -> memref<160x128xf32, #tpu.memory_space<hbm>>
    tpu.enqueue_dma source(%dma_start3A_781 : memref<160x128xf32, #tpu.memory_space<hbm>>) target(%dma_start3A_779 : memref<160x128xf32, #tpu.memory_space<vmem>>) target_semaphore(%dma_start3A_775 : memref<!tpu.dma_semaphore, #tpu.memory_space<semaphore_mem>>)
    %mul3A_782 = arith.constant 160 : i32
    %mul3A_783 = arith.muli %add3A_763, %mul3A_782 : i32
    %add3A_784 = arith.constant 0 : i32
    %add3A_785 = arith.addi %mul3A_783, %add3A_784 : i32
    %dma_start3A_786 = arith.constant 3 : i32
    %dma_start3A_787 = arith.constant 0 : i32
    %dma_start3A_788 = arith.constant 3 : i32
    %dma_start3A_789 = arith.constant 0 : i32
    %dma_start3A_790 = arith.constant 0 : i32
    %dma_start3A_791 = tpu.memref_slice %arg7[%dma_start3A_786, %dma_start3A_789, %dma_start3A_790] : memref<4x2x80xi32, #tpu.memory_space<vmem>> -> memref<1x2x80xi32, #tpu.memory_space<vmem>>
    %dma_start3A_792 = tpu.memref_squeeze %dma_start3A_791 : memref<1x2x80xi32, #tpu.memory_space<vmem>> -> memref<2x80xi32, #tpu.memory_space<vmem>>
    %dma_start3A_793 = arith.constant 0 : i32
    %dma_start3A_794 = tpu.memref_slice %dma_start3A_792[%dma_start3A_787, %dma_start3A_793] : memref<2x80xi32, #tpu.memory_space<vmem>> -> memref<1x80xi32, #tpu.memory_space<vmem>>
    %dma_start3A_795 = tpu.memref_squeeze %dma_start3A_794 : memref<1x80xi32, #tpu.memory_space<vmem>> -> memref<80xi32, #tpu.memory_space<vmem>>
    %dma_start3A_796 = tpu.memref_slice %arg3[%add3A_785] : memref<100000xi32, #tpu.memory_space<hbm>> -> memref<80xi32, #tpu.memory_space<hbm>>
    %dma_start3A_797 = tpu.memref_slice %arg11[%dma_start3A_788] : memref<4x!tpu.dma_semaphore, #tpu.memory_space<semaphore_mem>> -> memref<1x!tpu.dma_semaphore, #tpu.memory_space<semaphore_mem>>
    %dma_start3A_798 = tpu.memref_squeeze %dma_start3A_797 : memref<1x!tpu.dma_semaphore, #tpu.memory_space<semaphore_mem>> -> memref<!tpu.dma_semaphore, #tpu.memory_space<semaphore_mem>>
    %dma_start3A_799 = arith.constant 0 : i32
    %dma_start3A_800 = arith.constant 0 : i32
    %dma_start3A_801 = tpu.memref_slice %arg7[%dma_start3A_786, %dma_start3A_799, %dma_start3A_800] : memref<4x2x80xi32, #tpu.memory_space<vmem>> -> memref<1x2x80xi32, #tpu.memory_space<vmem>>
    %dma_start3A_802 = tpu.memref_squeeze %dma_start3A_801 : memref<1x2x80xi32, #tpu.memory_space<vmem>> -> memref<2x80xi32, #tpu.memory_space<vmem>>
    %dma_start3A_803 = arith.constant 0 : i32
    %dma_start3A_804 = tpu.memref_slice %dma_start3A_802[%dma_start3A_787, %dma_start3A_803] : memref<2x80xi32, #tpu.memory_space<vmem>> -> memref<1x80xi32, #tpu.memory_space<vmem>>
    %dma_start3A_805 = tpu.memref_squeeze %dma_start3A_804 : memref<1x80xi32, #tpu.memory_space<vmem>> -> memref<80xi32, #tpu.memory_space<vmem>>
    %dma_start3A_806 = tpu.memref_slice %arg3[%add3A_785] : memref<100000xi32, #tpu.memory_space<hbm>> -> memref<80xi32, #tpu.memory_space<hbm>>
    tpu.enqueue_dma source(%dma_start3A_806 : memref<80xi32, #tpu.memory_space<hbm>>) target(%dma_start3A_805 : memref<80xi32, #tpu.memory_space<vmem>>) target_semaphore(%dma_start3A_798 : memref<!tpu.dma_semaphore, #tpu.memory_space<semaphore_mem>>)
    %mul3A_807 = arith.constant 160 : i32
    %mul3A_808 = arith.muli %add3A_763, %mul3A_807 : i32
    %add3A_809 = arith.constant 80 : i32
    %add3A_810 = arith.addi %mul3A_808, %add3A_809 : i32
    %dma_start3A_811 = arith.constant 3 : i32
    %dma_start3A_812 = arith.constant 1 : i32
    %dma_start3A_813 = arith.constant 3 : i32
    %dma_start3A_814 = arith.constant 0 : i32
    %dma_start3A_815 = arith.constant 0 : i32
    %dma_start3A_816 = tpu.memref_slice %arg7[%dma_start3A_811, %dma_start3A_814, %dma_start3A_815] : memref<4x2x80xi32, #tpu.memory_space<vmem>> -> memref<1x2x80xi32, #tpu.memory_space<vmem>>
    %dma_start3A_817 = tpu.memref_squeeze %dma_start3A_816 : memref<1x2x80xi32, #tpu.memory_space<vmem>> -> memref<2x80xi32, #tpu.memory_space<vmem>>
    %dma_start3A_818 = arith.constant 0 : i32
    %dma_start3A_819 = tpu.memref_slice %dma_start3A_817[%dma_start3A_812, %dma_start3A_818] : memref<2x80xi32, #tpu.memory_space<vmem>> -> memref<1x80xi32, #tpu.memory_space<vmem>>
    %dma_start3A_820 = tpu.memref_squeeze %dma_start3A_819 : memref<1x80xi32, #tpu.memory_space<vmem>> -> memref<80xi32, #tpu.memory_space<vmem>>
    %dma_start3A_821 = tpu.memref_slice %arg3[%add3A_810] : memref<100000xi32, #tpu.memory_space<hbm>> -> memref<80xi32, #tpu.memory_space<hbm>>
    %dma_start3A_822 = tpu.memref_slice %arg11[%dma_start3A_813] : memref<4x!tpu.dma_semaphore, #tpu.memory_space<semaphore_mem>> -> memref<1x!tpu.dma_semaphore, #tpu.memory_space<semaphore_mem>>
    %dma_start3A_823 = tpu.memref_squeeze %dma_start3A_822 : memref<1x!tpu.dma_semaphore, #tpu.memory_space<semaphore_mem>> -> memref<!tpu.dma_semaphore, #tpu.memory_space<semaphore_mem>>
    %dma_start3A_824 = arith.constant 0 : i32
    %dma_start3A_825 = arith.constant 0 : i32
    %dma_start3A_826 = tpu.memref_slice %arg7[%dma_start3A_811, %dma_start3A_824, %dma_start3A_825] : memref<4x2x80xi32, #tpu.memory_space<vmem>> -> memref<1x2x80xi32, #tpu.memory_space<vmem>>
    %dma_start3A_827 = tpu.memref_squeeze %dma_start3A_826 : memref<1x2x80xi32, #tpu.memory_space<vmem>> -> memref<2x80xi32, #tpu.memory_space<vmem>>
    %dma_start3A_828 = arith.constant 0 : i32
    %dma_start3A_829 = tpu.memref_slice %dma_start3A_827[%dma_start3A_812, %dma_start3A_828] : memref<2x80xi32, #tpu.memory_space<vmem>> -> memref<1x80xi32, #tpu.memory_space<vmem>>
    %dma_start3A_830 = tpu.memref_squeeze %dma_start3A_829 : memref<1x80xi32, #tpu.memory_space<vmem>> -> memref<80xi32, #tpu.memory_space<vmem>>
    %dma_start3A_831 = tpu.memref_slice %arg3[%add3A_810] : memref<100000xi32, #tpu.memory_space<hbm>> -> memref<80xi32, #tpu.memory_space<hbm>>
    tpu.enqueue_dma source(%dma_start3A_831 : memref<80xi32, #tpu.memory_space<hbm>>) target(%dma_start3A_830 : memref<80xi32, #tpu.memory_space<vmem>>) target_semaphore(%dma_start3A_823 : memref<!tpu.dma_semaphore, #tpu.memory_space<semaphore_mem>>)
    %sub3A = arith.constant 0 : i32
    %sub3A_832 = arith.subi %add3A_550, %sub3A : i32
    %sub3A_833 = arith.constant 4 : i32
    %sub3A_834 = arith.constant 1 : i32
    %sub3A_835 = arith.subi %sub3A_833, %sub3A_834 : i32
    %add3A_836 = arith.addi %sub3A_832, %sub3A_835 : i32
    %div3A = arith.constant 4 : i32
    %div3A_837 = arith.divsi %add3A_836, %div3A : i32
    %while3A = arith.constant 4 : i32
    %while3A_838 = arith.constant 0 : i32
    %while3A_839 = arith.constant 0 : i32
    %while3A_840 = arith.subi %div3A_837, %while3A_839 : i32
    %while3A_841 = arith.addi %while3A_839, %while3A_840 : i32
    %while3A_842 = arith.constant 1 : i32
    %while3A_843 = arith.divsi %while3A_840, %while3A_842 : i32
    %while3A_844 = arith.muli %while3A_843, %while3A_842 : i32
    %while3A_845 = arith.addi %while3A_839, %while3A_844 : i32
    %while3A_846 = arith.constant 1 : i32
    scf.for %while3A_853 = %while3A_839 to %while3A_845 step %while3A_846  : i32 {
      %mul3A_854 = arith.muli %while3A_853, %while3A : i32
      %add3A_855 = arith.addi %while3A_838, %mul3A_854 : i32
      %add3A_856 = arith.constant 0 : i32
      %add3A_857 = arith.addi %add3A_855, %add3A_856 : i32
      %lt3A_858 = arith.cmpi slt, %add3A_857, %add3A_550 : i32
      %convert_element_type3A = arith.extui %lt3A_858 : i1 to i32
      %cond3A = arith.constant 0 : i32
      %cond3A_859 = arith.cmpi ne, %convert_element_type3A, %cond3A : i32
      scf.if %cond3A_859 {
        %dma_wait3A = arith.constant 0 : i32
        %dma_wait3A_878 = arith.constant 0 : i32
        %dma_wait3A_879 = arith.constant 0 : i32
        %dma_wait3A_880 = arith.constant 0 : i32
        %dma_wait3A_881 = tpu.memref_slice %arg6[%dma_wait3A, %dma_wait3A_879, %dma_wait3A_880] : memref<4x160x128xf32, #tpu.memory_space<vmem>> -> memref<1x160x128xf32, #tpu.memory_space<vmem>>
        %dma_wait3A_882 = tpu.memref_squeeze %dma_wait3A_881 : memref<1x160x128xf32, #tpu.memory_space<vmem>> -> memref<160x128xf32, #tpu.memory_space<vmem>>
        %dma_wait3A_883 = arith.constant 0 : i32
        %dma_wait3A_884 = arith.constant 0 : i32
        %dma_wait3A_885 = tpu.memref_slice %arg2[%dma_wait3A_883, %dma_wait3A_884] : memref<100000x128xf32, #tpu.memory_space<hbm>> -> memref<160x128xf32, #tpu.memory_space<hbm>>
        %dma_wait3A_886 = tpu.memref_slice %arg11[%dma_wait3A_878] : memref<4x!tpu.dma_semaphore, #tpu.memory_space<semaphore_mem>> -> memref<1x!tpu.dma_semaphore, #tpu.memory_space<semaphore_mem>>
        %dma_wait3A_887 = tpu.memref_squeeze %dma_wait3A_886 : memref<1x!tpu.dma_semaphore, #tpu.memory_space<semaphore_mem>> -> memref<!tpu.dma_semaphore, #tpu.memory_space<semaphore_mem>>
        %dma_wait3A_888 = arith.constant 0 : i32
        %dma_wait3A_889 = arith.constant 0 : i32
        %dma_wait3A_890 = tpu.memref_slice %arg6[%dma_wait3A, %dma_wait3A_888, %dma_wait3A_889] : memref<4x160x128xf32, #tpu.memory_space<vmem>> -> memref<1x160x128xf32, #tpu.memory_space<vmem>>
        %dma_wait3A_891 = tpu.memref_squeeze %dma_wait3A_890 : memref<1x160x128xf32, #tpu.memory_space<vmem>> -> memref<160x128xf32, #tpu.memory_space<vmem>>
        %dma_wait3A_892 = arith.constant 0 : i32
        %dma_wait3A_893 = arith.constant 0 : i32
        %dma_wait3A_894 = tpu.memref_slice %arg2[%dma_wait3A_892, %dma_wait3A_893] : memref<100000x128xf32, #tpu.memory_space<hbm>> -> memref<160x128xf32, #tpu.memory_space<hbm>>
        tpu.wait_dma2 semaphore(%dma_wait3A_887 : memref<!tpu.dma_semaphore, #tpu.memory_space<semaphore_mem>>) src(%dma_wait3A_894 : memref<160x128xf32, #tpu.memory_space<hbm>>) dst(%dma_wait3A_891 : memref<160x128xf32, #tpu.memory_space<vmem>>)
        %dma_wait3A_895 = arith.constant 0 : i32
        %dma_wait3A_896 = arith.constant 0 : i32
        %dma_wait3A_897 = arith.constant 0 : i32
        %dma_wait3A_898 = arith.constant 0 : i32
        %dma_wait3A_899 = arith.constant 0 : i32
        %dma_wait3A_900 = tpu.memref_slice %arg7[%dma_wait3A_895, %dma_wait3A_898, %dma_wait3A_899] : memref<4x2x80xi32, #tpu.memory_space<vmem>> -> memref<1x2x80xi32, #tpu.memory_space<vmem>>
        %dma_wait3A_901 = tpu.memref_squeeze %dma_wait3A_900 : memref<1x2x80xi32, #tpu.memory_space<vmem>> -> memref<2x80xi32, #tpu.memory_space<vmem>>
        %dma_wait3A_902 = arith.constant 0 : i32
        %dma_wait3A_903 = tpu.memref_slice %dma_wait3A_901[%dma_wait3A_896, %dma_wait3A_902] : memref<2x80xi32, #tpu.memory_space<vmem>> -> memref<1x80xi32, #tpu.memory_space<vmem>>
        %dma_wait3A_904 = tpu.memref_squeeze %dma_wait3A_903 : memref<1x80xi32, #tpu.memory_space<vmem>> -> memref<80xi32, #tpu.memory_space<vmem>>
        %dma_wait3A_905 = arith.constant 0 : i32
        %dma_wait3A_906 = tpu.memref_slice %arg3[%dma_wait3A_905] : memref<100000xi32, #tpu.memory_space<hbm>> -> memref<80xi32, #tpu.memory_space<hbm>>
        %dma_wait3A_907 = tpu.memref_slice %arg11[%dma_wait3A_897] : memref<4x!tpu.dma_semaphore, #tpu.memory_space<semaphore_mem>> -> memref<1x!tpu.dma_semaphore, #tpu.memory_space<semaphore_mem>>
        %dma_wait3A_908 = tpu.memref_squeeze %dma_wait3A_907 : memref<1x!tpu.dma_semaphore, #tpu.memory_space<semaphore_mem>> -> memref<!tpu.dma_semaphore, #tpu.memory_space<semaphore_mem>>
        %dma_wait3A_909 = arith.constant 0 : i32
        %dma_wait3A_910 = arith.constant 0 : i32
        %dma_wait3A_911 = tpu.memref_slice %arg7[%dma_wait3A_895, %dma_wait3A_909, %dma_wait3A_910] : memref<4x2x80xi32, #tpu.memory_space<vmem>> -> memref<1x2x80xi32, #tpu.memory_space<vmem>>
        %dma_wait3A_912 = tpu.memref_squeeze %dma_wait3A_911 : memref<1x2x80xi32, #tpu.memory_space<vmem>> -> memref<2x80xi32, #tpu.memory_space<vmem>>
        %dma_wait3A_913 = arith.constant 0 : i32
        %dma_wait3A_914 = tpu.memref_slice %dma_wait3A_912[%dma_wait3A_896, %dma_wait3A_913] : memref<2x80xi32, #tpu.memory_space<vmem>> -> memref<1x80xi32, #tpu.memory_space<vmem>>
        %dma_wait3A_915 = tpu.memref_squeeze %dma_wait3A_914 : memref<1x80xi32, #tpu.memory_space<vmem>> -> memref<80xi32, #tpu.memory_space<vmem>>
        %dma_wait3A_916 = arith.constant 0 : i32
        %dma_wait3A_917 = tpu.memref_slice %arg3[%dma_wait3A_916] : memref<100000xi32, #tpu.memory_space<hbm>> -> memref<80xi32, #tpu.memory_space<hbm>>
        tpu.wait_dma2 semaphore(%dma_wait3A_908 : memref<!tpu.dma_semaphore, #tpu.memory_space<semaphore_mem>>) src(%dma_wait3A_917 : memref<80xi32, #tpu.memory_space<hbm>>) dst(%dma_wait3A_915 : memref<80xi32, #tpu.memory_space<vmem>>)
        %dma_wait3A_918 = arith.constant 0 : i32
        %dma_wait3A_919 = arith.constant 1 : i32
        %dma_wait3A_920 = arith.constant 0 : i32
        %dma_wait3A_921 = arith.constant 0 : i32
        %dma_wait3A_922 = arith.constant 0 : i32
        %dma_wait3A_923 = tpu.memref_slice %arg7[%dma_wait3A_918, %dma_wait3A_921, %dma_wait3A_922] : memref<4x2x80xi32, #tpu.memory_space<vmem>> -> memref<1x2x80xi32, #tpu.memory_space<vmem>>
        %dma_wait3A_924 = tpu.memref_squeeze %dma_wait3A_923 : memref<1x2x80xi32, #tpu.memory_space<vmem>> -> memref<2x80xi32, #tpu.memory_space<vmem>>
        %dma_wait3A_925 = arith.constant 0 : i32
        %dma_wait3A_926 = tpu.memref_slice %dma_wait3A_924[%dma_wait3A_919, %dma_wait3A_925] : memref<2x80xi32, #tpu.memory_space<vmem>> -> memref<1x80xi32, #tpu.memory_space<vmem>>
        %dma_wait3A_927 = tpu.memref_squeeze %dma_wait3A_926 : memref<1x80xi32, #tpu.memory_space<vmem>> -> memref<80xi32, #tpu.memory_space<vmem>>
        %dma_wait3A_928 = arith.constant 0 : i32
        %dma_wait3A_929 = tpu.memref_slice %arg3[%dma_wait3A_928] : memref<100000xi32, #tpu.memory_space<hbm>> -> memref<80xi32, #tpu.memory_space<hbm>>
        %dma_wait3A_930 = tpu.memref_slice %arg11[%dma_wait3A_920] : memref<4x!tpu.dma_semaphore, #tpu.memory_space<semaphore_mem>> -> memref<1x!tpu.dma_semaphore, #tpu.memory_space<semaphore_mem>>
        %dma_wait3A_931 = tpu.memref_squeeze %dma_wait3A_930 : memref<1x!tpu.dma_semaphore, #tpu.memory_space<semaphore_mem>> -> memref<!tpu.dma_semaphore, #tpu.memory_space<semaphore_mem>>
        %dma_wait3A_932 = arith.constant 0 : i32
        %dma_wait3A_933 = arith.constant 0 : i32
        %dma_wait3A_934 = tpu.memref_slice %arg7[%dma_wait3A_918, %dma_wait3A_932, %dma_wait3A_933] : memref<4x2x80xi32, #tpu.memory_space<vmem>> -> memref<1x2x80xi32, #tpu.memory_space<vmem>>
        %dma_wait3A_935 = tpu.memref_squeeze %dma_wait3A_934 : memref<1x2x80xi32, #tpu.memory_space<vmem>> -> memref<2x80xi32, #tpu.memory_space<vmem>>
        %dma_wait3A_936 = arith.constant 0 : i32
        %dma_wait3A_937 = tpu.memref_slice %dma_wait3A_935[%dma_wait3A_919, %dma_wait3A_936] : memref<2x80xi32, #tpu.memory_space<vmem>> -> memref<1x80xi32, #tpu.memory_space<vmem>>
        %dma_wait3A_938 = tpu.memref_squeeze %dma_wait3A_937 : memref<1x80xi32, #tpu.memory_space<vmem>> -> memref<80xi32, #tpu.memory_space<vmem>>
        %dma_wait3A_939 = arith.constant 0 : i32
        %dma_wait3A_940 = tpu.memref_slice %arg3[%dma_wait3A_939] : memref<100000xi32, #tpu.memory_space<hbm>> -> memref<80xi32, #tpu.memory_space<hbm>>
        tpu.wait_dma2 semaphore(%dma_wait3A_931 : memref<!tpu.dma_semaphore, #tpu.memory_space<semaphore_mem>>) src(%dma_wait3A_940 : memref<80xi32, #tpu.memory_space<hbm>>) dst(%dma_wait3A_938 : memref<80xi32, #tpu.memory_space<vmem>>)
        %get3A = arith.constant 0 : i32
        %get3A_941 = arith.constant 0 : i32
        %get3A_942 = arith.index_cast %get3A : i32 to index
        %get3A_943 = arith.index_cast %get3A_941 : i32 to index
        %get3A_944 = arith.constant 0 : index
        %get3A_945 = tpu.vector_load %arg7[%get3A_942, %get3A_943, %get3A_944] {strides = array<i32>} : memref<4x2x80xi32, #tpu.memory_space<vmem>>, vector<16xi32>,
        tpu.vector_store_idx %arg8[%get3A_945], %broadcast_in_dim3A_552 {add = true} : memref<256xf32, #tpu.memory_space<vmem>>[vector<16xi32>], vector<16xf32>,
        %get3A_946 = arith.constant 0 : i32
        %get3A_947 = arith.constant 0 : i32
        %get3A_948 = arith.index_cast %get3A_946 : i32 to index
        %get3A_949 = arith.index_cast %get3A_947 : i32 to index
        %get3A_950 = arith.constant 16 : index
        %get3A_951 = tpu.vector_load %arg7[%get3A_948, %get3A_949, %get3A_950] {strides = array<i32>} : memref<4x2x80xi32, #tpu.memory_space<vmem>>, vector<16xi32>,
        tpu.vector_store_idx %arg8[%get3A_951], %broadcast_in_dim3A_552 {add = true} : memref<256xf32, #tpu.memory_space<vmem>>[vector<16xi32>], vector<16xf32>,
        %get3A_952 = arith.constant 0 : i32
        %get3A_953 = arith.constant 0 : i32
        %get3A_954 = arith.index_cast %get3A_952 : i32 to index
        %get3A_955 = arith.index_cast %get3A_953 : i32 to index
        %get3A_956 = arith.constant 32 : index
        %get3A_957 = tpu.vector_load %arg7[%get3A_954, %get3A_955, %get3A_956] {strides = array<i32>} : memref<4x2x80xi32, #tpu.memory_space<vmem>>, vector<16xi32>,
        tpu.vector_store_idx %arg8[%get3A_957], %broadcast_in_dim3A_552 {add = true} : memref<256xf32, #tpu.memory_space<vmem>>[vector<16xi32>], vector<16xf32>,
        %get3A_958 = arith.constant 0 : i32
        %get3A_959 = arith.constant 0 : i32
        %get3A_960 = arith.index_cast %get3A_958 : i32 to index
        %get3A_961 = arith.index_cast %get3A_959 : i32 to index
        %get3A_962 = arith.constant 48 : index
        %get3A_963 = tpu.vector_load %arg7[%get3A_960, %get3A_961, %get3A_962] {strides = array<i32>} : memref<4x2x80xi32, #tpu.memory_space<vmem>>, vector<16xi32>,
        tpu.vector_store_idx %arg8[%get3A_963], %broadcast_in_dim3A_552 {add = true} : memref<256xf32, #tpu.memory_space<vmem>>[vector<16xi32>], vector<16xf32>,
        %get3A_964 = arith.constant 0 : i32
        %get3A_965 = arith.constant 0 : i32
        %get3A_966 = arith.index_cast %get3A_964 : i32 to index
        %get3A_967 = arith.index_cast %get3A_965 : i32 to index
        %get3A_968 = arith.constant 64 : index
        %get3A_969 = tpu.vector_load %arg7[%get3A_966, %get3A_967, %get3A_968] {strides = array<i32>} : memref<4x2x80xi32, #tpu.memory_space<vmem>>, vector<16xi32>,
        tpu.vector_store_idx %arg8[%get3A_969], %broadcast_in_dim3A_552 {add = true} : memref<256xf32, #tpu.memory_space<vmem>>[vector<16xi32>], vector<16xf32>,
        %get3A_970 = arith.constant 0 : i32
        %get3A_971 = arith.constant 1 : i32
        %get3A_972 = arith.index_cast %get3A_970 : i32 to index
        %get3A_973 = arith.index_cast %get3A_971 : i32 to index
        %get3A_974 = arith.constant 0 : index
        %get3A_975 = tpu.vector_load %arg7[%get3A_972, %get3A_973, %get3A_974] {strides = array<i32>} : memref<4x2x80xi32, #tpu.memory_space<vmem>>, vector<16xi32>,
        tpu.vector_store_idx %arg8[%get3A_975], %broadcast_in_dim3A_552 {add = true} : memref<256xf32, #tpu.memory_space<vmem>>[vector<16xi32>], vector<16xf32>,
        %get3A_976 = arith.constant 0 : i32
        %get3A_977 = arith.constant 1 : i32
        %get3A_978 = arith.index_cast %get3A_976 : i32 to index
        %get3A_979 = arith.index_cast %get3A_977 : i32 to index
        %get3A_980 = arith.constant 16 : index
        %get3A_981 = tpu.vector_load %arg7[%get3A_978, %get3A_979, %get3A_980] {strides = array<i32>} : memref<4x2x80xi32, #tpu.memory_space<vmem>>, vector<16xi32>,
        tpu.vector_store_idx %arg8[%get3A_981], %broadcast_in_dim3A_552 {add = true} : memref<256xf32, #tpu.memory_space<vmem>>[vector<16xi32>], vector<16xf32>,
        %get3A_982 = arith.constant 0 : i32
        %get3A_983 = arith.constant 1 : i32
        %get3A_984 = arith.index_cast %get3A_982 : i32 to index
        %get3A_985 = arith.index_cast %get3A_983 : i32 to index
        %get3A_986 = arith.constant 32 : index
        %get3A_987 = tpu.vector_load %arg7[%get3A_984, %get3A_985, %get3A_986] {strides = array<i32>} : memref<4x2x80xi32, #tpu.memory_space<vmem>>, vector<16xi32>,
        tpu.vector_store_idx %arg8[%get3A_987], %broadcast_in_dim3A_552 {add = true} : memref<256xf32, #tpu.memory_space<vmem>>[vector<16xi32>], vector<16xf32>,
        %get3A_988 = arith.constant 0 : i32
        %get3A_989 = arith.constant 1 : i32
        %get3A_990 = arith.index_cast %get3A_988 : i32 to index
        %get3A_991 = arith.index_cast %get3A_989 : i32 to index
        %get3A_992 = arith.constant 48 : index
        %get3A_993 = tpu.vector_load %arg7[%get3A_990, %get3A_991, %get3A_992] {strides = array<i32>} : memref<4x2x80xi32, #tpu.memory_space<vmem>>, vector<16xi32>,
        tpu.vector_store_idx %arg8[%get3A_993], %broadcast_in_dim3A_552 {add = true} : memref<256xf32, #tpu.memory_space<vmem>>[vector<16xi32>], vector<16xf32>,
        %get3A_994 = arith.constant 0 : i32
        %get3A_995 = arith.constant 1 : i32
        %get3A_996 = arith.index_cast %get3A_994 : i32 to index
        %get3A_997 = arith.index_cast %get3A_995 : i32 to index
        %get3A_998 = arith.constant 64 : index
        %get3A_999 = tpu.vector_load %arg7[%get3A_996, %get3A_997, %get3A_998] {strides = array<i32>} : memref<4x2x80xi32, #tpu.memory_space<vmem>>, vector<16xi32>,
        tpu.vector_store_idx %arg8[%get3A_999], %broadcast_in_dim3A_552 {add = true} : memref<256xf32, #tpu.memory_space<vmem>>[vector<16xi32>], vector<16xf32>,
        %dma_start3A_1000 = arith.constant 0 : i32
        %dma_start3A_1001 = arith.constant 0 : i32
        %dma_start3A_1002 = arith.constant 0 : i32
        %dma_start3A_1003 = arith.constant 0 : i32
        %dma_start3A_1004 = arith.constant 0 : i32
        %dma_start3A_1005 = arith.constant 0 : i32
        %dma_start3A_1006 = tpu.memref_slice %arg6[%dma_start3A_1000, %dma_start3A_1004, %dma_start3A_1005] : memref<4x160x128xf32, #tpu.memory_space<vmem>> -> memref<1x160x128xf32, #tpu.memory_space<vmem>>
        %dma_start3A_1007 = tpu.memref_squeeze %dma_start3A_1006 : memref<1x160x128xf32, #tpu.memory_space<vmem>> -> memref<160x128xf32, #tpu.memory_space<vmem>>
        %dma_start3A_1008 = arith.constant 0 : i32
        %dma_start3A_1009 = arith.constant 0 : i32
        %dma_start3A_1010 = tpu.memref_slice %dma_start3A_1007[%dma_start3A_1008, %dma_start3A_1009] : memref<160x128xf32, #tpu.memory_space<vmem>> -> memref<80x128xf32, #tpu.memory_space<vmem>>
        %dma_start3A_1011 = arith.constant 0 : i32
        %dma_start3A_1012 = arith.constant 0 : i32
        %dma_start3A_1013 = tpu.memref_slice %arg7[%dma_start3A_1001, %dma_start3A_1011, %dma_start3A_1012] : memref<4x2x80xi32, #tpu.memory_space<vmem>> -> memref<1x2x80xi32, #tpu.memory_space<vmem>>
        %dma_start3A_1014 = tpu.memref_squeeze %dma_start3A_1013 : memref<1x2x80xi32, #tpu.memory_space<vmem>> -> memref<2x80xi32, #tpu.memory_space<vmem>>
        %dma_start3A_1015 = arith.constant 0 : i32
        %dma_start3A_1016 = tpu.memref_slice %dma_start3A_1014[%dma_start3A_1002, %dma_start3A_1015] : memref<2x80xi32, #tpu.memory_space<vmem>> -> memref<1x80xi32, #tpu.memory_space<vmem>>
        %dma_start3A_1017 = tpu.memref_squeeze %dma_start3A_1016 : memref<1x80xi32, #tpu.memory_space<vmem>> -> memref<80xi32, #tpu.memory_space<vmem>>
        %dma_start3A_1018 = arith.constant 0 : i32
        %dma_start3A_1019 = arith.constant 0 : i32
        %dma_start3A_1020 = tpu.memref_slice %arg10[%dma_start3A_1018, %dma_start3A_1019] : memref<256x128xf32, #tpu.memory_space<vmem_shared>> -> memref<256x128xf32, #tpu.memory_space<vmem_shared>>
        %dma_start3A_1021 = tpu.memref_slice %arg12[%dma_start3A_1003] : memref<4x!tpu.dma_semaphore, #tpu.memory_space<semaphore_mem>> -> memref<1x!tpu.dma_semaphore, #tpu.memory_space<semaphore_mem>>
        %dma_start3A_1022 = tpu.memref_squeeze %dma_start3A_1021 : memref<1x!tpu.dma_semaphore, #tpu.memory_space<semaphore_mem>> -> memref<!tpu.dma_semaphore, #tpu.memory_space<semaphore_mem>>
        tpu.enqueue_indirect_dma source(%dma_start3A_1010 : memref<80x128xf32, #tpu.memory_space<vmem>>) target(%dma_start3A_1020 : memref<256x128xf32, #tpu.memory_space<vmem_shared>>) offsets(%dma_start3A_1017 : memref<80xi32, #tpu.memory_space<vmem>>) semaphore(%dma_start3A_1022 : memref<!tpu.dma_semaphore, #tpu.memory_space<semaphore_mem>>) {add = true}
        %dma_start3A_1023 = arith.constant 0 : i32
        %dma_start3A_1024 = arith.constant 0 : i32
        %dma_start3A_1025 = arith.constant 1 : i32
        %dma_start3A_1026 = arith.constant 0 : i32
        %dma_start3A_1027 = arith.constant 0 : i32
        %dma_start3A_1028 = arith.constant 0 : i32
        %dma_start3A_1029 = tpu.memref_slice %arg6[%dma_start3A_1023, %dma_start3A_1027, %dma_start3A_1028] : memref<4x160x128xf32, #tpu.memory_space<vmem>> -> memref<1x160x128xf32, #tpu.memory_space<vmem>>
        %dma_start3A_1030 = tpu.memref_squeeze %dma_start3A_1029 : memref<1x160x128xf32, #tpu.memory_space<vmem>> -> memref<160x128xf32, #tpu.memory_space<vmem>>
        %dma_start3A_1031 = arith.constant 80 : i32
        %dma_start3A_1032 = arith.constant 0 : i32
        %dma_start3A_1033 = tpu.memref_slice %dma_start3A_1030[%dma_start3A_1031, %dma_start3A_1032] : memref<160x128xf32, #tpu.memory_space<vmem>> -> memref<80x128xf32, #tpu.memory_space<vmem>>
        %dma_start3A_1034 = arith.constant 0 : i32
        %dma_start3A_1035 = arith.constant 0 : i32
        %dma_start3A_1036 = tpu.memref_slice %arg7[%dma_start3A_1024, %dma_start3A_1034, %dma_start3A_1035] : memref<4x2x80xi32, #tpu.memory_space<vmem>> -> memref<1x2x80xi32, #tpu.memory_space<vmem>>
        %dma_start3A_1037 = tpu.memref_squeeze %dma_start3A_1036 : memref<1x2x80xi32, #tpu.memory_space<vmem>> -> memref<2x80xi32, #tpu.memory_space<vmem>>
        %dma_start3A_1038 = arith.constant 0 : i32
        %dma_start3A_1039 = tpu.memref_slice %dma_start3A_1037[%dma_start3A_1025, %dma_start3A_1038] : memref<2x80xi32, #tpu.memory_space<vmem>> -> memref<1x80xi32, #tpu.memory_space<vmem>>
        %dma_start3A_1040 = tpu.memref_squeeze %dma_start3A_1039 : memref<1x80xi32, #tpu.memory_space<vmem>> -> memref<80xi32, #tpu.memory_space<vmem>>
        %dma_start3A_1041 = arith.constant 0 : i32
        %dma_start3A_1042 = arith.constant 0 : i32
        %dma_start3A_1043 = tpu.memref_slice %arg10[%dma_start3A_1041, %dma_start3A_1042] : memref<256x128xf32, #tpu.memory_space<vmem_shared>> -> memref<256x128xf32, #tpu.memory_space<vmem_shared>>
        %dma_start3A_1044 = tpu.memref_slice %arg12[%dma_start3A_1026] : memref<4x!tpu.dma_semaphore, #tpu.memory_space<semaphore_mem>> -> memref<1x!tpu.dma_semaphore, #tpu.memory_space<semaphore_mem>>
        %dma_start3A_1045 = tpu.memref_squeeze %dma_start3A_1044 : memref<1x!tpu.dma_semaphore, #tpu.memory_space<semaphore_mem>> -> memref<!tpu.dma_semaphore, #tpu.memory_space<semaphore_mem>>
        tpu.enqueue_indirect_dma source(%dma_start3A_1033 : memref<80x128xf32, #tpu.memory_space<vmem>>) target(%dma_start3A_1043 : memref<256x128xf32, #tpu.memory_space<vmem_shared>>) offsets(%dma_start3A_1040 : memref<80xi32, #tpu.memory_space<vmem>>) semaphore(%dma_start3A_1045 : memref<!tpu.dma_semaphore, #tpu.memory_space<semaphore_mem>>) {add = true}
        %dma_wait3A_1046 = arith.constant 0 : i32
        %dma_wait3A_1047 = arith.constant 0 : i32
        %dma_wait3A_1048 = arith.constant 0 : i32
        %dma_wait3A_1049 = arith.constant 0 : i32
        %dma_wait3A_1050 = arith.constant 0 : i32
        %dma_wait3A_1051 = arith.constant 0 : i32
        %dma_wait3A_1052 = tpu.memref_slice %arg6[%dma_wait3A_1046, %dma_wait3A_1050, %dma_wait3A_1051] : memref<4x160x128xf32, #tpu.memory_space<vmem>> -> memref<1x160x128xf32, #tpu.memory_space<vmem>>
        %dma_wait3A_1053 = tpu.memref_squeeze %dma_wait3A_1052 : memref<1x160x128xf32, #tpu.memory_space<vmem>> -> memref<160x128xf32, #tpu.memory_space<vmem>>
        %dma_wait3A_1054 = arith.constant 0 : i32
        %dma_wait3A_1055 = arith.constant 0 : i32
        %dma_wait3A_1056 = tpu.memref_slice %dma_wait3A_1053[%dma_wait3A_1054, %dma_wait3A_1055] : memref<160x128xf32, #tpu.memory_space<vmem>> -> memref<80x128xf32, #tpu.memory_space<vmem>>
        %dma_wait3A_1057 = arith.constant 0 : i32
        %dma_wait3A_1058 = arith.constant 0 : i32
        %dma_wait3A_1059 = tpu.memref_slice %arg7[%dma_wait3A_1047, %dma_wait3A_1057, %dma_wait3A_1058] : memref<4x2x80xi32, #tpu.memory_space<vmem>> -> memref<1x2x80xi32, #tpu.memory_space<vmem>>
        %dma_wait3A_1060 = tpu.memref_squeeze %dma_wait3A_1059 : memref<1x2x80xi32, #tpu.memory_space<vmem>> -> memref<2x80xi32, #tpu.memory_space<vmem>>
        %dma_wait3A_1061 = arith.constant 0 : i32
        %dma_wait3A_1062 = tpu.memref_slice %dma_wait3A_1060[%dma_wait3A_1048, %dma_wait3A_1061] : memref<2x80xi32, #tpu.memory_space<vmem>> -> memref<1x80xi32, #tpu.memory_space<vmem>>
        %dma_wait3A_1063 = tpu.memref_squeeze %dma_wait3A_1062 : memref<1x80xi32, #tpu.memory_space<vmem>> -> memref<80xi32, #tpu.memory_space<vmem>>
        %dma_wait3A_1064 = arith.constant 0 : i32
        %dma_wait3A_1065 = arith.constant 0 : i32
        %dma_wait3A_1066 = tpu.memref_slice %arg10[%dma_wait3A_1064, %dma_wait3A_1065] : memref<256x128xf32, #tpu.memory_space<vmem_shared>> -> memref<256x128xf32, #tpu.memory_space<vmem_shared>>
        %dma_wait3A_1067 = tpu.memref_slice %arg12[%dma_wait3A_1049] : memref<4x!tpu.dma_semaphore, #tpu.memory_space<semaphore_mem>> -> memref<1x!tpu.dma_semaphore, #tpu.memory_space<semaphore_mem>>
        %dma_wait3A_1068 = tpu.memref_squeeze %dma_wait3A_1067 : memref<1x!tpu.dma_semaphore, #tpu.memory_space<semaphore_mem>> -> memref<!tpu.dma_semaphore, #tpu.memory_space<semaphore_mem>>
        tpu.wait_indirect_dma semaphore(%dma_wait3A_1068 : memref<!tpu.dma_semaphore, #tpu.memory_space<semaphore_mem>>) src(%dma_wait3A_1056 : memref<80x128xf32, #tpu.memory_space<vmem>>) dst(%dma_wait3A_1066 : memref<256x128xf32, #tpu.memory_space<vmem_shared>>)
        %dma_wait3A_1069 = arith.constant 0 : i32
        %dma_wait3A_1070 = arith.constant 0 : i32
        %dma_wait3A_1071 = arith.constant 1 : i32
        %dma_wait3A_1072 = arith.constant 0 : i32
        %dma_wait3A_1073 = arith.constant 0 : i32
        %dma_wait3A_1074 = arith.constant 0 : i32
        %dma_wait3A_1075 = tpu.memref_slice %arg6[%dma_wait3A_1069, %dma_wait3A_1073, %dma_wait3A_1074] : memref<4x160x128xf32, #tpu.memory_space<vmem>> -> memref<1x160x128xf32, #tpu.memory_space<vmem>>
        %dma_wait3A_1076 = tpu.memref_squeeze %dma_wait3A_1075 : memref<1x160x128xf32, #tpu.memory_space<vmem>> -> memref<160x128xf32, #tpu.memory_space<vmem>>
        %dma_wait3A_1077 = arith.constant 80 : i32
        %dma_wait3A_1078 = arith.constant 0 : i32
        %dma_wait3A_1079 = tpu.memref_slice %dma_wait3A_1076[%dma_wait3A_1077, %dma_wait3A_1078] : memref<160x128xf32, #tpu.memory_space<vmem>> -> memref<80x128xf32, #tpu.memory_space<vmem>>
        %dma_wait3A_1080 = arith.constant 0 : i32
        %dma_wait3A_1081 = arith.constant 0 : i32
        %dma_wait3A_1082 = tpu.memref_slice %arg7[%dma_wait3A_1070, %dma_wait3A_1080, %dma_wait3A_1081] : memref<4x2x80xi32, #tpu.memory_space<vmem>> -> memref<1x2x80xi32, #tpu.memory_space<vmem>>
        %dma_wait3A_1083 = tpu.memref_squeeze %dma_wait3A_1082 : memref<1x2x80xi32, #tpu.memory_space<vmem>> -> memref<2x80xi32, #tpu.memory_space<vmem>>
        %dma_wait3A_1084 = arith.constant 0 : i32
        %dma_wait3A_1085 = tpu.memref_slice %dma_wait3A_1083[%dma_wait3A_1071, %dma_wait3A_1084] : memref<2x80xi32, #tpu.memory_space<vmem>> -> memref<1x80xi32, #tpu.memory_space<vmem>>
        %dma_wait3A_1086 = tpu.memref_squeeze %dma_wait3A_1085 : memref<1x80xi32, #tpu.memory_space<vmem>> -> memref<80xi32, #tpu.memory_space<vmem>>
        %dma_wait3A_1087 = arith.constant 0 : i32
        %dma_wait3A_1088 = arith.constant 0 : i32
        %dma_wait3A_1089 = tpu.memref_slice %arg10[%dma_wait3A_1087, %dma_wait3A_1088] : memref<256x128xf32, #tpu.memory_space<vmem_shared>> -> memref<256x128xf32, #tpu.memory_space<vmem_shared>>
        %dma_wait3A_1090 = tpu.memref_slice %arg12[%dma_wait3A_1072] : memref<4x!tpu.dma_semaphore, #tpu.memory_space<semaphore_mem>> -> memref<1x!tpu.dma_semaphore, #tpu.memory_space<semaphore_mem>>
        %dma_wait3A_1091 = tpu.memref_squeeze %dma_wait3A_1090 : memref<1x!tpu.dma_semaphore, #tpu.memory_space<semaphore_mem>> -> memref<!tpu.dma_semaphore, #tpu.memory_space<semaphore_mem>>
        tpu.wait_indirect_dma semaphore(%dma_wait3A_1091 : memref<!tpu.dma_semaphore, #tpu.memory_space<semaphore_mem>>) src(%dma_wait3A_1079 : memref<80x128xf32, #tpu.memory_space<vmem>>) dst(%dma_wait3A_1089 : memref<256x128xf32, #tpu.memory_space<vmem_shared>>)
        %add3A_1092 = arith.constant 4 : i32
        %add3A_1093 = arith.addi %add3A_857, %add3A_1092 : i32
        %lt3A_1094 = arith.cmpi slt, %add3A_1093, %add3A_550 : i32
        %convert_element_type3A_1095 = arith.extui %lt3A_1094 : i1 to i32
        %cond3A_1096 = arith.constant 0 : i32
        %cond3A_1097 = arith.cmpi ne, %convert_element_type3A_1095, %cond3A_1096 : i32
        scf.if %cond3A_1097 {
          %add3A_1098 = arith.constant 4 : i32
          %add3A_1099 = arith.addi %add3A_857, %add3A_1098 : i32
          %mul3A_1100 = arith.constant 32 : i32
          %mul3A_1101 = arith.muli %add3A_1099, %mul3A_1100 : i32
          %add3A_1102 = arith.addi %add3A, %mul3A_1101 : i32
          %mul3A_1103 = arith.constant 160 : i32
          %mul3A_1104 = arith.muli %add3A_1102, %mul3A_1103 : i32
          %dma_start3A_1105 = arith.constant 0 : i32
          %dma_start3A_1106 = arith.constant 0 : i32
          %dma_start3A_1107 = arith.constant 0 : i32
          %dma_start3A_1108 = arith.constant 0 : i32
          %dma_start3A_1109 = tpu.memref_slice %arg6[%dma_start3A_1105, %dma_start3A_1107, %dma_start3A_1108] : memref<4x160x128xf32, #tpu.memory_space<vmem>> -> memref<1x160x128xf32, #tpu.memory_space<vmem>>
          %dma_start3A_1110 = tpu.memref_squeeze %dma_start3A_1109 : memref<1x160x128xf32, #tpu.memory_space<vmem>> -> memref<160x128xf32, #tpu.memory_space<vmem>>
          %dma_start3A_1111 = arith.constant 0 : i32
          %dma_start3A_1112 = tpu.memref_slice %arg2[%mul3A_1104, %dma_start3A_1111] : memref<100000x128xf32, #tpu.memory_space<hbm>> -> memref<160x128xf32, #tpu.memory_space<hbm>>
          %dma_start3A_1113 = tpu.memref_slice %arg11[%dma_start3A_1106] : memref<4x!tpu.dma_semaphore, #tpu.memory_space<semaphore_mem>> -> memref<1x!tpu.dma_semaphore, #tpu.memory_space<semaphore_mem>>
          %dma_start3A_1114 = tpu.memref_squeeze %dma_start3A_1113 : memref<1x!tpu.dma_semaphore, #tpu.memory_space<semaphore_mem>> -> memref<!tpu.dma_semaphore, #tpu.memory_space<semaphore_mem>>
          %dma_start3A_1115 = arith.constant 0 : i32
          %dma_start3A_1116 = arith.constant 0 : i32
          %dma_start3A_1117 = tpu.memref_slice %arg6[%dma_start3A_1105, %dma_start3A_1115, %dma_start3A_1116] : memref<4x160x128xf32, #tpu.memory_space<vmem>> -> memref<1x160x128xf32, #tpu.memory_space<vmem>>
          %dma_start3A_1118 = tpu.memref_squeeze %dma_start3A_1117 : memref<1x160x128xf32, #tpu.memory_space<vmem>> -> memref<160x128xf32, #tpu.memory_space<vmem>>
          %dma_start3A_1119 = arith.constant 0 : i32
          %dma_start3A_1120 = tpu.memref_slice %arg2[%mul3A_1104, %dma_start3A_1119] : memref<100000x128xf32, #tpu.memory_space<hbm>> -> memref<160x128xf32, #tpu.memory_space<hbm>>
          tpu.enqueue_dma source(%dma_start3A_1120 : memref<160x128xf32, #tpu.memory_space<hbm>>) target(%dma_start3A_1118 : memref<160x128xf32, #tpu.memory_space<vmem>>) target_semaphore(%dma_start3A_1114 : memref<!tpu.dma_semaphore, #tpu.memory_space<semaphore_mem>>)
          %mul3A_1121 = arith.constant 160 : i32
          %mul3A_1122 = arith.muli %add3A_1102, %mul3A_1121 : i32
          %add3A_1123 = arith.constant 0 : i32
          %add3A_1124 = arith.addi %mul3A_1122, %add3A_1123 : i32
          %dma_start3A_1125 = arith.constant 0 : i32
          %dma_start3A_1126 = arith.constant 0 : i32
          %dma_start3A_1127 = arith.constant 0 : i32
          %dma_start3A_1128 = arith.constant 0 : i32
          %dma_start3A_1129 = arith.constant 0 : i32
          %dma_start3A_1130 = tpu.memref_slice %arg7[%dma_start3A_1125, %dma_start3A_1128, %dma_start3A_1129] : memref<4x2x80xi32, #tpu.memory_space<vmem>> -> memref<1x2x80xi32, #tpu.memory_space<vmem>>
          %dma_start3A_1131 = tpu.memref_squeeze %dma_start3A_1130 : memref<1x2x80xi32, #tpu.memory_space<vmem>> -> memref<2x80xi32, #tpu.memory_space<vmem>>
          %dma_start3A_1132 = arith.constant 0 : i32
          %dma_start3A_1133 = tpu.memref_slice %dma_start3A_1131[%dma_start3A_1126, %dma_start3A_1132] : memref<2x80xi32, #tpu.memory_space<vmem>> -> memref<1x80xi32, #tpu.memory_space<vmem>>
          %dma_start3A_1134 = tpu.memref_squeeze %dma_start3A_1133 : memref<1x80xi32, #tpu.memory_space<vmem>> -> memref<80xi32, #tpu.memory_space<vmem>>
          %dma_start3A_1135 = tpu.memref_slice %arg3[%add3A_1124] : memref<100000xi32, #tpu.memory_space<hbm>> -> memref<80xi32, #tpu.memory_space<hbm>>
          %dma_start3A_1136 = tpu.memref_slice %arg11[%dma_start3A_1127] : memref<4x!tpu.dma_semaphore, #tpu.memory_space<semaphore_mem>> -> memref<1x!tpu.dma_semaphore, #tpu.memory_space<semaphore_mem>>
          %dma_start3A_1137 = tpu.memref_squeeze %dma_start3A_1136 : memref<1x!tpu.dma_semaphore, #tpu.memory_space<semaphore_mem>> -> memref<!tpu.dma_semaphore, #tpu.memory_space<semaphore_mem>>
          %dma_start3A_1138 = arith.constant 0 : i32
          %dma_start3A_1139 = arith.constant 0 : i32
          %dma_start3A_1140 = tpu.memref_slice %arg7[%dma_start3A_1125, %dma_start3A_1138, %dma_start3A_1139] : memref<4x2x80xi32, #tpu.memory_space<vmem>> -> memref<1x2x80xi32, #tpu.memory_space<vmem>>
          %dma_start3A_1141 = tpu.memref_squeeze %dma_start3A_1140 : memref<1x2x80xi32, #tpu.memory_space<vmem>> -> memref<2x80xi32, #tpu.memory_space<vmem>>
          %dma_start3A_1142 = arith.constant 0 : i32
          %dma_start3A_1143 = tpu.memref_slice %dma_start3A_1141[%dma_start3A_1126, %dma_start3A_1142] : memref<2x80xi32, #tpu.memory_space<vmem>> -> memref<1x80xi32, #tpu.memory_space<vmem>>
          %dma_start3A_1144 = tpu.memref_squeeze %dma_start3A_1143 : memref<1x80xi32, #tpu.memory_space<vmem>> -> memref<80xi32, #tpu.memory_space<vmem>>
          %dma_start3A_1145 = tpu.memref_slice %arg3[%add3A_1124] : memref<100000xi32, #tpu.memory_space<hbm>> -> memref<80xi32, #tpu.memory_space<hbm>>
          tpu.enqueue_dma source(%dma_start3A_1145 : memref<80xi32, #tpu.memory_space<hbm>>) target(%dma_start3A_1144 : memref<80xi32, #tpu.memory_space<vmem>>) target_semaphore(%dma_start3A_1137 : memref<!tpu.dma_semaphore, #tpu.memory_space<semaphore_mem>>)
          %mul3A_1146 = arith.constant 160 : i32
          %mul3A_1147 = arith.muli %add3A_1102, %mul3A_1146 : i32
          %add3A_1148 = arith.constant 80 : i32
          %add3A_1149 = arith.addi %mul3A_1147, %add3A_1148 : i32
          %dma_start3A_1150 = arith.constant 0 : i32
          %dma_start3A_1151 = arith.constant 1 : i32
          %dma_start3A_1152 = arith.constant 0 : i32
          %dma_start3A_1153 = arith.constant 0 : i32
          %dma_start3A_1154 = arith.constant 0 : i32
          %dma_start3A_1155 = tpu.memref_slice %arg7[%dma_start3A_1150, %dma_start3A_1153, %dma_start3A_1154] : memref<4x2x80xi32, #tpu.memory_space<vmem>> -> memref<1x2x80xi32, #tpu.memory_space<vmem>>
          %dma_start3A_1156 = tpu.memref_squeeze %dma_start3A_1155 : memref<1x2x80xi32, #tpu.memory_space<vmem>> -> memref<2x80xi32, #tpu.memory_space<vmem>>
          %dma_start3A_1157 = arith.constant 0 : i32
          %dma_start3A_1158 = tpu.memref_slice %dma_start3A_1156[%dma_start3A_1151, %dma_start3A_1157] : memref<2x80xi32, #tpu.memory_space<vmem>> -> memref<1x80xi32, #tpu.memory_space<vmem>>
          %dma_start3A_1159 = tpu.memref_squeeze %dma_start3A_1158 : memref<1x80xi32, #tpu.memory_space<vmem>> -> memref<80xi32, #tpu.memory_space<vmem>>
          %dma_start3A_1160 = tpu.memref_slice %arg3[%add3A_1149] : memref<100000xi32, #tpu.memory_space<hbm>> -> memref<80xi32, #tpu.memory_space<hbm>>
          %dma_start3A_1161 = tpu.memref_slice %arg11[%dma_start3A_1152] : memref<4x!tpu.dma_semaphore, #tpu.memory_space<semaphore_mem>> -> memref<1x!tpu.dma_semaphore, #tpu.memory_space<semaphore_mem>>
          %dma_start3A_1162 = tpu.memref_squeeze %dma_start3A_1161 : memref<1x!tpu.dma_semaphore, #tpu.memory_space<semaphore_mem>> -> memref<!tpu.dma_semaphore, #tpu.memory_space<semaphore_mem>>
          %dma_start3A_1163 = arith.constant 0 : i32
          %dma_start3A_1164 = arith.constant 0 : i32
          %dma_start3A_1165 = tpu.memref_slice %arg7[%dma_start3A_1150, %dma_start3A_1163, %dma_start3A_1164] : memref<4x2x80xi32, #tpu.memory_space<vmem>> -> memref<1x2x80xi32, #tpu.memory_space<vmem>>
          %dma_start3A_1166 = tpu.memref_squeeze %dma_start3A_1165 : memref<1x2x80xi32, #tpu.memory_space<vmem>> -> memref<2x80xi32, #tpu.memory_space<vmem>>
          %dma_start3A_1167 = arith.constant 0 : i32
          %dma_start3A_1168 = tpu.memref_slice %dma_start3A_1166[%dma_start3A_1151, %dma_start3A_1167] : memref<2x80xi32, #tpu.memory_space<vmem>> -> memref<1x80xi32, #tpu.memory_space<vmem>>
          %dma_start3A_1169 = tpu.memref_squeeze %dma_start3A_1168 : memref<1x80xi32, #tpu.memory_space<vmem>> -> memref<80xi32, #tpu.memory_space<vmem>>
          %dma_start3A_1170 = tpu.memref_slice %arg3[%add3A_1149] : memref<100000xi32, #tpu.memory_space<hbm>> -> memref<80xi32, #tpu.memory_space<hbm>>
          tpu.enqueue_dma source(%dma_start3A_1170 : memref<80xi32, #tpu.memory_space<hbm>>) target(%dma_start3A_1169 : memref<80xi32, #tpu.memory_space<vmem>>) target_semaphore(%dma_start3A_1162 : memref<!tpu.dma_semaphore, #tpu.memory_space<semaphore_mem>>)
        } else {
        }
      } else {
      }
      %add3A_860 = arith.constant 1 : i32
      %add3A_861 = arith.addi %add3A_855, %add3A_860 : i32
      %lt3A_862 = arith.cmpi slt, %add3A_861, %add3A_550 : i32
      %convert_element_type3A_863 = arith.extui %lt3A_862 : i1 to i32
      %cond3A_864 = arith.constant 0 : i32
      %cond3A_865 = arith.cmpi ne, %convert_element_type3A_863, %cond3A_864 : i32
      scf.if %cond3A_865 {
        %dma_wait3A = arith.constant 1 : i32
        %dma_wait3A_878 = arith.constant 1 : i32
        %dma_wait3A_879 = arith.constant 0 : i32
        %dma_wait3A_880 = arith.constant 0 : i32
        %dma_wait3A_881 = tpu.memref_slice %arg6[%dma_wait3A, %dma_wait3A_879, %dma_wait3A_880] : memref<4x160x128xf32, #tpu.memory_space<vmem>> -> memref<1x160x128xf32, #tpu.memory_space<vmem>>
        %dma_wait3A_882 = tpu.memref_squeeze %dma_wait3A_881 : memref<1x160x128xf32, #tpu.memory_space<vmem>> -> memref<160x128xf32, #tpu.memory_space<vmem>>
        %dma_wait3A_883 = arith.constant 0 : i32
        %dma_wait3A_884 = arith.constant 0 : i32
        %dma_wait3A_885 = tpu.memref_slice %arg2[%dma_wait3A_883, %dma_wait3A_884] : memref<100000x128xf32, #tpu.memory_space<hbm>> -> memref<160x128xf32, #tpu.memory_space<hbm>>
        %dma_wait3A_886 = tpu.memref_slice %arg11[%dma_wait3A_878] : memref<4x!tpu.dma_semaphore, #tpu.memory_space<semaphore_mem>> -> memref<1x!tpu.dma_semaphore, #tpu.memory_space<semaphore_mem>>
        %dma_wait3A_887 = tpu.memref_squeeze %dma_wait3A_886 : memref<1x!tpu.dma_semaphore, #tpu.memory_space<semaphore_mem>> -> memref<!tpu.dma_semaphore, #tpu.memory_space<semaphore_mem>>
        %dma_wait3A_888 = arith.constant 0 : i32
        %dma_wait3A_889 = arith.constant 0 : i32
        %dma_wait3A_890 = tpu.memref_slice %arg6[%dma_wait3A, %dma_wait3A_888, %dma_wait3A_889] : memref<4x160x128xf32, #tpu.memory_space<vmem>> -> memref<1x160x128xf32, #tpu.memory_space<vmem>>
        %dma_wait3A_891 = tpu.memref_squeeze %dma_wait3A_890 : memref<1x160x128xf32, #tpu.memory_space<vmem>> -> memref<160x128xf32, #tpu.memory_space<vmem>>
        %dma_wait3A_892 = arith.constant 0 : i32
        %dma_wait3A_893 = arith.constant 0 : i32
        %dma_wait3A_894 = tpu.memref_slice %arg2[%dma_wait3A_892, %dma_wait3A_893] : memref<100000x128xf32, #tpu.memory_space<hbm>> -> memref<160x128xf32, #tpu.memory_space<hbm>>
        tpu.wait_dma2 semaphore(%dma_wait3A_887 : memref<!tpu.dma_semaphore, #tpu.memory_space<semaphore_mem>>) src(%dma_wait3A_894 : memref<160x128xf32, #tpu.memory_space<hbm>>) dst(%dma_wait3A_891 : memref<160x128xf32, #tpu.memory_space<vmem>>)
        %dma_wait3A_895 = arith.constant 1 : i32
        %dma_wait3A_896 = arith.constant 0 : i32
        %dma_wait3A_897 = arith.constant 1 : i32
        %dma_wait3A_898 = arith.constant 0 : i32
        %dma_wait3A_899 = arith.constant 0 : i32
        %dma_wait3A_900 = tpu.memref_slice %arg7[%dma_wait3A_895, %dma_wait3A_898, %dma_wait3A_899] : memref<4x2x80xi32, #tpu.memory_space<vmem>> -> memref<1x2x80xi32, #tpu.memory_space<vmem>>
        %dma_wait3A_901 = tpu.memref_squeeze %dma_wait3A_900 : memref<1x2x80xi32, #tpu.memory_space<vmem>> -> memref<2x80xi32, #tpu.memory_space<vmem>>
        %dma_wait3A_902 = arith.constant 0 : i32
        %dma_wait3A_903 = tpu.memref_slice %dma_wait3A_901[%dma_wait3A_896, %dma_wait3A_902] : memref<2x80xi32, #tpu.memory_space<vmem>> -> memref<1x80xi32, #tpu.memory_space<vmem>>
        %dma_wait3A_904 = tpu.memref_squeeze %dma_wait3A_903 : memref<1x80xi32, #tpu.memory_space<vmem>> -> memref<80xi32, #tpu.memory_space<vmem>>
        %dma_wait3A_905 = arith.constant 0 : i32
        %dma_wait3A_906 = tpu.memref_slice %arg3[%dma_wait3A_905] : memref<100000xi32, #tpu.memory_space<hbm>> -> memref<80xi32, #tpu.memory_space<hbm>>
        %dma_wait3A_907 = tpu.memref_slice %arg11[%dma_wait3A_897] : memref<4x!tpu.dma_semaphore, #tpu.memory_space<semaphore_mem>> -> memref<1x!tpu.dma_semaphore, #tpu.memory_space<semaphore_mem>>
        %dma_wait3A_908 = tpu.memref_squeeze %dma_wait3A_907 : memref<1x!tpu.dma_semaphore, #tpu.memory_space<semaphore_mem>> -> memref<!tpu.dma_semaphore, #tpu.memory_space<semaphore_mem>>
        %dma_wait3A_909 = arith.constant 0 : i32
        %dma_wait3A_910 = arith.constant 0 : i32
        %dma_wait3A_911 = tpu.memref_slice %arg7[%dma_wait3A_895, %dma_wait3A_909, %dma_wait3A_910] : memref<4x2x80xi32, #tpu.memory_space<vmem>> -> memref<1x2x80xi32, #tpu.memory_space<vmem>>
        %dma_wait3A_912 = tpu.memref_squeeze %dma_wait3A_911 : memref<1x2x80xi32, #tpu.memory_space<vmem>> -> memref<2x80xi32, #tpu.memory_space<vmem>>
        %dma_wait3A_913 = arith.constant 0 : i32
        %dma_wait3A_914 = tpu.memref_slice %dma_wait3A_912[%dma_wait3A_896, %dma_wait3A_913] : memref<2x80xi32, #tpu.memory_space<vmem>> -> memref<1x80xi32, #tpu.memory_space<vmem>>
        %dma_wait3A_915 = tpu.memref_squeeze %dma_wait3A_914 : memref<1x80xi32, #tpu.memory_space<vmem>> -> memref<80xi32, #tpu.memory_space<vmem>>
        %dma_wait3A_916 = arith.constant 0 : i32
        %dma_wait3A_917 = tpu.memref_slice %arg3[%dma_wait3A_916] : memref<100000xi32, #tpu.memory_space<hbm>> -> memref<80xi32, #tpu.memory_space<hbm>>
        tpu.wait_dma2 semaphore(%dma_wait3A_908 : memref<!tpu.dma_semaphore, #tpu.memory_space<semaphore_mem>>) src(%dma_wait3A_917 : memref<80xi32, #tpu.memory_space<hbm>>) dst(%dma_wait3A_915 : memref<80xi32, #tpu.memory_space<vmem>>)
        %dma_wait3A_918 = arith.constant 1 : i32
        %dma_wait3A_919 = arith.constant 1 : i32
        %dma_wait3A_920 = arith.constant 1 : i32
        %dma_wait3A_921 = arith.constant 0 : i32
        %dma_wait3A_922 = arith.constant 0 : i32
        %dma_wait3A_923 = tpu.memref_slice %arg7[%dma_wait3A_918, %dma_wait3A_921, %dma_wait3A_922] : memref<4x2x80xi32, #tpu.memory_space<vmem>> -> memref<1x2x80xi32, #tpu.memory_space<vmem>>
        %dma_wait3A_924 = tpu.memref_squeeze %dma_wait3A_923 : memref<1x2x80xi32, #tpu.memory_space<vmem>> -> memref<2x80xi32, #tpu.memory_space<vmem>>
        %dma_wait3A_925 = arith.constant 0 : i32
        %dma_wait3A_926 = tpu.memref_slice %dma_wait3A_924[%dma_wait3A_919, %dma_wait3A_925] : memref<2x80xi32, #tpu.memory_space<vmem>> -> memref<1x80xi32, #tpu.memory_space<vmem>>
        %dma_wait3A_927 = tpu.memref_squeeze %dma_wait3A_926 : memref<1x80xi32, #tpu.memory_space<vmem>> -> memref<80xi32, #tpu.memory_space<vmem>>
        %dma_wait3A_928 = arith.constant 0 : i32
        %dma_wait3A_929 = tpu.memref_slice %arg3[%dma_wait3A_928] : memref<100000xi32, #tpu.memory_space<hbm>> -> memref<80xi32, #tpu.memory_space<hbm>>
        %dma_wait3A_930 = tpu.memref_slice %arg11[%dma_wait3A_920] : memref<4x!tpu.dma_semaphore, #tpu.memory_space<semaphore_mem>> -> memref<1x!tpu.dma_semaphore, #tpu.memory_space<semaphore_mem>>
        %dma_wait3A_931 = tpu.memref_squeeze %dma_wait3A_930 : memref<1x!tpu.dma_semaphore, #tpu.memory_space<semaphore_mem>> -> memref<!tpu.dma_semaphore, #tpu.memory_space<semaphore_mem>>
        %dma_wait3A_932 = arith.constant 0 : i32
        %dma_wait3A_933 = arith.constant 0 : i32
        %dma_wait3A_934 = tpu.memref_slice %arg7[%dma_wait3A_918, %dma_wait3A_932, %dma_wait3A_933] : memref<4x2x80xi32, #tpu.memory_space<vmem>> -> memref<1x2x80xi32, #tpu.memory_space<vmem>>
        %dma_wait3A_935 = tpu.memref_squeeze %dma_wait3A_934 : memref<1x2x80xi32, #tpu.memory_space<vmem>> -> memref<2x80xi32, #tpu.memory_space<vmem>>
        %dma_wait3A_936 = arith.constant 0 : i32
        %dma_wait3A_937 = tpu.memref_slice %dma_wait3A_935[%dma_wait3A_919, %dma_wait3A_936] : memref<2x80xi32, #tpu.memory_space<vmem>> -> memref<1x80xi32, #tpu.memory_space<vmem>>
        %dma_wait3A_938 = tpu.memref_squeeze %dma_wait3A_937 : memref<1x80xi32, #tpu.memory_space<vmem>> -> memref<80xi32, #tpu.memory_space<vmem>>
        %dma_wait3A_939 = arith.constant 0 : i32
        %dma_wait3A_940 = tpu.memref_slice %arg3[%dma_wait3A_939] : memref<100000xi32, #tpu.memory_space<hbm>> -> memref<80xi32, #tpu.memory_space<hbm>>
        tpu.wait_dma2 semaphore(%dma_wait3A_931 : memref<!tpu.dma_semaphore, #tpu.memory_space<semaphore_mem>>) src(%dma_wait3A_940 : memref<80xi32, #tpu.memory_space<hbm>>) dst(%dma_wait3A_938 : memref<80xi32, #tpu.memory_space<vmem>>)
        %get3A = arith.constant 1 : i32
        %get3A_941 = arith.constant 0 : i32
        %get3A_942 = arith.index_cast %get3A : i32 to index
        %get3A_943 = arith.index_cast %get3A_941 : i32 to index
        %get3A_944 = arith.constant 0 : index
        %get3A_945 = tpu.vector_load %arg7[%get3A_942, %get3A_943, %get3A_944] {strides = array<i32>} : memref<4x2x80xi32, #tpu.memory_space<vmem>>, vector<16xi32>,
        tpu.vector_store_idx %arg8[%get3A_945], %broadcast_in_dim3A_552 {add = true} : memref<256xf32, #tpu.memory_space<vmem>>[vector<16xi32>], vector<16xf32>,
        %get3A_946 = arith.constant 1 : i32
        %get3A_947 = arith.constant 0 : i32
        %get3A_948 = arith.index_cast %get3A_946 : i32 to index
        %get3A_949 = arith.index_cast %get3A_947 : i32 to index
        %get3A_950 = arith.constant 16 : index
        %get3A_951 = tpu.vector_load %arg7[%get3A_948, %get3A_949, %get3A_950] {strides = array<i32>} : memref<4x2x80xi32, #tpu.memory_space<vmem>>, vector<16xi32>,
        tpu.vector_store_idx %arg8[%get3A_951], %broadcast_in_dim3A_552 {add = true} : memref<256xf32, #tpu.memory_space<vmem>>[vector<16xi32>], vector<16xf32>,
        %get3A_952 = arith.constant 1 : i32
        %get3A_953 = arith.constant 0 : i32
        %get3A_954 = arith.index_cast %get3A_952 : i32 to index
        %get3A_955 = arith.index_cast %get3A_953 : i32 to index
        %get3A_956 = arith.constant 32 : index
        %get3A_957 = tpu.vector_load %arg7[%get3A_954, %get3A_955, %get3A_956] {strides = array<i32>} : memref<4x2x80xi32, #tpu.memory_space<vmem>>, vector<16xi32>,
        tpu.vector_store_idx %arg8[%get3A_957], %broadcast_in_dim3A_552 {add = true} : memref<256xf32, #tpu.memory_space<vmem>>[vector<16xi32>], vector<16xf32>,
        %get3A_958 = arith.constant 1 : i32
        %get3A_959 = arith.constant 0 : i32
        %get3A_960 = arith.index_cast %get3A_958 : i32 to index
        %get3A_961 = arith.index_cast %get3A_959 : i32 to index
        %get3A_962 = arith.constant 48 : index
        %get3A_963 = tpu.vector_load %arg7[%get3A_960, %get3A_961, %get3A_962] {strides = array<i32>} : memref<4x2x80xi32, #tpu.memory_space<vmem>>, vector<16xi32>,
        tpu.vector_store_idx %arg8[%get3A_963], %broadcast_in_dim3A_552 {add = true} : memref<256xf32, #tpu.memory_space<vmem>>[vector<16xi32>], vector<16xf32>,
        %get3A_964 = arith.constant 1 : i32
        %get3A_965 = arith.constant 0 : i32
        %get3A_966 = arith.index_cast %get3A_964 : i32 to index
        %get3A_967 = arith.index_cast %get3A_965 : i32 to index
        %get3A_968 = arith.constant 64 : index
        %get3A_969 = tpu.vector_load %arg7[%get3A_966, %get3A_967, %get3A_968] {strides = array<i32>} : memref<4x2x80xi32, #tpu.memory_space<vmem>>, vector<16xi32>,
        tpu.vector_store_idx %arg8[%get3A_969], %broadcast_in_dim3A_552 {add = true} : memref<256xf32, #tpu.memory_space<vmem>>[vector<16xi32>], vector<16xf32>,
        %get3A_970 = arith.constant 1 : i32
        %get3A_971 = arith.constant 1 : i32
        %get3A_972 = arith.index_cast %get3A_970 : i32 to index
        %get3A_973 = arith.index_cast %get3A_971 : i32 to index
        %get3A_974 = arith.constant 0 : index
        %get3A_975 = tpu.vector_load %arg7[%get3A_972, %get3A_973, %get3A_974] {strides = array<i32>} : memref<4x2x80xi32, #tpu.memory_space<vmem>>, vector<16xi32>,
        tpu.vector_store_idx %arg8[%get3A_975], %broadcast_in_dim3A_552 {add = true} : memref<256xf32, #tpu.memory_space<vmem>>[vector<16xi32>], vector<16xf32>,
        %get3A_976 = arith.constant 1 : i32
        %get3A_977 = arith.constant 1 : i32
        %get3A_978 = arith.index_cast %get3A_976 : i32 to index
        %get3A_979 = arith.index_cast %get3A_977 : i32 to index
        %get3A_980 = arith.constant 16 : index
        %get3A_981 = tpu.vector_load %arg7[%get3A_978, %get3A_979, %get3A_980] {strides = array<i32>} : memref<4x2x80xi32, #tpu.memory_space<vmem>>, vector<16xi32>,
        tpu.vector_store_idx %arg8[%get3A_981], %broadcast_in_dim3A_552 {add = true} : memref<256xf32, #tpu.memory_space<vmem>>[vector<16xi32>], vector<16xf32>,
        %get3A_982 = arith.constant 1 : i32
        %get3A_983 = arith.constant 1 : i32
        %get3A_984 = arith.index_cast %get3A_982 : i32 to index
        %get3A_985 = arith.index_cast %get3A_983 : i32 to index
        %get3A_986 = arith.constant 32 : index
        %get3A_987 = tpu.vector_load %arg7[%get3A_984, %get3A_985, %get3A_986] {strides = array<i32>} : memref<4x2x80xi32, #tpu.memory_space<vmem>>, vector<16xi32>,
        tpu.vector_store_idx %arg8[%get3A_987], %broadcast_in_dim3A_552 {add = true} : memref<256xf32, #tpu.memory_space<vmem>>[vector<16xi32>], vector<16xf32>,
        %get3A_988 = arith.constant 1 : i32
        %get3A_989 = arith.constant 1 : i32
        %get3A_990 = arith.index_cast %get3A_988 : i32 to index
        %get3A_991 = arith.index_cast %get3A_989 : i32 to index
        %get3A_992 = arith.constant 48 : index
        %get3A_993 = tpu.vector_load %arg7[%get3A_990, %get3A_991, %get3A_992] {strides = array<i32>} : memref<4x2x80xi32, #tpu.memory_space<vmem>>, vector<16xi32>,
        tpu.vector_store_idx %arg8[%get3A_993], %broadcast_in_dim3A_552 {add = true} : memref<256xf32, #tpu.memory_space<vmem>>[vector<16xi32>], vector<16xf32>,
        %get3A_994 = arith.constant 1 : i32
        %get3A_995 = arith.constant 1 : i32
        %get3A_996 = arith.index_cast %get3A_994 : i32 to index
        %get3A_997 = arith.index_cast %get3A_995 : i32 to index
        %get3A_998 = arith.constant 64 : index
        %get3A_999 = tpu.vector_load %arg7[%get3A_996, %get3A_997, %get3A_998] {strides = array<i32>} : memref<4x2x80xi32, #tpu.memory_space<vmem>>, vector<16xi32>,
        tpu.vector_store_idx %arg8[%get3A_999], %broadcast_in_dim3A_552 {add = true} : memref<256xf32, #tpu.memory_space<vmem>>[vector<16xi32>], vector<16xf32>,
        %dma_start3A_1000 = arith.constant 1 : i32
        %dma_start3A_1001 = arith.constant 1 : i32
        %dma_start3A_1002 = arith.constant 0 : i32
        %dma_start3A_1003 = arith.constant 1 : i32
        %dma_start3A_1004 = arith.constant 0 : i32
        %dma_start3A_1005 = arith.constant 0 : i32
        %dma_start3A_1006 = tpu.memref_slice %arg6[%dma_start3A_1000, %dma_start3A_1004, %dma_start3A_1005] : memref<4x160x128xf32, #tpu.memory_space<vmem>> -> memref<1x160x128xf32, #tpu.memory_space<vmem>>
        %dma_start3A_1007 = tpu.memref_squeeze %dma_start3A_1006 : memref<1x160x128xf32, #tpu.memory_space<vmem>> -> memref<160x128xf32, #tpu.memory_space<vmem>>
        %dma_start3A_1008 = arith.constant 0 : i32
        %dma_start3A_1009 = arith.constant 0 : i32
        %dma_start3A_1010 = tpu.memref_slice %dma_start3A_1007[%dma_start3A_1008, %dma_start3A_1009] : memref<160x128xf32, #tpu.memory_space<vmem>> -> memref<80x128xf32, #tpu.memory_space<vmem>>
        %dma_start3A_1011 = arith.constant 0 : i32
        %dma_start3A_1012 = arith.constant 0 : i32
        %dma_start3A_1013 = tpu.memref_slice %arg7[%dma_start3A_1001, %dma_start3A_1011, %dma_start3A_1012] : memref<4x2x80xi32, #tpu.memory_space<vmem>> -> memref<1x2x80xi32, #tpu.memory_space<vmem>>
        %dma_start3A_1014 = tpu.memref_squeeze %dma_start3A_1013 : memref<1x2x80xi32, #tpu.memory_space<vmem>> -> memref<2x80xi32, #tpu.memory_space<vmem>>
        %dma_start3A_1015 = arith.constant 0 : i32
        %dma_start3A_1016 = tpu.memref_slice %dma_start3A_1014[%dma_start3A_1002, %dma_start3A_1015] : memref<2x80xi32, #tpu.memory_space<vmem>> -> memref<1x80xi32, #tpu.memory_space<vmem>>
        %dma_start3A_1017 = tpu.memref_squeeze %dma_start3A_1016 : memref<1x80xi32, #tpu.memory_space<vmem>> -> memref<80xi32, #tpu.memory_space<vmem>>
        %dma_start3A_1018 = arith.constant 0 : i32
        %dma_start3A_1019 = arith.constant 0 : i32
        %dma_start3A_1020 = tpu.memref_slice %arg10[%dma_start3A_1018, %dma_start3A_1019] : memref<256x128xf32, #tpu.memory_space<vmem_shared>> -> memref<256x128xf32, #tpu.memory_space<vmem_shared>>
        %dma_start3A_1021 = tpu.memref_slice %arg12[%dma_start3A_1003] : memref<4x!tpu.dma_semaphore, #tpu.memory_space<semaphore_mem>> -> memref<1x!tpu.dma_semaphore, #tpu.memory_space<semaphore_mem>>
        %dma_start3A_1022 = tpu.memref_squeeze %dma_start3A_1021 : memref<1x!tpu.dma_semaphore, #tpu.memory_space<semaphore_mem>> -> memref<!tpu.dma_semaphore, #tpu.memory_space<semaphore_mem>>
        tpu.enqueue_indirect_dma source(%dma_start3A_1010 : memref<80x128xf32, #tpu.memory_space<vmem>>) target(%dma_start3A_1020 : memref<256x128xf32, #tpu.memory_space<vmem_shared>>) offsets(%dma_start3A_1017 : memref<80xi32, #tpu.memory_space<vmem>>) semaphore(%dma_start3A_1022 : memref<!tpu.dma_semaphore, #tpu.memory_space<semaphore_mem>>) {add = true}
        %dma_start3A_1023 = arith.constant 1 : i32
        %dma_start3A_1024 = arith.constant 1 : i32
        %dma_start3A_1025 = arith.constant 1 : i32
        %dma_start3A_1026 = arith.constant 1 : i32
        %dma_start3A_1027 = arith.constant 0 : i32
        %dma_start3A_1028 = arith.constant 0 : i32
        %dma_start3A_1029 = tpu.memref_slice %arg6[%dma_start3A_1023, %dma_start3A_1027, %dma_start3A_1028] : memref<4x160x128xf32, #tpu.memory_space<vmem>> -> memref<1x160x128xf32, #tpu.memory_space<vmem>>
        %dma_start3A_1030 = tpu.memref_squeeze %dma_start3A_1029 : memref<1x160x128xf32, #tpu.memory_space<vmem>> -> memref<160x128xf32, #tpu.memory_space<vmem>>
        %dma_start3A_1031 = arith.constant 80 : i32
        %dma_start3A_1032 = arith.constant 0 : i32
        %dma_start3A_1033 = tpu.memref_slice %dma_start3A_1030[%dma_start3A_1031, %dma_start3A_1032] : memref<160x128xf32, #tpu.memory_space<vmem>> -> memref<80x128xf32, #tpu.memory_space<vmem>>
        %dma_start3A_1034 = arith.constant 0 : i32
        %dma_start3A_1035 = arith.constant 0 : i32
        %dma_start3A_1036 = tpu.memref_slice %arg7[%dma_start3A_1024, %dma_start3A_1034, %dma_start3A_1035] : memref<4x2x80xi32, #tpu.memory_space<vmem>> -> memref<1x2x80xi32, #tpu.memory_space<vmem>>
        %dma_start3A_1037 = tpu.memref_squeeze %dma_start3A_1036 : memref<1x2x80xi32, #tpu.memory_space<vmem>> -> memref<2x80xi32, #tpu.memory_space<vmem>>
        %dma_start3A_1038 = arith.constant 0 : i32
        %dma_start3A_1039 = tpu.memref_slice %dma_start3A_1037[%dma_start3A_1025, %dma_start3A_1038] : memref<2x80xi32, #tpu.memory_space<vmem>> -> memref<1x80xi32, #tpu.memory_space<vmem>>
        %dma_start3A_1040 = tpu.memref_squeeze %dma_start3A_1039 : memref<1x80xi32, #tpu.memory_space<vmem>> -> memref<80xi32, #tpu.memory_space<vmem>>
        %dma_start3A_1041 = arith.constant 0 : i32
        %dma_start3A_1042 = arith.constant 0 : i32
        %dma_start3A_1043 = tpu.memref_slice %arg10[%dma_start3A_1041, %dma_start3A_1042] : memref<256x128xf32, #tpu.memory_space<vmem_shared>> -> memref<256x128xf32, #tpu.memory_space<vmem_shared>>
        %dma_start3A_1044 = tpu.memref_slice %arg12[%dma_start3A_1026] : memref<4x!tpu.dma_semaphore, #tpu.memory_space<semaphore_mem>> -> memref<1x!tpu.dma_semaphore, #tpu.memory_space<semaphore_mem>>
        %dma_start3A_1045 = tpu.memref_squeeze %dma_start3A_1044 : memref<1x!tpu.dma_semaphore, #tpu.memory_space<semaphore_mem>> -> memref<!tpu.dma_semaphore, #tpu.memory_space<semaphore_mem>>
        tpu.enqueue_indirect_dma source(%dma_start3A_1033 : memref<80x128xf32, #tpu.memory_space<vmem>>) target(%dma_start3A_1043 : memref<256x128xf32, #tpu.memory_space<vmem_shared>>) offsets(%dma_start3A_1040 : memref<80xi32, #tpu.memory_space<vmem>>) semaphore(%dma_start3A_1045 : memref<!tpu.dma_semaphore, #tpu.memory_space<semaphore_mem>>) {add = true}
        %dma_wait3A_1046 = arith.constant 1 : i32
        %dma_wait3A_1047 = arith.constant 1 : i32
        %dma_wait3A_1048 = arith.constant 0 : i32
        %dma_wait3A_1049 = arith.constant 1 : i32
        %dma_wait3A_1050 = arith.constant 0 : i32
        %dma_wait3A_1051 = arith.constant 0 : i32
        %dma_wait3A_1052 = tpu.memref_slice %arg6[%dma_wait3A_1046, %dma_wait3A_1050, %dma_wait3A_1051] : memref<4x160x128xf32, #tpu.memory_space<vmem>> -> memref<1x160x128xf32, #tpu.memory_space<vmem>>
        %dma_wait3A_1053 = tpu.memref_squeeze %dma_wait3A_1052 : memref<1x160x128xf32, #tpu.memory_space<vmem>> -> memref<160x128xf32, #tpu.memory_space<vmem>>
        %dma_wait3A_1054 = arith.constant 0 : i32
        %dma_wait3A_1055 = arith.constant 0 : i32
        %dma_wait3A_1056 = tpu.memref_slice %dma_wait3A_1053[%dma_wait3A_1054, %dma_wait3A_1055] : memref<160x128xf32, #tpu.memory_space<vmem>> -> memref<80x128xf32, #tpu.memory_space<vmem>>
        %dma_wait3A_1057 = arith.constant 0 : i32
        %dma_wait3A_1058 = arith.constant 0 : i32
        %dma_wait3A_1059 = tpu.memref_slice %arg7[%dma_wait3A_1047, %dma_wait3A_1057, %dma_wait3A_1058] : memref<4x2x80xi32, #tpu.memory_space<vmem>> -> memref<1x2x80xi32, #tpu.memory_space<vmem>>
        %dma_wait3A_1060 = tpu.memref_squeeze %dma_wait3A_1059 : memref<1x2x80xi32, #tpu.memory_space<vmem>> -> memref<2x80xi32, #tpu.memory_space<vmem>>
        %dma_wait3A_1061 = arith.constant 0 : i32
        %dma_wait3A_1062 = tpu.memref_slice %dma_wait3A_1060[%dma_wait3A_1048, %dma_wait3A_1061] : memref<2x80xi32, #tpu.memory_space<vmem>> -> memref<1x80xi32, #tpu.memory_space<vmem>>
        %dma_wait3A_1063 = tpu.memref_squeeze %dma_wait3A_1062 : memref<1x80xi32, #tpu.memory_space<vmem>> -> memref<80xi32, #tpu.memory_space<vmem>>
        %dma_wait3A_1064 = arith.constant 0 : i32
        %dma_wait3A_1065 = arith.constant 0 : i32
        %dma_wait3A_1066 = tpu.memref_slice %arg10[%dma_wait3A_1064, %dma_wait3A_1065] : memref<256x128xf32, #tpu.memory_space<vmem_shared>> -> memref<256x128xf32, #tpu.memory_space<vmem_shared>>
        %dma_wait3A_1067 = tpu.memref_slice %arg12[%dma_wait3A_1049] : memref<4x!tpu.dma_semaphore, #tpu.memory_space<semaphore_mem>> -> memref<1x!tpu.dma_semaphore, #tpu.memory_space<semaphore_mem>>
        %dma_wait3A_1068 = tpu.memref_squeeze %dma_wait3A_1067 : memref<1x!tpu.dma_semaphore, #tpu.memory_space<semaphore_mem>> -> memref<!tpu.dma_semaphore, #tpu.memory_space<semaphore_mem>>
        tpu.wait_indirect_dma semaphore(%dma_wait3A_1068 : memref<!tpu.dma_semaphore, #tpu.memory_space<semaphore_mem>>) src(%dma_wait3A_1056 : memref<80x128xf32, #tpu.memory_space<vmem>>) dst(%dma_wait3A_1066 : memref<256x128xf32, #tpu.memory_space<vmem_shared>>)
        %dma_wait3A_1069 = arith.constant 1 : i32
        %dma_wait3A_1070 = arith.constant 1 : i32
        %dma_wait3A_1071 = arith.constant 1 : i32
        %dma_wait3A_1072 = arith.constant 1 : i32
        %dma_wait3A_1073 = arith.constant 0 : i32
        %dma_wait3A_1074 = arith.constant 0 : i32
        %dma_wait3A_1075 = tpu.memref_slice %arg6[%dma_wait3A_1069, %dma_wait3A_1073, %dma_wait3A_1074] : memref<4x160x128xf32, #tpu.memory_space<vmem>> -> memref<1x160x128xf32, #tpu.memory_space<vmem>>
        %dma_wait3A_1076 = tpu.memref_squeeze %dma_wait3A_1075 : memref<1x160x128xf32, #tpu.memory_space<vmem>> -> memref<160x128xf32, #tpu.memory_space<vmem>>
        %dma_wait3A_1077 = arith.constant 80 : i32
        %dma_wait3A_1078 = arith.constant 0 : i32
        %dma_wait3A_1079 = tpu.memref_slice %dma_wait3A_1076[%dma_wait3A_1077, %dma_wait3A_1078] : memref<160x128xf32, #tpu.memory_space<vmem>> -> memref<80x128xf32, #tpu.memory_space<vmem>>
        %dma_wait3A_1080 = arith.constant 0 : i32
        %dma_wait3A_1081 = arith.constant 0 : i32
        %dma_wait3A_1082 = tpu.memref_slice %arg7[%dma_wait3A_1070, %dma_wait3A_1080, %dma_wait3A_1081] : memref<4x2x80xi32, #tpu.memory_space<vmem>> -> memref<1x2x80xi32, #tpu.memory_space<vmem>>
        %dma_wait3A_1083 = tpu.memref_squeeze %dma_wait3A_1082 : memref<1x2x80xi32, #tpu.memory_space<vmem>> -> memref<2x80xi32, #tpu.memory_space<vmem>>
        %dma_wait3A_1084 = arith.constant 0 : i32
        %dma_wait3A_1085 = tpu.memref_slice %dma_wait3A_1083[%dma_wait3A_1071, %dma_wait3A_1084] : memref<2x80xi32, #tpu.memory_space<vmem>> -> memref<1x80xi32, #tpu.memory_space<vmem>>
        %dma_wait3A_1086 = tpu.memref_squeeze %dma_wait3A_1085 : memref<1x80xi32, #tpu.memory_space<vmem>> -> memref<80xi32, #tpu.memory_space<vmem>>
        %dma_wait3A_1087 = arith.constant 0 : i32
        %dma_wait3A_1088 = arith.constant 0 : i32
        %dma_wait3A_1089 = tpu.memref_slice %arg10[%dma_wait3A_1087, %dma_wait3A_1088] : memref<256x128xf32, #tpu.memory_space<vmem_shared>> -> memref<256x128xf32, #tpu.memory_space<vmem_shared>>
        %dma_wait3A_1090 = tpu.memref_slice %arg12[%dma_wait3A_1072] : memref<4x!tpu.dma_semaphore, #tpu.memory_space<semaphore_mem>> -> memref<1x!tpu.dma_semaphore, #tpu.memory_space<semaphore_mem>>
        %dma_wait3A_1091 = tpu.memref_squeeze %dma_wait3A_1090 : memref<1x!tpu.dma_semaphore, #tpu.memory_space<semaphore_mem>> -> memref<!tpu.dma_semaphore, #tpu.memory_space<semaphore_mem>>
        tpu.wait_indirect_dma semaphore(%dma_wait3A_1091 : memref<!tpu.dma_semaphore, #tpu.memory_space<semaphore_mem>>) src(%dma_wait3A_1079 : memref<80x128xf32, #tpu.memory_space<vmem>>) dst(%dma_wait3A_1089 : memref<256x128xf32, #tpu.memory_space<vmem_shared>>)
        %add3A_1092 = arith.constant 4 : i32
        %add3A_1093 = arith.addi %add3A_861, %add3A_1092 : i32
        %lt3A_1094 = arith.cmpi slt, %add3A_1093, %add3A_550 : i32
        %convert_element_type3A_1095 = arith.extui %lt3A_1094 : i1 to i32
        %cond3A_1096 = arith.constant 0 : i32
        %cond3A_1097 = arith.cmpi ne, %convert_element_type3A_1095, %cond3A_1096 : i32
        scf.if %cond3A_1097 {
          %add3A_1098 = arith.constant 4 : i32
          %add3A_1099 = arith.addi %add3A_861, %add3A_1098 : i32
          %mul3A_1100 = arith.constant 32 : i32
          %mul3A_1101 = arith.muli %add3A_1099, %mul3A_1100 : i32
          %add3A_1102 = arith.addi %add3A, %mul3A_1101 : i32
          %mul3A_1103 = arith.constant 160 : i32
          %mul3A_1104 = arith.muli %add3A_1102, %mul3A_1103 : i32
          %dma_start3A_1105 = arith.constant 1 : i32
          %dma_start3A_1106 = arith.constant 1 : i32
          %dma_start3A_1107 = arith.constant 0 : i32
          %dma_start3A_1108 = arith.constant 0 : i32
          %dma_start3A_1109 = tpu.memref_slice %arg6[%dma_start3A_1105, %dma_start3A_1107, %dma_start3A_1108] : memref<4x160x128xf32, #tpu.memory_space<vmem>> -> memref<1x160x128xf32, #tpu.memory_space<vmem>>
          %dma_start3A_1110 = tpu.memref_squeeze %dma_start3A_1109 : memref<1x160x128xf32, #tpu.memory_space<vmem>> -> memref<160x128xf32, #tpu.memory_space<vmem>>
          %dma_start3A_1111 = arith.constant 0 : i32
          %dma_start3A_1112 = tpu.memref_slice %arg2[%mul3A_1104, %dma_start3A_1111] : memref<100000x128xf32, #tpu.memory_space<hbm>> -> memref<160x128xf32, #tpu.memory_space<hbm>>
          %dma_start3A_1113 = tpu.memref_slice %arg11[%dma_start3A_1106] : memref<4x!tpu.dma_semaphore, #tpu.memory_space<semaphore_mem>> -> memref<1x!tpu.dma_semaphore, #tpu.memory_space<semaphore_mem>>
          %dma_start3A_1114 = tpu.memref_squeeze %dma_start3A_1113 : memref<1x!tpu.dma_semaphore, #tpu.memory_space<semaphore_mem>> -> memref<!tpu.dma_semaphore, #tpu.memory_space<semaphore_mem>>
          %dma_start3A_1115 = arith.constant 0 : i32
          %dma_start3A_1116 = arith.constant 0 : i32
          %dma_start3A_1117 = tpu.memref_slice %arg6[%dma_start3A_1105, %dma_start3A_1115, %dma_start3A_1116] : memref<4x160x128xf32, #tpu.memory_space<vmem>> -> memref<1x160x128xf32, #tpu.memory_space<vmem>>
          %dma_start3A_1118 = tpu.memref_squeeze %dma_start3A_1117 : memref<1x160x128xf32, #tpu.memory_space<vmem>> -> memref<160x128xf32, #tpu.memory_space<vmem>>
          %dma_start3A_1119 = arith.constant 0 : i32
          %dma_start3A_1120 = tpu.memref_slice %arg2[%mul3A_1104, %dma_start3A_1119] : memref<100000x128xf32, #tpu.memory_space<hbm>> -> memref<160x128xf32, #tpu.memory_space<hbm>>
          tpu.enqueue_dma source(%dma_start3A_1120 : memref<160x128xf32, #tpu.memory_space<hbm>>) target(%dma_start3A_1118 : memref<160x128xf32, #tpu.memory_space<vmem>>) target_semaphore(%dma_start3A_1114 : memref<!tpu.dma_semaphore, #tpu.memory_space<semaphore_mem>>)
          %mul3A_1121 = arith.constant 160 : i32
          %mul3A_1122 = arith.muli %add3A_1102, %mul3A_1121 : i32
          %add3A_1123 = arith.constant 0 : i32
          %add3A_1124 = arith.addi %mul3A_1122, %add3A_1123 : i32
          %dma_start3A_1125 = arith.constant 1 : i32
          %dma_start3A_1126 = arith.constant 0 : i32
          %dma_start3A_1127 = arith.constant 1 : i32
          %dma_start3A_1128 = arith.constant 0 : i32
          %dma_start3A_1129 = arith.constant 0 : i32
          %dma_start3A_1130 = tpu.memref_slice %arg7[%dma_start3A_1125, %dma_start3A_1128, %dma_start3A_1129] : memref<4x2x80xi32, #tpu.memory_space<vmem>> -> memref<1x2x80xi32, #tpu.memory_space<vmem>>
          %dma_start3A_1131 = tpu.memref_squeeze %dma_start3A_1130 : memref<1x2x80xi32, #tpu.memory_space<vmem>> -> memref<2x80xi32, #tpu.memory_space<vmem>>
          %dma_start3A_1132 = arith.constant 0 : i32
          %dma_start3A_1133 = tpu.memref_slice %dma_start3A_1131[%dma_start3A_1126, %dma_start3A_1132] : memref<2x80xi32, #tpu.memory_space<vmem>> -> memref<1x80xi32, #tpu.memory_space<vmem>>
          %dma_start3A_1134 = tpu.memref_squeeze %dma_start3A_1133 : memref<1x80xi32, #tpu.memory_space<vmem>> -> memref<80xi32, #tpu.memory_space<vmem>>
          %dma_start3A_1135 = tpu.memref_slice %arg3[%add3A_1124] : memref<100000xi32, #tpu.memory_space<hbm>> -> memref<80xi32, #tpu.memory_space<hbm>>
          %dma_start3A_1136 = tpu.memref_slice %arg11[%dma_start3A_1127] : memref<4x!tpu.dma_semaphore, #tpu.memory_space<semaphore_mem>> -> memref<1x!tpu.dma_semaphore, #tpu.memory_space<semaphore_mem>>
          %dma_start3A_1137 = tpu.memref_squeeze %dma_start3A_1136 : memref<1x!tpu.dma_semaphore, #tpu.memory_space<semaphore_mem>> -> memref<!tpu.dma_semaphore, #tpu.memory_space<semaphore_mem>>
          %dma_start3A_1138 = arith.constant 0 : i32
          %dma_start3A_1139 = arith.constant 0 : i32
          %dma_start3A_1140 = tpu.memref_slice %arg7[%dma_start3A_1125, %dma_start3A_1138, %dma_start3A_1139] : memref<4x2x80xi32, #tpu.memory_space<vmem>> -> memref<1x2x80xi32, #tpu.memory_space<vmem>>
          %dma_start3A_1141 = tpu.memref_squeeze %dma_start3A_1140 : memref<1x2x80xi32, #tpu.memory_space<vmem>> -> memref<2x80xi32, #tpu.memory_space<vmem>>
          %dma_start3A_1142 = arith.constant 0 : i32
          %dma_start3A_1143 = tpu.memref_slice %dma_start3A_1141[%dma_start3A_1126, %dma_start3A_1142] : memref<2x80xi32, #tpu.memory_space<vmem>> -> memref<1x80xi32, #tpu.memory_space<vmem>>
          %dma_start3A_1144 = tpu.memref_squeeze %dma_start3A_1143 : memref<1x80xi32, #tpu.memory_space<vmem>> -> memref<80xi32, #tpu.memory_space<vmem>>
          %dma_start3A_1145 = tpu.memref_slice %arg3[%add3A_1124] : memref<100000xi32, #tpu.memory_space<hbm>> -> memref<80xi32, #tpu.memory_space<hbm>>
          tpu.enqueue_dma source(%dma_start3A_1145 : memref<80xi32, #tpu.memory_space<hbm>>) target(%dma_start3A_1144 : memref<80xi32, #tpu.memory_space<vmem>>) target_semaphore(%dma_start3A_1137 : memref<!tpu.dma_semaphore, #tpu.memory_space<semaphore_mem>>)
          %mul3A_1146 = arith.constant 160 : i32
          %mul3A_1147 = arith.muli %add3A_1102, %mul3A_1146 : i32
          %add3A_1148 = arith.constant 80 : i32
          %add3A_1149 = arith.addi %mul3A_1147, %add3A_1148 : i32
          %dma_start3A_1150 = arith.constant 1 : i32
          %dma_start3A_1151 = arith.constant 1 : i32
          %dma_start3A_1152 = arith.constant 1 : i32
          %dma_start3A_1153 = arith.constant 0 : i32
          %dma_start3A_1154 = arith.constant 0 : i32
          %dma_start3A_1155 = tpu.memref_slice %arg7[%dma_start3A_1150, %dma_start3A_1153, %dma_start3A_1154] : memref<4x2x80xi32, #tpu.memory_space<vmem>> -> memref<1x2x80xi32, #tpu.memory_space<vmem>>
          %dma_start3A_1156 = tpu.memref_squeeze %dma_start3A_1155 : memref<1x2x80xi32, #tpu.memory_space<vmem>> -> memref<2x80xi32, #tpu.memory_space<vmem>>
          %dma_start3A_1157 = arith.constant 0 : i32
          %dma_start3A_1158 = tpu.memref_slice %dma_start3A_1156[%dma_start3A_1151, %dma_start3A_1157] : memref<2x80xi32, #tpu.memory_space<vmem>> -> memref<1x80xi32, #tpu.memory_space<vmem>>
          %dma_start3A_1159 = tpu.memref_squeeze %dma_start3A_1158 : memref<1x80xi32, #tpu.memory_space<vmem>> -> memref<80xi32, #tpu.memory_space<vmem>>
          %dma_start3A_1160 = tpu.memref_slice %arg3[%add3A_1149] : memref<100000xi32, #tpu.memory_space<hbm>> -> memref<80xi32, #tpu.memory_space<hbm>>
          %dma_start3A_1161 = tpu.memref_slice %arg11[%dma_start3A_1152] : memref<4x!tpu.dma_semaphore, #tpu.memory_space<semaphore_mem>> -> memref<1x!tpu.dma_semaphore, #tpu.memory_space<semaphore_mem>>
          %dma_start3A_1162 = tpu.memref_squeeze %dma_start3A_1161 : memref<1x!tpu.dma_semaphore, #tpu.memory_space<semaphore_mem>> -> memref<!tpu.dma_semaphore, #tpu.memory_space<semaphore_mem>>
          %dma_start3A_1163 = arith.constant 0 : i32
          %dma_start3A_1164 = arith.constant 0 : i32
          %dma_start3A_1165 = tpu.memref_slice %arg7[%dma_start3A_1150, %dma_start3A_1163, %dma_start3A_1164] : memref<4x2x80xi32, #tpu.memory_space<vmem>> -> memref<1x2x80xi32, #tpu.memory_space<vmem>>
          %dma_start3A_1166 = tpu.memref_squeeze %dma_start3A_1165 : memref<1x2x80xi32, #tpu.memory_space<vmem>> -> memref<2x80xi32, #tpu.memory_space<vmem>>
          %dma_start3A_1167 = arith.constant 0 : i32
          %dma_start3A_1168 = tpu.memref_slice %dma_start3A_1166[%dma_start3A_1151, %dma_start3A_1167] : memref<2x80xi32, #tpu.memory_space<vmem>> -> memref<1x80xi32, #tpu.memory_space<vmem>>
          %dma_start3A_1169 = tpu.memref_squeeze %dma_start3A_1168 : memref<1x80xi32, #tpu.memory_space<vmem>> -> memref<80xi32, #tpu.memory_space<vmem>>
          %dma_start3A_1170 = tpu.memref_slice %arg3[%add3A_1149] : memref<100000xi32, #tpu.memory_space<hbm>> -> memref<80xi32, #tpu.memory_space<hbm>>
          tpu.enqueue_dma source(%dma_start3A_1170 : memref<80xi32, #tpu.memory_space<hbm>>) target(%dma_start3A_1169 : memref<80xi32, #tpu.memory_space<vmem>>) target_semaphore(%dma_start3A_1162 : memref<!tpu.dma_semaphore, #tpu.memory_space<semaphore_mem>>)
        } else {
        }
      } else {
      }
      %add3A_866 = arith.constant 2 : i32
      %add3A_867 = arith.addi %add3A_855, %add3A_866 : i32
      %lt3A_868 = arith.cmpi slt, %add3A_867, %add3A_550 : i32
      %convert_element_type3A_869 = arith.extui %lt3A_868 : i1 to i32
      %cond3A_870 = arith.constant 0 : i32
      %cond3A_871 = arith.cmpi ne, %convert_element_type3A_869, %cond3A_870 : i32
      scf.if %cond3A_871 {
        %dma_wait3A = arith.constant 2 : i32
        %dma_wait3A_878 = arith.constant 2 : i32
        %dma_wait3A_879 = arith.constant 0 : i32
        %dma_wait3A_880 = arith.constant 0 : i32
        %dma_wait3A_881 = tpu.memref_slice %arg6[%dma_wait3A, %dma_wait3A_879, %dma_wait3A_880] : memref<4x160x128xf32, #tpu.memory_space<vmem>> -> memref<1x160x128xf32, #tpu.memory_space<vmem>>
        %dma_wait3A_882 = tpu.memref_squeeze %dma_wait3A_881 : memref<1x160x128xf32, #tpu.memory_space<vmem>> -> memref<160x128xf32, #tpu.memory_space<vmem>>
        %dma_wait3A_883 = arith.constant 0 : i32
        %dma_wait3A_884 = arith.constant 0 : i32
        %dma_wait3A_885 = tpu.memref_slice %arg2[%dma_wait3A_883, %dma_wait3A_884] : memref<100000x128xf32, #tpu.memory_space<hbm>> -> memref<160x128xf32, #tpu.memory_space<hbm>>
        %dma_wait3A_886 = tpu.memref_slice %arg11[%dma_wait3A_878] : memref<4x!tpu.dma_semaphore, #tpu.memory_space<semaphore_mem>> -> memref<1x!tpu.dma_semaphore, #tpu.memory_space<semaphore_mem>>
        %dma_wait3A_887 = tpu.memref_squeeze %dma_wait3A_886 : memref<1x!tpu.dma_semaphore, #tpu.memory_space<semaphore_mem>> -> memref<!tpu.dma_semaphore, #tpu.memory_space<semaphore_mem>>
        %dma_wait3A_888 = arith.constant 0 : i32
        %dma_wait3A_889 = arith.constant 0 : i32
        %dma_wait3A_890 = tpu.memref_slice %arg6[%dma_wait3A, %dma_wait3A_888, %dma_wait3A_889] : memref<4x160x128xf32, #tpu.memory_space<vmem>> -> memref<1x160x128xf32, #tpu.memory_space<vmem>>
        %dma_wait3A_891 = tpu.memref_squeeze %dma_wait3A_890 : memref<1x160x128xf32, #tpu.memory_space<vmem>> -> memref<160x128xf32, #tpu.memory_space<vmem>>
        %dma_wait3A_892 = arith.constant 0 : i32
        %dma_wait3A_893 = arith.constant 0 : i32
        %dma_wait3A_894 = tpu.memref_slice %arg2[%dma_wait3A_892, %dma_wait3A_893] : memref<100000x128xf32, #tpu.memory_space<hbm>> -> memref<160x128xf32, #tpu.memory_space<hbm>>
        tpu.wait_dma2 semaphore(%dma_wait3A_887 : memref<!tpu.dma_semaphore, #tpu.memory_space<semaphore_mem>>) src(%dma_wait3A_894 : memref<160x128xf32, #tpu.memory_space<hbm>>) dst(%dma_wait3A_891 : memref<160x128xf32, #tpu.memory_space<vmem>>)
        %dma_wait3A_895 = arith.constant 2 : i32
        %dma_wait3A_896 = arith.constant 0 : i32
        %dma_wait3A_897 = arith.constant 2 : i32
        %dma_wait3A_898 = arith.constant 0 : i32
        %dma_wait3A_899 = arith.constant 0 : i32
        %dma_wait3A_900 = tpu.memref_slice %arg7[%dma_wait3A_895, %dma_wait3A_898, %dma_wait3A_899] : memref<4x2x80xi32, #tpu.memory_space<vmem>> -> memref<1x2x80xi32, #tpu.memory_space<vmem>>
        %dma_wait3A_901 = tpu.memref_squeeze %dma_wait3A_900 : memref<1x2x80xi32, #tpu.memory_space<vmem>> -> memref<2x80xi32, #tpu.memory_space<vmem>>
        %dma_wait3A_902 = arith.constant 0 : i32
        %dma_wait3A_903 = tpu.memref_slice %dma_wait3A_901[%dma_wait3A_896, %dma_wait3A_902] : memref<2x80xi32, #tpu.memory_space<vmem>> -> memref<1x80xi32, #tpu.memory_space<vmem>>
        %dma_wait3A_904 = tpu.memref_squeeze %dma_wait3A_903 : memref<1x80xi32, #tpu.memory_space<vmem>> -> memref<80xi32, #tpu.memory_space<vmem>>
        %dma_wait3A_905 = arith.constant 0 : i32
        %dma_wait3A_906 = tpu.memref_slice %arg3[%dma_wait3A_905] : memref<100000xi32, #tpu.memory_space<hbm>> -> memref<80xi32, #tpu.memory_space<hbm>>
        %dma_wait3A_907 = tpu.memref_slice %arg11[%dma_wait3A_897] : memref<4x!tpu.dma_semaphore, #tpu.memory_space<semaphore_mem>> -> memref<1x!tpu.dma_semaphore, #tpu.memory_space<semaphore_mem>>
        %dma_wait3A_908 = tpu.memref_squeeze %dma_wait3A_907 : memref<1x!tpu.dma_semaphore, #tpu.memory_space<semaphore_mem>> -> memref<!tpu.dma_semaphore, #tpu.memory_space<semaphore_mem>>
        %dma_wait3A_909 = arith.constant 0 : i32
        %dma_wait3A_910 = arith.constant 0 : i32
        %dma_wait3A_911 = tpu.memref_slice %arg7[%dma_wait3A_895, %dma_wait3A_909, %dma_wait3A_910] : memref<4x2x80xi32, #tpu.memory_space<vmem>> -> memref<1x2x80xi32, #tpu.memory_space<vmem>>
        %dma_wait3A_912 = tpu.memref_squeeze %dma_wait3A_911 : memref<1x2x80xi32, #tpu.memory_space<vmem>> -> memref<2x80xi32, #tpu.memory_space<vmem>>
        %dma_wait3A_913 = arith.constant 0 : i32
        %dma_wait3A_914 = tpu.memref_slice %dma_wait3A_912[%dma_wait3A_896, %dma_wait3A_913] : memref<2x80xi32, #tpu.memory_space<vmem>> -> memref<1x80xi32, #tpu.memory_space<vmem>>
        %dma_wait3A_915 = tpu.memref_squeeze %dma_wait3A_914 : memref<1x80xi32, #tpu.memory_space<vmem>> -> memref<80xi32, #tpu.memory_space<vmem>>
        %dma_wait3A_916 = arith.constant 0 : i32
        %dma_wait3A_917 = tpu.memref_slice %arg3[%dma_wait3A_916] : memref<100000xi32, #tpu.memory_space<hbm>> -> memref<80xi32, #tpu.memory_space<hbm>>
        tpu.wait_dma2 semaphore(%dma_wait3A_908 : memref<!tpu.dma_semaphore, #tpu.memory_space<semaphore_mem>>) src(%dma_wait3A_917 : memref<80xi32, #tpu.memory_space<hbm>>) dst(%dma_wait3A_915 : memref<80xi32, #tpu.memory_space<vmem>>)
        %dma_wait3A_918 = arith.constant 2 : i32
        %dma_wait3A_919 = arith.constant 1 : i32
        %dma_wait3A_920 = arith.constant 2 : i32
        %dma_wait3A_921 = arith.constant 0 : i32
        %dma_wait3A_922 = arith.constant 0 : i32
        %dma_wait3A_923 = tpu.memref_slice %arg7[%dma_wait3A_918, %dma_wait3A_921, %dma_wait3A_922] : memref<4x2x80xi32, #tpu.memory_space<vmem>> -> memref<1x2x80xi32, #tpu.memory_space<vmem>>
        %dma_wait3A_924 = tpu.memref_squeeze %dma_wait3A_923 : memref<1x2x80xi32, #tpu.memory_space<vmem>> -> memref<2x80xi32, #tpu.memory_space<vmem>>
        %dma_wait3A_925 = arith.constant 0 : i32
        %dma_wait3A_926 = tpu.memref_slice %dma_wait3A_924[%dma_wait3A_919, %dma_wait3A_925] : memref<2x80xi32, #tpu.memory_space<vmem>> -> memref<1x80xi32, #tpu.memory_space<vmem>>
        %dma_wait3A_927 = tpu.memref_squeeze %dma_wait3A_926 : memref<1x80xi32, #tpu.memory_space<vmem>> -> memref<80xi32, #tpu.memory_space<vmem>>
        %dma_wait3A_928 = arith.constant 0 : i32
        %dma_wait3A_929 = tpu.memref_slice %arg3[%dma_wait3A_928] : memref<100000xi32, #tpu.memory_space<hbm>> -> memref<80xi32, #tpu.memory_space<hbm>>
        %dma_wait3A_930 = tpu.memref_slice %arg11[%dma_wait3A_920] : memref<4x!tpu.dma_semaphore, #tpu.memory_space<semaphore_mem>> -> memref<1x!tpu.dma_semaphore, #tpu.memory_space<semaphore_mem>>
        %dma_wait3A_931 = tpu.memref_squeeze %dma_wait3A_930 : memref<1x!tpu.dma_semaphore, #tpu.memory_space<semaphore_mem>> -> memref<!tpu.dma_semaphore, #tpu.memory_space<semaphore_mem>>
        %dma_wait3A_932 = arith.constant 0 : i32
        %dma_wait3A_933 = arith.constant 0 : i32
        %dma_wait3A_934 = tpu.memref_slice %arg7[%dma_wait3A_918, %dma_wait3A_932, %dma_wait3A_933] : memref<4x2x80xi32, #tpu.memory_space<vmem>> -> memref<1x2x80xi32, #tpu.memory_space<vmem>>
        %dma_wait3A_935 = tpu.memref_squeeze %dma_wait3A_934 : memref<1x2x80xi32, #tpu.memory_space<vmem>> -> memref<2x80xi32, #tpu.memory_space<vmem>>
        %dma_wait3A_936 = arith.constant 0 : i32
        %dma_wait3A_937 = tpu.memref_slice %dma_wait3A_935[%dma_wait3A_919, %dma_wait3A_936] : memref<2x80xi32, #tpu.memory_space<vmem>> -> memref<1x80xi32, #tpu.memory_space<vmem>>
        %dma_wait3A_938 = tpu.memref_squeeze %dma_wait3A_937 : memref<1x80xi32, #tpu.memory_space<vmem>> -> memref<80xi32, #tpu.memory_space<vmem>>
        %dma_wait3A_939 = arith.constant 0 : i32
        %dma_wait3A_940 = tpu.memref_slice %arg3[%dma_wait3A_939] : memref<100000xi32, #tpu.memory_space<hbm>> -> memref<80xi32, #tpu.memory_space<hbm>>
        tpu.wait_dma2 semaphore(%dma_wait3A_931 : memref<!tpu.dma_semaphore, #tpu.memory_space<semaphore_mem>>) src(%dma_wait3A_940 : memref<80xi32, #tpu.memory_space<hbm>>) dst(%dma_wait3A_938 : memref<80xi32, #tpu.memory_space<vmem>>)
        %get3A = arith.constant 2 : i32
        %get3A_941 = arith.constant 0 : i32
        %get3A_942 = arith.index_cast %get3A : i32 to index
        %get3A_943 = arith.index_cast %get3A_941 : i32 to index
        %get3A_944 = arith.constant 0 : index
        %get3A_945 = tpu.vector_load %arg7[%get3A_942, %get3A_943, %get3A_944] {strides = array<i32>} : memref<4x2x80xi32, #tpu.memory_space<vmem>>, vector<16xi32>,
        tpu.vector_store_idx %arg8[%get3A_945], %broadcast_in_dim3A_552 {add = true} : memref<256xf32, #tpu.memory_space<vmem>>[vector<16xi32>], vector<16xf32>,
        %get3A_946 = arith.constant 2 : i32
        %get3A_947 = arith.constant 0 : i32
        %get3A_948 = arith.index_cast %get3A_946 : i32 to index
        %get3A_949 = arith.index_cast %get3A_947 : i32 to index
        %get3A_950 = arith.constant 16 : index
        %get3A_951 = tpu.vector_load %arg7[%get3A_948, %get3A_949, %get3A_950] {strides = array<i32>} : memref<4x2x80xi32, #tpu.memory_space<vmem>>, vector<16xi32>,
        tpu.vector_store_idx %arg8[%get3A_951], %broadcast_in_dim3A_552 {add = true} : memref<256xf32, #tpu.memory_space<vmem>>[vector<16xi32>], vector<16xf32>,
        %get3A_952 = arith.constant 2 : i32
        %get3A_953 = arith.constant 0 : i32
        %get3A_954 = arith.index_cast %get3A_952 : i32 to index
        %get3A_955 = arith.index_cast %get3A_953 : i32 to index
        %get3A_956 = arith.constant 32 : index
        %get3A_957 = tpu.vector_load %arg7[%get3A_954, %get3A_955, %get3A_956] {strides = array<i32>} : memref<4x2x80xi32, #tpu.memory_space<vmem>>, vector<16xi32>,
        tpu.vector_store_idx %arg8[%get3A_957], %broadcast_in_dim3A_552 {add = true} : memref<256xf32, #tpu.memory_space<vmem>>[vector<16xi32>], vector<16xf32>,
        %get3A_958 = arith.constant 2 : i32
        %get3A_959 = arith.constant 0 : i32
        %get3A_960 = arith.index_cast %get3A_958 : i32 to index
        %get3A_961 = arith.index_cast %get3A_959 : i32 to index
        %get3A_962 = arith.constant 48 : index
        %get3A_963 = tpu.vector_load %arg7[%get3A_960, %get3A_961, %get3A_962] {strides = array<i32>} : memref<4x2x80xi32, #tpu.memory_space<vmem>>, vector<16xi32>,
        tpu.vector_store_idx %arg8[%get3A_963], %broadcast_in_dim3A_552 {add = true} : memref<256xf32, #tpu.memory_space<vmem>>[vector<16xi32>], vector<16xf32>,
        %get3A_964 = arith.constant 2 : i32
        %get3A_965 = arith.constant 0 : i32
        %get3A_966 = arith.index_cast %get3A_964 : i32 to index
        %get3A_967 = arith.index_cast %get3A_965 : i32 to index
        %get3A_968 = arith.constant 64 : index
        %get3A_969 = tpu.vector_load %arg7[%get3A_966, %get3A_967, %get3A_968] {strides = array<i32>} : memref<4x2x80xi32, #tpu.memory_space<vmem>>, vector<16xi32>,
        tpu.vector_store_idx %arg8[%get3A_969], %broadcast_in_dim3A_552 {add = true} : memref<256xf32, #tpu.memory_space<vmem>>[vector<16xi32>], vector<16xf32>,
        %get3A_970 = arith.constant 2 : i32
        %get3A_971 = arith.constant 1 : i32
        %get3A_972 = arith.index_cast %get3A_970 : i32 to index
        %get3A_973 = arith.index_cast %get3A_971 : i32 to index
        %get3A_974 = arith.constant 0 : index
        %get3A_975 = tpu.vector_load %arg7[%get3A_972, %get3A_973, %get3A_974] {strides = array<i32>} : memref<4x2x80xi32, #tpu.memory_space<vmem>>, vector<16xi32>,
        tpu.vector_store_idx %arg8[%get3A_975], %broadcast_in_dim3A_552 {add = true} : memref<256xf32, #tpu.memory_space<vmem>>[vector<16xi32>], vector<16xf32>,
        %get3A_976 = arith.constant 2 : i32
        %get3A_977 = arith.constant 1 : i32
        %get3A_978 = arith.index_cast %get3A_976 : i32 to index
        %get3A_979 = arith.index_cast %get3A_977 : i32 to index
        %get3A_980 = arith.constant 16 : index
        %get3A_981 = tpu.vector_load %arg7[%get3A_978, %get3A_979, %get3A_980] {strides = array<i32>} : memref<4x2x80xi32, #tpu.memory_space<vmem>>, vector<16xi32>,
        tpu.vector_store_idx %arg8[%get3A_981], %broadcast_in_dim3A_552 {add = true} : memref<256xf32, #tpu.memory_space<vmem>>[vector<16xi32>], vector<16xf32>,
        %get3A_982 = arith.constant 2 : i32
        %get3A_983 = arith.constant 1 : i32
        %get3A_984 = arith.index_cast %get3A_982 : i32 to index
        %get3A_985 = arith.index_cast %get3A_983 : i32 to index
        %get3A_986 = arith.constant 32 : index
        %get3A_987 = tpu.vector_load %arg7[%get3A_984, %get3A_985, %get3A_986] {strides = array<i32>} : memref<4x2x80xi32, #tpu.memory_space<vmem>>, vector<16xi32>,
        tpu.vector_store_idx %arg8[%get3A_987], %broadcast_in_dim3A_552 {add = true} : memref<256xf32, #tpu.memory_space<vmem>>[vector<16xi32>], vector<16xf32>,
        %get3A_988 = arith.constant 2 : i32
        %get3A_989 = arith.constant 1 : i32
        %get3A_990 = arith.index_cast %get3A_988 : i32 to index
        %get3A_991 = arith.index_cast %get3A_989 : i32 to index
        %get3A_992 = arith.constant 48 : index
        %get3A_993 = tpu.vector_load %arg7[%get3A_990, %get3A_991, %get3A_992] {strides = array<i32>} : memref<4x2x80xi32, #tpu.memory_space<vmem>>, vector<16xi32>,
        tpu.vector_store_idx %arg8[%get3A_993], %broadcast_in_dim3A_552 {add = true} : memref<256xf32, #tpu.memory_space<vmem>>[vector<16xi32>], vector<16xf32>,
        %get3A_994 = arith.constant 2 : i32
        %get3A_995 = arith.constant 1 : i32
        %get3A_996 = arith.index_cast %get3A_994 : i32 to index
        %get3A_997 = arith.index_cast %get3A_995 : i32 to index
        %get3A_998 = arith.constant 64 : index
        %get3A_999 = tpu.vector_load %arg7[%get3A_996, %get3A_997, %get3A_998] {strides = array<i32>} : memref<4x2x80xi32, #tpu.memory_space<vmem>>, vector<16xi32>,
        tpu.vector_store_idx %arg8[%get3A_999], %broadcast_in_dim3A_552 {add = true} : memref<256xf32, #tpu.memory_space<vmem>>[vector<16xi32>], vector<16xf32>,
        %dma_start3A_1000 = arith.constant 2 : i32
        %dma_start3A_1001 = arith.constant 2 : i32
        %dma_start3A_1002 = arith.constant 0 : i32
        %dma_start3A_1003 = arith.constant 2 : i32
        %dma_start3A_1004 = arith.constant 0 : i32
        %dma_start3A_1005 = arith.constant 0 : i32
        %dma_start3A_1006 = tpu.memref_slice %arg6[%dma_start3A_1000, %dma_start3A_1004, %dma_start3A_1005] : memref<4x160x128xf32, #tpu.memory_space<vmem>> -> memref<1x160x128xf32, #tpu.memory_space<vmem>>
        %dma_start3A_1007 = tpu.memref_squeeze %dma_start3A_1006 : memref<1x160x128xf32, #tpu.memory_space<vmem>> -> memref<160x128xf32, #tpu.memory_space<vmem>>
        %dma_start3A_1008 = arith.constant 0 : i32
        %dma_start3A_1009 = arith.constant 0 : i32
        %dma_start3A_1010 = tpu.memref_slice %dma_start3A_1007[%dma_start3A_1008, %dma_start3A_1009] : memref<160x128xf32, #tpu.memory_space<vmem>> -> memref<80x128xf32, #tpu.memory_space<vmem>>
        %dma_start3A_1011 = arith.constant 0 : i32
        %dma_start3A_1012 = arith.constant 0 : i32
        %dma_start3A_1013 = tpu.memref_slice %arg7[%dma_start3A_1001, %dma_start3A_1011, %dma_start3A_1012] : memref<4x2x80xi32, #tpu.memory_space<vmem>> -> memref<1x2x80xi32, #tpu.memory_space<vmem>>
        %dma_start3A_1014 = tpu.memref_squeeze %dma_start3A_1013 : memref<1x2x80xi32, #tpu.memory_space<vmem>> -> memref<2x80xi32, #tpu.memory_space<vmem>>
        %dma_start3A_1015 = arith.constant 0 : i32
        %dma_start3A_1016 = tpu.memref_slice %dma_start3A_1014[%dma_start3A_1002, %dma_start3A_1015] : memref<2x80xi32, #tpu.memory_space<vmem>> -> memref<1x80xi32, #tpu.memory_space<vmem>>
        %dma_start3A_1017 = tpu.memref_squeeze %dma_start3A_1016 : memref<1x80xi32, #tpu.memory_space<vmem>> -> memref<80xi32, #tpu.memory_space<vmem>>
        %dma_start3A_1018 = arith.constant 0 : i32
        %dma_start3A_1019 = arith.constant 0 : i32
        %dma_start3A_1020 = tpu.memref_slice %arg10[%dma_start3A_1018, %dma_start3A_1019] : memref<256x128xf32, #tpu.memory_space<vmem_shared>> -> memref<256x128xf32, #tpu.memory_space<vmem_shared>>
        %dma_start3A_1021 = tpu.memref_slice %arg12[%dma_start3A_1003] : memref<4x!tpu.dma_semaphore, #tpu.memory_space<semaphore_mem>> -> memref<1x!tpu.dma_semaphore, #tpu.memory_space<semaphore_mem>>
        %dma_start3A_1022 = tpu.memref_squeeze %dma_start3A_1021 : memref<1x!tpu.dma_semaphore, #tpu.memory_space<semaphore_mem>> -> memref<!tpu.dma_semaphore, #tpu.memory_space<semaphore_mem>>
        tpu.enqueue_indirect_dma source(%dma_start3A_1010 : memref<80x128xf32, #tpu.memory_space<vmem>>) target(%dma_start3A_1020 : memref<256x128xf32, #tpu.memory_space<vmem_shared>>) offsets(%dma_start3A_1017 : memref<80xi32, #tpu.memory_space<vmem>>) semaphore(%dma_start3A_1022 : memref<!tpu.dma_semaphore, #tpu.memory_space<semaphore_mem>>) {add = true}
        %dma_start3A_1023 = arith.constant 2 : i32
        %dma_start3A_1024 = arith.constant 2 : i32
        %dma_start3A_1025 = arith.constant 1 : i32
        %dma_start3A_1026 = arith.constant 2 : i32
        %dma_start3A_1027 = arith.constant 0 : i32
        %dma_start3A_1028 = arith.constant 0 : i32
        %dma_start3A_1029 = tpu.memref_slice %arg6[%dma_start3A_1023, %dma_start3A_1027, %dma_start3A_1028] : memref<4x160x128xf32, #tpu.memory_space<vmem>> -> memref<1x160x128xf32, #tpu.memory_space<vmem>>
        %dma_start3A_1030 = tpu.memref_squeeze %dma_start3A_1029 : memref<1x160x128xf32, #tpu.memory_space<vmem>> -> memref<160x128xf32, #tpu.memory_space<vmem>>
        %dma_start3A_1031 = arith.constant 80 : i32
        %dma_start3A_1032 = arith.constant 0 : i32
        %dma_start3A_1033 = tpu.memref_slice %dma_start3A_1030[%dma_start3A_1031, %dma_start3A_1032] : memref<160x128xf32, #tpu.memory_space<vmem>> -> memref<80x128xf32, #tpu.memory_space<vmem>>
        %dma_start3A_1034 = arith.constant 0 : i32
        %dma_start3A_1035 = arith.constant 0 : i32
        %dma_start3A_1036 = tpu.memref_slice %arg7[%dma_start3A_1024, %dma_start3A_1034, %dma_start3A_1035] : memref<4x2x80xi32, #tpu.memory_space<vmem>> -> memref<1x2x80xi32, #tpu.memory_space<vmem>>
        %dma_start3A_1037 = tpu.memref_squeeze %dma_start3A_1036 : memref<1x2x80xi32, #tpu.memory_space<vmem>> -> memref<2x80xi32, #tpu.memory_space<vmem>>
        %dma_start3A_1038 = arith.constant 0 : i32
        %dma_start3A_1039 = tpu.memref_slice %dma_start3A_1037[%dma_start3A_1025, %dma_start3A_1038] : memref<2x80xi32, #tpu.memory_space<vmem>> -> memref<1x80xi32, #tpu.memory_space<vmem>>
        %dma_start3A_1040 = tpu.memref_squeeze %dma_start3A_1039 : memref<1x80xi32, #tpu.memory_space<vmem>> -> memref<80xi32, #tpu.memory_space<vmem>>
        %dma_start3A_1041 = arith.constant 0 : i32
        %dma_start3A_1042 = arith.constant 0 : i32
        %dma_start3A_1043 = tpu.memref_slice %arg10[%dma_start3A_1041, %dma_start3A_1042] : memref<256x128xf32, #tpu.memory_space<vmem_shared>> -> memref<256x128xf32, #tpu.memory_space<vmem_shared>>
        %dma_start3A_1044 = tpu.memref_slice %arg12[%dma_start3A_1026] : memref<4x!tpu.dma_semaphore, #tpu.memory_space<semaphore_mem>> -> memref<1x!tpu.dma_semaphore, #tpu.memory_space<semaphore_mem>>
        %dma_start3A_1045 = tpu.memref_squeeze %dma_start3A_1044 : memref<1x!tpu.dma_semaphore, #tpu.memory_space<semaphore_mem>> -> memref<!tpu.dma_semaphore, #tpu.memory_space<semaphore_mem>>
        tpu.enqueue_indirect_dma source(%dma_start3A_1033 : memref<80x128xf32, #tpu.memory_space<vmem>>) target(%dma_start3A_1043 : memref<256x128xf32, #tpu.memory_space<vmem_shared>>) offsets(%dma_start3A_1040 : memref<80xi32, #tpu.memory_space<vmem>>) semaphore(%dma_start3A_1045 : memref<!tpu.dma_semaphore, #tpu.memory_space<semaphore_mem>>) {add = true}
        %dma_wait3A_1046 = arith.constant 2 : i32
        %dma_wait3A_1047 = arith.constant 2 : i32
        %dma_wait3A_1048 = arith.constant 0 : i32
        %dma_wait3A_1049 = arith.constant 2 : i32
        %dma_wait3A_1050 = arith.constant 0 : i32
        %dma_wait3A_1051 = arith.constant 0 : i32
        %dma_wait3A_1052 = tpu.memref_slice %arg6[%dma_wait3A_1046, %dma_wait3A_1050, %dma_wait3A_1051] : memref<4x160x128xf32, #tpu.memory_space<vmem>> -> memref<1x160x128xf32, #tpu.memory_space<vmem>>
        %dma_wait3A_1053 = tpu.memref_squeeze %dma_wait3A_1052 : memref<1x160x128xf32, #tpu.memory_space<vmem>> -> memref<160x128xf32, #tpu.memory_space<vmem>>
        %dma_wait3A_1054 = arith.constant 0 : i32
        %dma_wait3A_1055 = arith.constant 0 : i32
        %dma_wait3A_1056 = tpu.memref_slice %dma_wait3A_1053[%dma_wait3A_1054, %dma_wait3A_1055] : memref<160x128xf32, #tpu.memory_space<vmem>> -> memref<80x128xf32, #tpu.memory_space<vmem>>
        %dma_wait3A_1057 = arith.constant 0 : i32
        %dma_wait3A_1058 = arith.constant 0 : i32
        %dma_wait3A_1059 = tpu.memref_slice %arg7[%dma_wait3A_1047, %dma_wait3A_1057, %dma_wait3A_1058] : memref<4x2x80xi32, #tpu.memory_space<vmem>> -> memref<1x2x80xi32, #tpu.memory_space<vmem>>
        %dma_wait3A_1060 = tpu.memref_squeeze %dma_wait3A_1059 : memref<1x2x80xi32, #tpu.memory_space<vmem>> -> memref<2x80xi32, #tpu.memory_space<vmem>>
        %dma_wait3A_1061 = arith.constant 0 : i32
        %dma_wait3A_1062 = tpu.memref_slice %dma_wait3A_1060[%dma_wait3A_1048, %dma_wait3A_1061] : memref<2x80xi32, #tpu.memory_space<vmem>> -> memref<1x80xi32, #tpu.memory_space<vmem>>
        %dma_wait3A_1063 = tpu.memref_squeeze %dma_wait3A_1062 : memref<1x80xi32, #tpu.memory_space<vmem>> -> memref<80xi32, #tpu.memory_space<vmem>>
        %dma_wait3A_1064 = arith.constant 0 : i32
        %dma_wait3A_1065 = arith.constant 0 : i32
        %dma_wait3A_1066 = tpu.memref_slice %arg10[%dma_wait3A_1064, %dma_wait3A_1065] : memref<256x128xf32, #tpu.memory_space<vmem_shared>> -> memref<256x128xf32, #tpu.memory_space<vmem_shared>>
        %dma_wait3A_1067 = tpu.memref_slice %arg12[%dma_wait3A_1049] : memref<4x!tpu.dma_semaphore, #tpu.memory_space<semaphore_mem>> -> memref<1x!tpu.dma_semaphore, #tpu.memory_space<semaphore_mem>>
        %dma_wait3A_1068 = tpu.memref_squeeze %dma_wait3A_1067 : memref<1x!tpu.dma_semaphore, #tpu.memory_space<semaphore_mem>> -> memref<!tpu.dma_semaphore, #tpu.memory_space<semaphore_mem>>
        tpu.wait_indirect_dma semaphore(%dma_wait3A_1068 : memref<!tpu.dma_semaphore, #tpu.memory_space<semaphore_mem>>) src(%dma_wait3A_1056 : memref<80x128xf32, #tpu.memory_space<vmem>>) dst(%dma_wait3A_1066 : memref<256x128xf32, #tpu.memory_space<vmem_shared>>)
        %dma_wait3A_1069 = arith.constant 2 : i32
        %dma_wait3A_1070 = arith.constant 2 : i32
        %dma_wait3A_1071 = arith.constant 1 : i32
        %dma_wait3A_1072 = arith.constant 2 : i32
        %dma_wait3A_1073 = arith.constant 0 : i32
        %dma_wait3A_1074 = arith.constant 0 : i32
        %dma_wait3A_1075 = tpu.memref_slice %arg6[%dma_wait3A_1069, %dma_wait3A_1073, %dma_wait3A_1074] : memref<4x160x128xf32, #tpu.memory_space<vmem>> -> memref<1x160x128xf32, #tpu.memory_space<vmem>>
        %dma_wait3A_1076 = tpu.memref_squeeze %dma_wait3A_1075 : memref<1x160x128xf32, #tpu.memory_space<vmem>> -> memref<160x128xf32, #tpu.memory_space<vmem>>
        %dma_wait3A_1077 = arith.constant 80 : i32
        %dma_wait3A_1078 = arith.constant 0 : i32
        %dma_wait3A_1079 = tpu.memref_slice %dma_wait3A_1076[%dma_wait3A_1077, %dma_wait3A_1078] : memref<160x128xf32, #tpu.memory_space<vmem>> -> memref<80x128xf32, #tpu.memory_space<vmem>>
        %dma_wait3A_1080 = arith.constant 0 : i32
        %dma_wait3A_1081 = arith.constant 0 : i32
        %dma_wait3A_1082 = tpu.memref_slice %arg7[%dma_wait3A_1070, %dma_wait3A_1080, %dma_wait3A_1081] : memref<4x2x80xi32, #tpu.memory_space<vmem>> -> memref<1x2x80xi32, #tpu.memory_space<vmem>>
        %dma_wait3A_1083 = tpu.memref_squeeze %dma_wait3A_1082 : memref<1x2x80xi32, #tpu.memory_space<vmem>> -> memref<2x80xi32, #tpu.memory_space<vmem>>
        %dma_wait3A_1084 = arith.constant 0 : i32
        %dma_wait3A_1085 = tpu.memref_slice %dma_wait3A_1083[%dma_wait3A_1071, %dma_wait3A_1084] : memref<2x80xi32, #tpu.memory_space<vmem>> -> memref<1x80xi32, #tpu.memory_space<vmem>>
        %dma_wait3A_1086 = tpu.memref_squeeze %dma_wait3A_1085 : memref<1x80xi32, #tpu.memory_space<vmem>> -> memref<80xi32, #tpu.memory_space<vmem>>
        %dma_wait3A_1087 = arith.constant 0 : i32
        %dma_wait3A_1088 = arith.constant 0 : i32
        %dma_wait3A_1089 = tpu.memref_slice %arg10[%dma_wait3A_1087, %dma_wait3A_1088] : memref<256x128xf32, #tpu.memory_space<vmem_shared>> -> memref<256x128xf32, #tpu.memory_space<vmem_shared>>
        %dma_wait3A_1090 = tpu.memref_slice %arg12[%dma_wait3A_1072] : memref<4x!tpu.dma_semaphore, #tpu.memory_space<semaphore_mem>> -> memref<1x!tpu.dma_semaphore, #tpu.memory_space<semaphore_mem>>
        %dma_wait3A_1091 = tpu.memref_squeeze %dma_wait3A_1090 : memref<1x!tpu.dma_semaphore, #tpu.memory_space<semaphore_mem>> -> memref<!tpu.dma_semaphore, #tpu.memory_space<semaphore_mem>>
        tpu.wait_indirect_dma semaphore(%dma_wait3A_1091 : memref<!tpu.dma_semaphore, #tpu.memory_space<semaphore_mem>>) src(%dma_wait3A_1079 : memref<80x128xf32, #tpu.memory_space<vmem>>) dst(%dma_wait3A_1089 : memref<256x128xf32, #tpu.memory_space<vmem_shared>>)
        %add3A_1092 = arith.constant 4 : i32
        %add3A_1093 = arith.addi %add3A_867, %add3A_1092 : i32
        %lt3A_1094 = arith.cmpi slt, %add3A_1093, %add3A_550 : i32
        %convert_element_type3A_1095 = arith.extui %lt3A_1094 : i1 to i32
        %cond3A_1096 = arith.constant 0 : i32
        %cond3A_1097 = arith.cmpi ne, %convert_element_type3A_1095, %cond3A_1096 : i32
        scf.if %cond3A_1097 {
          %add3A_1098 = arith.constant 4 : i32
          %add3A_1099 = arith.addi %add3A_867, %add3A_1098 : i32
          %mul3A_1100 = arith.constant 32 : i32
          %mul3A_1101 = arith.muli %add3A_1099, %mul3A_1100 : i32
          %add3A_1102 = arith.addi %add3A, %mul3A_1101 : i32
          %mul3A_1103 = arith.constant 160 : i32
          %mul3A_1104 = arith.muli %add3A_1102, %mul3A_1103 : i32
          %dma_start3A_1105 = arith.constant 2 : i32
          %dma_start3A_1106 = arith.constant 2 : i32
          %dma_start3A_1107 = arith.constant 0 : i32
          %dma_start3A_1108 = arith.constant 0 : i32
          %dma_start3A_1109 = tpu.memref_slice %arg6[%dma_start3A_1105, %dma_start3A_1107, %dma_start3A_1108] : memref<4x160x128xf32, #tpu.memory_space<vmem>> -> memref<1x160x128xf32, #tpu.memory_space<vmem>>
          %dma_start3A_1110 = tpu.memref_squeeze %dma_start3A_1109 : memref<1x160x128xf32, #tpu.memory_space<vmem>> -> memref<160x128xf32, #tpu.memory_space<vmem>>
          %dma_start3A_1111 = arith.constant 0 : i32
          %dma_start3A_1112 = tpu.memref_slice %arg2[%mul3A_1104, %dma_start3A_1111] : memref<100000x128xf32, #tpu.memory_space<hbm>> -> memref<160x128xf32, #tpu.memory_space<hbm>>
          %dma_start3A_1113 = tpu.memref_slice %arg11[%dma_start3A_1106] : memref<4x!tpu.dma_semaphore, #tpu.memory_space<semaphore_mem>> -> memref<1x!tpu.dma_semaphore, #tpu.memory_space<semaphore_mem>>
          %dma_start3A_1114 = tpu.memref_squeeze %dma_start3A_1113 : memref<1x!tpu.dma_semaphore, #tpu.memory_space<semaphore_mem>> -> memref<!tpu.dma_semaphore, #tpu.memory_space<semaphore_mem>>
          %dma_start3A_1115 = arith.constant 0 : i32
          %dma_start3A_1116 = arith.constant 0 : i32
          %dma_start3A_1117 = tpu.memref_slice %arg6[%dma_start3A_1105, %dma_start3A_1115, %dma_start3A_1116] : memref<4x160x128xf32, #tpu.memory_space<vmem>> -> memref<1x160x128xf32, #tpu.memory_space<vmem>>
          %dma_start3A_1118 = tpu.memref_squeeze %dma_start3A_1117 : memref<1x160x128xf32, #tpu.memory_space<vmem>> -> memref<160x128xf32, #tpu.memory_space<vmem>>
          %dma_start3A_1119 = arith.constant 0 : i32
          %dma_start3A_1120 = tpu.memref_slice %arg2[%mul3A_1104, %dma_start3A_1119] : memref<100000x128xf32, #tpu.memory_space<hbm>> -> memref<160x128xf32, #tpu.memory_space<hbm>>
          tpu.enqueue_dma source(%dma_start3A_1120 : memref<160x128xf32, #tpu.memory_space<hbm>>) target(%dma_start3A_1118 : memref<160x128xf32, #tpu.memory_space<vmem>>) target_semaphore(%dma_start3A_1114 : memref<!tpu.dma_semaphore, #tpu.memory_space<semaphore_mem>>)
          %mul3A_1121 = arith.constant 160 : i32
          %mul3A_1122 = arith.muli %add3A_1102, %mul3A_1121 : i32
          %add3A_1123 = arith.constant 0 : i32
          %add3A_1124 = arith.addi %mul3A_1122, %add3A_1123 : i32
          %dma_start3A_1125 = arith.constant 2 : i32
          %dma_start3A_1126 = arith.constant 0 : i32
          %dma_start3A_1127 = arith.constant 2 : i32
          %dma_start3A_1128 = arith.constant 0 : i32
          %dma_start3A_1129 = arith.constant 0 : i32
          %dma_start3A_1130 = tpu.memref_slice %arg7[%dma_start3A_1125, %dma_start3A_1128, %dma_start3A_1129] : memref<4x2x80xi32, #tpu.memory_space<vmem>> -> memref<1x2x80xi32, #tpu.memory_space<vmem>>
          %dma_start3A_1131 = tpu.memref_squeeze %dma_start3A_1130 : memref<1x2x80xi32, #tpu.memory_space<vmem>> -> memref<2x80xi32, #tpu.memory_space<vmem>>
          %dma_start3A_1132 = arith.constant 0 : i32
          %dma_start3A_1133 = tpu.memref_slice %dma_start3A_1131[%dma_start3A_1126, %dma_start3A_1132] : memref<2x80xi32, #tpu.memory_space<vmem>> -> memref<1x80xi32, #tpu.memory_space<vmem>>
          %dma_start3A_1134 = tpu.memref_squeeze %dma_start3A_1133 : memref<1x80xi32, #tpu.memory_space<vmem>> -> memref<80xi32, #tpu.memory_space<vmem>>
          %dma_start3A_1135 = tpu.memref_slice %arg3[%add3A_1124] : memref<100000xi32, #tpu.memory_space<hbm>> -> memref<80xi32, #tpu.memory_space<hbm>>
          %dma_start3A_1136 = tpu.memref_slice %arg11[%dma_start3A_1127] : memref<4x!tpu.dma_semaphore, #tpu.memory_space<semaphore_mem>> -> memref<1x!tpu.dma_semaphore, #tpu.memory_space<semaphore_mem>>
          %dma_start3A_1137 = tpu.memref_squeeze %dma_start3A_1136 : memref<1x!tpu.dma_semaphore, #tpu.memory_space<semaphore_mem>> -> memref<!tpu.dma_semaphore, #tpu.memory_space<semaphore_mem>>
          %dma_start3A_1138 = arith.constant 0 : i32
          %dma_start3A_1139 = arith.constant 0 : i32
          %dma_start3A_1140 = tpu.memref_slice %arg7[%dma_start3A_1125, %dma_start3A_1138, %dma_start3A_1139] : memref<4x2x80xi32, #tpu.memory_space<vmem>> -> memref<1x2x80xi32, #tpu.memory_space<vmem>>
          %dma_start3A_1141 = tpu.memref_squeeze %dma_start3A_1140 : memref<1x2x80xi32, #tpu.memory_space<vmem>> -> memref<2x80xi32, #tpu.memory_space<vmem>>
          %dma_start3A_1142 = arith.constant 0 : i32
          %dma_start3A_1143 = tpu.memref_slice %dma_start3A_1141[%dma_start3A_1126, %dma_start3A_1142] : memref<2x80xi32, #tpu.memory_space<vmem>> -> memref<1x80xi32, #tpu.memory_space<vmem>>
          %dma_start3A_1144 = tpu.memref_squeeze %dma_start3A_1143 : memref<1x80xi32, #tpu.memory_space<vmem>> -> memref<80xi32, #tpu.memory_space<vmem>>
          %dma_start3A_1145 = tpu.memref_slice %arg3[%add3A_1124] : memref<100000xi32, #tpu.memory_space<hbm>> -> memref<80xi32, #tpu.memory_space<hbm>>
          tpu.enqueue_dma source(%dma_start3A_1145 : memref<80xi32, #tpu.memory_space<hbm>>) target(%dma_start3A_1144 : memref<80xi32, #tpu.memory_space<vmem>>) target_semaphore(%dma_start3A_1137 : memref<!tpu.dma_semaphore, #tpu.memory_space<semaphore_mem>>)
          %mul3A_1146 = arith.constant 160 : i32
          %mul3A_1147 = arith.muli %add3A_1102, %mul3A_1146 : i32
          %add3A_1148 = arith.constant 80 : i32
          %add3A_1149 = arith.addi %mul3A_1147, %add3A_1148 : i32
          %dma_start3A_1150 = arith.constant 2 : i32
          %dma_start3A_1151 = arith.constant 1 : i32
          %dma_start3A_1152 = arith.constant 2 : i32
          %dma_start3A_1153 = arith.constant 0 : i32
          %dma_start3A_1154 = arith.constant 0 : i32
          %dma_start3A_1155 = tpu.memref_slice %arg7[%dma_start3A_1150, %dma_start3A_1153, %dma_start3A_1154] : memref<4x2x80xi32, #tpu.memory_space<vmem>> -> memref<1x2x80xi32, #tpu.memory_space<vmem>>
          %dma_start3A_1156 = tpu.memref_squeeze %dma_start3A_1155 : memref<1x2x80xi32, #tpu.memory_space<vmem>> -> memref<2x80xi32, #tpu.memory_space<vmem>>
          %dma_start3A_1157 = arith.constant 0 : i32
          %dma_start3A_1158 = tpu.memref_slice %dma_start3A_1156[%dma_start3A_1151, %dma_start3A_1157] : memref<2x80xi32, #tpu.memory_space<vmem>> -> memref<1x80xi32, #tpu.memory_space<vmem>>
          %dma_start3A_1159 = tpu.memref_squeeze %dma_start3A_1158 : memref<1x80xi32, #tpu.memory_space<vmem>> -> memref<80xi32, #tpu.memory_space<vmem>>
          %dma_start3A_1160 = tpu.memref_slice %arg3[%add3A_1149] : memref<100000xi32, #tpu.memory_space<hbm>> -> memref<80xi32, #tpu.memory_space<hbm>>
          %dma_start3A_1161 = tpu.memref_slice %arg11[%dma_start3A_1152] : memref<4x!tpu.dma_semaphore, #tpu.memory_space<semaphore_mem>> -> memref<1x!tpu.dma_semaphore, #tpu.memory_space<semaphore_mem>>
          %dma_start3A_1162 = tpu.memref_squeeze %dma_start3A_1161 : memref<1x!tpu.dma_semaphore, #tpu.memory_space<semaphore_mem>> -> memref<!tpu.dma_semaphore, #tpu.memory_space<semaphore_mem>>
          %dma_start3A_1163 = arith.constant 0 : i32
          %dma_start3A_1164 = arith.constant 0 : i32
          %dma_start3A_1165 = tpu.memref_slice %arg7[%dma_start3A_1150, %dma_start3A_1163, %dma_start3A_1164] : memref<4x2x80xi32, #tpu.memory_space<vmem>> -> memref<1x2x80xi32, #tpu.memory_space<vmem>>
          %dma_start3A_1166 = tpu.memref_squeeze %dma_start3A_1165 : memref<1x2x80xi32, #tpu.memory_space<vmem>> -> memref<2x80xi32, #tpu.memory_space<vmem>>
          %dma_start3A_1167 = arith.constant 0 : i32
          %dma_start3A_1168 = tpu.memref_slice %dma_start3A_1166[%dma_start3A_1151, %dma_start3A_1167] : memref<2x80xi32, #tpu.memory_space<vmem>> -> memref<1x80xi32, #tpu.memory_space<vmem>>
          %dma_start3A_1169 = tpu.memref_squeeze %dma_start3A_1168 : memref<1x80xi32, #tpu.memory_space<vmem>> -> memref<80xi32, #tpu.memory_space<vmem>>
          %dma_start3A_1170 = tpu.memref_slice %arg3[%add3A_1149] : memref<100000xi32, #tpu.memory_space<hbm>> -> memref<80xi32, #tpu.memory_space<hbm>>
          tpu.enqueue_dma source(%dma_start3A_1170 : memref<80xi32, #tpu.memory_space<hbm>>) target(%dma_start3A_1169 : memref<80xi32, #tpu.memory_space<vmem>>) target_semaphore(%dma_start3A_1162 : memref<!tpu.dma_semaphore, #tpu.memory_space<semaphore_mem>>)
        } else {
        }
      } else {
      }
      %add3A_872 = arith.constant 3 : i32
      %add3A_873 = arith.addi %add3A_855, %add3A_872 : i32
      %lt3A_874 = arith.cmpi slt, %add3A_873, %add3A_550 : i32
      %convert_element_type3A_875 = arith.extui %lt3A_874 : i1 to i32
      %cond3A_876 = arith.constant 0 : i32
      %cond3A_877 = arith.cmpi ne, %convert_element_type3A_875, %cond3A_876 : i32
      scf.if %cond3A_877 {
        %dma_wait3A = arith.constant 3 : i32
        %dma_wait3A_878 = arith.constant 3 : i32
        %dma_wait3A_879 = arith.constant 0 : i32
        %dma_wait3A_880 = arith.constant 0 : i32
        %dma_wait3A_881 = tpu.memref_slice %arg6[%dma_wait3A, %dma_wait3A_879, %dma_wait3A_880] : memref<4x160x128xf32, #tpu.memory_space<vmem>> -> memref<1x160x128xf32, #tpu.memory_space<vmem>>
        %dma_wait3A_882 = tpu.memref_squeeze %dma_wait3A_881 : memref<1x160x128xf32, #tpu.memory_space<vmem>> -> memref<160x128xf32, #tpu.memory_space<vmem>>
        %dma_wait3A_883 = arith.constant 0 : i32
        %dma_wait3A_884 = arith.constant 0 : i32
        %dma_wait3A_885 = tpu.memref_slice %arg2[%dma_wait3A_883, %dma_wait3A_884] : memref<100000x128xf32, #tpu.memory_space<hbm>> -> memref<160x128xf32, #tpu.memory_space<hbm>>
        %dma_wait3A_886 = tpu.memref_slice %arg11[%dma_wait3A_878] : memref<4x!tpu.dma_semaphore, #tpu.memory_space<semaphore_mem>> -> memref<1x!tpu.dma_semaphore, #tpu.memory_space<semaphore_mem>>
        %dma_wait3A_887 = tpu.memref_squeeze %dma_wait3A_886 : memref<1x!tpu.dma_semaphore, #tpu.memory_space<semaphore_mem>> -> memref<!tpu.dma_semaphore, #tpu.memory_space<semaphore_mem>>
        %dma_wait3A_888 = arith.constant 0 : i32
        %dma_wait3A_889 = arith.constant 0 : i32
        %dma_wait3A_890 = tpu.memref_slice %arg6[%dma_wait3A, %dma_wait3A_888, %dma_wait3A_889] : memref<4x160x128xf32, #tpu.memory_space<vmem>> -> memref<1x160x128xf32, #tpu.memory_space<vmem>>
        %dma_wait3A_891 = tpu.memref_squeeze %dma_wait3A_890 : memref<1x160x128xf32, #tpu.memory_space<vmem>> -> memref<160x128xf32, #tpu.memory_space<vmem>>
        %dma_wait3A_892 = arith.constant 0 : i32
        %dma_wait3A_893 = arith.constant 0 : i32
        %dma_wait3A_894 = tpu.memref_slice %arg2[%dma_wait3A_892, %dma_wait3A_893] : memref<100000x128xf32, #tpu.memory_space<hbm>> -> memref<160x128xf32, #tpu.memory_space<hbm>>
        tpu.wait_dma2 semaphore(%dma_wait3A_887 : memref<!tpu.dma_semaphore, #tpu.memory_space<semaphore_mem>>) src(%dma_wait3A_894 : memref<160x128xf32, #tpu.memory_space<hbm>>) dst(%dma_wait3A_891 : memref<160x128xf32, #tpu.memory_space<vmem>>)
        %dma_wait3A_895 = arith.constant 3 : i32
        %dma_wait3A_896 = arith.constant 0 : i32
        %dma_wait3A_897 = arith.constant 3 : i32
        %dma_wait3A_898 = arith.constant 0 : i32
        %dma_wait3A_899 = arith.constant 0 : i32
        %dma_wait3A_900 = tpu.memref_slice %arg7[%dma_wait3A_895, %dma_wait3A_898, %dma_wait3A_899] : memref<4x2x80xi32, #tpu.memory_space<vmem>> -> memref<1x2x80xi32, #tpu.memory_space<vmem>>
        %dma_wait3A_901 = tpu.memref_squeeze %dma_wait3A_900 : memref<1x2x80xi32, #tpu.memory_space<vmem>> -> memref<2x80xi32, #tpu.memory_space<vmem>>
        %dma_wait3A_902 = arith.constant 0 : i32
        %dma_wait3A_903 = tpu.memref_slice %dma_wait3A_901[%dma_wait3A_896, %dma_wait3A_902] : memref<2x80xi32, #tpu.memory_space<vmem>> -> memref<1x80xi32, #tpu.memory_space<vmem>>
        %dma_wait3A_904 = tpu.memref_squeeze %dma_wait3A_903 : memref<1x80xi32, #tpu.memory_space<vmem>> -> memref<80xi32, #tpu.memory_space<vmem>>
        %dma_wait3A_905 = arith.constant 0 : i32
        %dma_wait3A_906 = tpu.memref_slice %arg3[%dma_wait3A_905] : memref<100000xi32, #tpu.memory_space<hbm>> -> memref<80xi32, #tpu.memory_space<hbm>>
        %dma_wait3A_907 = tpu.memref_slice %arg11[%dma_wait3A_897] : memref<4x!tpu.dma_semaphore, #tpu.memory_space<semaphore_mem>> -> memref<1x!tpu.dma_semaphore, #tpu.memory_space<semaphore_mem>>
        %dma_wait3A_908 = tpu.memref_squeeze %dma_wait3A_907 : memref<1x!tpu.dma_semaphore, #tpu.memory_space<semaphore_mem>> -> memref<!tpu.dma_semaphore, #tpu.memory_space<semaphore_mem>>
        %dma_wait3A_909 = arith.constant 0 : i32
        %dma_wait3A_910 = arith.constant 0 : i32
        %dma_wait3A_911 = tpu.memref_slice %arg7[%dma_wait3A_895, %dma_wait3A_909, %dma_wait3A_910] : memref<4x2x80xi32, #tpu.memory_space<vmem>> -> memref<1x2x80xi32, #tpu.memory_space<vmem>>
        %dma_wait3A_912 = tpu.memref_squeeze %dma_wait3A_911 : memref<1x2x80xi32, #tpu.memory_space<vmem>> -> memref<2x80xi32, #tpu.memory_space<vmem>>
        %dma_wait3A_913 = arith.constant 0 : i32
        %dma_wait3A_914 = tpu.memref_slice %dma_wait3A_912[%dma_wait3A_896, %dma_wait3A_913] : memref<2x80xi32, #tpu.memory_space<vmem>> -> memref<1x80xi32, #tpu.memory_space<vmem>>
        %dma_wait3A_915 = tpu.memref_squeeze %dma_wait3A_914 : memref<1x80xi32, #tpu.memory_space<vmem>> -> memref<80xi32, #tpu.memory_space<vmem>>
        %dma_wait3A_916 = arith.constant 0 : i32
        %dma_wait3A_917 = tpu.memref_slice %arg3[%dma_wait3A_916] : memref<100000xi32, #tpu.memory_space<hbm>> -> memref<80xi32, #tpu.memory_space<hbm>>
        tpu.wait_dma2 semaphore(%dma_wait3A_908 : memref<!tpu.dma_semaphore, #tpu.memory_space<semaphore_mem>>) src(%dma_wait3A_917 : memref<80xi32, #tpu.memory_space<hbm>>) dst(%dma_wait3A_915 : memref<80xi32, #tpu.memory_space<vmem>>)
        %dma_wait3A_918 = arith.constant 3 : i32
        %dma_wait3A_919 = arith.constant 1 : i32
        %dma_wait3A_920 = arith.constant 3 : i32
        %dma_wait3A_921 = arith.constant 0 : i32
        %dma_wait3A_922 = arith.constant 0 : i32
        %dma_wait3A_923 = tpu.memref_slice %arg7[%dma_wait3A_918, %dma_wait3A_921, %dma_wait3A_922] : memref<4x2x80xi32, #tpu.memory_space<vmem>> -> memref<1x2x80xi32, #tpu.memory_space<vmem>>
        %dma_wait3A_924 = tpu.memref_squeeze %dma_wait3A_923 : memref<1x2x80xi32, #tpu.memory_space<vmem>> -> memref<2x80xi32, #tpu.memory_space<vmem>>
        %dma_wait3A_925 = arith.constant 0 : i32
        %dma_wait3A_926 = tpu.memref_slice %dma_wait3A_924[%dma_wait3A_919, %dma_wait3A_925] : memref<2x80xi32, #tpu.memory_space<vmem>> -> memref<1x80xi32, #tpu.memory_space<vmem>>
        %dma_wait3A_927 = tpu.memref_squeeze %dma_wait3A_926 : memref<1x80xi32, #tpu.memory_space<vmem>> -> memref<80xi32, #tpu.memory_space<vmem>>
        %dma_wait3A_928 = arith.constant 0 : i32
        %dma_wait3A_929 = tpu.memref_slice %arg3[%dma_wait3A_928] : memref<100000xi32, #tpu.memory_space<hbm>> -> memref<80xi32, #tpu.memory_space<hbm>>
        %dma_wait3A_930 = tpu.memref_slice %arg11[%dma_wait3A_920] : memref<4x!tpu.dma_semaphore, #tpu.memory_space<semaphore_mem>> -> memref<1x!tpu.dma_semaphore, #tpu.memory_space<semaphore_mem>>
        %dma_wait3A_931 = tpu.memref_squeeze %dma_wait3A_930 : memref<1x!tpu.dma_semaphore, #tpu.memory_space<semaphore_mem>> -> memref<!tpu.dma_semaphore, #tpu.memory_space<semaphore_mem>>
        %dma_wait3A_932 = arith.constant 0 : i32
        %dma_wait3A_933 = arith.constant 0 : i32
        %dma_wait3A_934 = tpu.memref_slice %arg7[%dma_wait3A_918, %dma_wait3A_932, %dma_wait3A_933] : memref<4x2x80xi32, #tpu.memory_space<vmem>> -> memref<1x2x80xi32, #tpu.memory_space<vmem>>
        %dma_wait3A_935 = tpu.memref_squeeze %dma_wait3A_934 : memref<1x2x80xi32, #tpu.memory_space<vmem>> -> memref<2x80xi32, #tpu.memory_space<vmem>>
        %dma_wait3A_936 = arith.constant 0 : i32
        %dma_wait3A_937 = tpu.memref_slice %dma_wait3A_935[%dma_wait3A_919, %dma_wait3A_936] : memref<2x80xi32, #tpu.memory_space<vmem>> -> memref<1x80xi32, #tpu.memory_space<vmem>>
        %dma_wait3A_938 = tpu.memref_squeeze %dma_wait3A_937 : memref<1x80xi32, #tpu.memory_space<vmem>> -> memref<80xi32, #tpu.memory_space<vmem>>
        %dma_wait3A_939 = arith.constant 0 : i32
        %dma_wait3A_940 = tpu.memref_slice %arg3[%dma_wait3A_939] : memref<100000xi32, #tpu.memory_space<hbm>> -> memref<80xi32, #tpu.memory_space<hbm>>
        tpu.wait_dma2 semaphore(%dma_wait3A_931 : memref<!tpu.dma_semaphore, #tpu.memory_space<semaphore_mem>>) src(%dma_wait3A_940 : memref<80xi32, #tpu.memory_space<hbm>>) dst(%dma_wait3A_938 : memref<80xi32, #tpu.memory_space<vmem>>)
        %get3A = arith.constant 3 : i32
        %get3A_941 = arith.constant 0 : i32
        %get3A_942 = arith.index_cast %get3A : i32 to index
        %get3A_943 = arith.index_cast %get3A_941 : i32 to index
        %get3A_944 = arith.constant 0 : index
        %get3A_945 = tpu.vector_load %arg7[%get3A_942, %get3A_943, %get3A_944] {strides = array<i32>} : memref<4x2x80xi32, #tpu.memory_space<vmem>>, vector<16xi32>,
        tpu.vector_store_idx %arg8[%get3A_945], %broadcast_in_dim3A_552 {add = true} : memref<256xf32, #tpu.memory_space<vmem>>[vector<16xi32>], vector<16xf32>,
        %get3A_946 = arith.constant 3 : i32
        %get3A_947 = arith.constant 0 : i32
        %get3A_948 = arith.index_cast %get3A_946 : i32 to index
        %get3A_949 = arith.index_cast %get3A_947 : i32 to index
        %get3A_950 = arith.constant 16 : index
        %get3A_951 = tpu.vector_load %arg7[%get3A_948, %get3A_949, %get3A_950] {strides = array<i32>} : memref<4x2x80xi32, #tpu.memory_space<vmem>>, vector<16xi32>,
        tpu.vector_store_idx %arg8[%get3A_951], %broadcast_in_dim3A_552 {add = true} : memref<256xf32, #tpu.memory_space<vmem>>[vector<16xi32>], vector<16xf32>,
        %get3A_952 = arith.constant 3 : i32
        %get3A_953 = arith.constant 0 : i32
        %get3A_954 = arith.index_cast %get3A_952 : i32 to index
        %get3A_955 = arith.index_cast %get3A_953 : i32 to index
        %get3A_956 = arith.constant 32 : index
        %get3A_957 = tpu.vector_load %arg7[%get3A_954, %get3A_955, %get3A_956] {strides = array<i32>} : memref<4x2x80xi32, #tpu.memory_space<vmem>>, vector<16xi32>,
        tpu.vector_store_idx %arg8[%get3A_957], %broadcast_in_dim3A_552 {add = true} : memref<256xf32, #tpu.memory_space<vmem>>[vector<16xi32>], vector<16xf32>,
        %get3A_958 = arith.constant 3 : i32
        %get3A_959 = arith.constant 0 : i32
        %get3A_960 = arith.index_cast %get3A_958 : i32 to index
        %get3A_961 = arith.index_cast %get3A_959 : i32 to index
        %get3A_962 = arith.constant 48 : index
        %get3A_963 = tpu.vector_load %arg7[%get3A_960, %get3A_961, %get3A_962] {strides = array<i32>} : memref<4x2x80xi32, #tpu.memory_space<vmem>>, vector<16xi32>,
        tpu.vector_store_idx %arg8[%get3A_963], %broadcast_in_dim3A_552 {add = true} : memref<256xf32, #tpu.memory_space<vmem>>[vector<16xi32>], vector<16xf32>,
        %get3A_964 = arith.constant 3 : i32
        %get3A_965 = arith.constant 0 : i32
        %get3A_966 = arith.index_cast %get3A_964 : i32 to index
        %get3A_967 = arith.index_cast %get3A_965 : i32 to index
        %get3A_968 = arith.constant 64 : index
        %get3A_969 = tpu.vector_load %arg7[%get3A_966, %get3A_967, %get3A_968] {strides = array<i32>} : memref<4x2x80xi32, #tpu.memory_space<vmem>>, vector<16xi32>,
        tpu.vector_store_idx %arg8[%get3A_969], %broadcast_in_dim3A_552 {add = true} : memref<256xf32, #tpu.memory_space<vmem>>[vector<16xi32>], vector<16xf32>,
        %get3A_970 = arith.constant 3 : i32
        %get3A_971 = arith.constant 1 : i32
        %get3A_972 = arith.index_cast %get3A_970 : i32 to index
        %get3A_973 = arith.index_cast %get3A_971 : i32 to index
        %get3A_974 = arith.constant 0 : index
        %get3A_975 = tpu.vector_load %arg7[%get3A_972, %get3A_973, %get3A_974] {strides = array<i32>} : memref<4x2x80xi32, #tpu.memory_space<vmem>>, vector<16xi32>,
        tpu.vector_store_idx %arg8[%get3A_975], %broadcast_in_dim3A_552 {add = true} : memref<256xf32, #tpu.memory_space<vmem>>[vector<16xi32>], vector<16xf32>,
        %get3A_976 = arith.constant 3 : i32
        %get3A_977 = arith.constant 1 : i32
        %get3A_978 = arith.index_cast %get3A_976 : i32 to index
        %get3A_979 = arith.index_cast %get3A_977 : i32 to index
        %get3A_980 = arith.constant 16 : index
        %get3A_981 = tpu.vector_load %arg7[%get3A_978, %get3A_979, %get3A_980] {strides = array<i32>} : memref<4x2x80xi32, #tpu.memory_space<vmem>>, vector<16xi32>,
        tpu.vector_store_idx %arg8[%get3A_981], %broadcast_in_dim3A_552 {add = true} : memref<256xf32, #tpu.memory_space<vmem>>[vector<16xi32>], vector<16xf32>,
        %get3A_982 = arith.constant 3 : i32
        %get3A_983 = arith.constant 1 : i32
        %get3A_984 = arith.index_cast %get3A_982 : i32 to index
        %get3A_985 = arith.index_cast %get3A_983 : i32 to index
        %get3A_986 = arith.constant 32 : index
        %get3A_987 = tpu.vector_load %arg7[%get3A_984, %get3A_985, %get3A_986] {strides = array<i32>} : memref<4x2x80xi32, #tpu.memory_space<vmem>>, vector<16xi32>,
        tpu.vector_store_idx %arg8[%get3A_987], %broadcast_in_dim3A_552 {add = true} : memref<256xf32, #tpu.memory_space<vmem>>[vector<16xi32>], vector<16xf32>,
        %get3A_988 = arith.constant 3 : i32
        %get3A_989 = arith.constant 1 : i32
        %get3A_990 = arith.index_cast %get3A_988 : i32 to index
        %get3A_991 = arith.index_cast %get3A_989 : i32 to index
        %get3A_992 = arith.constant 48 : index
        %get3A_993 = tpu.vector_load %arg7[%get3A_990, %get3A_991, %get3A_992] {strides = array<i32>} : memref<4x2x80xi32, #tpu.memory_space<vmem>>, vector<16xi32>,
        tpu.vector_store_idx %arg8[%get3A_993], %broadcast_in_dim3A_552 {add = true} : memref<256xf32, #tpu.memory_space<vmem>>[vector<16xi32>], vector<16xf32>,
        %get3A_994 = arith.constant 3 : i32
        %get3A_995 = arith.constant 1 : i32
        %get3A_996 = arith.index_cast %get3A_994 : i32 to index
        %get3A_997 = arith.index_cast %get3A_995 : i32 to index
        %get3A_998 = arith.constant 64 : index
        %get3A_999 = tpu.vector_load %arg7[%get3A_996, %get3A_997, %get3A_998] {strides = array<i32>} : memref<4x2x80xi32, #tpu.memory_space<vmem>>, vector<16xi32>,
        tpu.vector_store_idx %arg8[%get3A_999], %broadcast_in_dim3A_552 {add = true} : memref<256xf32, #tpu.memory_space<vmem>>[vector<16xi32>], vector<16xf32>,
        %dma_start3A_1000 = arith.constant 3 : i32
        %dma_start3A_1001 = arith.constant 3 : i32
        %dma_start3A_1002 = arith.constant 0 : i32
        %dma_start3A_1003 = arith.constant 3 : i32
        %dma_start3A_1004 = arith.constant 0 : i32
        %dma_start3A_1005 = arith.constant 0 : i32
        %dma_start3A_1006 = tpu.memref_slice %arg6[%dma_start3A_1000, %dma_start3A_1004, %dma_start3A_1005] : memref<4x160x128xf32, #tpu.memory_space<vmem>> -> memref<1x160x128xf32, #tpu.memory_space<vmem>>
        %dma_start3A_1007 = tpu.memref_squeeze %dma_start3A_1006 : memref<1x160x128xf32, #tpu.memory_space<vmem>> -> memref<160x128xf32, #tpu.memory_space<vmem>>
        %dma_start3A_1008 = arith.constant 0 : i32
        %dma_start3A_1009 = arith.constant 0 : i32
        %dma_start3A_1010 = tpu.memref_slice %dma_start3A_1007[%dma_start3A_1008, %dma_start3A_1009] : memref<160x128xf32, #tpu.memory_space<vmem>> -> memref<80x128xf32, #tpu.memory_space<vmem>>
        %dma_start3A_1011 = arith.constant 0 : i32
        %dma_start3A_1012 = arith.constant 0 : i32
        %dma_start3A_1013 = tpu.memref_slice %arg7[%dma_start3A_1001, %dma_start3A_1011, %dma_start3A_1012] : memref<4x2x80xi32, #tpu.memory_space<vmem>> -> memref<1x2x80xi32, #tpu.memory_space<vmem>>
        %dma_start3A_1014 = tpu.memref_squeeze %dma_start3A_1013 : memref<1x2x80xi32, #tpu.memory_space<vmem>> -> memref<2x80xi32, #tpu.memory_space<vmem>>
        %dma_start3A_1015 = arith.constant 0 : i32
        %dma_start3A_1016 = tpu.memref_slice %dma_start3A_1014[%dma_start3A_1002, %dma_start3A_1015] : memref<2x80xi32, #tpu.memory_space<vmem>> -> memref<1x80xi32, #tpu.memory_space<vmem>>
        %dma_start3A_1017 = tpu.memref_squeeze %dma_start3A_1016 : memref<1x80xi32, #tpu.memory_space<vmem>> -> memref<80xi32, #tpu.memory_space<vmem>>
        %dma_start3A_1018 = arith.constant 0 : i32
        %dma_start3A_1019 = arith.constant 0 : i32
        %dma_start3A_1020 = tpu.memref_slice %arg10[%dma_start3A_1018, %dma_start3A_1019] : memref<256x128xf32, #tpu.memory_space<vmem_shared>> -> memref<256x128xf32, #tpu.memory_space<vmem_shared>>
        %dma_start3A_1021 = tpu.memref_slice %arg12[%dma_start3A_1003] : memref<4x!tpu.dma_semaphore, #tpu.memory_space<semaphore_mem>> -> memref<1x!tpu.dma_semaphore, #tpu.memory_space<semaphore_mem>>
        %dma_start3A_1022 = tpu.memref_squeeze %dma_start3A_1021 : memref<1x!tpu.dma_semaphore, #tpu.memory_space<semaphore_mem>> -> memref<!tpu.dma_semaphore, #tpu.memory_space<semaphore_mem>>
        tpu.enqueue_indirect_dma source(%dma_start3A_1010 : memref<80x128xf32, #tpu.memory_space<vmem>>) target(%dma_start3A_1020 : memref<256x128xf32, #tpu.memory_space<vmem_shared>>) offsets(%dma_start3A_1017 : memref<80xi32, #tpu.memory_space<vmem>>) semaphore(%dma_start3A_1022 : memref<!tpu.dma_semaphore, #tpu.memory_space<semaphore_mem>>) {add = true}
        %dma_start3A_1023 = arith.constant 3 : i32
        %dma_start3A_1024 = arith.constant 3 : i32
        %dma_start3A_1025 = arith.constant 1 : i32
        %dma_start3A_1026 = arith.constant 3 : i32
        %dma_start3A_1027 = arith.constant 0 : i32
        %dma_start3A_1028 = arith.constant 0 : i32
        %dma_start3A_1029 = tpu.memref_slice %arg6[%dma_start3A_1023, %dma_start3A_1027, %dma_start3A_1028] : memref<4x160x128xf32, #tpu.memory_space<vmem>> -> memref<1x160x128xf32, #tpu.memory_space<vmem>>
        %dma_start3A_1030 = tpu.memref_squeeze %dma_start3A_1029 : memref<1x160x128xf32, #tpu.memory_space<vmem>> -> memref<160x128xf32, #tpu.memory_space<vmem>>
        %dma_start3A_1031 = arith.constant 80 : i32
        %dma_start3A_1032 = arith.constant 0 : i32
        %dma_start3A_1033 = tpu.memref_slice %dma_start3A_1030[%dma_start3A_1031, %dma_start3A_1032] : memref<160x128xf32, #tpu.memory_space<vmem>> -> memref<80x128xf32, #tpu.memory_space<vmem>>
        %dma_start3A_1034 = arith.constant 0 : i32
        %dma_start3A_1035 = arith.constant 0 : i32
        %dma_start3A_1036 = tpu.memref_slice %arg7[%dma_start3A_1024, %dma_start3A_1034, %dma_start3A_1035] : memref<4x2x80xi32, #tpu.memory_space<vmem>> -> memref<1x2x80xi32, #tpu.memory_space<vmem>>
        %dma_start3A_1037 = tpu.memref_squeeze %dma_start3A_1036 : memref<1x2x80xi32, #tpu.memory_space<vmem>> -> memref<2x80xi32, #tpu.memory_space<vmem>>
        %dma_start3A_1038 = arith.constant 0 : i32
        %dma_start3A_1039 = tpu.memref_slice %dma_start3A_1037[%dma_start3A_1025, %dma_start3A_1038] : memref<2x80xi32, #tpu.memory_space<vmem>> -> memref<1x80xi32, #tpu.memory_space<vmem>>
        %dma_start3A_1040 = tpu.memref_squeeze %dma_start3A_1039 : memref<1x80xi32, #tpu.memory_space<vmem>> -> memref<80xi32, #tpu.memory_space<vmem>>
        %dma_start3A_1041 = arith.constant 0 : i32
        %dma_start3A_1042 = arith.constant 0 : i32
        %dma_start3A_1043 = tpu.memref_slice %arg10[%dma_start3A_1041, %dma_start3A_1042] : memref<256x128xf32, #tpu.memory_space<vmem_shared>> -> memref<256x128xf32, #tpu.memory_space<vmem_shared>>
        %dma_start3A_1044 = tpu.memref_slice %arg12[%dma_start3A_1026] : memref<4x!tpu.dma_semaphore, #tpu.memory_space<semaphore_mem>> -> memref<1x!tpu.dma_semaphore, #tpu.memory_space<semaphore_mem>>
        %dma_start3A_1045 = tpu.memref_squeeze %dma_start3A_1044 : memref<1x!tpu.dma_semaphore, #tpu.memory_space<semaphore_mem>> -> memref<!tpu.dma_semaphore, #tpu.memory_space<semaphore_mem>>
        tpu.enqueue_indirect_dma source(%dma_start3A_1033 : memref<80x128xf32, #tpu.memory_space<vmem>>) target(%dma_start3A_1043 : memref<256x128xf32, #tpu.memory_space<vmem_shared>>) offsets(%dma_start3A_1040 : memref<80xi32, #tpu.memory_space<vmem>>) semaphore(%dma_start3A_1045 : memref<!tpu.dma_semaphore, #tpu.memory_space<semaphore_mem>>) {add = true}
        %dma_wait3A_1046 = arith.constant 3 : i32
        %dma_wait3A_1047 = arith.constant 3 : i32
        %dma_wait3A_1048 = arith.constant 0 : i32
        %dma_wait3A_1049 = arith.constant 3 : i32
        %dma_wait3A_1050 = arith.constant 0 : i32
        %dma_wait3A_1051 = arith.constant 0 : i32
        %dma_wait3A_1052 = tpu.memref_slice %arg6[%dma_wait3A_1046, %dma_wait3A_1050, %dma_wait3A_1051] : memref<4x160x128xf32, #tpu.memory_space<vmem>> -> memref<1x160x128xf32, #tpu.memory_space<vmem>>
        %dma_wait3A_1053 = tpu.memref_squeeze %dma_wait3A_1052 : memref<1x160x128xf32, #tpu.memory_space<vmem>> -> memref<160x128xf32, #tpu.memory_space<vmem>>
        %dma_wait3A_1054 = arith.constant 0 : i32
        %dma_wait3A_1055 = arith.constant 0 : i32
        %dma_wait3A_1056 = tpu.memref_slice %dma_wait3A_1053[%dma_wait3A_1054, %dma_wait3A_1055] : memref<160x128xf32, #tpu.memory_space<vmem>> -> memref<80x128xf32, #tpu.memory_space<vmem>>
        %dma_wait3A_1057 = arith.constant 0 : i32
        %dma_wait3A_1058 = arith.constant 0 : i32
        %dma_wait3A_1059 = tpu.memref_slice %arg7[%dma_wait3A_1047, %dma_wait3A_1057, %dma_wait3A_1058] : memref<4x2x80xi32, #tpu.memory_space<vmem>> -> memref<1x2x80xi32, #tpu.memory_space<vmem>>
        %dma_wait3A_1060 = tpu.memref_squeeze %dma_wait3A_1059 : memref<1x2x80xi32, #tpu.memory_space<vmem>> -> memref<2x80xi32, #tpu.memory_space<vmem>>
        %dma_wait3A_1061 = arith.constant 0 : i32
        %dma_wait3A_1062 = tpu.memref_slice %dma_wait3A_1060[%dma_wait3A_1048, %dma_wait3A_1061] : memref<2x80xi32, #tpu.memory_space<vmem>> -> memref<1x80xi32, #tpu.memory_space<vmem>>
        %dma_wait3A_1063 = tpu.memref_squeeze %dma_wait3A_1062 : memref<1x80xi32, #tpu.memory_space<vmem>> -> memref<80xi32, #tpu.memory_space<vmem>>
        %dma_wait3A_1064 = arith.constant 0 : i32
        %dma_wait3A_1065 = arith.constant 0 : i32
        %dma_wait3A_1066 = tpu.memref_slice %arg10[%dma_wait3A_1064, %dma_wait3A_1065] : memref<256x128xf32, #tpu.memory_space<vmem_shared>> -> memref<256x128xf32, #tpu.memory_space<vmem_shared>>
        %dma_wait3A_1067 = tpu.memref_slice %arg12[%dma_wait3A_1049] : memref<4x!tpu.dma_semaphore, #tpu.memory_space<semaphore_mem>> -> memref<1x!tpu.dma_semaphore, #tpu.memory_space<semaphore_mem>>
        %dma_wait3A_1068 = tpu.memref_squeeze %dma_wait3A_1067 : memref<1x!tpu.dma_semaphore, #tpu.memory_space<semaphore_mem>> -> memref<!tpu.dma_semaphore, #tpu.memory_space<semaphore_mem>>
        tpu.wait_indirect_dma semaphore(%dma_wait3A_1068 : memref<!tpu.dma_semaphore, #tpu.memory_space<semaphore_mem>>) src(%dma_wait3A_1056 : memref<80x128xf32, #tpu.memory_space<vmem>>) dst(%dma_wait3A_1066 : memref<256x128xf32, #tpu.memory_space<vmem_shared>>)
        %dma_wait3A_1069 = arith.constant 3 : i32
        %dma_wait3A_1070 = arith.constant 3 : i32
        %dma_wait3A_1071 = arith.constant 1 : i32
        %dma_wait3A_1072 = arith.constant 3 : i32
        %dma_wait3A_1073 = arith.constant 0 : i32
        %dma_wait3A_1074 = arith.constant 0 : i32
        %dma_wait3A_1075 = tpu.memref_slice %arg6[%dma_wait3A_1069, %dma_wait3A_1073, %dma_wait3A_1074] : memref<4x160x128xf32, #tpu.memory_space<vmem>> -> memref<1x160x128xf32, #tpu.memory_space<vmem>>
        %dma_wait3A_1076 = tpu.memref_squeeze %dma_wait3A_1075 : memref<1x160x128xf32, #tpu.memory_space<vmem>> -> memref<160x128xf32, #tpu.memory_space<vmem>>
        %dma_wait3A_1077 = arith.constant 80 : i32
        %dma_wait3A_1078 = arith.constant 0 : i32
        %dma_wait3A_1079 = tpu.memref_slice %dma_wait3A_1076[%dma_wait3A_1077, %dma_wait3A_1078] : memref<160x128xf32, #tpu.memory_space<vmem>> -> memref<80x128xf32, #tpu.memory_space<vmem>>
        %dma_wait3A_1080 = arith.constant 0 : i32
        %dma_wait3A_1081 = arith.constant 0 : i32
        %dma_wait3A_1082 = tpu.memref_slice %arg7[%dma_wait3A_1070, %dma_wait3A_1080, %dma_wait3A_1081] : memref<4x2x80xi32, #tpu.memory_space<vmem>> -> memref<1x2x80xi32, #tpu.memory_space<vmem>>
        %dma_wait3A_1083 = tpu.memref_squeeze %dma_wait3A_1082 : memref<1x2x80xi32, #tpu.memory_space<vmem>> -> memref<2x80xi32, #tpu.memory_space<vmem>>
        %dma_wait3A_1084 = arith.constant 0 : i32
        %dma_wait3A_1085 = tpu.memref_slice %dma_wait3A_1083[%dma_wait3A_1071, %dma_wait3A_1084] : memref<2x80xi32, #tpu.memory_space<vmem>> -> memref<1x80xi32, #tpu.memory_space<vmem>>
        %dma_wait3A_1086 = tpu.memref_squeeze %dma_wait3A_1085 : memref<1x80xi32, #tpu.memory_space<vmem>> -> memref<80xi32, #tpu.memory_space<vmem>>
        %dma_wait3A_1087 = arith.constant 0 : i32
        %dma_wait3A_1088 = arith.constant 0 : i32
        %dma_wait3A_1089 = tpu.memref_slice %arg10[%dma_wait3A_1087, %dma_wait3A_1088] : memref<256x128xf32, #tpu.memory_space<vmem_shared>> -> memref<256x128xf32, #tpu.memory_space<vmem_shared>>
        %dma_wait3A_1090 = tpu.memref_slice %arg12[%dma_wait3A_1072] : memref<4x!tpu.dma_semaphore, #tpu.memory_space<semaphore_mem>> -> memref<1x!tpu.dma_semaphore, #tpu.memory_space<semaphore_mem>>
        %dma_wait3A_1091 = tpu.memref_squeeze %dma_wait3A_1090 : memref<1x!tpu.dma_semaphore, #tpu.memory_space<semaphore_mem>> -> memref<!tpu.dma_semaphore, #tpu.memory_space<semaphore_mem>>
        tpu.wait_indirect_dma semaphore(%dma_wait3A_1091 : memref<!tpu.dma_semaphore, #tpu.memory_space<semaphore_mem>>) src(%dma_wait3A_1079 : memref<80x128xf32, #tpu.memory_space<vmem>>) dst(%dma_wait3A_1089 : memref<256x128xf32, #tpu.memory_space<vmem_shared>>)
        %add3A_1092 = arith.constant 4 : i32
        %add3A_1093 = arith.addi %add3A_873, %add3A_1092 : i32
        %lt3A_1094 = arith.cmpi slt, %add3A_1093, %add3A_550 : i32
        %convert_element_type3A_1095 = arith.extui %lt3A_1094 : i1 to i32
        %cond3A_1096 = arith.constant 0 : i32
        %cond3A_1097 = arith.cmpi ne, %convert_element_type3A_1095, %cond3A_1096 : i32
        scf.if %cond3A_1097 {
          %add3A_1098 = arith.constant 4 : i32
          %add3A_1099 = arith.addi %add3A_873, %add3A_1098 : i32
          %mul3A_1100 = arith.constant 32 : i32
          %mul3A_1101 = arith.muli %add3A_1099, %mul3A_1100 : i32
          %add3A_1102 = arith.addi %add3A, %mul3A_1101 : i32
          %mul3A_1103 = arith.constant 160 : i32
          %mul3A_1104 = arith.muli %add3A_1102, %mul3A_1103 : i32
          %dma_start3A_1105 = arith.constant 3 : i32
          %dma_start3A_1106 = arith.constant 3 : i32
          %dma_start3A_1107 = arith.constant 0 : i32
          %dma_start3A_1108 = arith.constant 0 : i32
          %dma_start3A_1109 = tpu.memref_slice %arg6[%dma_start3A_1105, %dma_start3A_1107, %dma_start3A_1108] : memref<4x160x128xf32, #tpu.memory_space<vmem>> -> memref<1x160x128xf32, #tpu.memory_space<vmem>>
          %dma_start3A_1110 = tpu.memref_squeeze %dma_start3A_1109 : memref<1x160x128xf32, #tpu.memory_space<vmem>> -> memref<160x128xf32, #tpu.memory_space<vmem>>
          %dma_start3A_1111 = arith.constant 0 : i32
          %dma_start3A_1112 = tpu.memref_slice %arg2[%mul3A_1104, %dma_start3A_1111] : memref<100000x128xf32, #tpu.memory_space<hbm>> -> memref<160x128xf32, #tpu.memory_space<hbm>>
          %dma_start3A_1113 = tpu.memref_slice %arg11[%dma_start3A_1106] : memref<4x!tpu.dma_semaphore, #tpu.memory_space<semaphore_mem>> -> memref<1x!tpu.dma_semaphore, #tpu.memory_space<semaphore_mem>>
          %dma_start3A_1114 = tpu.memref_squeeze %dma_start3A_1113 : memref<1x!tpu.dma_semaphore, #tpu.memory_space<semaphore_mem>> -> memref<!tpu.dma_semaphore, #tpu.memory_space<semaphore_mem>>
          %dma_start3A_1115 = arith.constant 0 : i32
          %dma_start3A_1116 = arith.constant 0 : i32
          %dma_start3A_1117 = tpu.memref_slice %arg6[%dma_start3A_1105, %dma_start3A_1115, %dma_start3A_1116] : memref<4x160x128xf32, #tpu.memory_space<vmem>> -> memref<1x160x128xf32, #tpu.memory_space<vmem>>
          %dma_start3A_1118 = tpu.memref_squeeze %dma_start3A_1117 : memref<1x160x128xf32, #tpu.memory_space<vmem>> -> memref<160x128xf32, #tpu.memory_space<vmem>>
          %dma_start3A_1119 = arith.constant 0 : i32
          %dma_start3A_1120 = tpu.memref_slice %arg2[%mul3A_1104, %dma_start3A_1119] : memref<100000x128xf32, #tpu.memory_space<hbm>> -> memref<160x128xf32, #tpu.memory_space<hbm>>
          tpu.enqueue_dma source(%dma_start3A_1120 : memref<160x128xf32, #tpu.memory_space<hbm>>) target(%dma_start3A_1118 : memref<160x128xf32, #tpu.memory_space<vmem>>) target_semaphore(%dma_start3A_1114 : memref<!tpu.dma_semaphore, #tpu.memory_space<semaphore_mem>>)
          %mul3A_1121 = arith.constant 160 : i32
          %mul3A_1122 = arith.muli %add3A_1102, %mul3A_1121 : i32
          %add3A_1123 = arith.constant 0 : i32
          %add3A_1124 = arith.addi %mul3A_1122, %add3A_1123 : i32
          %dma_start3A_1125 = arith.constant 3 : i32
          %dma_start3A_1126 = arith.constant 0 : i32
          %dma_start3A_1127 = arith.constant 3 : i32
          %dma_start3A_1128 = arith.constant 0 : i32
          %dma_start3A_1129 = arith.constant 0 : i32
          %dma_start3A_1130 = tpu.memref_slice %arg7[%dma_start3A_1125, %dma_start3A_1128, %dma_start3A_1129] : memref<4x2x80xi32, #tpu.memory_space<vmem>> -> memref<1x2x80xi32, #tpu.memory_space<vmem>>
          %dma_start3A_1131 = tpu.memref_squeeze %dma_start3A_1130 : memref<1x2x80xi32, #tpu.memory_space<vmem>> -> memref<2x80xi32, #tpu.memory_space<vmem>>
          %dma_start3A_1132 = arith.constant 0 : i32
          %dma_start3A_1133 = tpu.memref_slice %dma_start3A_1131[%dma_start3A_1126, %dma_start3A_1132] : memref<2x80xi32, #tpu.memory_space<vmem>> -> memref<1x80xi32, #tpu.memory_space<vmem>>
          %dma_start3A_1134 = tpu.memref_squeeze %dma_start3A_1133 : memref<1x80xi32, #tpu.memory_space<vmem>> -> memref<80xi32, #tpu.memory_space<vmem>>
          %dma_start3A_1135 = tpu.memref_slice %arg3[%add3A_1124] : memref<100000xi32, #tpu.memory_space<hbm>> -> memref<80xi32, #tpu.memory_space<hbm>>
          %dma_start3A_1136 = tpu.memref_slice %arg11[%dma_start3A_1127] : memref<4x!tpu.dma_semaphore, #tpu.memory_space<semaphore_mem>> -> memref<1x!tpu.dma_semaphore, #tpu.memory_space<semaphore_mem>>
          %dma_start3A_1137 = tpu.memref_squeeze %dma_start3A_1136 : memref<1x!tpu.dma_semaphore, #tpu.memory_space<semaphore_mem>> -> memref<!tpu.dma_semaphore, #tpu.memory_space<semaphore_mem>>
          %dma_start3A_1138 = arith.constant 0 : i32
          %dma_start3A_1139 = arith.constant 0 : i32
          %dma_start3A_1140 = tpu.memref_slice %arg7[%dma_start3A_1125, %dma_start3A_1138, %dma_start3A_1139] : memref<4x2x80xi32, #tpu.memory_space<vmem>> -> memref<1x2x80xi32, #tpu.memory_space<vmem>>
          %dma_start3A_1141 = tpu.memref_squeeze %dma_start3A_1140 : memref<1x2x80xi32, #tpu.memory_space<vmem>> -> memref<2x80xi32, #tpu.memory_space<vmem>>
          %dma_start3A_1142 = arith.constant 0 : i32
          %dma_start3A_1143 = tpu.memref_slice %dma_start3A_1141[%dma_start3A_1126, %dma_start3A_1142] : memref<2x80xi32, #tpu.memory_space<vmem>> -> memref<1x80xi32, #tpu.memory_space<vmem>>
          %dma_start3A_1144 = tpu.memref_squeeze %dma_start3A_1143 : memref<1x80xi32, #tpu.memory_space<vmem>> -> memref<80xi32, #tpu.memory_space<vmem>>
          %dma_start3A_1145 = tpu.memref_slice %arg3[%add3A_1124] : memref<100000xi32, #tpu.memory_space<hbm>> -> memref<80xi32, #tpu.memory_space<hbm>>
          tpu.enqueue_dma source(%dma_start3A_1145 : memref<80xi32, #tpu.memory_space<hbm>>) target(%dma_start3A_1144 : memref<80xi32, #tpu.memory_space<vmem>>) target_semaphore(%dma_start3A_1137 : memref<!tpu.dma_semaphore, #tpu.memory_space<semaphore_mem>>)
          %mul3A_1146 = arith.constant 160 : i32
          %mul3A_1147 = arith.muli %add3A_1102, %mul3A_1146 : i32
          %add3A_1148 = arith.constant 80 : i32
          %add3A_1149 = arith.addi %mul3A_1147, %add3A_1148 : i32
          %dma_start3A_1150 = arith.constant 3 : i32
          %dma_start3A_1151 = arith.constant 1 : i32
          %dma_start3A_1152 = arith.constant 3 : i32
          %dma_start3A_1153 = arith.constant 0 : i32
          %dma_start3A_1154 = arith.constant 0 : i32
          %dma_start3A_1155 = tpu.memref_slice %arg7[%dma_start3A_1150, %dma_start3A_1153, %dma_start3A_1154] : memref<4x2x80xi32, #tpu.memory_space<vmem>> -> memref<1x2x80xi32, #tpu.memory_space<vmem>>
          %dma_start3A_1156 = tpu.memref_squeeze %dma_start3A_1155 : memref<1x2x80xi32, #tpu.memory_space<vmem>> -> memref<2x80xi32, #tpu.memory_space<vmem>>
          %dma_start3A_1157 = arith.constant 0 : i32
          %dma_start3A_1158 = tpu.memref_slice %dma_start3A_1156[%dma_start3A_1151, %dma_start3A_1157] : memref<2x80xi32, #tpu.memory_space<vmem>> -> memref<1x80xi32, #tpu.memory_space<vmem>>
          %dma_start3A_1159 = tpu.memref_squeeze %dma_start3A_1158 : memref<1x80xi32, #tpu.memory_space<vmem>> -> memref<80xi32, #tpu.memory_space<vmem>>
          %dma_start3A_1160 = tpu.memref_slice %arg3[%add3A_1149] : memref<100000xi32, #tpu.memory_space<hbm>> -> memref<80xi32, #tpu.memory_space<hbm>>
          %dma_start3A_1161 = tpu.memref_slice %arg11[%dma_start3A_1152] : memref<4x!tpu.dma_semaphore, #tpu.memory_space<semaphore_mem>> -> memref<1x!tpu.dma_semaphore, #tpu.memory_space<semaphore_mem>>
          %dma_start3A_1162 = tpu.memref_squeeze %dma_start3A_1161 : memref<1x!tpu.dma_semaphore, #tpu.memory_space<semaphore_mem>> -> memref<!tpu.dma_semaphore, #tpu.memory_space<semaphore_mem>>
          %dma_start3A_1163 = arith.constant 0 : i32
          %dma_start3A_1164 = arith.constant 0 : i32
          %dma_start3A_1165 = tpu.memref_slice %arg7[%dma_start3A_1150, %dma_start3A_1163, %dma_start3A_1164] : memref<4x2x80xi32, #tpu.memory_space<vmem>> -> memref<1x2x80xi32, #tpu.memory_space<vmem>>
          %dma_start3A_1166 = tpu.memref_squeeze %dma_start3A_1165 : memref<1x2x80xi32, #tpu.memory_space<vmem>> -> memref<2x80xi32, #tpu.memory_space<vmem>>
          %dma_start3A_1167 = arith.constant 0 : i32
          %dma_start3A_1168 = tpu.memref_slice %dma_start3A_1166[%dma_start3A_1151, %dma_start3A_1167] : memref<2x80xi32, #tpu.memory_space<vmem>> -> memref<1x80xi32, #tpu.memory_space<vmem>>
          %dma_start3A_1169 = tpu.memref_squeeze %dma_start3A_1168 : memref<1x80xi32, #tpu.memory_space<vmem>> -> memref<80xi32, #tpu.memory_space<vmem>>
          %dma_start3A_1170 = tpu.memref_slice %arg3[%add3A_1149] : memref<100000xi32, #tpu.memory_space<hbm>> -> memref<80xi32, #tpu.memory_space<hbm>>
          tpu.enqueue_dma source(%dma_start3A_1170 : memref<80xi32, #tpu.memory_space<hbm>>) target(%dma_start3A_1169 : memref<80xi32, #tpu.memory_space<vmem>>) target_semaphore(%dma_start3A_1162 : memref<!tpu.dma_semaphore, #tpu.memory_space<semaphore_mem>>)
        } else {
        }
      } else {
      }
    }
    %while3A_847 = arith.constant 1 : i32
    scf.for %while3A_853 = %while3A_845 to %while3A_841 step %while3A_847  : i32 {
      %mul3A_854 = arith.muli %while3A_853, %while3A : i32
      %add3A_855 = arith.addi %while3A_838, %mul3A_854 : i32
      %add3A_856 = arith.constant 0 : i32
      %add3A_857 = arith.addi %add3A_855, %add3A_856 : i32
      %lt3A_858 = arith.cmpi slt, %add3A_857, %add3A_550 : i32
      %convert_element_type3A = arith.extui %lt3A_858 : i1 to i32
      %cond3A = arith.constant 0 : i32
      %cond3A_859 = arith.cmpi ne, %convert_element_type3A, %cond3A : i32
      scf.if %cond3A_859 {
        %dma_wait3A = arith.constant 0 : i32
        %dma_wait3A_878 = arith.constant 0 : i32
        %dma_wait3A_879 = arith.constant 0 : i32
        %dma_wait3A_880 = arith.constant 0 : i32
        %dma_wait3A_881 = tpu.memref_slice %arg6[%dma_wait3A, %dma_wait3A_879, %dma_wait3A_880] : memref<4x160x128xf32, #tpu.memory_space<vmem>> -> memref<1x160x128xf32, #tpu.memory_space<vmem>>
        %dma_wait3A_882 = tpu.memref_squeeze %dma_wait3A_881 : memref<1x160x128xf32, #tpu.memory_space<vmem>> -> memref<160x128xf32, #tpu.memory_space<vmem>>
        %dma_wait3A_883 = arith.constant 0 : i32
        %dma_wait3A_884 = arith.constant 0 : i32
        %dma_wait3A_885 = tpu.memref_slice %arg2[%dma_wait3A_883, %dma_wait3A_884] : memref<100000x128xf32, #tpu.memory_space<hbm>> -> memref<160x128xf32, #tpu.memory_space<hbm>>
        %dma_wait3A_886 = tpu.memref_slice %arg11[%dma_wait3A_878] : memref<4x!tpu.dma_semaphore, #tpu.memory_space<semaphore_mem>> -> memref<1x!tpu.dma_semaphore, #tpu.memory_space<semaphore_mem>>
        %dma_wait3A_887 = tpu.memref_squeeze %dma_wait3A_886 : memref<1x!tpu.dma_semaphore, #tpu.memory_space<semaphore_mem>> -> memref<!tpu.dma_semaphore, #tpu.memory_space<semaphore_mem>>
        %dma_wait3A_888 = arith.constant 0 : i32
        %dma_wait3A_889 = arith.constant 0 : i32
        %dma_wait3A_890 = tpu.memref_slice %arg6[%dma_wait3A, %dma_wait3A_888, %dma_wait3A_889] : memref<4x160x128xf32, #tpu.memory_space<vmem>> -> memref<1x160x128xf32, #tpu.memory_space<vmem>>
        %dma_wait3A_891 = tpu.memref_squeeze %dma_wait3A_890 : memref<1x160x128xf32, #tpu.memory_space<vmem>> -> memref<160x128xf32, #tpu.memory_space<vmem>>
        %dma_wait3A_892 = arith.constant 0 : i32
        %dma_wait3A_893 = arith.constant 0 : i32
        %dma_wait3A_894 = tpu.memref_slice %arg2[%dma_wait3A_892, %dma_wait3A_893] : memref<100000x128xf32, #tpu.memory_space<hbm>> -> memref<160x128xf32, #tpu.memory_space<hbm>>
        tpu.wait_dma2 semaphore(%dma_wait3A_887 : memref<!tpu.dma_semaphore, #tpu.memory_space<semaphore_mem>>) src(%dma_wait3A_894 : memref<160x128xf32, #tpu.memory_space<hbm>>) dst(%dma_wait3A_891 : memref<160x128xf32, #tpu.memory_space<vmem>>)
        %dma_wait3A_895 = arith.constant 0 : i32
        %dma_wait3A_896 = arith.constant 0 : i32
        %dma_wait3A_897 = arith.constant 0 : i32
        %dma_wait3A_898 = arith.constant 0 : i32
        %dma_wait3A_899 = arith.constant 0 : i32
        %dma_wait3A_900 = tpu.memref_slice %arg7[%dma_wait3A_895, %dma_wait3A_898, %dma_wait3A_899] : memref<4x2x80xi32, #tpu.memory_space<vmem>> -> memref<1x2x80xi32, #tpu.memory_space<vmem>>
        %dma_wait3A_901 = tpu.memref_squeeze %dma_wait3A_900 : memref<1x2x80xi32, #tpu.memory_space<vmem>> -> memref<2x80xi32, #tpu.memory_space<vmem>>
        %dma_wait3A_902 = arith.constant 0 : i32
        %dma_wait3A_903 = tpu.memref_slice %dma_wait3A_901[%dma_wait3A_896, %dma_wait3A_902] : memref<2x80xi32, #tpu.memory_space<vmem>> -> memref<1x80xi32, #tpu.memory_space<vmem>>
        %dma_wait3A_904 = tpu.memref_squeeze %dma_wait3A_903 : memref<1x80xi32, #tpu.memory_space<vmem>> -> memref<80xi32, #tpu.memory_space<vmem>>
        %dma_wait3A_905 = arith.constant 0 : i32
        %dma_wait3A_906 = tpu.memref_slice %arg3[%dma_wait3A_905] : memref<100000xi32, #tpu.memory_space<hbm>> -> memref<80xi32, #tpu.memory_space<hbm>>
        %dma_wait3A_907 = tpu.memref_slice %arg11[%dma_wait3A_897] : memref<4x!tpu.dma_semaphore, #tpu.memory_space<semaphore_mem>> -> memref<1x!tpu.dma_semaphore, #tpu.memory_space<semaphore_mem>>
        %dma_wait3A_908 = tpu.memref_squeeze %dma_wait3A_907 : memref<1x!tpu.dma_semaphore, #tpu.memory_space<semaphore_mem>> -> memref<!tpu.dma_semaphore, #tpu.memory_space<semaphore_mem>>
        %dma_wait3A_909 = arith.constant 0 : i32
        %dma_wait3A_910 = arith.constant 0 : i32
        %dma_wait3A_911 = tpu.memref_slice %arg7[%dma_wait3A_895, %dma_wait3A_909, %dma_wait3A_910] : memref<4x2x80xi32, #tpu.memory_space<vmem>> -> memref<1x2x80xi32, #tpu.memory_space<vmem>>
        %dma_wait3A_912 = tpu.memref_squeeze %dma_wait3A_911 : memref<1x2x80xi32, #tpu.memory_space<vmem>> -> memref<2x80xi32, #tpu.memory_space<vmem>>
        %dma_wait3A_913 = arith.constant 0 : i32
        %dma_wait3A_914 = tpu.memref_slice %dma_wait3A_912[%dma_wait3A_896, %dma_wait3A_913] : memref<2x80xi32, #tpu.memory_space<vmem>> -> memref<1x80xi32, #tpu.memory_space<vmem>>
        %dma_wait3A_915 = tpu.memref_squeeze %dma_wait3A_914 : memref<1x80xi32, #tpu.memory_space<vmem>> -> memref<80xi32, #tpu.memory_space<vmem>>
        %dma_wait3A_916 = arith.constant 0 : i32
        %dma_wait3A_917 = tpu.memref_slice %arg3[%dma_wait3A_916] : memref<100000xi32, #tpu.memory_space<hbm>> -> memref<80xi32, #tpu.memory_space<hbm>>
        tpu.wait_dma2 semaphore(%dma_wait3A_908 : memref<!tpu.dma_semaphore, #tpu.memory_space<semaphore_mem>>) src(%dma_wait3A_917 : memref<80xi32, #tpu.memory_space<hbm>>) dst(%dma_wait3A_915 : memref<80xi32, #tpu.memory_space<vmem>>)
        %dma_wait3A_918 = arith.constant 0 : i32
        %dma_wait3A_919 = arith.constant 1 : i32
        %dma_wait3A_920 = arith.constant 0 : i32
        %dma_wait3A_921 = arith.constant 0 : i32
        %dma_wait3A_922 = arith.constant 0 : i32
        %dma_wait3A_923 = tpu.memref_slice %arg7[%dma_wait3A_918, %dma_wait3A_921, %dma_wait3A_922] : memref<4x2x80xi32, #tpu.memory_space<vmem>> -> memref<1x2x80xi32, #tpu.memory_space<vmem>>
        %dma_wait3A_924 = tpu.memref_squeeze %dma_wait3A_923 : memref<1x2x80xi32, #tpu.memory_space<vmem>> -> memref<2x80xi32, #tpu.memory_space<vmem>>
        %dma_wait3A_925 = arith.constant 0 : i32
        %dma_wait3A_926 = tpu.memref_slice %dma_wait3A_924[%dma_wait3A_919, %dma_wait3A_925] : memref<2x80xi32, #tpu.memory_space<vmem>> -> memref<1x80xi32, #tpu.memory_space<vmem>>
        %dma_wait3A_927 = tpu.memref_squeeze %dma_wait3A_926 : memref<1x80xi32, #tpu.memory_space<vmem>> -> memref<80xi32, #tpu.memory_space<vmem>>
        %dma_wait3A_928 = arith.constant 0 : i32
        %dma_wait3A_929 = tpu.memref_slice %arg3[%dma_wait3A_928] : memref<100000xi32, #tpu.memory_space<hbm>> -> memref<80xi32, #tpu.memory_space<hbm>>
        %dma_wait3A_930 = tpu.memref_slice %arg11[%dma_wait3A_920] : memref<4x!tpu.dma_semaphore, #tpu.memory_space<semaphore_mem>> -> memref<1x!tpu.dma_semaphore, #tpu.memory_space<semaphore_mem>>
        %dma_wait3A_931 = tpu.memref_squeeze %dma_wait3A_930 : memref<1x!tpu.dma_semaphore, #tpu.memory_space<semaphore_mem>> -> memref<!tpu.dma_semaphore, #tpu.memory_space<semaphore_mem>>
        %dma_wait3A_932 = arith.constant 0 : i32
        %dma_wait3A_933 = arith.constant 0 : i32
        %dma_wait3A_934 = tpu.memref_slice %arg7[%dma_wait3A_918, %dma_wait3A_932, %dma_wait3A_933] : memref<4x2x80xi32, #tpu.memory_space<vmem>> -> memref<1x2x80xi32, #tpu.memory_space<vmem>>
        %dma_wait3A_935 = tpu.memref_squeeze %dma_wait3A_934 : memref<1x2x80xi32, #tpu.memory_space<vmem>> -> memref<2x80xi32, #tpu.memory_space<vmem>>
        %dma_wait3A_936 = arith.constant 0 : i32
        %dma_wait3A_937 = tpu.memref_slice %dma_wait3A_935[%dma_wait3A_919, %dma_wait3A_936] : memref<2x80xi32, #tpu.memory_space<vmem>> -> memref<1x80xi32, #tpu.memory_space<vmem>>
        %dma_wait3A_938 = tpu.memref_squeeze %dma_wait3A_937 : memref<1x80xi32, #tpu.memory_space<vmem>> -> memref<80xi32, #tpu.memory_space<vmem>>
        %dma_wait3A_939 = arith.constant 0 : i32
        %dma_wait3A_940 = tpu.memref_slice %arg3[%dma_wait3A_939] : memref<100000xi32, #tpu.memory_space<hbm>> -> memref<80xi32, #tpu.memory_space<hbm>>
        tpu.wait_dma2 semaphore(%dma_wait3A_931 : memref<!tpu.dma_semaphore, #tpu.memory_space<semaphore_mem>>) src(%dma_wait3A_940 : memref<80xi32, #tpu.memory_space<hbm>>) dst(%dma_wait3A_938 : memref<80xi32, #tpu.memory_space<vmem>>)
        %get3A = arith.constant 0 : i32
        %get3A_941 = arith.constant 0 : i32
        %get3A_942 = arith.index_cast %get3A : i32 to index
        %get3A_943 = arith.index_cast %get3A_941 : i32 to index
        %get3A_944 = arith.constant 0 : index
        %get3A_945 = tpu.vector_load %arg7[%get3A_942, %get3A_943, %get3A_944] {strides = array<i32>} : memref<4x2x80xi32, #tpu.memory_space<vmem>>, vector<16xi32>,
        tpu.vector_store_idx %arg8[%get3A_945], %broadcast_in_dim3A_552 {add = true} : memref<256xf32, #tpu.memory_space<vmem>>[vector<16xi32>], vector<16xf32>,
        %get3A_946 = arith.constant 0 : i32
        %get3A_947 = arith.constant 0 : i32
        %get3A_948 = arith.index_cast %get3A_946 : i32 to index
        %get3A_949 = arith.index_cast %get3A_947 : i32 to index
        %get3A_950 = arith.constant 16 : index
        %get3A_951 = tpu.vector_load %arg7[%get3A_948, %get3A_949, %get3A_950] {strides = array<i32>} : memref<4x2x80xi32, #tpu.memory_space<vmem>>, vector<16xi32>,
        tpu.vector_store_idx %arg8[%get3A_951], %broadcast_in_dim3A_552 {add = true} : memref<256xf32, #tpu.memory_space<vmem>>[vector<16xi32>], vector<16xf32>,
        %get3A_952 = arith.constant 0 : i32
        %get3A_953 = arith.constant 0 : i32
        %get3A_954 = arith.index_cast %get3A_952 : i32 to index
        %get3A_955 = arith.index_cast %get3A_953 : i32 to index
        %get3A_956 = arith.constant 32 : index
        %get3A_957 = tpu.vector_load %arg7[%get3A_954, %get3A_955, %get3A_956] {strides = array<i32>} : memref<4x2x80xi32, #tpu.memory_space<vmem>>, vector<16xi32>,
        tpu.vector_store_idx %arg8[%get3A_957], %broadcast_in_dim3A_552 {add = true} : memref<256xf32, #tpu.memory_space<vmem>>[vector<16xi32>], vector<16xf32>,
        %get3A_958 = arith.constant 0 : i32
        %get3A_959 = arith.constant 0 : i32
        %get3A_960 = arith.index_cast %get3A_958 : i32 to index
        %get3A_961 = arith.index_cast %get3A_959 : i32 to index
        %get3A_962 = arith.constant 48 : index
        %get3A_963 = tpu.vector_load %arg7[%get3A_960, %get3A_961, %get3A_962] {strides = array<i32>} : memref<4x2x80xi32, #tpu.memory_space<vmem>>, vector<16xi32>,
        tpu.vector_store_idx %arg8[%get3A_963], %broadcast_in_dim3A_552 {add = true} : memref<256xf32, #tpu.memory_space<vmem>>[vector<16xi32>], vector<16xf32>,
        %get3A_964 = arith.constant 0 : i32
        %get3A_965 = arith.constant 0 : i32
        %get3A_966 = arith.index_cast %get3A_964 : i32 to index
        %get3A_967 = arith.index_cast %get3A_965 : i32 to index
        %get3A_968 = arith.constant 64 : index
        %get3A_969 = tpu.vector_load %arg7[%get3A_966, %get3A_967, %get3A_968] {strides = array<i32>} : memref<4x2x80xi32, #tpu.memory_space<vmem>>, vector<16xi32>,
        tpu.vector_store_idx %arg8[%get3A_969], %broadcast_in_dim3A_552 {add = true} : memref<256xf32, #tpu.memory_space<vmem>>[vector<16xi32>], vector<16xf32>,
        %get3A_970 = arith.constant 0 : i32
        %get3A_971 = arith.constant 1 : i32
        %get3A_972 = arith.index_cast %get3A_970 : i32 to index
        %get3A_973 = arith.index_cast %get3A_971 : i32 to index
        %get3A_974 = arith.constant 0 : index
        %get3A_975 = tpu.vector_load %arg7[%get3A_972, %get3A_973, %get3A_974] {strides = array<i32>} : memref<4x2x80xi32, #tpu.memory_space<vmem>>, vector<16xi32>,
        tpu.vector_store_idx %arg8[%get3A_975], %broadcast_in_dim3A_552 {add = true} : memref<256xf32, #tpu.memory_space<vmem>>[vector<16xi32>], vector<16xf32>,
        %get3A_976 = arith.constant 0 : i32
        %get3A_977 = arith.constant 1 : i32
        %get3A_978 = arith.index_cast %get3A_976 : i32 to index
        %get3A_979 = arith.index_cast %get3A_977 : i32 to index
        %get3A_980 = arith.constant 16 : index
        %get3A_981 = tpu.vector_load %arg7[%get3A_978, %get3A_979, %get3A_980] {strides = array<i32>} : memref<4x2x80xi32, #tpu.memory_space<vmem>>, vector<16xi32>,
        tpu.vector_store_idx %arg8[%get3A_981], %broadcast_in_dim3A_552 {add = true} : memref<256xf32, #tpu.memory_space<vmem>>[vector<16xi32>], vector<16xf32>,
        %get3A_982 = arith.constant 0 : i32
        %get3A_983 = arith.constant 1 : i32
        %get3A_984 = arith.index_cast %get3A_982 : i32 to index
        %get3A_985 = arith.index_cast %get3A_983 : i32 to index
        %get3A_986 = arith.constant 32 : index
        %get3A_987 = tpu.vector_load %arg7[%get3A_984, %get3A_985, %get3A_986] {strides = array<i32>} : memref<4x2x80xi32, #tpu.memory_space<vmem>>, vector<16xi32>,
        tpu.vector_store_idx %arg8[%get3A_987], %broadcast_in_dim3A_552 {add = true} : memref<256xf32, #tpu.memory_space<vmem>>[vector<16xi32>], vector<16xf32>,
        %get3A_988 = arith.constant 0 : i32
        %get3A_989 = arith.constant 1 : i32
        %get3A_990 = arith.index_cast %get3A_988 : i32 to index
        %get3A_991 = arith.index_cast %get3A_989 : i32 to index
        %get3A_992 = arith.constant 48 : index
        %get3A_993 = tpu.vector_load %arg7[%get3A_990, %get3A_991, %get3A_992] {strides = array<i32>} : memref<4x2x80xi32, #tpu.memory_space<vmem>>, vector<16xi32>,
        tpu.vector_store_idx %arg8[%get3A_993], %broadcast_in_dim3A_552 {add = true} : memref<256xf32, #tpu.memory_space<vmem>>[vector<16xi32>], vector<16xf32>,
        %get3A_994 = arith.constant 0 : i32
        %get3A_995 = arith.constant 1 : i32
        %get3A_996 = arith.index_cast %get3A_994 : i32 to index
        %get3A_997 = arith.index_cast %get3A_995 : i32 to index
        %get3A_998 = arith.constant 64 : index
        %get3A_999 = tpu.vector_load %arg7[%get3A_996, %get3A_997, %get3A_998] {strides = array<i32>} : memref<4x2x80xi32, #tpu.memory_space<vmem>>, vector<16xi32>,
        tpu.vector_store_idx %arg8[%get3A_999], %broadcast_in_dim3A_552 {add = true} : memref<256xf32, #tpu.memory_space<vmem>>[vector<16xi32>], vector<16xf32>,
        %dma_start3A_1000 = arith.constant 0 : i32
        %dma_start3A_1001 = arith.constant 0 : i32
        %dma_start3A_1002 = arith.constant 0 : i32
        %dma_start3A_1003 = arith.constant 0 : i32
        %dma_start3A_1004 = arith.constant 0 : i32
        %dma_start3A_1005 = arith.constant 0 : i32
        %dma_start3A_1006 = tpu.memref_slice %arg6[%dma_start3A_1000, %dma_start3A_1004, %dma_start3A_1005] : memref<4x160x128xf32, #tpu.memory_space<vmem>> -> memref<1x160x128xf32, #tpu.memory_space<vmem>>
        %dma_start3A_1007 = tpu.memref_squeeze %dma_start3A_1006 : memref<1x160x128xf32, #tpu.memory_space<vmem>> -> memref<160x128xf32, #tpu.memory_space<vmem>>
        %dma_start3A_1008 = arith.constant 0 : i32
        %dma_start3A_1009 = arith.constant 0 : i32
        %dma_start3A_1010 = tpu.memref_slice %dma_start3A_1007[%dma_start3A_1008, %dma_start3A_1009] : memref<160x128xf32, #tpu.memory_space<vmem>> -> memref<80x128xf32, #tpu.memory_space<vmem>>
        %dma_start3A_1011 = arith.constant 0 : i32
        %dma_start3A_1012 = arith.constant 0 : i32
        %dma_start3A_1013 = tpu.memref_slice %arg7[%dma_start3A_1001, %dma_start3A_1011, %dma_start3A_1012] : memref<4x2x80xi32, #tpu.memory_space<vmem>> -> memref<1x2x80xi32, #tpu.memory_space<vmem>>
        %dma_start3A_1014 = tpu.memref_squeeze %dma_start3A_1013 : memref<1x2x80xi32, #tpu.memory_space<vmem>> -> memref<2x80xi32, #tpu.memory_space<vmem>>
        %dma_start3A_1015 = arith.constant 0 : i32
        %dma_start3A_1016 = tpu.memref_slice %dma_start3A_1014[%dma_start3A_1002, %dma_start3A_1015] : memref<2x80xi32, #tpu.memory_space<vmem>> -> memref<1x80xi32, #tpu.memory_space<vmem>>
        %dma_start3A_1017 = tpu.memref_squeeze %dma_start3A_1016 : memref<1x80xi32, #tpu.memory_space<vmem>> -> memref<80xi32, #tpu.memory_space<vmem>>
        %dma_start3A_1018 = arith.constant 0 : i32
        %dma_start3A_1019 = arith.constant 0 : i32
        %dma_start3A_1020 = tpu.memref_slice %arg10[%dma_start3A_1018, %dma_start3A_1019] : memref<256x128xf32, #tpu.memory_space<vmem_shared>> -> memref<256x128xf32, #tpu.memory_space<vmem_shared>>
        %dma_start3A_1021 = tpu.memref_slice %arg12[%dma_start3A_1003] : memref<4x!tpu.dma_semaphore, #tpu.memory_space<semaphore_mem>> -> memref<1x!tpu.dma_semaphore, #tpu.memory_space<semaphore_mem>>
        %dma_start3A_1022 = tpu.memref_squeeze %dma_start3A_1021 : memref<1x!tpu.dma_semaphore, #tpu.memory_space<semaphore_mem>> -> memref<!tpu.dma_semaphore, #tpu.memory_space<semaphore_mem>>
        tpu.enqueue_indirect_dma source(%dma_start3A_1010 : memref<80x128xf32, #tpu.memory_space<vmem>>) target(%dma_start3A_1020 : memref<256x128xf32, #tpu.memory_space<vmem_shared>>) offsets(%dma_start3A_1017 : memref<80xi32, #tpu.memory_space<vmem>>) semaphore(%dma_start3A_1022 : memref<!tpu.dma_semaphore, #tpu.memory_space<semaphore_mem>>) {add = true}
        %dma_start3A_1023 = arith.constant 0 : i32
        %dma_start3A_1024 = arith.constant 0 : i32
        %dma_start3A_1025 = arith.constant 1 : i32
        %dma_start3A_1026 = arith.constant 0 : i32
        %dma_start3A_1027 = arith.constant 0 : i32
        %dma_start3A_1028 = arith.constant 0 : i32
        %dma_start3A_1029 = tpu.memref_slice %arg6[%dma_start3A_1023, %dma_start3A_1027, %dma_start3A_1028] : memref<4x160x128xf32, #tpu.memory_space<vmem>> -> memref<1x160x128xf32, #tpu.memory_space<vmem>>
        %dma_start3A_1030 = tpu.memref_squeeze %dma_start3A_1029 : memref<1x160x128xf32, #tpu.memory_space<vmem>> -> memref<160x128xf32, #tpu.memory_space<vmem>>
        %dma_start3A_1031 = arith.constant 80 : i32
        %dma_start3A_1032 = arith.constant 0 : i32
        %dma_start3A_1033 = tpu.memref_slice %dma_start3A_1030[%dma_start3A_1031, %dma_start3A_1032] : memref<160x128xf32, #tpu.memory_space<vmem>> -> memref<80x128xf32, #tpu.memory_space<vmem>>
        %dma_start3A_1034 = arith.constant 0 : i32
        %dma_start3A_1035 = arith.constant 0 : i32
        %dma_start3A_1036 = tpu.memref_slice %arg7[%dma_start3A_1024, %dma_start3A_1034, %dma_start3A_1035] : memref<4x2x80xi32, #tpu.memory_space<vmem>> -> memref<1x2x80xi32, #tpu.memory_space<vmem>>
        %dma_start3A_1037 = tpu.memref_squeeze %dma_start3A_1036 : memref<1x2x80xi32, #tpu.memory_space<vmem>> -> memref<2x80xi32, #tpu.memory_space<vmem>>
        %dma_start3A_1038 = arith.constant 0 : i32
        %dma_start3A_1039 = tpu.memref_slice %dma_start3A_1037[%dma_start3A_1025, %dma_start3A_1038] : memref<2x80xi32, #tpu.memory_space<vmem>> -> memref<1x80xi32, #tpu.memory_space<vmem>>
        %dma_start3A_1040 = tpu.memref_squeeze %dma_start3A_1039 : memref<1x80xi32, #tpu.memory_space<vmem>> -> memref<80xi32, #tpu.memory_space<vmem>>
        %dma_start3A_1041 = arith.constant 0 : i32
        %dma_start3A_1042 = arith.constant 0 : i32
        %dma_start3A_1043 = tpu.memref_slice %arg10[%dma_start3A_1041, %dma_start3A_1042] : memref<256x128xf32, #tpu.memory_space<vmem_shared>> -> memref<256x128xf32, #tpu.memory_space<vmem_shared>>
        %dma_start3A_1044 = tpu.memref_slice %arg12[%dma_start3A_1026] : memref<4x!tpu.dma_semaphore, #tpu.memory_space<semaphore_mem>> -> memref<1x!tpu.dma_semaphore, #tpu.memory_space<semaphore_mem>>
        %dma_start3A_1045 = tpu.memref_squeeze %dma_start3A_1044 : memref<1x!tpu.dma_semaphore, #tpu.memory_space<semaphore_mem>> -> memref<!tpu.dma_semaphore, #tpu.memory_space<semaphore_mem>>
        tpu.enqueue_indirect_dma source(%dma_start3A_1033 : memref<80x128xf32, #tpu.memory_space<vmem>>) target(%dma_start3A_1043 : memref<256x128xf32, #tpu.memory_space<vmem_shared>>) offsets(%dma_start3A_1040 : memref<80xi32, #tpu.memory_space<vmem>>) semaphore(%dma_start3A_1045 : memref<!tpu.dma_semaphore, #tpu.memory_space<semaphore_mem>>) {add = true}
        %dma_wait3A_1046 = arith.constant 0 : i32
        %dma_wait3A_1047 = arith.constant 0 : i32
        %dma_wait3A_1048 = arith.constant 0 : i32
        %dma_wait3A_1049 = arith.constant 0 : i32
        %dma_wait3A_1050 = arith.constant 0 : i32
        %dma_wait3A_1051 = arith.constant 0 : i32
        %dma_wait3A_1052 = tpu.memref_slice %arg6[%dma_wait3A_1046, %dma_wait3A_1050, %dma_wait3A_1051] : memref<4x160x128xf32, #tpu.memory_space<vmem>> -> memref<1x160x128xf32, #tpu.memory_space<vmem>>
        %dma_wait3A_1053 = tpu.memref_squeeze %dma_wait3A_1052 : memref<1x160x128xf32, #tpu.memory_space<vmem>> -> memref<160x128xf32, #tpu.memory_space<vmem>>
        %dma_wait3A_1054 = arith.constant 0 : i32
        %dma_wait3A_1055 = arith.constant 0 : i32
        %dma_wait3A_1056 = tpu.memref_slice %dma_wait3A_1053[%dma_wait3A_1054, %dma_wait3A_1055] : memref<160x128xf32, #tpu.memory_space<vmem>> -> memref<80x128xf32, #tpu.memory_space<vmem>>
        %dma_wait3A_1057 = arith.constant 0 : i32
        %dma_wait3A_1058 = arith.constant 0 : i32
        %dma_wait3A_1059 = tpu.memref_slice %arg7[%dma_wait3A_1047, %dma_wait3A_1057, %dma_wait3A_1058] : memref<4x2x80xi32, #tpu.memory_space<vmem>> -> memref<1x2x80xi32, #tpu.memory_space<vmem>>
        %dma_wait3A_1060 = tpu.memref_squeeze %dma_wait3A_1059 : memref<1x2x80xi32, #tpu.memory_space<vmem>> -> memref<2x80xi32, #tpu.memory_space<vmem>>
        %dma_wait3A_1061 = arith.constant 0 : i32
        %dma_wait3A_1062 = tpu.memref_slice %dma_wait3A_1060[%dma_wait3A_1048, %dma_wait3A_1061] : memref<2x80xi32, #tpu.memory_space<vmem>> -> memref<1x80xi32, #tpu.memory_space<vmem>>
        %dma_wait3A_1063 = tpu.memref_squeeze %dma_wait3A_1062 : memref<1x80xi32, #tpu.memory_space<vmem>> -> memref<80xi32, #tpu.memory_space<vmem>>
        %dma_wait3A_1064 = arith.constant 0 : i32
        %dma_wait3A_1065 = arith.constant 0 : i32
        %dma_wait3A_1066 = tpu.memref_slice %arg10[%dma_wait3A_1064, %dma_wait3A_1065] : memref<256x128xf32, #tpu.memory_space<vmem_shared>> -> memref<256x128xf32, #tpu.memory_space<vmem_shared>>
        %dma_wait3A_1067 = tpu.memref_slice %arg12[%dma_wait3A_1049] : memref<4x!tpu.dma_semaphore, #tpu.memory_space<semaphore_mem>> -> memref<1x!tpu.dma_semaphore, #tpu.memory_space<semaphore_mem>>
        %dma_wait3A_1068 = tpu.memref_squeeze %dma_wait3A_1067 : memref<1x!tpu.dma_semaphore, #tpu.memory_space<semaphore_mem>> -> memref<!tpu.dma_semaphore, #tpu.memory_space<semaphore_mem>>
        tpu.wait_indirect_dma semaphore(%dma_wait3A_1068 : memref<!tpu.dma_semaphore, #tpu.memory_space<semaphore_mem>>) src(%dma_wait3A_1056 : memref<80x128xf32, #tpu.memory_space<vmem>>) dst(%dma_wait3A_1066 : memref<256x128xf32, #tpu.memory_space<vmem_shared>>)
        %dma_wait3A_1069 = arith.constant 0 : i32
        %dma_wait3A_1070 = arith.constant 0 : i32
        %dma_wait3A_1071 = arith.constant 1 : i32
        %dma_wait3A_1072 = arith.constant 0 : i32
        %dma_wait3A_1073 = arith.constant 0 : i32
        %dma_wait3A_1074 = arith.constant 0 : i32
        %dma_wait3A_1075 = tpu.memref_slice %arg6[%dma_wait3A_1069, %dma_wait3A_1073, %dma_wait3A_1074] : memref<4x160x128xf32, #tpu.memory_space<vmem>> -> memref<1x160x128xf32, #tpu.memory_space<vmem>>
        %dma_wait3A_1076 = tpu.memref_squeeze %dma_wait3A_1075 : memref<1x160x128xf32, #tpu.memory_space<vmem>> -> memref<160x128xf32, #tpu.memory_space<vmem>>
        %dma_wait3A_1077 = arith.constant 80 : i32
        %dma_wait3A_1078 = arith.constant 0 : i32
        %dma_wait3A_1079 = tpu.memref_slice %dma_wait3A_1076[%dma_wait3A_1077, %dma_wait3A_1078] : memref<160x128xf32, #tpu.memory_space<vmem>> -> memref<80x128xf32, #tpu.memory_space<vmem>>
        %dma_wait3A_1080 = arith.constant 0 : i32
        %dma_wait3A_1081 = arith.constant 0 : i32
        %dma_wait3A_1082 = tpu.memref_slice %arg7[%dma_wait3A_1070, %dma_wait3A_1080, %dma_wait3A_1081] : memref<4x2x80xi32, #tpu.memory_space<vmem>> -> memref<1x2x80xi32, #tpu.memory_space<vmem>>
        %dma_wait3A_1083 = tpu.memref_squeeze %dma_wait3A_1082 : memref<1x2x80xi32, #tpu.memory_space<vmem>> -> memref<2x80xi32, #tpu.memory_space<vmem>>
        %dma_wait3A_1084 = arith.constant 0 : i32
        %dma_wait3A_1085 = tpu.memref_slice %dma_wait3A_1083[%dma_wait3A_1071, %dma_wait3A_1084] : memref<2x80xi32, #tpu.memory_space<vmem>> -> memref<1x80xi32, #tpu.memory_space<vmem>>
        %dma_wait3A_1086 = tpu.memref_squeeze %dma_wait3A_1085 : memref<1x80xi32, #tpu.memory_space<vmem>> -> memref<80xi32, #tpu.memory_space<vmem>>
        %dma_wait3A_1087 = arith.constant 0 : i32
        %dma_wait3A_1088 = arith.constant 0 : i32
        %dma_wait3A_1089 = tpu.memref_slice %arg10[%dma_wait3A_1087, %dma_wait3A_1088] : memref<256x128xf32, #tpu.memory_space<vmem_shared>> -> memref<256x128xf32, #tpu.memory_space<vmem_shared>>
        %dma_wait3A_1090 = tpu.memref_slice %arg12[%dma_wait3A_1072] : memref<4x!tpu.dma_semaphore, #tpu.memory_space<semaphore_mem>> -> memref<1x!tpu.dma_semaphore, #tpu.memory_space<semaphore_mem>>
        %dma_wait3A_1091 = tpu.memref_squeeze %dma_wait3A_1090 : memref<1x!tpu.dma_semaphore, #tpu.memory_space<semaphore_mem>> -> memref<!tpu.dma_semaphore, #tpu.memory_space<semaphore_mem>>
        tpu.wait_indirect_dma semaphore(%dma_wait3A_1091 : memref<!tpu.dma_semaphore, #tpu.memory_space<semaphore_mem>>) src(%dma_wait3A_1079 : memref<80x128xf32, #tpu.memory_space<vmem>>) dst(%dma_wait3A_1089 : memref<256x128xf32, #tpu.memory_space<vmem_shared>>)
        %add3A_1092 = arith.constant 4 : i32
        %add3A_1093 = arith.addi %add3A_857, %add3A_1092 : i32
        %lt3A_1094 = arith.cmpi slt, %add3A_1093, %add3A_550 : i32
        %convert_element_type3A_1095 = arith.extui %lt3A_1094 : i1 to i32
        %cond3A_1096 = arith.constant 0 : i32
        %cond3A_1097 = arith.cmpi ne, %convert_element_type3A_1095, %cond3A_1096 : i32
        scf.if %cond3A_1097 {
          %add3A_1098 = arith.constant 4 : i32
          %add3A_1099 = arith.addi %add3A_857, %add3A_1098 : i32
          %mul3A_1100 = arith.constant 32 : i32
          %mul3A_1101 = arith.muli %add3A_1099, %mul3A_1100 : i32
          %add3A_1102 = arith.addi %add3A, %mul3A_1101 : i32
          %mul3A_1103 = arith.constant 160 : i32
          %mul3A_1104 = arith.muli %add3A_1102, %mul3A_1103 : i32
          %dma_start3A_1105 = arith.constant 0 : i32
          %dma_start3A_1106 = arith.constant 0 : i32
          %dma_start3A_1107 = arith.constant 0 : i32
          %dma_start3A_1108 = arith.constant 0 : i32
          %dma_start3A_1109 = tpu.memref_slice %arg6[%dma_start3A_1105, %dma_start3A_1107, %dma_start3A_1108] : memref<4x160x128xf32, #tpu.memory_space<vmem>> -> memref<1x160x128xf32, #tpu.memory_space<vmem>>
          %dma_start3A_1110 = tpu.memref_squeeze %dma_start3A_1109 : memref<1x160x128xf32, #tpu.memory_space<vmem>> -> memref<160x128xf32, #tpu.memory_space<vmem>>
          %dma_start3A_1111 = arith.constant 0 : i32
          %dma_start3A_1112 = tpu.memref_slice %arg2[%mul3A_1104, %dma_start3A_1111] : memref<100000x128xf32, #tpu.memory_space<hbm>> -> memref<160x128xf32, #tpu.memory_space<hbm>>
          %dma_start3A_1113 = tpu.memref_slice %arg11[%dma_start3A_1106] : memref<4x!tpu.dma_semaphore, #tpu.memory_space<semaphore_mem>> -> memref<1x!tpu.dma_semaphore, #tpu.memory_space<semaphore_mem>>
          %dma_start3A_1114 = tpu.memref_squeeze %dma_start3A_1113 : memref<1x!tpu.dma_semaphore, #tpu.memory_space<semaphore_mem>> -> memref<!tpu.dma_semaphore, #tpu.memory_space<semaphore_mem>>
          %dma_start3A_1115 = arith.constant 0 : i32
          %dma_start3A_1116 = arith.constant 0 : i32
          %dma_start3A_1117 = tpu.memref_slice %arg6[%dma_start3A_1105, %dma_start3A_1115, %dma_start3A_1116] : memref<4x160x128xf32, #tpu.memory_space<vmem>> -> memref<1x160x128xf32, #tpu.memory_space<vmem>>
          %dma_start3A_1118 = tpu.memref_squeeze %dma_start3A_1117 : memref<1x160x128xf32, #tpu.memory_space<vmem>> -> memref<160x128xf32, #tpu.memory_space<vmem>>
          %dma_start3A_1119 = arith.constant 0 : i32
          %dma_start3A_1120 = tpu.memref_slice %arg2[%mul3A_1104, %dma_start3A_1119] : memref<100000x128xf32, #tpu.memory_space<hbm>> -> memref<160x128xf32, #tpu.memory_space<hbm>>
          tpu.enqueue_dma source(%dma_start3A_1120 : memref<160x128xf32, #tpu.memory_space<hbm>>) target(%dma_start3A_1118 : memref<160x128xf32, #tpu.memory_space<vmem>>) target_semaphore(%dma_start3A_1114 : memref<!tpu.dma_semaphore, #tpu.memory_space<semaphore_mem>>)
          %mul3A_1121 = arith.constant 160 : i32
          %mul3A_1122 = arith.muli %add3A_1102, %mul3A_1121 : i32
          %add3A_1123 = arith.constant 0 : i32
          %add3A_1124 = arith.addi %mul3A_1122, %add3A_1123 : i32
          %dma_start3A_1125 = arith.constant 0 : i32
          %dma_start3A_1126 = arith.constant 0 : i32
          %dma_start3A_1127 = arith.constant 0 : i32
          %dma_start3A_1128 = arith.constant 0 : i32
          %dma_start3A_1129 = arith.constant 0 : i32
          %dma_start3A_1130 = tpu.memref_slice %arg7[%dma_start3A_1125, %dma_start3A_1128, %dma_start3A_1129] : memref<4x2x80xi32, #tpu.memory_space<vmem>> -> memref<1x2x80xi32, #tpu.memory_space<vmem>>
          %dma_start3A_1131 = tpu.memref_squeeze %dma_start3A_1130 : memref<1x2x80xi32, #tpu.memory_space<vmem>> -> memref<2x80xi32, #tpu.memory_space<vmem>>
          %dma_start3A_1132 = arith.constant 0 : i32
          %dma_start3A_1133 = tpu.memref_slice %dma_start3A_1131[%dma_start3A_1126, %dma_start3A_1132] : memref<2x80xi32, #tpu.memory_space<vmem>> -> memref<1x80xi32, #tpu.memory_space<vmem>>
          %dma_start3A_1134 = tpu.memref_squeeze %dma_start3A_1133 : memref<1x80xi32, #tpu.memory_space<vmem>> -> memref<80xi32, #tpu.memory_space<vmem>>
          %dma_start3A_1135 = tpu.memref_slice %arg3[%add3A_1124] : memref<100000xi32, #tpu.memory_space<hbm>> -> memref<80xi32, #tpu.memory_space<hbm>>
          %dma_start3A_1136 = tpu.memref_slice %arg11[%dma_start3A_1127] : memref<4x!tpu.dma_semaphore, #tpu.memory_space<semaphore_mem>> -> memref<1x!tpu.dma_semaphore, #tpu.memory_space<semaphore_mem>>
          %dma_start3A_1137 = tpu.memref_squeeze %dma_start3A_1136 : memref<1x!tpu.dma_semaphore, #tpu.memory_space<semaphore_mem>> -> memref<!tpu.dma_semaphore, #tpu.memory_space<semaphore_mem>>
          %dma_start3A_1138 = arith.constant 0 : i32
          %dma_start3A_1139 = arith.constant 0 : i32
          %dma_start3A_1140 = tpu.memref_slice %arg7[%dma_start3A_1125, %dma_start3A_1138, %dma_start3A_1139] : memref<4x2x80xi32, #tpu.memory_space<vmem>> -> memref<1x2x80xi32, #tpu.memory_space<vmem>>
          %dma_start3A_1141 = tpu.memref_squeeze %dma_start3A_1140 : memref<1x2x80xi32, #tpu.memory_space<vmem>> -> memref<2x80xi32, #tpu.memory_space<vmem>>
          %dma_start3A_1142 = arith.constant 0 : i32
          %dma_start3A_1143 = tpu.memref_slice %dma_start3A_1141[%dma_start3A_1126, %dma_start3A_1142] : memref<2x80xi32, #tpu.memory_space<vmem>> -> memref<1x80xi32, #tpu.memory_space<vmem>>
          %dma_start3A_1144 = tpu.memref_squeeze %dma_start3A_1143 : memref<1x80xi32, #tpu.memory_space<vmem>> -> memref<80xi32, #tpu.memory_space<vmem>>
          %dma_start3A_1145 = tpu.memref_slice %arg3[%add3A_1124] : memref<100000xi32, #tpu.memory_space<hbm>> -> memref<80xi32, #tpu.memory_space<hbm>>
          tpu.enqueue_dma source(%dma_start3A_1145 : memref<80xi32, #tpu.memory_space<hbm>>) target(%dma_start3A_1144 : memref<80xi32, #tpu.memory_space<vmem>>) target_semaphore(%dma_start3A_1137 : memref<!tpu.dma_semaphore, #tpu.memory_space<semaphore_mem>>)
          %mul3A_1146 = arith.constant 160 : i32
          %mul3A_1147 = arith.muli %add3A_1102, %mul3A_1146 : i32
          %add3A_1148 = arith.constant 80 : i32
          %add3A_1149 = arith.addi %mul3A_1147, %add3A_1148 : i32
          %dma_start3A_1150 = arith.constant 0 : i32
          %dma_start3A_1151 = arith.constant 1 : i32
          %dma_start3A_1152 = arith.constant 0 : i32
          %dma_start3A_1153 = arith.constant 0 : i32
          %dma_start3A_1154 = arith.constant 0 : i32
          %dma_start3A_1155 = tpu.memref_slice %arg7[%dma_start3A_1150, %dma_start3A_1153, %dma_start3A_1154] : memref<4x2x80xi32, #tpu.memory_space<vmem>> -> memref<1x2x80xi32, #tpu.memory_space<vmem>>
          %dma_start3A_1156 = tpu.memref_squeeze %dma_start3A_1155 : memref<1x2x80xi32, #tpu.memory_space<vmem>> -> memref<2x80xi32, #tpu.memory_space<vmem>>
          %dma_start3A_1157 = arith.constant 0 : i32
          %dma_start3A_1158 = tpu.memref_slice %dma_start3A_1156[%dma_start3A_1151, %dma_start3A_1157] : memref<2x80xi32, #tpu.memory_space<vmem>> -> memref<1x80xi32, #tpu.memory_space<vmem>>
          %dma_start3A_1159 = tpu.memref_squeeze %dma_start3A_1158 : memref<1x80xi32, #tpu.memory_space<vmem>> -> memref<80xi32, #tpu.memory_space<vmem>>
          %dma_start3A_1160 = tpu.memref_slice %arg3[%add3A_1149] : memref<100000xi32, #tpu.memory_space<hbm>> -> memref<80xi32, #tpu.memory_space<hbm>>
          %dma_start3A_1161 = tpu.memref_slice %arg11[%dma_start3A_1152] : memref<4x!tpu.dma_semaphore, #tpu.memory_space<semaphore_mem>> -> memref<1x!tpu.dma_semaphore, #tpu.memory_space<semaphore_mem>>
          %dma_start3A_1162 = tpu.memref_squeeze %dma_start3A_1161 : memref<1x!tpu.dma_semaphore, #tpu.memory_space<semaphore_mem>> -> memref<!tpu.dma_semaphore, #tpu.memory_space<semaphore_mem>>
          %dma_start3A_1163 = arith.constant 0 : i32
          %dma_start3A_1164 = arith.constant 0 : i32
          %dma_start3A_1165 = tpu.memref_slice %arg7[%dma_start3A_1150, %dma_start3A_1163, %dma_start3A_1164] : memref<4x2x80xi32, #tpu.memory_space<vmem>> -> memref<1x2x80xi32, #tpu.memory_space<vmem>>
          %dma_start3A_1166 = tpu.memref_squeeze %dma_start3A_1165 : memref<1x2x80xi32, #tpu.memory_space<vmem>> -> memref<2x80xi32, #tpu.memory_space<vmem>>
          %dma_start3A_1167 = arith.constant 0 : i32
          %dma_start3A_1168 = tpu.memref_slice %dma_start3A_1166[%dma_start3A_1151, %dma_start3A_1167] : memref<2x80xi32, #tpu.memory_space<vmem>> -> memref<1x80xi32, #tpu.memory_space<vmem>>
          %dma_start3A_1169 = tpu.memref_squeeze %dma_start3A_1168 : memref<1x80xi32, #tpu.memory_space<vmem>> -> memref<80xi32, #tpu.memory_space<vmem>>
          %dma_start3A_1170 = tpu.memref_slice %arg3[%add3A_1149] : memref<100000xi32, #tpu.memory_space<hbm>> -> memref<80xi32, #tpu.memory_space<hbm>>
          tpu.enqueue_dma source(%dma_start3A_1170 : memref<80xi32, #tpu.memory_space<hbm>>) target(%dma_start3A_1169 : memref<80xi32, #tpu.memory_space<vmem>>) target_semaphore(%dma_start3A_1162 : memref<!tpu.dma_semaphore, #tpu.memory_space<semaphore_mem>>)
        } else {
        }
      } else {
      }
      %add3A_860 = arith.constant 1 : i32
      %add3A_861 = arith.addi %add3A_855, %add3A_860 : i32
      %lt3A_862 = arith.cmpi slt, %add3A_861, %add3A_550 : i32
      %convert_element_type3A_863 = arith.extui %lt3A_862 : i1 to i32
      %cond3A_864 = arith.constant 0 : i32
      %cond3A_865 = arith.cmpi ne, %convert_element_type3A_863, %cond3A_864 : i32
      scf.if %cond3A_865 {
        %dma_wait3A = arith.constant 1 : i32
        %dma_wait3A_878 = arith.constant 1 : i32
        %dma_wait3A_879 = arith.constant 0 : i32
        %dma_wait3A_880 = arith.constant 0 : i32
        %dma_wait3A_881 = tpu.memref_slice %arg6[%dma_wait3A, %dma_wait3A_879, %dma_wait3A_880] : memref<4x160x128xf32, #tpu.memory_space<vmem>> -> memref<1x160x128xf32, #tpu.memory_space<vmem>>
        %dma_wait3A_882 = tpu.memref_squeeze %dma_wait3A_881 : memref<1x160x128xf32, #tpu.memory_space<vmem>> -> memref<160x128xf32, #tpu.memory_space<vmem>>
        %dma_wait3A_883 = arith.constant 0 : i32
        %dma_wait3A_884 = arith.constant 0 : i32
        %dma_wait3A_885 = tpu.memref_slice %arg2[%dma_wait3A_883, %dma_wait3A_884] : memref<100000x128xf32, #tpu.memory_space<hbm>> -> memref<160x128xf32, #tpu.memory_space<hbm>>
        %dma_wait3A_886 = tpu.memref_slice %arg11[%dma_wait3A_878] : memref<4x!tpu.dma_semaphore, #tpu.memory_space<semaphore_mem>> -> memref<1x!tpu.dma_semaphore, #tpu.memory_space<semaphore_mem>>
        %dma_wait3A_887 = tpu.memref_squeeze %dma_wait3A_886 : memref<1x!tpu.dma_semaphore, #tpu.memory_space<semaphore_mem>> -> memref<!tpu.dma_semaphore, #tpu.memory_space<semaphore_mem>>
        %dma_wait3A_888 = arith.constant 0 : i32
        %dma_wait3A_889 = arith.constant 0 : i32
        %dma_wait3A_890 = tpu.memref_slice %arg6[%dma_wait3A, %dma_wait3A_888, %dma_wait3A_889] : memref<4x160x128xf32, #tpu.memory_space<vmem>> -> memref<1x160x128xf32, #tpu.memory_space<vmem>>
        %dma_wait3A_891 = tpu.memref_squeeze %dma_wait3A_890 : memref<1x160x128xf32, #tpu.memory_space<vmem>> -> memref<160x128xf32, #tpu.memory_space<vmem>>
        %dma_wait3A_892 = arith.constant 0 : i32
        %dma_wait3A_893 = arith.constant 0 : i32
        %dma_wait3A_894 = tpu.memref_slice %arg2[%dma_wait3A_892, %dma_wait3A_893] : memref<100000x128xf32, #tpu.memory_space<hbm>> -> memref<160x128xf32, #tpu.memory_space<hbm>>
        tpu.wait_dma2 semaphore(%dma_wait3A_887 : memref<!tpu.dma_semaphore, #tpu.memory_space<semaphore_mem>>) src(%dma_wait3A_894 : memref<160x128xf32, #tpu.memory_space<hbm>>) dst(%dma_wait3A_891 : memref<160x128xf32, #tpu.memory_space<vmem>>)
        %dma_wait3A_895 = arith.constant 1 : i32
        %dma_wait3A_896 = arith.constant 0 : i32
        %dma_wait3A_897 = arith.constant 1 : i32
        %dma_wait3A_898 = arith.constant 0 : i32
        %dma_wait3A_899 = arith.constant 0 : i32
        %dma_wait3A_900 = tpu.memref_slice %arg7[%dma_wait3A_895, %dma_wait3A_898, %dma_wait3A_899] : memref<4x2x80xi32, #tpu.memory_space<vmem>> -> memref<1x2x80xi32, #tpu.memory_space<vmem>>
        %dma_wait3A_901 = tpu.memref_squeeze %dma_wait3A_900 : memref<1x2x80xi32, #tpu.memory_space<vmem>> -> memref<2x80xi32, #tpu.memory_space<vmem>>
        %dma_wait3A_902 = arith.constant 0 : i32
        %dma_wait3A_903 = tpu.memref_slice %dma_wait3A_901[%dma_wait3A_896, %dma_wait3A_902] : memref<2x80xi32, #tpu.memory_space<vmem>> -> memref<1x80xi32, #tpu.memory_space<vmem>>
        %dma_wait3A_904 = tpu.memref_squeeze %dma_wait3A_903 : memref<1x80xi32, #tpu.memory_space<vmem>> -> memref<80xi32, #tpu.memory_space<vmem>>
        %dma_wait3A_905 = arith.constant 0 : i32
        %dma_wait3A_906 = tpu.memref_slice %arg3[%dma_wait3A_905] : memref<100000xi32, #tpu.memory_space<hbm>> -> memref<80xi32, #tpu.memory_space<hbm>>
        %dma_wait3A_907 = tpu.memref_slice %arg11[%dma_wait3A_897] : memref<4x!tpu.dma_semaphore, #tpu.memory_space<semaphore_mem>> -> memref<1x!tpu.dma_semaphore, #tpu.memory_space<semaphore_mem>>
        %dma_wait3A_908 = tpu.memref_squeeze %dma_wait3A_907 : memref<1x!tpu.dma_semaphore, #tpu.memory_space<semaphore_mem>> -> memref<!tpu.dma_semaphore, #tpu.memory_space<semaphore_mem>>
        %dma_wait3A_909 = arith.constant 0 : i32
        %dma_wait3A_910 = arith.constant 0 : i32
        %dma_wait3A_911 = tpu.memref_slice %arg7[%dma_wait3A_895, %dma_wait3A_909, %dma_wait3A_910] : memref<4x2x80xi32, #tpu.memory_space<vmem>> -> memref<1x2x80xi32, #tpu.memory_space<vmem>>
        %dma_wait3A_912 = tpu.memref_squeeze %dma_wait3A_911 : memref<1x2x80xi32, #tpu.memory_space<vmem>> -> memref<2x80xi32, #tpu.memory_space<vmem>>
        %dma_wait3A_913 = arith.constant 0 : i32
        %dma_wait3A_914 = tpu.memref_slice %dma_wait3A_912[%dma_wait3A_896, %dma_wait3A_913] : memref<2x80xi32, #tpu.memory_space<vmem>> -> memref<1x80xi32, #tpu.memory_space<vmem>>
        %dma_wait3A_915 = tpu.memref_squeeze %dma_wait3A_914 : memref<1x80xi32, #tpu.memory_space<vmem>> -> memref<80xi32, #tpu.memory_space<vmem>>
        %dma_wait3A_916 = arith.constant 0 : i32
        %dma_wait3A_917 = tpu.memref_slice %arg3[%dma_wait3A_916] : memref<100000xi32, #tpu.memory_space<hbm>> -> memref<80xi32, #tpu.memory_space<hbm>>
        tpu.wait_dma2 semaphore(%dma_wait3A_908 : memref<!tpu.dma_semaphore, #tpu.memory_space<semaphore_mem>>) src(%dma_wait3A_917 : memref<80xi32, #tpu.memory_space<hbm>>) dst(%dma_wait3A_915 : memref<80xi32, #tpu.memory_space<vmem>>)
        %dma_wait3A_918 = arith.constant 1 : i32
        %dma_wait3A_919 = arith.constant 1 : i32
        %dma_wait3A_920 = arith.constant 1 : i32
        %dma_wait3A_921 = arith.constant 0 : i32
        %dma_wait3A_922 = arith.constant 0 : i32
        %dma_wait3A_923 = tpu.memref_slice %arg7[%dma_wait3A_918, %dma_wait3A_921, %dma_wait3A_922] : memref<4x2x80xi32, #tpu.memory_space<vmem>> -> memref<1x2x80xi32, #tpu.memory_space<vmem>>
        %dma_wait3A_924 = tpu.memref_squeeze %dma_wait3A_923 : memref<1x2x80xi32, #tpu.memory_space<vmem>> -> memref<2x80xi32, #tpu.memory_space<vmem>>
        %dma_wait3A_925 = arith.constant 0 : i32
        %dma_wait3A_926 = tpu.memref_slice %dma_wait3A_924[%dma_wait3A_919, %dma_wait3A_925] : memref<2x80xi32, #tpu.memory_space<vmem>> -> memref<1x80xi32, #tpu.memory_space<vmem>>
        %dma_wait3A_927 = tpu.memref_squeeze %dma_wait3A_926 : memref<1x80xi32, #tpu.memory_space<vmem>> -> memref<80xi32, #tpu.memory_space<vmem>>
        %dma_wait3A_928 = arith.constant 0 : i32
        %dma_wait3A_929 = tpu.memref_slice %arg3[%dma_wait3A_928] : memref<100000xi32, #tpu.memory_space<hbm>> -> memref<80xi32, #tpu.memory_space<hbm>>
        %dma_wait3A_930 = tpu.memref_slice %arg11[%dma_wait3A_920] : memref<4x!tpu.dma_semaphore, #tpu.memory_space<semaphore_mem>> -> memref<1x!tpu.dma_semaphore, #tpu.memory_space<semaphore_mem>>
        %dma_wait3A_931 = tpu.memref_squeeze %dma_wait3A_930 : memref<1x!tpu.dma_semaphore, #tpu.memory_space<semaphore_mem>> -> memref<!tpu.dma_semaphore, #tpu.memory_space<semaphore_mem>>
        %dma_wait3A_932 = arith.constant 0 : i32
        %dma_wait3A_933 = arith.constant 0 : i32
        %dma_wait3A_934 = tpu.memref_slice %arg7[%dma_wait3A_918, %dma_wait3A_932, %dma_wait3A_933] : memref<4x2x80xi32, #tpu.memory_space<vmem>> -> memref<1x2x80xi32, #tpu.memory_space<vmem>>
        %dma_wait3A_935 = tpu.memref_squeeze %dma_wait3A_934 : memref<1x2x80xi32, #tpu.memory_space<vmem>> -> memref<2x80xi32, #tpu.memory_space<vmem>>
        %dma_wait3A_936 = arith.constant 0 : i32
        %dma_wait3A_937 = tpu.memref_slice %dma_wait3A_935[%dma_wait3A_919, %dma_wait3A_936] : memref<2x80xi32, #tpu.memory_space<vmem>> -> memref<1x80xi32, #tpu.memory_space<vmem>>
        %dma_wait3A_938 = tpu.memref_squeeze %dma_wait3A_937 : memref<1x80xi32, #tpu.memory_space<vmem>> -> memref<80xi32, #tpu.memory_space<vmem>>
        %dma_wait3A_939 = arith.constant 0 : i32
        %dma_wait3A_940 = tpu.memref_slice %arg3[%dma_wait3A_939] : memref<100000xi32, #tpu.memory_space<hbm>> -> memref<80xi32, #tpu.memory_space<hbm>>
        tpu.wait_dma2 semaphore(%dma_wait3A_931 : memref<!tpu.dma_semaphore, #tpu.memory_space<semaphore_mem>>) src(%dma_wait3A_940 : memref<80xi32, #tpu.memory_space<hbm>>) dst(%dma_wait3A_938 : memref<80xi32, #tpu.memory_space<vmem>>)
        %get3A = arith.constant 1 : i32
        %get3A_941 = arith.constant 0 : i32
        %get3A_942 = arith.index_cast %get3A : i32 to index
        %get3A_943 = arith.index_cast %get3A_941 : i32 to index
        %get3A_944 = arith.constant 0 : index
        %get3A_945 = tpu.vector_load %arg7[%get3A_942, %get3A_943, %get3A_944] {strides = array<i32>} : memref<4x2x80xi32, #tpu.memory_space<vmem>>, vector<16xi32>,
        tpu.vector_store_idx %arg8[%get3A_945], %broadcast_in_dim3A_552 {add = true} : memref<256xf32, #tpu.memory_space<vmem>>[vector<16xi32>], vector<16xf32>,
        %get3A_946 = arith.constant 1 : i32
        %get3A_947 = arith.constant 0 : i32
        %get3A_948 = arith.index_cast %get3A_946 : i32 to index
        %get3A_949 = arith.index_cast %get3A_947 : i32 to index
        %get3A_950 = arith.constant 16 : index
        %get3A_951 = tpu.vector_load %arg7[%get3A_948, %get3A_949, %get3A_950] {strides = array<i32>} : memref<4x2x80xi32, #tpu.memory_space<vmem>>, vector<16xi32>,
        tpu.vector_store_idx %arg8[%get3A_951], %broadcast_in_dim3A_552 {add = true} : memref<256xf32, #tpu.memory_space<vmem>>[vector<16xi32>], vector<16xf32>,
        %get3A_952 = arith.constant 1 : i32
        %get3A_953 = arith.constant 0 : i32
        %get3A_954 = arith.index_cast %get3A_952 : i32 to index
        %get3A_955 = arith.index_cast %get3A_953 : i32 to index
        %get3A_956 = arith.constant 32 : index
        %get3A_957 = tpu.vector_load %arg7[%get3A_954, %get3A_955, %get3A_956] {strides = array<i32>} : memref<4x2x80xi32, #tpu.memory_space<vmem>>, vector<16xi32>,
        tpu.vector_store_idx %arg8[%get3A_957], %broadcast_in_dim3A_552 {add = true} : memref<256xf32, #tpu.memory_space<vmem>>[vector<16xi32>], vector<16xf32>,
        %get3A_958 = arith.constant 1 : i32
        %get3A_959 = arith.constant 0 : i32
        %get3A_960 = arith.index_cast %get3A_958 : i32 to index
        %get3A_961 = arith.index_cast %get3A_959 : i32 to index
        %get3A_962 = arith.constant 48 : index
        %get3A_963 = tpu.vector_load %arg7[%get3A_960, %get3A_961, %get3A_962] {strides = array<i32>} : memref<4x2x80xi32, #tpu.memory_space<vmem>>, vector<16xi32>,
        tpu.vector_store_idx %arg8[%get3A_963], %broadcast_in_dim3A_552 {add = true} : memref<256xf32, #tpu.memory_space<vmem>>[vector<16xi32>], vector<16xf32>,
        %get3A_964 = arith.constant 1 : i32
        %get3A_965 = arith.constant 0 : i32
        %get3A_966 = arith.index_cast %get3A_964 : i32 to index
        %get3A_967 = arith.index_cast %get3A_965 : i32 to index
        %get3A_968 = arith.constant 64 : index
        %get3A_969 = tpu.vector_load %arg7[%get3A_966, %get3A_967, %get3A_968] {strides = array<i32>} : memref<4x2x80xi32, #tpu.memory_space<vmem>>, vector<16xi32>,
        tpu.vector_store_idx %arg8[%get3A_969], %broadcast_in_dim3A_552 {add = true} : memref<256xf32, #tpu.memory_space<vmem>>[vector<16xi32>], vector<16xf32>,
        %get3A_970 = arith.constant 1 : i32
        %get3A_971 = arith.constant 1 : i32
        %get3A_972 = arith.index_cast %get3A_970 : i32 to index
        %get3A_973 = arith.index_cast %get3A_971 : i32 to index
        %get3A_974 = arith.constant 0 : index
        %get3A_975 = tpu.vector_load %arg7[%get3A_972, %get3A_973, %get3A_974] {strides = array<i32>} : memref<4x2x80xi32, #tpu.memory_space<vmem>>, vector<16xi32>,
        tpu.vector_store_idx %arg8[%get3A_975], %broadcast_in_dim3A_552 {add = true} : memref<256xf32, #tpu.memory_space<vmem>>[vector<16xi32>], vector<16xf32>,
        %get3A_976 = arith.constant 1 : i32
        %get3A_977 = arith.constant 1 : i32
        %get3A_978 = arith.index_cast %get3A_976 : i32 to index
        %get3A_979 = arith.index_cast %get3A_977 : i32 to index
        %get3A_980 = arith.constant 16 : index
        %get3A_981 = tpu.vector_load %arg7[%get3A_978, %get3A_979, %get3A_980] {strides = array<i32>} : memref<4x2x80xi32, #tpu.memory_space<vmem>>, vector<16xi32>,
        tpu.vector_store_idx %arg8[%get3A_981], %broadcast_in_dim3A_552 {add = true} : memref<256xf32, #tpu.memory_space<vmem>>[vector<16xi32>], vector<16xf32>,
        %get3A_982 = arith.constant 1 : i32
        %get3A_983 = arith.constant 1 : i32
        %get3A_984 = arith.index_cast %get3A_982 : i32 to index
        %get3A_985 = arith.index_cast %get3A_983 : i32 to index
        %get3A_986 = arith.constant 32 : index
        %get3A_987 = tpu.vector_load %arg7[%get3A_984, %get3A_985, %get3A_986] {strides = array<i32>} : memref<4x2x80xi32, #tpu.memory_space<vmem>>, vector<16xi32>,
        tpu.vector_store_idx %arg8[%get3A_987], %broadcast_in_dim3A_552 {add = true} : memref<256xf32, #tpu.memory_space<vmem>>[vector<16xi32>], vector<16xf32>,
        %get3A_988 = arith.constant 1 : i32
        %get3A_989 = arith.constant 1 : i32
        %get3A_990 = arith.index_cast %get3A_988 : i32 to index
        %get3A_991 = arith.index_cast %get3A_989 : i32 to index
        %get3A_992 = arith.constant 48 : index
        %get3A_993 = tpu.vector_load %arg7[%get3A_990, %get3A_991, %get3A_992] {strides = array<i32>} : memref<4x2x80xi32, #tpu.memory_space<vmem>>, vector<16xi32>,
        tpu.vector_store_idx %arg8[%get3A_993], %broadcast_in_dim3A_552 {add = true} : memref<256xf32, #tpu.memory_space<vmem>>[vector<16xi32>], vector<16xf32>,
        %get3A_994 = arith.constant 1 : i32
        %get3A_995 = arith.constant 1 : i32
        %get3A_996 = arith.index_cast %get3A_994 : i32 to index
        %get3A_997 = arith.index_cast %get3A_995 : i32 to index
        %get3A_998 = arith.constant 64 : index
        %get3A_999 = tpu.vector_load %arg7[%get3A_996, %get3A_997, %get3A_998] {strides = array<i32>} : memref<4x2x80xi32, #tpu.memory_space<vmem>>, vector<16xi32>,
        tpu.vector_store_idx %arg8[%get3A_999], %broadcast_in_dim3A_552 {add = true} : memref<256xf32, #tpu.memory_space<vmem>>[vector<16xi32>], vector<16xf32>,
        %dma_start3A_1000 = arith.constant 1 : i32
        %dma_start3A_1001 = arith.constant 1 : i32
        %dma_start3A_1002 = arith.constant 0 : i32
        %dma_start3A_1003 = arith.constant 1 : i32
        %dma_start3A_1004 = arith.constant 0 : i32
        %dma_start3A_1005 = arith.constant 0 : i32
        %dma_start3A_1006 = tpu.memref_slice %arg6[%dma_start3A_1000, %dma_start3A_1004, %dma_start3A_1005] : memref<4x160x128xf32, #tpu.memory_space<vmem>> -> memref<1x160x128xf32, #tpu.memory_space<vmem>>
        %dma_start3A_1007 = tpu.memref_squeeze %dma_start3A_1006 : memref<1x160x128xf32, #tpu.memory_space<vmem>> -> memref<160x128xf32, #tpu.memory_space<vmem>>
        %dma_start3A_1008 = arith.constant 0 : i32
        %dma_start3A_1009 = arith.constant 0 : i32
        %dma_start3A_1010 = tpu.memref_slice %dma_start3A_1007[%dma_start3A_1008, %dma_start3A_1009] : memref<160x128xf32, #tpu.memory_space<vmem>> -> memref<80x128xf32, #tpu.memory_space<vmem>>
        %dma_start3A_1011 = arith.constant 0 : i32
        %dma_start3A_1012 = arith.constant 0 : i32
        %dma_start3A_1013 = tpu.memref_slice %arg7[%dma_start3A_1001, %dma_start3A_1011, %dma_start3A_1012] : memref<4x2x80xi32, #tpu.memory_space<vmem>> -> memref<1x2x80xi32, #tpu.memory_space<vmem>>
        %dma_start3A_1014 = tpu.memref_squeeze %dma_start3A_1013 : memref<1x2x80xi32, #tpu.memory_space<vmem>> -> memref<2x80xi32, #tpu.memory_space<vmem>>
        %dma_start3A_1015 = arith.constant 0 : i32
        %dma_start3A_1016 = tpu.memref_slice %dma_start3A_1014[%dma_start3A_1002, %dma_start3A_1015] : memref<2x80xi32, #tpu.memory_space<vmem>> -> memref<1x80xi32, #tpu.memory_space<vmem>>
        %dma_start3A_1017 = tpu.memref_squeeze %dma_start3A_1016 : memref<1x80xi32, #tpu.memory_space<vmem>> -> memref<80xi32, #tpu.memory_space<vmem>>
        %dma_start3A_1018 = arith.constant 0 : i32
        %dma_start3A_1019 = arith.constant 0 : i32
        %dma_start3A_1020 = tpu.memref_slice %arg10[%dma_start3A_1018, %dma_start3A_1019] : memref<256x128xf32, #tpu.memory_space<vmem_shared>> -> memref<256x128xf32, #tpu.memory_space<vmem_shared>>
        %dma_start3A_1021 = tpu.memref_slice %arg12[%dma_start3A_1003] : memref<4x!tpu.dma_semaphore, #tpu.memory_space<semaphore_mem>> -> memref<1x!tpu.dma_semaphore, #tpu.memory_space<semaphore_mem>>
        %dma_start3A_1022 = tpu.memref_squeeze %dma_start3A_1021 : memref<1x!tpu.dma_semaphore, #tpu.memory_space<semaphore_mem>> -> memref<!tpu.dma_semaphore, #tpu.memory_space<semaphore_mem>>
        tpu.enqueue_indirect_dma source(%dma_start3A_1010 : memref<80x128xf32, #tpu.memory_space<vmem>>) target(%dma_start3A_1020 : memref<256x128xf32, #tpu.memory_space<vmem_shared>>) offsets(%dma_start3A_1017 : memref<80xi32, #tpu.memory_space<vmem>>) semaphore(%dma_start3A_1022 : memref<!tpu.dma_semaphore, #tpu.memory_space<semaphore_mem>>) {add = true}
        %dma_start3A_1023 = arith.constant 1 : i32
        %dma_start3A_1024 = arith.constant 1 : i32
        %dma_start3A_1025 = arith.constant 1 : i32
        %dma_start3A_1026 = arith.constant 1 : i32
        %dma_start3A_1027 = arith.constant 0 : i32
        %dma_start3A_1028 = arith.constant 0 : i32
        %dma_start3A_1029 = tpu.memref_slice %arg6[%dma_start3A_1023, %dma_start3A_1027, %dma_start3A_1028] : memref<4x160x128xf32, #tpu.memory_space<vmem>> -> memref<1x160x128xf32, #tpu.memory_space<vmem>>
        %dma_start3A_1030 = tpu.memref_squeeze %dma_start3A_1029 : memref<1x160x128xf32, #tpu.memory_space<vmem>> -> memref<160x128xf32, #tpu.memory_space<vmem>>
        %dma_start3A_1031 = arith.constant 80 : i32
        %dma_start3A_1032 = arith.constant 0 : i32
        %dma_start3A_1033 = tpu.memref_slice %dma_start3A_1030[%dma_start3A_1031, %dma_start3A_1032] : memref<160x128xf32, #tpu.memory_space<vmem>> -> memref<80x128xf32, #tpu.memory_space<vmem>>
        %dma_start3A_1034 = arith.constant 0 : i32
        %dma_start3A_1035 = arith.constant 0 : i32
        %dma_start3A_1036 = tpu.memref_slice %arg7[%dma_start3A_1024, %dma_start3A_1034, %dma_start3A_1035] : memref<4x2x80xi32, #tpu.memory_space<vmem>> -> memref<1x2x80xi32, #tpu.memory_space<vmem>>
        %dma_start3A_1037 = tpu.memref_squeeze %dma_start3A_1036 : memref<1x2x80xi32, #tpu.memory_space<vmem>> -> memref<2x80xi32, #tpu.memory_space<vmem>>
        %dma_start3A_1038 = arith.constant 0 : i32
        %dma_start3A_1039 = tpu.memref_slice %dma_start3A_1037[%dma_start3A_1025, %dma_start3A_1038] : memref<2x80xi32, #tpu.memory_space<vmem>> -> memref<1x80xi32, #tpu.memory_space<vmem>>
        %dma_start3A_1040 = tpu.memref_squeeze %dma_start3A_1039 : memref<1x80xi32, #tpu.memory_space<vmem>> -> memref<80xi32, #tpu.memory_space<vmem>>
        %dma_start3A_1041 = arith.constant 0 : i32
        %dma_start3A_1042 = arith.constant 0 : i32
        %dma_start3A_1043 = tpu.memref_slice %arg10[%dma_start3A_1041, %dma_start3A_1042] : memref<256x128xf32, #tpu.memory_space<vmem_shared>> -> memref<256x128xf32, #tpu.memory_space<vmem_shared>>
        %dma_start3A_1044 = tpu.memref_slice %arg12[%dma_start3A_1026] : memref<4x!tpu.dma_semaphore, #tpu.memory_space<semaphore_mem>> -> memref<1x!tpu.dma_semaphore, #tpu.memory_space<semaphore_mem>>
        %dma_start3A_1045 = tpu.memref_squeeze %dma_start3A_1044 : memref<1x!tpu.dma_semaphore, #tpu.memory_space<semaphore_mem>> -> memref<!tpu.dma_semaphore, #tpu.memory_space<semaphore_mem>>
        tpu.enqueue_indirect_dma source(%dma_start3A_1033 : memref<80x128xf32, #tpu.memory_space<vmem>>) target(%dma_start3A_1043 : memref<256x128xf32, #tpu.memory_space<vmem_shared>>) offsets(%dma_start3A_1040 : memref<80xi32, #tpu.memory_space<vmem>>) semaphore(%dma_start3A_1045 : memref<!tpu.dma_semaphore, #tpu.memory_space<semaphore_mem>>) {add = true}
        %dma_wait3A_1046 = arith.constant 1 : i32
        %dma_wait3A_1047 = arith.constant 1 : i32
        %dma_wait3A_1048 = arith.constant 0 : i32
        %dma_wait3A_1049 = arith.constant 1 : i32
        %dma_wait3A_1050 = arith.constant 0 : i32
        %dma_wait3A_1051 = arith.constant 0 : i32
        %dma_wait3A_1052 = tpu.memref_slice %arg6[%dma_wait3A_1046, %dma_wait3A_1050, %dma_wait3A_1051] : memref<4x160x128xf32, #tpu.memory_space<vmem>> -> memref<1x160x128xf32, #tpu.memory_space<vmem>>
        %dma_wait3A_1053 = tpu.memref_squeeze %dma_wait3A_1052 : memref<1x160x128xf32, #tpu.memory_space<vmem>> -> memref<160x128xf32, #tpu.memory_space<vmem>>
        %dma_wait3A_1054 = arith.constant 0 : i32
        %dma_wait3A_1055 = arith.constant 0 : i32
        %dma_wait3A_1056 = tpu.memref_slice %dma_wait3A_1053[%dma_wait3A_1054, %dma_wait3A_1055] : memref<160x128xf32, #tpu.memory_space<vmem>> -> memref<80x128xf32, #tpu.memory_space<vmem>>
        %dma_wait3A_1057 = arith.constant 0 : i32
        %dma_wait3A_1058 = arith.constant 0 : i32
        %dma_wait3A_1059 = tpu.memref_slice %arg7[%dma_wait3A_1047, %dma_wait3A_1057, %dma_wait3A_1058] : memref<4x2x80xi32, #tpu.memory_space<vmem>> -> memref<1x2x80xi32, #tpu.memory_space<vmem>>
        %dma_wait3A_1060 = tpu.memref_squeeze %dma_wait3A_1059 : memref<1x2x80xi32, #tpu.memory_space<vmem>> -> memref<2x80xi32, #tpu.memory_space<vmem>>
        %dma_wait3A_1061 = arith.constant 0 : i32
        %dma_wait3A_1062 = tpu.memref_slice %dma_wait3A_1060[%dma_wait3A_1048, %dma_wait3A_1061] : memref<2x80xi32, #tpu.memory_space<vmem>> -> memref<1x80xi32, #tpu.memory_space<vmem>>
        %dma_wait3A_1063 = tpu.memref_squeeze %dma_wait3A_1062 : memref<1x80xi32, #tpu.memory_space<vmem>> -> memref<80xi32, #tpu.memory_space<vmem>>
        %dma_wait3A_1064 = arith.constant 0 : i32
        %dma_wait3A_1065 = arith.constant 0 : i32
        %dma_wait3A_1066 = tpu.memref_slice %arg10[%dma_wait3A_1064, %dma_wait3A_1065] : memref<256x128xf32, #tpu.memory_space<vmem_shared>> -> memref<256x128xf32, #tpu.memory_space<vmem_shared>>
        %dma_wait3A_1067 = tpu.memref_slice %arg12[%dma_wait3A_1049] : memref<4x!tpu.dma_semaphore, #tpu.memory_space<semaphore_mem>> -> memref<1x!tpu.dma_semaphore, #tpu.memory_space<semaphore_mem>>
        %dma_wait3A_1068 = tpu.memref_squeeze %dma_wait3A_1067 : memref<1x!tpu.dma_semaphore, #tpu.memory_space<semaphore_mem>> -> memref<!tpu.dma_semaphore, #tpu.memory_space<semaphore_mem>>
        tpu.wait_indirect_dma semaphore(%dma_wait3A_1068 : memref<!tpu.dma_semaphore, #tpu.memory_space<semaphore_mem>>) src(%dma_wait3A_1056 : memref<80x128xf32, #tpu.memory_space<vmem>>) dst(%dma_wait3A_1066 : memref<256x128xf32, #tpu.memory_space<vmem_shared>>)
        %dma_wait3A_1069 = arith.constant 1 : i32
        %dma_wait3A_1070 = arith.constant 1 : i32
        %dma_wait3A_1071 = arith.constant 1 : i32
        %dma_wait3A_1072 = arith.constant 1 : i32
        %dma_wait3A_1073 = arith.constant 0 : i32
        %dma_wait3A_1074 = arith.constant 0 : i32
        %dma_wait3A_1075 = tpu.memref_slice %arg6[%dma_wait3A_1069, %dma_wait3A_1073, %dma_wait3A_1074] : memref<4x160x128xf32, #tpu.memory_space<vmem>> -> memref<1x160x128xf32, #tpu.memory_space<vmem>>
        %dma_wait3A_1076 = tpu.memref_squeeze %dma_wait3A_1075 : memref<1x160x128xf32, #tpu.memory_space<vmem>> -> memref<160x128xf32, #tpu.memory_space<vmem>>
        %dma_wait3A_1077 = arith.constant 80 : i32
        %dma_wait3A_1078 = arith.constant 0 : i32
        %dma_wait3A_1079 = tpu.memref_slice %dma_wait3A_1076[%dma_wait3A_1077, %dma_wait3A_1078] : memref<160x128xf32, #tpu.memory_space<vmem>> -> memref<80x128xf32, #tpu.memory_space<vmem>>
        %dma_wait3A_1080 = arith.constant 0 : i32
        %dma_wait3A_1081 = arith.constant 0 : i32
        %dma_wait3A_1082 = tpu.memref_slice %arg7[%dma_wait3A_1070, %dma_wait3A_1080, %dma_wait3A_1081] : memref<4x2x80xi32, #tpu.memory_space<vmem>> -> memref<1x2x80xi32, #tpu.memory_space<vmem>>
        %dma_wait3A_1083 = tpu.memref_squeeze %dma_wait3A_1082 : memref<1x2x80xi32, #tpu.memory_space<vmem>> -> memref<2x80xi32, #tpu.memory_space<vmem>>
        %dma_wait3A_1084 = arith.constant 0 : i32
        %dma_wait3A_1085 = tpu.memref_slice %dma_wait3A_1083[%dma_wait3A_1071, %dma_wait3A_1084] : memref<2x80xi32, #tpu.memory_space<vmem>> -> memref<1x80xi32, #tpu.memory_space<vmem>>
        %dma_wait3A_1086 = tpu.memref_squeeze %dma_wait3A_1085 : memref<1x80xi32, #tpu.memory_space<vmem>> -> memref<80xi32, #tpu.memory_space<vmem>>
        %dma_wait3A_1087 = arith.constant 0 : i32
        %dma_wait3A_1088 = arith.constant 0 : i32
        %dma_wait3A_1089 = tpu.memref_slice %arg10[%dma_wait3A_1087, %dma_wait3A_1088] : memref<256x128xf32, #tpu.memory_space<vmem_shared>> -> memref<256x128xf32, #tpu.memory_space<vmem_shared>>
        %dma_wait3A_1090 = tpu.memref_slice %arg12[%dma_wait3A_1072] : memref<4x!tpu.dma_semaphore, #tpu.memory_space<semaphore_mem>> -> memref<1x!tpu.dma_semaphore, #tpu.memory_space<semaphore_mem>>
        %dma_wait3A_1091 = tpu.memref_squeeze %dma_wait3A_1090 : memref<1x!tpu.dma_semaphore, #tpu.memory_space<semaphore_mem>> -> memref<!tpu.dma_semaphore, #tpu.memory_space<semaphore_mem>>
        tpu.wait_indirect_dma semaphore(%dma_wait3A_1091 : memref<!tpu.dma_semaphore, #tpu.memory_space<semaphore_mem>>) src(%dma_wait3A_1079 : memref<80x128xf32, #tpu.memory_space<vmem>>) dst(%dma_wait3A_1089 : memref<256x128xf32, #tpu.memory_space<vmem_shared>>)
        %add3A_1092 = arith.constant 4 : i32
        %add3A_1093 = arith.addi %add3A_861, %add3A_1092 : i32
        %lt3A_1094 = arith.cmpi slt, %add3A_1093, %add3A_550 : i32
        %convert_element_type3A_1095 = arith.extui %lt3A_1094 : i1 to i32
        %cond3A_1096 = arith.constant 0 : i32
        %cond3A_1097 = arith.cmpi ne, %convert_element_type3A_1095, %cond3A_1096 : i32
        scf.if %cond3A_1097 {
          %add3A_1098 = arith.constant 4 : i32
          %add3A_1099 = arith.addi %add3A_861, %add3A_1098 : i32
          %mul3A_1100 = arith.constant 32 : i32
          %mul3A_1101 = arith.muli %add3A_1099, %mul3A_1100 : i32
          %add3A_1102 = arith.addi %add3A, %mul3A_1101 : i32
          %mul3A_1103 = arith.constant 160 : i32
          %mul3A_1104 = arith.muli %add3A_1102, %mul3A_1103 : i32
          %dma_start3A_1105 = arith.constant 1 : i32
          %dma_start3A_1106 = arith.constant 1 : i32
          %dma_start3A_1107 = arith.constant 0 : i32
          %dma_start3A_1108 = arith.constant 0 : i32
          %dma_start3A_1109 = tpu.memref_slice %arg6[%dma_start3A_1105, %dma_start3A_1107, %dma_start3A_1108] : memref<4x160x128xf32, #tpu.memory_space<vmem>> -> memref<1x160x128xf32, #tpu.memory_space<vmem>>
          %dma_start3A_1110 = tpu.memref_squeeze %dma_start3A_1109 : memref<1x160x128xf32, #tpu.memory_space<vmem>> -> memref<160x128xf32, #tpu.memory_space<vmem>>
          %dma_start3A_1111 = arith.constant 0 : i32
          %dma_start3A_1112 = tpu.memref_slice %arg2[%mul3A_1104, %dma_start3A_1111] : memref<100000x128xf32, #tpu.memory_space<hbm>> -> memref<160x128xf32, #tpu.memory_space<hbm>>
          %dma_start3A_1113 = tpu.memref_slice %arg11[%dma_start3A_1106] : memref<4x!tpu.dma_semaphore, #tpu.memory_space<semaphore_mem>> -> memref<1x!tpu.dma_semaphore, #tpu.memory_space<semaphore_mem>>
          %dma_start3A_1114 = tpu.memref_squeeze %dma_start3A_1113 : memref<1x!tpu.dma_semaphore, #tpu.memory_space<semaphore_mem>> -> memref<!tpu.dma_semaphore, #tpu.memory_space<semaphore_mem>>
          %dma_start3A_1115 = arith.constant 0 : i32
          %dma_start3A_1116 = arith.constant 0 : i32
          %dma_start3A_1117 = tpu.memref_slice %arg6[%dma_start3A_1105, %dma_start3A_1115, %dma_start3A_1116] : memref<4x160x128xf32, #tpu.memory_space<vmem>> -> memref<1x160x128xf32, #tpu.memory_space<vmem>>
          %dma_start3A_1118 = tpu.memref_squeeze %dma_start3A_1117 : memref<1x160x128xf32, #tpu.memory_space<vmem>> -> memref<160x128xf32, #tpu.memory_space<vmem>>
          %dma_start3A_1119 = arith.constant 0 : i32
          %dma_start3A_1120 = tpu.memref_slice %arg2[%mul3A_1104, %dma_start3A_1119] : memref<100000x128xf32, #tpu.memory_space<hbm>> -> memref<160x128xf32, #tpu.memory_space<hbm>>
          tpu.enqueue_dma source(%dma_start3A_1120 : memref<160x128xf32, #tpu.memory_space<hbm>>) target(%dma_start3A_1118 : memref<160x128xf32, #tpu.memory_space<vmem>>) target_semaphore(%dma_start3A_1114 : memref<!tpu.dma_semaphore, #tpu.memory_space<semaphore_mem>>)
          %mul3A_1121 = arith.constant 160 : i32
          %mul3A_1122 = arith.muli %add3A_1102, %mul3A_1121 : i32
          %add3A_1123 = arith.constant 0 : i32
          %add3A_1124 = arith.addi %mul3A_1122, %add3A_1123 : i32
          %dma_start3A_1125 = arith.constant 1 : i32
          %dma_start3A_1126 = arith.constant 0 : i32
          %dma_start3A_1127 = arith.constant 1 : i32
          %dma_start3A_1128 = arith.constant 0 : i32
          %dma_start3A_1129 = arith.constant 0 : i32
          %dma_start3A_1130 = tpu.memref_slice %arg7[%dma_start3A_1125, %dma_start3A_1128, %dma_start3A_1129] : memref<4x2x80xi32, #tpu.memory_space<vmem>> -> memref<1x2x80xi32, #tpu.memory_space<vmem>>
          %dma_start3A_1131 = tpu.memref_squeeze %dma_start3A_1130 : memref<1x2x80xi32, #tpu.memory_space<vmem>> -> memref<2x80xi32, #tpu.memory_space<vmem>>
          %dma_start3A_1132 = arith.constant 0 : i32
          %dma_start3A_1133 = tpu.memref_slice %dma_start3A_1131[%dma_start3A_1126, %dma_start3A_1132] : memref<2x80xi32, #tpu.memory_space<vmem>> -> memref<1x80xi32, #tpu.memory_space<vmem>>
          %dma_start3A_1134 = tpu.memref_squeeze %dma_start3A_1133 : memref<1x80xi32, #tpu.memory_space<vmem>> -> memref<80xi32, #tpu.memory_space<vmem>>
          %dma_start3A_1135 = tpu.memref_slice %arg3[%add3A_1124] : memref<100000xi32, #tpu.memory_space<hbm>> -> memref<80xi32, #tpu.memory_space<hbm>>
          %dma_start3A_1136 = tpu.memref_slice %arg11[%dma_start3A_1127] : memref<4x!tpu.dma_semaphore, #tpu.memory_space<semaphore_mem>> -> memref<1x!tpu.dma_semaphore, #tpu.memory_space<semaphore_mem>>
          %dma_start3A_1137 = tpu.memref_squeeze %dma_start3A_1136 : memref<1x!tpu.dma_semaphore, #tpu.memory_space<semaphore_mem>> -> memref<!tpu.dma_semaphore, #tpu.memory_space<semaphore_mem>>
          %dma_start3A_1138 = arith.constant 0 : i32
          %dma_start3A_1139 = arith.constant 0 : i32
          %dma_start3A_1140 = tpu.memref_slice %arg7[%dma_start3A_1125, %dma_start3A_1138, %dma_start3A_1139] : memref<4x2x80xi32, #tpu.memory_space<vmem>> -> memref<1x2x80xi32, #tpu.memory_space<vmem>>
          %dma_start3A_1141 = tpu.memref_squeeze %dma_start3A_1140 : memref<1x2x80xi32, #tpu.memory_space<vmem>> -> memref<2x80xi32, #tpu.memory_space<vmem>>
          %dma_start3A_1142 = arith.constant 0 : i32
          %dma_start3A_1143 = tpu.memref_slice %dma_start3A_1141[%dma_start3A_1126, %dma_start3A_1142] : memref<2x80xi32, #tpu.memory_space<vmem>> -> memref<1x80xi32, #tpu.memory_space<vmem>>
          %dma_start3A_1144 = tpu.memref_squeeze %dma_start3A_1143 : memref<1x80xi32, #tpu.memory_space<vmem>> -> memref<80xi32, #tpu.memory_space<vmem>>
          %dma_start3A_1145 = tpu.memref_slice %arg3[%add3A_1124] : memref<100000xi32, #tpu.memory_space<hbm>> -> memref<80xi32, #tpu.memory_space<hbm>>
          tpu.enqueue_dma source(%dma_start3A_1145 : memref<80xi32, #tpu.memory_space<hbm>>) target(%dma_start3A_1144 : memref<80xi32, #tpu.memory_space<vmem>>) target_semaphore(%dma_start3A_1137 : memref<!tpu.dma_semaphore, #tpu.memory_space<semaphore_mem>>)
          %mul3A_1146 = arith.constant 160 : i32
          %mul3A_1147 = arith.muli %add3A_1102, %mul3A_1146 : i32
          %add3A_1148 = arith.constant 80 : i32
          %add3A_1149 = arith.addi %mul3A_1147, %add3A_1148 : i32
          %dma_start3A_1150 = arith.constant 1 : i32
          %dma_start3A_1151 = arith.constant 1 : i32
          %dma_start3A_1152 = arith.constant 1 : i32
          %dma_start3A_1153 = arith.constant 0 : i32
          %dma_start3A_1154 = arith.constant 0 : i32
          %dma_start3A_1155 = tpu.memref_slice %arg7[%dma_start3A_1150, %dma_start3A_1153, %dma_start3A_1154] : memref<4x2x80xi32, #tpu.memory_space<vmem>> -> memref<1x2x80xi32, #tpu.memory_space<vmem>>
          %dma_start3A_1156 = tpu.memref_squeeze %dma_start3A_1155 : memref<1x2x80xi32, #tpu.memory_space<vmem>> -> memref<2x80xi32, #tpu.memory_space<vmem>>
          %dma_start3A_1157 = arith.constant 0 : i32
          %dma_start3A_1158 = tpu.memref_slice %dma_start3A_1156[%dma_start3A_1151, %dma_start3A_1157] : memref<2x80xi32, #tpu.memory_space<vmem>> -> memref<1x80xi32, #tpu.memory_space<vmem>>
          %dma_start3A_1159 = tpu.memref_squeeze %dma_start3A_1158 : memref<1x80xi32, #tpu.memory_space<vmem>> -> memref<80xi32, #tpu.memory_space<vmem>>
          %dma_start3A_1160 = tpu.memref_slice %arg3[%add3A_1149] : memref<100000xi32, #tpu.memory_space<hbm>> -> memref<80xi32, #tpu.memory_space<hbm>>
          %dma_start3A_1161 = tpu.memref_slice %arg11[%dma_start3A_1152] : memref<4x!tpu.dma_semaphore, #tpu.memory_space<semaphore_mem>> -> memref<1x!tpu.dma_semaphore, #tpu.memory_space<semaphore_mem>>
          %dma_start3A_1162 = tpu.memref_squeeze %dma_start3A_1161 : memref<1x!tpu.dma_semaphore, #tpu.memory_space<semaphore_mem>> -> memref<!tpu.dma_semaphore, #tpu.memory_space<semaphore_mem>>
          %dma_start3A_1163 = arith.constant 0 : i32
          %dma_start3A_1164 = arith.constant 0 : i32
          %dma_start3A_1165 = tpu.memref_slice %arg7[%dma_start3A_1150, %dma_start3A_1163, %dma_start3A_1164] : memref<4x2x80xi32, #tpu.memory_space<vmem>> -> memref<1x2x80xi32, #tpu.memory_space<vmem>>
          %dma_start3A_1166 = tpu.memref_squeeze %dma_start3A_1165 : memref<1x2x80xi32, #tpu.memory_space<vmem>> -> memref<2x80xi32, #tpu.memory_space<vmem>>
          %dma_start3A_1167 = arith.constant 0 : i32
          %dma_start3A_1168 = tpu.memref_slice %dma_start3A_1166[%dma_start3A_1151, %dma_start3A_1167] : memref<2x80xi32, #tpu.memory_space<vmem>> -> memref<1x80xi32, #tpu.memory_space<vmem>>
          %dma_start3A_1169 = tpu.memref_squeeze %dma_start3A_1168 : memref<1x80xi32, #tpu.memory_space<vmem>> -> memref<80xi32, #tpu.memory_space<vmem>>
          %dma_start3A_1170 = tpu.memref_slice %arg3[%add3A_1149] : memref<100000xi32, #tpu.memory_space<hbm>> -> memref<80xi32, #tpu.memory_space<hbm>>
          tpu.enqueue_dma source(%dma_start3A_1170 : memref<80xi32, #tpu.memory_space<hbm>>) target(%dma_start3A_1169 : memref<80xi32, #tpu.memory_space<vmem>>) target_semaphore(%dma_start3A_1162 : memref<!tpu.dma_semaphore, #tpu.memory_space<semaphore_mem>>)
        } else {
        }
      } else {
      }
      %add3A_866 = arith.constant 2 : i32
      %add3A_867 = arith.addi %add3A_855, %add3A_866 : i32
      %lt3A_868 = arith.cmpi slt, %add3A_867, %add3A_550 : i32
      %convert_element_type3A_869 = arith.extui %lt3A_868 : i1 to i32
      %cond3A_870 = arith.constant 0 : i32
      %cond3A_871 = arith.cmpi ne, %convert_element_type3A_869, %cond3A_870 : i32
      scf.if %cond3A_871 {
        %dma_wait3A = arith.constant 2 : i32
        %dma_wait3A_878 = arith.constant 2 : i32
        %dma_wait3A_879 = arith.constant 0 : i32
        %dma_wait3A_880 = arith.constant 0 : i32
        %dma_wait3A_881 = tpu.memref_slice %arg6[%dma_wait3A, %dma_wait3A_879, %dma_wait3A_880] : memref<4x160x128xf32, #tpu.memory_space<vmem>> -> memref<1x160x128xf32, #tpu.memory_space<vmem>>
        %dma_wait3A_882 = tpu.memref_squeeze %dma_wait3A_881 : memref<1x160x128xf32, #tpu.memory_space<vmem>> -> memref<160x128xf32, #tpu.memory_space<vmem>>
        %dma_wait3A_883 = arith.constant 0 : i32
        %dma_wait3A_884 = arith.constant 0 : i32
        %dma_wait3A_885 = tpu.memref_slice %arg2[%dma_wait3A_883, %dma_wait3A_884] : memref<100000x128xf32, #tpu.memory_space<hbm>> -> memref<160x128xf32, #tpu.memory_space<hbm>>
        %dma_wait3A_886 = tpu.memref_slice %arg11[%dma_wait3A_878] : memref<4x!tpu.dma_semaphore, #tpu.memory_space<semaphore_mem>> -> memref<1x!tpu.dma_semaphore, #tpu.memory_space<semaphore_mem>>
        %dma_wait3A_887 = tpu.memref_squeeze %dma_wait3A_886 : memref<1x!tpu.dma_semaphore, #tpu.memory_space<semaphore_mem>> -> memref<!tpu.dma_semaphore, #tpu.memory_space<semaphore_mem>>
        %dma_wait3A_888 = arith.constant 0 : i32
        %dma_wait3A_889 = arith.constant 0 : i32
        %dma_wait3A_890 = tpu.memref_slice %arg6[%dma_wait3A, %dma_wait3A_888, %dma_wait3A_889] : memref<4x160x128xf32, #tpu.memory_space<vmem>> -> memref<1x160x128xf32, #tpu.memory_space<vmem>>
        %dma_wait3A_891 = tpu.memref_squeeze %dma_wait3A_890 : memref<1x160x128xf32, #tpu.memory_space<vmem>> -> memref<160x128xf32, #tpu.memory_space<vmem>>
        %dma_wait3A_892 = arith.constant 0 : i32
        %dma_wait3A_893 = arith.constant 0 : i32
        %dma_wait3A_894 = tpu.memref_slice %arg2[%dma_wait3A_892, %dma_wait3A_893] : memref<100000x128xf32, #tpu.memory_space<hbm>> -> memref<160x128xf32, #tpu.memory_space<hbm>>
        tpu.wait_dma2 semaphore(%dma_wait3A_887 : memref<!tpu.dma_semaphore, #tpu.memory_space<semaphore_mem>>) src(%dma_wait3A_894 : memref<160x128xf32, #tpu.memory_space<hbm>>) dst(%dma_wait3A_891 : memref<160x128xf32, #tpu.memory_space<vmem>>)
        %dma_wait3A_895 = arith.constant 2 : i32
        %dma_wait3A_896 = arith.constant 0 : i32
        %dma_wait3A_897 = arith.constant 2 : i32
        %dma_wait3A_898 = arith.constant 0 : i32
        %dma_wait3A_899 = arith.constant 0 : i32
        %dma_wait3A_900 = tpu.memref_slice %arg7[%dma_wait3A_895, %dma_wait3A_898, %dma_wait3A_899] : memref<4x2x80xi32, #tpu.memory_space<vmem>> -> memref<1x2x80xi32, #tpu.memory_space<vmem>>
        %dma_wait3A_901 = tpu.memref_squeeze %dma_wait3A_900 : memref<1x2x80xi32, #tpu.memory_space<vmem>> -> memref<2x80xi32, #tpu.memory_space<vmem>>
        %dma_wait3A_902 = arith.constant 0 : i32
        %dma_wait3A_903 = tpu.memref_slice %dma_wait3A_901[%dma_wait3A_896, %dma_wait3A_902] : memref<2x80xi32, #tpu.memory_space<vmem>> -> memref<1x80xi32, #tpu.memory_space<vmem>>
        %dma_wait3A_904 = tpu.memref_squeeze %dma_wait3A_903 : memref<1x80xi32, #tpu.memory_space<vmem>> -> memref<80xi32, #tpu.memory_space<vmem>>
        %dma_wait3A_905 = arith.constant 0 : i32
        %dma_wait3A_906 = tpu.memref_slice %arg3[%dma_wait3A_905] : memref<100000xi32, #tpu.memory_space<hbm>> -> memref<80xi32, #tpu.memory_space<hbm>>
        %dma_wait3A_907 = tpu.memref_slice %arg11[%dma_wait3A_897] : memref<4x!tpu.dma_semaphore, #tpu.memory_space<semaphore_mem>> -> memref<1x!tpu.dma_semaphore, #tpu.memory_space<semaphore_mem>>
        %dma_wait3A_908 = tpu.memref_squeeze %dma_wait3A_907 : memref<1x!tpu.dma_semaphore, #tpu.memory_space<semaphore_mem>> -> memref<!tpu.dma_semaphore, #tpu.memory_space<semaphore_mem>>
        %dma_wait3A_909 = arith.constant 0 : i32
        %dma_wait3A_910 = arith.constant 0 : i32
        %dma_wait3A_911 = tpu.memref_slice %arg7[%dma_wait3A_895, %dma_wait3A_909, %dma_wait3A_910] : memref<4x2x80xi32, #tpu.memory_space<vmem>> -> memref<1x2x80xi32, #tpu.memory_space<vmem>>
        %dma_wait3A_912 = tpu.memref_squeeze %dma_wait3A_911 : memref<1x2x80xi32, #tpu.memory_space<vmem>> -> memref<2x80xi32, #tpu.memory_space<vmem>>
        %dma_wait3A_913 = arith.constant 0 : i32
        %dma_wait3A_914 = tpu.memref_slice %dma_wait3A_912[%dma_wait3A_896, %dma_wait3A_913] : memref<2x80xi32, #tpu.memory_space<vmem>> -> memref<1x80xi32, #tpu.memory_space<vmem>>
        %dma_wait3A_915 = tpu.memref_squeeze %dma_wait3A_914 : memref<1x80xi32, #tpu.memory_space<vmem>> -> memref<80xi32, #tpu.memory_space<vmem>>
        %dma_wait3A_916 = arith.constant 0 : i32
        %dma_wait3A_917 = tpu.memref_slice %arg3[%dma_wait3A_916] : memref<100000xi32, #tpu.memory_space<hbm>> -> memref<80xi32, #tpu.memory_space<hbm>>
        tpu.wait_dma2 semaphore(%dma_wait3A_908 : memref<!tpu.dma_semaphore, #tpu.memory_space<semaphore_mem>>) src(%dma_wait3A_917 : memref<80xi32, #tpu.memory_space<hbm>>) dst(%dma_wait3A_915 : memref<80xi32, #tpu.memory_space<vmem>>)
        %dma_wait3A_918 = arith.constant 2 : i32
        %dma_wait3A_919 = arith.constant 1 : i32
        %dma_wait3A_920 = arith.constant 2 : i32
        %dma_wait3A_921 = arith.constant 0 : i32
        %dma_wait3A_922 = arith.constant 0 : i32
        %dma_wait3A_923 = tpu.memref_slice %arg7[%dma_wait3A_918, %dma_wait3A_921, %dma_wait3A_922] : memref<4x2x80xi32, #tpu.memory_space<vmem>> -> memref<1x2x80xi32, #tpu.memory_space<vmem>>
        %dma_wait3A_924 = tpu.memref_squeeze %dma_wait3A_923 : memref<1x2x80xi32, #tpu.memory_space<vmem>> -> memref<2x80xi32, #tpu.memory_space<vmem>>
        %dma_wait3A_925 = arith.constant 0 : i32
        %dma_wait3A_926 = tpu.memref_slice %dma_wait3A_924[%dma_wait3A_919, %dma_wait3A_925] : memref<2x80xi32, #tpu.memory_space<vmem>> -> memref<1x80xi32, #tpu.memory_space<vmem>>
        %dma_wait3A_927 = tpu.memref_squeeze %dma_wait3A_926 : memref<1x80xi32, #tpu.memory_space<vmem>> -> memref<80xi32, #tpu.memory_space<vmem>>
        %dma_wait3A_928 = arith.constant 0 : i32
        %dma_wait3A_929 = tpu.memref_slice %arg3[%dma_wait3A_928] : memref<100000xi32, #tpu.memory_space<hbm>> -> memref<80xi32, #tpu.memory_space<hbm>>
        %dma_wait3A_930 = tpu.memref_slice %arg11[%dma_wait3A_920] : memref<4x!tpu.dma_semaphore, #tpu.memory_space<semaphore_mem>> -> memref<1x!tpu.dma_semaphore, #tpu.memory_space<semaphore_mem>>
        %dma_wait3A_931 = tpu.memref_squeeze %dma_wait3A_930 : memref<1x!tpu.dma_semaphore, #tpu.memory_space<semaphore_mem>> -> memref<!tpu.dma_semaphore, #tpu.memory_space<semaphore_mem>>
        %dma_wait3A_932 = arith.constant 0 : i32
        %dma_wait3A_933 = arith.constant 0 : i32
        %dma_wait3A_934 = tpu.memref_slice %arg7[%dma_wait3A_918, %dma_wait3A_932, %dma_wait3A_933] : memref<4x2x80xi32, #tpu.memory_space<vmem>> -> memref<1x2x80xi32, #tpu.memory_space<vmem>>
        %dma_wait3A_935 = tpu.memref_squeeze %dma_wait3A_934 : memref<1x2x80xi32, #tpu.memory_space<vmem>> -> memref<2x80xi32, #tpu.memory_space<vmem>>
        %dma_wait3A_936 = arith.constant 0 : i32
        %dma_wait3A_937 = tpu.memref_slice %dma_wait3A_935[%dma_wait3A_919, %dma_wait3A_936] : memref<2x80xi32, #tpu.memory_space<vmem>> -> memref<1x80xi32, #tpu.memory_space<vmem>>
        %dma_wait3A_938 = tpu.memref_squeeze %dma_wait3A_937 : memref<1x80xi32, #tpu.memory_space<vmem>> -> memref<80xi32, #tpu.memory_space<vmem>>
        %dma_wait3A_939 = arith.constant 0 : i32
        %dma_wait3A_940 = tpu.memref_slice %arg3[%dma_wait3A_939] : memref<100000xi32, #tpu.memory_space<hbm>> -> memref<80xi32, #tpu.memory_space<hbm>>
        tpu.wait_dma2 semaphore(%dma_wait3A_931 : memref<!tpu.dma_semaphore, #tpu.memory_space<semaphore_mem>>) src(%dma_wait3A_940 : memref<80xi32, #tpu.memory_space<hbm>>) dst(%dma_wait3A_938 : memref<80xi32, #tpu.memory_space<vmem>>)
        %get3A = arith.constant 2 : i32
        %get3A_941 = arith.constant 0 : i32
        %get3A_942 = arith.index_cast %get3A : i32 to index
        %get3A_943 = arith.index_cast %get3A_941 : i32 to index
        %get3A_944 = arith.constant 0 : index
        %get3A_945 = tpu.vector_load %arg7[%get3A_942, %get3A_943, %get3A_944] {strides = array<i32>} : memref<4x2x80xi32, #tpu.memory_space<vmem>>, vector<16xi32>,
        tpu.vector_store_idx %arg8[%get3A_945], %broadcast_in_dim3A_552 {add = true} : memref<256xf32, #tpu.memory_space<vmem>>[vector<16xi32>], vector<16xf32>,
        %get3A_946 = arith.constant 2 : i32
        %get3A_947 = arith.constant 0 : i32
        %get3A_948 = arith.index_cast %get3A_946 : i32 to index
        %get3A_949 = arith.index_cast %get3A_947 : i32 to index
        %get3A_950 = arith.constant 16 : index
        %get3A_951 = tpu.vector_load %arg7[%get3A_948, %get3A_949, %get3A_950] {strides = array<i32>} : memref<4x2x80xi32, #tpu.memory_space<vmem>>, vector<16xi32>,
        tpu.vector_store_idx %arg8[%get3A_951], %broadcast_in_dim3A_552 {add = true} : memref<256xf32, #tpu.memory_space<vmem>>[vector<16xi32>], vector<16xf32>,
        %get3A_952 = arith.constant 2 : i32
        %get3A_953 = arith.constant 0 : i32
        %get3A_954 = arith.index_cast %get3A_952 : i32 to index
        %get3A_955 = arith.index_cast %get3A_953 : i32 to index
        %get3A_956 = arith.constant 32 : index
        %get3A_957 = tpu.vector_load %arg7[%get3A_954, %get3A_955, %get3A_956] {strides = array<i32>} : memref<4x2x80xi32, #tpu.memory_space<vmem>>, vector<16xi32>,
        tpu.vector_store_idx %arg8[%get3A_957], %broadcast_in_dim3A_552 {add = true} : memref<256xf32, #tpu.memory_space<vmem>>[vector<16xi32>], vector<16xf32>,
        %get3A_958 = arith.constant 2 : i32
        %get3A_959 = arith.constant 0 : i32
        %get3A_960 = arith.index_cast %get3A_958 : i32 to index
        %get3A_961 = arith.index_cast %get3A_959 : i32 to index
        %get3A_962 = arith.constant 48 : index
        %get3A_963 = tpu.vector_load %arg7[%get3A_960, %get3A_961, %get3A_962] {strides = array<i32>} : memref<4x2x80xi32, #tpu.memory_space<vmem>>, vector<16xi32>,
        tpu.vector_store_idx %arg8[%get3A_963], %broadcast_in_dim3A_552 {add = true} : memref<256xf32, #tpu.memory_space<vmem>>[vector<16xi32>], vector<16xf32>,
        %get3A_964 = arith.constant 2 : i32
        %get3A_965 = arith.constant 0 : i32
        %get3A_966 = arith.index_cast %get3A_964 : i32 to index
        %get3A_967 = arith.index_cast %get3A_965 : i32 to index
        %get3A_968 = arith.constant 64 : index
        %get3A_969 = tpu.vector_load %arg7[%get3A_966, %get3A_967, %get3A_968] {strides = array<i32>} : memref<4x2x80xi32, #tpu.memory_space<vmem>>, vector<16xi32>,
        tpu.vector_store_idx %arg8[%get3A_969], %broadcast_in_dim3A_552 {add = true} : memref<256xf32, #tpu.memory_space<vmem>>[vector<16xi32>], vector<16xf32>,
        %get3A_970 = arith.constant 2 : i32
        %get3A_971 = arith.constant 1 : i32
        %get3A_972 = arith.index_cast %get3A_970 : i32 to index
        %get3A_973 = arith.index_cast %get3A_971 : i32 to index
        %get3A_974 = arith.constant 0 : index
        %get3A_975 = tpu.vector_load %arg7[%get3A_972, %get3A_973, %get3A_974] {strides = array<i32>} : memref<4x2x80xi32, #tpu.memory_space<vmem>>, vector<16xi32>,
        tpu.vector_store_idx %arg8[%get3A_975], %broadcast_in_dim3A_552 {add = true} : memref<256xf32, #tpu.memory_space<vmem>>[vector<16xi32>], vector<16xf32>,
        %get3A_976 = arith.constant 2 : i32
        %get3A_977 = arith.constant 1 : i32
        %get3A_978 = arith.index_cast %get3A_976 : i32 to index
        %get3A_979 = arith.index_cast %get3A_977 : i32 to index
        %get3A_980 = arith.constant 16 : index
        %get3A_981 = tpu.vector_load %arg7[%get3A_978, %get3A_979, %get3A_980] {strides = array<i32>} : memref<4x2x80xi32, #tpu.memory_space<vmem>>, vector<16xi32>,
        tpu.vector_store_idx %arg8[%get3A_981], %broadcast_in_dim3A_552 {add = true} : memref<256xf32, #tpu.memory_space<vmem>>[vector<16xi32>], vector<16xf32>,
        %get3A_982 = arith.constant 2 : i32
        %get3A_983 = arith.constant 1 : i32
        %get3A_984 = arith.index_cast %get3A_982 : i32 to index
        %get3A_985 = arith.index_cast %get3A_983 : i32 to index
        %get3A_986 = arith.constant 32 : index
        %get3A_987 = tpu.vector_load %arg7[%get3A_984, %get3A_985, %get3A_986] {strides = array<i32>} : memref<4x2x80xi32, #tpu.memory_space<vmem>>, vector<16xi32>,
        tpu.vector_store_idx %arg8[%get3A_987], %broadcast_in_dim3A_552 {add = true} : memref<256xf32, #tpu.memory_space<vmem>>[vector<16xi32>], vector<16xf32>,
        %get3A_988 = arith.constant 2 : i32
        %get3A_989 = arith.constant 1 : i32
        %get3A_990 = arith.index_cast %get3A_988 : i32 to index
        %get3A_991 = arith.index_cast %get3A_989 : i32 to index
        %get3A_992 = arith.constant 48 : index
        %get3A_993 = tpu.vector_load %arg7[%get3A_990, %get3A_991, %get3A_992] {strides = array<i32>} : memref<4x2x80xi32, #tpu.memory_space<vmem>>, vector<16xi32>,
        tpu.vector_store_idx %arg8[%get3A_993], %broadcast_in_dim3A_552 {add = true} : memref<256xf32, #tpu.memory_space<vmem>>[vector<16xi32>], vector<16xf32>,
        %get3A_994 = arith.constant 2 : i32
        %get3A_995 = arith.constant 1 : i32
        %get3A_996 = arith.index_cast %get3A_994 : i32 to index
        %get3A_997 = arith.index_cast %get3A_995 : i32 to index
        %get3A_998 = arith.constant 64 : index
        %get3A_999 = tpu.vector_load %arg7[%get3A_996, %get3A_997, %get3A_998] {strides = array<i32>} : memref<4x2x80xi32, #tpu.memory_space<vmem>>, vector<16xi32>,
        tpu.vector_store_idx %arg8[%get3A_999], %broadcast_in_dim3A_552 {add = true} : memref<256xf32, #tpu.memory_space<vmem>>[vector<16xi32>], vector<16xf32>,
        %dma_start3A_1000 = arith.constant 2 : i32
        %dma_start3A_1001 = arith.constant 2 : i32
        %dma_start3A_1002 = arith.constant 0 : i32
        %dma_start3A_1003 = arith.constant 2 : i32
        %dma_start3A_1004 = arith.constant 0 : i32
        %dma_start3A_1005 = arith.constant 0 : i32
        %dma_start3A_1006 = tpu.memref_slice %arg6[%dma_start3A_1000, %dma_start3A_1004, %dma_start3A_1005] : memref<4x160x128xf32, #tpu.memory_space<vmem>> -> memref<1x160x128xf32, #tpu.memory_space<vmem>>
        %dma_start3A_1007 = tpu.memref_squeeze %dma_start3A_1006 : memref<1x160x128xf32, #tpu.memory_space<vmem>> -> memref<160x128xf32, #tpu.memory_space<vmem>>
        %dma_start3A_1008 = arith.constant 0 : i32
        %dma_start3A_1009 = arith.constant 0 : i32
        %dma_start3A_1010 = tpu.memref_slice %dma_start3A_1007[%dma_start3A_1008, %dma_start3A_1009] : memref<160x128xf32, #tpu.memory_space<vmem>> -> memref<80x128xf32, #tpu.memory_space<vmem>>
        %dma_start3A_1011 = arith.constant 0 : i32
        %dma_start3A_1012 = arith.constant 0 : i32
        %dma_start3A_1013 = tpu.memref_slice %arg7[%dma_start3A_1001, %dma_start3A_1011, %dma_start3A_1012] : memref<4x2x80xi32, #tpu.memory_space<vmem>> -> memref<1x2x80xi32, #tpu.memory_space<vmem>>
        %dma_start3A_1014 = tpu.memref_squeeze %dma_start3A_1013 : memref<1x2x80xi32, #tpu.memory_space<vmem>> -> memref<2x80xi32, #tpu.memory_space<vmem>>
        %dma_start3A_1015 = arith.constant 0 : i32
        %dma_start3A_1016 = tpu.memref_slice %dma_start3A_1014[%dma_start3A_1002, %dma_start3A_1015] : memref<2x80xi32, #tpu.memory_space<vmem>> -> memref<1x80xi32, #tpu.memory_space<vmem>>
        %dma_start3A_1017 = tpu.memref_squeeze %dma_start3A_1016 : memref<1x80xi32, #tpu.memory_space<vmem>> -> memref<80xi32, #tpu.memory_space<vmem>>
        %dma_start3A_1018 = arith.constant 0 : i32
        %dma_start3A_1019 = arith.constant 0 : i32
        %dma_start3A_1020 = tpu.memref_slice %arg10[%dma_start3A_1018, %dma_start3A_1019] : memref<256x128xf32, #tpu.memory_space<vmem_shared>> -> memref<256x128xf32, #tpu.memory_space<vmem_shared>>
        %dma_start3A_1021 = tpu.memref_slice %arg12[%dma_start3A_1003] : memref<4x!tpu.dma_semaphore, #tpu.memory_space<semaphore_mem>> -> memref<1x!tpu.dma_semaphore, #tpu.memory_space<semaphore_mem>>
        %dma_start3A_1022 = tpu.memref_squeeze %dma_start3A_1021 : memref<1x!tpu.dma_semaphore, #tpu.memory_space<semaphore_mem>> -> memref<!tpu.dma_semaphore, #tpu.memory_space<semaphore_mem>>
        tpu.enqueue_indirect_dma source(%dma_start3A_1010 : memref<80x128xf32, #tpu.memory_space<vmem>>) target(%dma_start3A_1020 : memref<256x128xf32, #tpu.memory_space<vmem_shared>>) offsets(%dma_start3A_1017 : memref<80xi32, #tpu.memory_space<vmem>>) semaphore(%dma_start3A_1022 : memref<!tpu.dma_semaphore, #tpu.memory_space<semaphore_mem>>) {add = true}
        %dma_start3A_1023 = arith.constant 2 : i32
        %dma_start3A_1024 = arith.constant 2 : i32
        %dma_start3A_1025 = arith.constant 1 : i32
        %dma_start3A_1026 = arith.constant 2 : i32
        %dma_start3A_1027 = arith.constant 0 : i32
        %dma_start3A_1028 = arith.constant 0 : i32
        %dma_start3A_1029 = tpu.memref_slice %arg6[%dma_start3A_1023, %dma_start3A_1027, %dma_start3A_1028] : memref<4x160x128xf32, #tpu.memory_space<vmem>> -> memref<1x160x128xf32, #tpu.memory_space<vmem>>
        %dma_start3A_1030 = tpu.memref_squeeze %dma_start3A_1029 : memref<1x160x128xf32, #tpu.memory_space<vmem>> -> memref<160x128xf32, #tpu.memory_space<vmem>>
        %dma_start3A_1031 = arith.constant 80 : i32
        %dma_start3A_1032 = arith.constant 0 : i32
        %dma_start3A_1033 = tpu.memref_slice %dma_start3A_1030[%dma_start3A_1031, %dma_start3A_1032] : memref<160x128xf32, #tpu.memory_space<vmem>> -> memref<80x128xf32, #tpu.memory_space<vmem>>
        %dma_start3A_1034 = arith.constant 0 : i32
        %dma_start3A_1035 = arith.constant 0 : i32
        %dma_start3A_1036 = tpu.memref_slice %arg7[%dma_start3A_1024, %dma_start3A_1034, %dma_start3A_1035] : memref<4x2x80xi32, #tpu.memory_space<vmem>> -> memref<1x2x80xi32, #tpu.memory_space<vmem>>
        %dma_start3A_1037 = tpu.memref_squeeze %dma_start3A_1036 : memref<1x2x80xi32, #tpu.memory_space<vmem>> -> memref<2x80xi32, #tpu.memory_space<vmem>>
        %dma_start3A_1038 = arith.constant 0 : i32
        %dma_start3A_1039 = tpu.memref_slice %dma_start3A_1037[%dma_start3A_1025, %dma_start3A_1038] : memref<2x80xi32, #tpu.memory_space<vmem>> -> memref<1x80xi32, #tpu.memory_space<vmem>>
        %dma_start3A_1040 = tpu.memref_squeeze %dma_start3A_1039 : memref<1x80xi32, #tpu.memory_space<vmem>> -> memref<80xi32, #tpu.memory_space<vmem>>
        %dma_start3A_1041 = arith.constant 0 : i32
        %dma_start3A_1042 = arith.constant 0 : i32
        %dma_start3A_1043 = tpu.memref_slice %arg10[%dma_start3A_1041, %dma_start3A_1042] : memref<256x128xf32, #tpu.memory_space<vmem_shared>> -> memref<256x128xf32, #tpu.memory_space<vmem_shared>>
        %dma_start3A_1044 = tpu.memref_slice %arg12[%dma_start3A_1026] : memref<4x!tpu.dma_semaphore, #tpu.memory_space<semaphore_mem>> -> memref<1x!tpu.dma_semaphore, #tpu.memory_space<semaphore_mem>>
        %dma_start3A_1045 = tpu.memref_squeeze %dma_start3A_1044 : memref<1x!tpu.dma_semaphore, #tpu.memory_space<semaphore_mem>> -> memref<!tpu.dma_semaphore, #tpu.memory_space<semaphore_mem>>
        tpu.enqueue_indirect_dma source(%dma_start3A_1033 : memref<80x128xf32, #tpu.memory_space<vmem>>) target(%dma_start3A_1043 : memref<256x128xf32, #tpu.memory_space<vmem_shared>>) offsets(%dma_start3A_1040 : memref<80xi32, #tpu.memory_space<vmem>>) semaphore(%dma_start3A_1045 : memref<!tpu.dma_semaphore, #tpu.memory_space<semaphore_mem>>) {add = true}
        %dma_wait3A_1046 = arith.constant 2 : i32
        %dma_wait3A_1047 = arith.constant 2 : i32
        %dma_wait3A_1048 = arith.constant 0 : i32
        %dma_wait3A_1049 = arith.constant 2 : i32
        %dma_wait3A_1050 = arith.constant 0 : i32
        %dma_wait3A_1051 = arith.constant 0 : i32
        %dma_wait3A_1052 = tpu.memref_slice %arg6[%dma_wait3A_1046, %dma_wait3A_1050, %dma_wait3A_1051] : memref<4x160x128xf32, #tpu.memory_space<vmem>> -> memref<1x160x128xf32, #tpu.memory_space<vmem>>
        %dma_wait3A_1053 = tpu.memref_squeeze %dma_wait3A_1052 : memref<1x160x128xf32, #tpu.memory_space<vmem>> -> memref<160x128xf32, #tpu.memory_space<vmem>>
        %dma_wait3A_1054 = arith.constant 0 : i32
        %dma_wait3A_1055 = arith.constant 0 : i32
        %dma_wait3A_1056 = tpu.memref_slice %dma_wait3A_1053[%dma_wait3A_1054, %dma_wait3A_1055] : memref<160x128xf32, #tpu.memory_space<vmem>> -> memref<80x128xf32, #tpu.memory_space<vmem>>
        %dma_wait3A_1057 = arith.constant 0 : i32
        %dma_wait3A_1058 = arith.constant 0 : i32
        %dma_wait3A_1059 = tpu.memref_slice %arg7[%dma_wait3A_1047, %dma_wait3A_1057, %dma_wait3A_1058] : memref<4x2x80xi32, #tpu.memory_space<vmem>> -> memref<1x2x80xi32, #tpu.memory_space<vmem>>
        %dma_wait3A_1060 = tpu.memref_squeeze %dma_wait3A_1059 : memref<1x2x80xi32, #tpu.memory_space<vmem>> -> memref<2x80xi32, #tpu.memory_space<vmem>>
        %dma_wait3A_1061 = arith.constant 0 : i32
        %dma_wait3A_1062 = tpu.memref_slice %dma_wait3A_1060[%dma_wait3A_1048, %dma_wait3A_1061] : memref<2x80xi32, #tpu.memory_space<vmem>> -> memref<1x80xi32, #tpu.memory_space<vmem>>
        %dma_wait3A_1063 = tpu.memref_squeeze %dma_wait3A_1062 : memref<1x80xi32, #tpu.memory_space<vmem>> -> memref<80xi32, #tpu.memory_space<vmem>>
        %dma_wait3A_1064 = arith.constant 0 : i32
        %dma_wait3A_1065 = arith.constant 0 : i32
        %dma_wait3A_1066 = tpu.memref_slice %arg10[%dma_wait3A_1064, %dma_wait3A_1065] : memref<256x128xf32, #tpu.memory_space<vmem_shared>> -> memref<256x128xf32, #tpu.memory_space<vmem_shared>>
        %dma_wait3A_1067 = tpu.memref_slice %arg12[%dma_wait3A_1049] : memref<4x!tpu.dma_semaphore, #tpu.memory_space<semaphore_mem>> -> memref<1x!tpu.dma_semaphore, #tpu.memory_space<semaphore_mem>>
        %dma_wait3A_1068 = tpu.memref_squeeze %dma_wait3A_1067 : memref<1x!tpu.dma_semaphore, #tpu.memory_space<semaphore_mem>> -> memref<!tpu.dma_semaphore, #tpu.memory_space<semaphore_mem>>
        tpu.wait_indirect_dma semaphore(%dma_wait3A_1068 : memref<!tpu.dma_semaphore, #tpu.memory_space<semaphore_mem>>) src(%dma_wait3A_1056 : memref<80x128xf32, #tpu.memory_space<vmem>>) dst(%dma_wait3A_1066 : memref<256x128xf32, #tpu.memory_space<vmem_shared>>)
        %dma_wait3A_1069 = arith.constant 2 : i32
        %dma_wait3A_1070 = arith.constant 2 : i32
        %dma_wait3A_1071 = arith.constant 1 : i32
        %dma_wait3A_1072 = arith.constant 2 : i32
        %dma_wait3A_1073 = arith.constant 0 : i32
        %dma_wait3A_1074 = arith.constant 0 : i32
        %dma_wait3A_1075 = tpu.memref_slice %arg6[%dma_wait3A_1069, %dma_wait3A_1073, %dma_wait3A_1074] : memref<4x160x128xf32, #tpu.memory_space<vmem>> -> memref<1x160x128xf32, #tpu.memory_space<vmem>>
        %dma_wait3A_1076 = tpu.memref_squeeze %dma_wait3A_1075 : memref<1x160x128xf32, #tpu.memory_space<vmem>> -> memref<160x128xf32, #tpu.memory_space<vmem>>
        %dma_wait3A_1077 = arith.constant 80 : i32
        %dma_wait3A_1078 = arith.constant 0 : i32
        %dma_wait3A_1079 = tpu.memref_slice %dma_wait3A_1076[%dma_wait3A_1077, %dma_wait3A_1078] : memref<160x128xf32, #tpu.memory_space<vmem>> -> memref<80x128xf32, #tpu.memory_space<vmem>>
        %dma_wait3A_1080 = arith.constant 0 : i32
        %dma_wait3A_1081 = arith.constant 0 : i32
        %dma_wait3A_1082 = tpu.memref_slice %arg7[%dma_wait3A_1070, %dma_wait3A_1080, %dma_wait3A_1081] : memref<4x2x80xi32, #tpu.memory_space<vmem>> -> memref<1x2x80xi32, #tpu.memory_space<vmem>>
        %dma_wait3A_1083 = tpu.memref_squeeze %dma_wait3A_1082 : memref<1x2x80xi32, #tpu.memory_space<vmem>> -> memref<2x80xi32, #tpu.memory_space<vmem>>
        %dma_wait3A_1084 = arith.constant 0 : i32
        %dma_wait3A_1085 = tpu.memref_slice %dma_wait3A_1083[%dma_wait3A_1071, %dma_wait3A_1084] : memref<2x80xi32, #tpu.memory_space<vmem>> -> memref<1x80xi32, #tpu.memory_space<vmem>>
        %dma_wait3A_1086 = tpu.memref_squeeze %dma_wait3A_1085 : memref<1x80xi32, #tpu.memory_space<vmem>> -> memref<80xi32, #tpu.memory_space<vmem>>
        %dma_wait3A_1087 = arith.constant 0 : i32
        %dma_wait3A_1088 = arith.constant 0 : i32
        %dma_wait3A_1089 = tpu.memref_slice %arg10[%dma_wait3A_1087, %dma_wait3A_1088] : memref<256x128xf32, #tpu.memory_space<vmem_shared>> -> memref<256x128xf32, #tpu.memory_space<vmem_shared>>
        %dma_wait3A_1090 = tpu.memref_slice %arg12[%dma_wait3A_1072] : memref<4x!tpu.dma_semaphore, #tpu.memory_space<semaphore_mem>> -> memref<1x!tpu.dma_semaphore, #tpu.memory_space<semaphore_mem>>
        %dma_wait3A_1091 = tpu.memref_squeeze %dma_wait3A_1090 : memref<1x!tpu.dma_semaphore, #tpu.memory_space<semaphore_mem>> -> memref<!tpu.dma_semaphore, #tpu.memory_space<semaphore_mem>>
        tpu.wait_indirect_dma semaphore(%dma_wait3A_1091 : memref<!tpu.dma_semaphore, #tpu.memory_space<semaphore_mem>>) src(%dma_wait3A_1079 : memref<80x128xf32, #tpu.memory_space<vmem>>) dst(%dma_wait3A_1089 : memref<256x128xf32, #tpu.memory_space<vmem_shared>>)
        %add3A_1092 = arith.constant 4 : i32
        %add3A_1093 = arith.addi %add3A_867, %add3A_1092 : i32
        %lt3A_1094 = arith.cmpi slt, %add3A_1093, %add3A_550 : i32
        %convert_element_type3A_1095 = arith.extui %lt3A_1094 : i1 to i32
        %cond3A_1096 = arith.constant 0 : i32
        %cond3A_1097 = arith.cmpi ne, %convert_element_type3A_1095, %cond3A_1096 : i32
        scf.if %cond3A_1097 {
          %add3A_1098 = arith.constant 4 : i32
          %add3A_1099 = arith.addi %add3A_867, %add3A_1098 : i32
          %mul3A_1100 = arith.constant 32 : i32
          %mul3A_1101 = arith.muli %add3A_1099, %mul3A_1100 : i32
          %add3A_1102 = arith.addi %add3A, %mul3A_1101 : i32
          %mul3A_1103 = arith.constant 160 : i32
          %mul3A_1104 = arith.muli %add3A_1102, %mul3A_1103 : i32
          %dma_start3A_1105 = arith.constant 2 : i32
          %dma_start3A_1106 = arith.constant 2 : i32
          %dma_start3A_1107 = arith.constant 0 : i32
          %dma_start3A_1108 = arith.constant 0 : i32
          %dma_start3A_1109 = tpu.memref_slice %arg6[%dma_start3A_1105, %dma_start3A_1107, %dma_start3A_1108] : memref<4x160x128xf32, #tpu.memory_space<vmem>> -> memref<1x160x128xf32, #tpu.memory_space<vmem>>
          %dma_start3A_1110 = tpu.memref_squeeze %dma_start3A_1109 : memref<1x160x128xf32, #tpu.memory_space<vmem>> -> memref<160x128xf32, #tpu.memory_space<vmem>>
          %dma_start3A_1111 = arith.constant 0 : i32
          %dma_start3A_1112 = tpu.memref_slice %arg2[%mul3A_1104, %dma_start3A_1111] : memref<100000x128xf32, #tpu.memory_space<hbm>> -> memref<160x128xf32, #tpu.memory_space<hbm>>
          %dma_start3A_1113 = tpu.memref_slice %arg11[%dma_start3A_1106] : memref<4x!tpu.dma_semaphore, #tpu.memory_space<semaphore_mem>> -> memref<1x!tpu.dma_semaphore, #tpu.memory_space<semaphore_mem>>
          %dma_start3A_1114 = tpu.memref_squeeze %dma_start3A_1113 : memref<1x!tpu.dma_semaphore, #tpu.memory_space<semaphore_mem>> -> memref<!tpu.dma_semaphore, #tpu.memory_space<semaphore_mem>>
          %dma_start3A_1115 = arith.constant 0 : i32
          %dma_start3A_1116 = arith.constant 0 : i32
          %dma_start3A_1117 = tpu.memref_slice %arg6[%dma_start3A_1105, %dma_start3A_1115, %dma_start3A_1116] : memref<4x160x128xf32, #tpu.memory_space<vmem>> -> memref<1x160x128xf32, #tpu.memory_space<vmem>>
          %dma_start3A_1118 = tpu.memref_squeeze %dma_start3A_1117 : memref<1x160x128xf32, #tpu.memory_space<vmem>> -> memref<160x128xf32, #tpu.memory_space<vmem>>
          %dma_start3A_1119 = arith.constant 0 : i32
          %dma_start3A_1120 = tpu.memref_slice %arg2[%mul3A_1104, %dma_start3A_1119] : memref<100000x128xf32, #tpu.memory_space<hbm>> -> memref<160x128xf32, #tpu.memory_space<hbm>>
          tpu.enqueue_dma source(%dma_start3A_1120 : memref<160x128xf32, #tpu.memory_space<hbm>>) target(%dma_start3A_1118 : memref<160x128xf32, #tpu.memory_space<vmem>>) target_semaphore(%dma_start3A_1114 : memref<!tpu.dma_semaphore, #tpu.memory_space<semaphore_mem>>)
          %mul3A_1121 = arith.constant 160 : i32
          %mul3A_1122 = arith.muli %add3A_1102, %mul3A_1121 : i32
          %add3A_1123 = arith.constant 0 : i32
          %add3A_1124 = arith.addi %mul3A_1122, %add3A_1123 : i32
          %dma_start3A_1125 = arith.constant 2 : i32
          %dma_start3A_1126 = arith.constant 0 : i32
          %dma_start3A_1127 = arith.constant 2 : i32
          %dma_start3A_1128 = arith.constant 0 : i32
          %dma_start3A_1129 = arith.constant 0 : i32
          %dma_start3A_1130 = tpu.memref_slice %arg7[%dma_start3A_1125, %dma_start3A_1128, %dma_start3A_1129] : memref<4x2x80xi32, #tpu.memory_space<vmem>> -> memref<1x2x80xi32, #tpu.memory_space<vmem>>
          %dma_start3A_1131 = tpu.memref_squeeze %dma_start3A_1130 : memref<1x2x80xi32, #tpu.memory_space<vmem>> -> memref<2x80xi32, #tpu.memory_space<vmem>>
          %dma_start3A_1132 = arith.constant 0 : i32
          %dma_start3A_1133 = tpu.memref_slice %dma_start3A_1131[%dma_start3A_1126, %dma_start3A_1132] : memref<2x80xi32, #tpu.memory_space<vmem>> -> memref<1x80xi32, #tpu.memory_space<vmem>>
          %dma_start3A_1134 = tpu.memref_squeeze %dma_start3A_1133 : memref<1x80xi32, #tpu.memory_space<vmem>> -> memref<80xi32, #tpu.memory_space<vmem>>
          %dma_start3A_1135 = tpu.memref_slice %arg3[%add3A_1124] : memref<100000xi32, #tpu.memory_space<hbm>> -> memref<80xi32, #tpu.memory_space<hbm>>
          %dma_start3A_1136 = tpu.memref_slice %arg11[%dma_start3A_1127] : memref<4x!tpu.dma_semaphore, #tpu.memory_space<semaphore_mem>> -> memref<1x!tpu.dma_semaphore, #tpu.memory_space<semaphore_mem>>
          %dma_start3A_1137 = tpu.memref_squeeze %dma_start3A_1136 : memref<1x!tpu.dma_semaphore, #tpu.memory_space<semaphore_mem>> -> memref<!tpu.dma_semaphore, #tpu.memory_space<semaphore_mem>>
          %dma_start3A_1138 = arith.constant 0 : i32
          %dma_start3A_1139 = arith.constant 0 : i32
          %dma_start3A_1140 = tpu.memref_slice %arg7[%dma_start3A_1125, %dma_start3A_1138, %dma_start3A_1139] : memref<4x2x80xi32, #tpu.memory_space<vmem>> -> memref<1x2x80xi32, #tpu.memory_space<vmem>>
          %dma_start3A_1141 = tpu.memref_squeeze %dma_start3A_1140 : memref<1x2x80xi32, #tpu.memory_space<vmem>> -> memref<2x80xi32, #tpu.memory_space<vmem>>
          %dma_start3A_1142 = arith.constant 0 : i32
          %dma_start3A_1143 = tpu.memref_slice %dma_start3A_1141[%dma_start3A_1126, %dma_start3A_1142] : memref<2x80xi32, #tpu.memory_space<vmem>> -> memref<1x80xi32, #tpu.memory_space<vmem>>
          %dma_start3A_1144 = tpu.memref_squeeze %dma_start3A_1143 : memref<1x80xi32, #tpu.memory_space<vmem>> -> memref<80xi32, #tpu.memory_space<vmem>>
          %dma_start3A_1145 = tpu.memref_slice %arg3[%add3A_1124] : memref<100000xi32, #tpu.memory_space<hbm>> -> memref<80xi32, #tpu.memory_space<hbm>>
          tpu.enqueue_dma source(%dma_start3A_1145 : memref<80xi32, #tpu.memory_space<hbm>>) target(%dma_start3A_1144 : memref<80xi32, #tpu.memory_space<vmem>>) target_semaphore(%dma_start3A_1137 : memref<!tpu.dma_semaphore, #tpu.memory_space<semaphore_mem>>)
          %mul3A_1146 = arith.constant 160 : i32
          %mul3A_1147 = arith.muli %add3A_1102, %mul3A_1146 : i32
          %add3A_1148 = arith.constant 80 : i32
          %add3A_1149 = arith.addi %mul3A_1147, %add3A_1148 : i32
          %dma_start3A_1150 = arith.constant 2 : i32
          %dma_start3A_1151 = arith.constant 1 : i32
          %dma_start3A_1152 = arith.constant 2 : i32
          %dma_start3A_1153 = arith.constant 0 : i32
          %dma_start3A_1154 = arith.constant 0 : i32
          %dma_start3A_1155 = tpu.memref_slice %arg7[%dma_start3A_1150, %dma_start3A_1153, %dma_start3A_1154] : memref<4x2x80xi32, #tpu.memory_space<vmem>> -> memref<1x2x80xi32, #tpu.memory_space<vmem>>
          %dma_start3A_1156 = tpu.memref_squeeze %dma_start3A_1155 : memref<1x2x80xi32, #tpu.memory_space<vmem>> -> memref<2x80xi32, #tpu.memory_space<vmem>>
          %dma_start3A_1157 = arith.constant 0 : i32
          %dma_start3A_1158 = tpu.memref_slice %dma_start3A_1156[%dma_start3A_1151, %dma_start3A_1157] : memref<2x80xi32, #tpu.memory_space<vmem>> -> memref<1x80xi32, #tpu.memory_space<vmem>>
          %dma_start3A_1159 = tpu.memref_squeeze %dma_start3A_1158 : memref<1x80xi32, #tpu.memory_space<vmem>> -> memref<80xi32, #tpu.memory_space<vmem>>
          %dma_start3A_1160 = tpu.memref_slice %arg3[%add3A_1149] : memref<100000xi32, #tpu.memory_space<hbm>> -> memref<80xi32, #tpu.memory_space<hbm>>
          %dma_start3A_1161 = tpu.memref_slice %arg11[%dma_start3A_1152] : memref<4x!tpu.dma_semaphore, #tpu.memory_space<semaphore_mem>> -> memref<1x!tpu.dma_semaphore, #tpu.memory_space<semaphore_mem>>
          %dma_start3A_1162 = tpu.memref_squeeze %dma_start3A_1161 : memref<1x!tpu.dma_semaphore, #tpu.memory_space<semaphore_mem>> -> memref<!tpu.dma_semaphore, #tpu.memory_space<semaphore_mem>>
          %dma_start3A_1163 = arith.constant 0 : i32
          %dma_start3A_1164 = arith.constant 0 : i32
          %dma_start3A_1165 = tpu.memref_slice %arg7[%dma_start3A_1150, %dma_start3A_1163, %dma_start3A_1164] : memref<4x2x80xi32, #tpu.memory_space<vmem>> -> memref<1x2x80xi32, #tpu.memory_space<vmem>>
          %dma_start3A_1166 = tpu.memref_squeeze %dma_start3A_1165 : memref<1x2x80xi32, #tpu.memory_space<vmem>> -> memref<2x80xi32, #tpu.memory_space<vmem>>
          %dma_start3A_1167 = arith.constant 0 : i32
          %dma_start3A_1168 = tpu.memref_slice %dma_start3A_1166[%dma_start3A_1151, %dma_start3A_1167] : memref<2x80xi32, #tpu.memory_space<vmem>> -> memref<1x80xi32, #tpu.memory_space<vmem>>
          %dma_start3A_1169 = tpu.memref_squeeze %dma_start3A_1168 : memref<1x80xi32, #tpu.memory_space<vmem>> -> memref<80xi32, #tpu.memory_space<vmem>>
          %dma_start3A_1170 = tpu.memref_slice %arg3[%add3A_1149] : memref<100000xi32, #tpu.memory_space<hbm>> -> memref<80xi32, #tpu.memory_space<hbm>>
          tpu.enqueue_dma source(%dma_start3A_1170 : memref<80xi32, #tpu.memory_space<hbm>>) target(%dma_start3A_1169 : memref<80xi32, #tpu.memory_space<vmem>>) target_semaphore(%dma_start3A_1162 : memref<!tpu.dma_semaphore, #tpu.memory_space<semaphore_mem>>)
        } else {
        }
      } else {
      }
      %add3A_872 = arith.constant 3 : i32
      %add3A_873 = arith.addi %add3A_855, %add3A_872 : i32
      %lt3A_874 = arith.cmpi slt, %add3A_873, %add3A_550 : i32
      %convert_element_type3A_875 = arith.extui %lt3A_874 : i1 to i32
      %cond3A_876 = arith.constant 0 : i32
      %cond3A_877 = arith.cmpi ne, %convert_element_type3A_875, %cond3A_876 : i32
      scf.if %cond3A_877 {
        %dma_wait3A = arith.constant 3 : i32
        %dma_wait3A_878 = arith.constant 3 : i32
        %dma_wait3A_879 = arith.constant 0 : i32
        %dma_wait3A_880 = arith.constant 0 : i32
        %dma_wait3A_881 = tpu.memref_slice %arg6[%dma_wait3A, %dma_wait3A_879, %dma_wait3A_880] : memref<4x160x128xf32, #tpu.memory_space<vmem>> -> memref<1x160x128xf32, #tpu.memory_space<vmem>>
        %dma_wait3A_882 = tpu.memref_squeeze %dma_wait3A_881 : memref<1x160x128xf32, #tpu.memory_space<vmem>> -> memref<160x128xf32, #tpu.memory_space<vmem>>
        %dma_wait3A_883 = arith.constant 0 : i32
        %dma_wait3A_884 = arith.constant 0 : i32
        %dma_wait3A_885 = tpu.memref_slice %arg2[%dma_wait3A_883, %dma_wait3A_884] : memref<100000x128xf32, #tpu.memory_space<hbm>> -> memref<160x128xf32, #tpu.memory_space<hbm>>
        %dma_wait3A_886 = tpu.memref_slice %arg11[%dma_wait3A_878] : memref<4x!tpu.dma_semaphore, #tpu.memory_space<semaphore_mem>> -> memref<1x!tpu.dma_semaphore, #tpu.memory_space<semaphore_mem>>
        %dma_wait3A_887 = tpu.memref_squeeze %dma_wait3A_886 : memref<1x!tpu.dma_semaphore, #tpu.memory_space<semaphore_mem>> -> memref<!tpu.dma_semaphore, #tpu.memory_space<semaphore_mem>>
        %dma_wait3A_888 = arith.constant 0 : i32
        %dma_wait3A_889 = arith.constant 0 : i32
        %dma_wait3A_890 = tpu.memref_slice %arg6[%dma_wait3A, %dma_wait3A_888, %dma_wait3A_889] : memref<4x160x128xf32, #tpu.memory_space<vmem>> -> memref<1x160x128xf32, #tpu.memory_space<vmem>>
        %dma_wait3A_891 = tpu.memref_squeeze %dma_wait3A_890 : memref<1x160x128xf32, #tpu.memory_space<vmem>> -> memref<160x128xf32, #tpu.memory_space<vmem>>
        %dma_wait3A_892 = arith.constant 0 : i32
        %dma_wait3A_893 = arith.constant 0 : i32
        %dma_wait3A_894 = tpu.memref_slice %arg2[%dma_wait3A_892, %dma_wait3A_893] : memref<100000x128xf32, #tpu.memory_space<hbm>> -> memref<160x128xf32, #tpu.memory_space<hbm>>
        tpu.wait_dma2 semaphore(%dma_wait3A_887 : memref<!tpu.dma_semaphore, #tpu.memory_space<semaphore_mem>>) src(%dma_wait3A_894 : memref<160x128xf32, #tpu.memory_space<hbm>>) dst(%dma_wait3A_891 : memref<160x128xf32, #tpu.memory_space<vmem>>)
        %dma_wait3A_895 = arith.constant 3 : i32
        %dma_wait3A_896 = arith.constant 0 : i32
        %dma_wait3A_897 = arith.constant 3 : i32
        %dma_wait3A_898 = arith.constant 0 : i32
        %dma_wait3A_899 = arith.constant 0 : i32
        %dma_wait3A_900 = tpu.memref_slice %arg7[%dma_wait3A_895, %dma_wait3A_898, %dma_wait3A_899] : memref<4x2x80xi32, #tpu.memory_space<vmem>> -> memref<1x2x80xi32, #tpu.memory_space<vmem>>
        %dma_wait3A_901 = tpu.memref_squeeze %dma_wait3A_900 : memref<1x2x80xi32, #tpu.memory_space<vmem>> -> memref<2x80xi32, #tpu.memory_space<vmem>>
        %dma_wait3A_902 = arith.constant 0 : i32
        %dma_wait3A_903 = tpu.memref_slice %dma_wait3A_901[%dma_wait3A_896, %dma_wait3A_902] : memref<2x80xi32, #tpu.memory_space<vmem>> -> memref<1x80xi32, #tpu.memory_space<vmem>>
        %dma_wait3A_904 = tpu.memref_squeeze %dma_wait3A_903 : memref<1x80xi32, #tpu.memory_space<vmem>> -> memref<80xi32, #tpu.memory_space<vmem>>
        %dma_wait3A_905 = arith.constant 0 : i32
        %dma_wait3A_906 = tpu.memref_slice %arg3[%dma_wait3A_905] : memref<100000xi32, #tpu.memory_space<hbm>> -> memref<80xi32, #tpu.memory_space<hbm>>
        %dma_wait3A_907 = tpu.memref_slice %arg11[%dma_wait3A_897] : memref<4x!tpu.dma_semaphore, #tpu.memory_space<semaphore_mem>> -> memref<1x!tpu.dma_semaphore, #tpu.memory_space<semaphore_mem>>
        %dma_wait3A_908 = tpu.memref_squeeze %dma_wait3A_907 : memref<1x!tpu.dma_semaphore, #tpu.memory_space<semaphore_mem>> -> memref<!tpu.dma_semaphore, #tpu.memory_space<semaphore_mem>>
        %dma_wait3A_909 = arith.constant 0 : i32
        %dma_wait3A_910 = arith.constant 0 : i32
        %dma_wait3A_911 = tpu.memref_slice %arg7[%dma_wait3A_895, %dma_wait3A_909, %dma_wait3A_910] : memref<4x2x80xi32, #tpu.memory_space<vmem>> -> memref<1x2x80xi32, #tpu.memory_space<vmem>>
        %dma_wait3A_912 = tpu.memref_squeeze %dma_wait3A_911 : memref<1x2x80xi32, #tpu.memory_space<vmem>> -> memref<2x80xi32, #tpu.memory_space<vmem>>
        %dma_wait3A_913 = arith.constant 0 : i32
        %dma_wait3A_914 = tpu.memref_slice %dma_wait3A_912[%dma_wait3A_896, %dma_wait3A_913] : memref<2x80xi32, #tpu.memory_space<vmem>> -> memref<1x80xi32, #tpu.memory_space<vmem>>
        %dma_wait3A_915 = tpu.memref_squeeze %dma_wait3A_914 : memref<1x80xi32, #tpu.memory_space<vmem>> -> memref<80xi32, #tpu.memory_space<vmem>>
        %dma_wait3A_916 = arith.constant 0 : i32
        %dma_wait3A_917 = tpu.memref_slice %arg3[%dma_wait3A_916] : memref<100000xi32, #tpu.memory_space<hbm>> -> memref<80xi32, #tpu.memory_space<hbm>>
        tpu.wait_dma2 semaphore(%dma_wait3A_908 : memref<!tpu.dma_semaphore, #tpu.memory_space<semaphore_mem>>) src(%dma_wait3A_917 : memref<80xi32, #tpu.memory_space<hbm>>) dst(%dma_wait3A_915 : memref<80xi32, #tpu.memory_space<vmem>>)
        %dma_wait3A_918 = arith.constant 3 : i32
        %dma_wait3A_919 = arith.constant 1 : i32
        %dma_wait3A_920 = arith.constant 3 : i32
        %dma_wait3A_921 = arith.constant 0 : i32
        %dma_wait3A_922 = arith.constant 0 : i32
        %dma_wait3A_923 = tpu.memref_slice %arg7[%dma_wait3A_918, %dma_wait3A_921, %dma_wait3A_922] : memref<4x2x80xi32, #tpu.memory_space<vmem>> -> memref<1x2x80xi32, #tpu.memory_space<vmem>>
        %dma_wait3A_924 = tpu.memref_squeeze %dma_wait3A_923 : memref<1x2x80xi32, #tpu.memory_space<vmem>> -> memref<2x80xi32, #tpu.memory_space<vmem>>
        %dma_wait3A_925 = arith.constant 0 : i32
        %dma_wait3A_926 = tpu.memref_slice %dma_wait3A_924[%dma_wait3A_919, %dma_wait3A_925] : memref<2x80xi32, #tpu.memory_space<vmem>> -> memref<1x80xi32, #tpu.memory_space<vmem>>
        %dma_wait3A_927 = tpu.memref_squeeze %dma_wait3A_926 : memref<1x80xi32, #tpu.memory_space<vmem>> -> memref<80xi32, #tpu.memory_space<vmem>>
        %dma_wait3A_928 = arith.constant 0 : i32
        %dma_wait3A_929 = tpu.memref_slice %arg3[%dma_wait3A_928] : memref<100000xi32, #tpu.memory_space<hbm>> -> memref<80xi32, #tpu.memory_space<hbm>>
        %dma_wait3A_930 = tpu.memref_slice %arg11[%dma_wait3A_920] : memref<4x!tpu.dma_semaphore, #tpu.memory_space<semaphore_mem>> -> memref<1x!tpu.dma_semaphore, #tpu.memory_space<semaphore_mem>>
        %dma_wait3A_931 = tpu.memref_squeeze %dma_wait3A_930 : memref<1x!tpu.dma_semaphore, #tpu.memory_space<semaphore_mem>> -> memref<!tpu.dma_semaphore, #tpu.memory_space<semaphore_mem>>
        %dma_wait3A_932 = arith.constant 0 : i32
        %dma_wait3A_933 = arith.constant 0 : i32
        %dma_wait3A_934 = tpu.memref_slice %arg7[%dma_wait3A_918, %dma_wait3A_932, %dma_wait3A_933] : memref<4x2x80xi32, #tpu.memory_space<vmem>> -> memref<1x2x80xi32, #tpu.memory_space<vmem>>
        %dma_wait3A_935 = tpu.memref_squeeze %dma_wait3A_934 : memref<1x2x80xi32, #tpu.memory_space<vmem>> -> memref<2x80xi32, #tpu.memory_space<vmem>>
        %dma_wait3A_936 = arith.constant 0 : i32
        %dma_wait3A_937 = tpu.memref_slice %dma_wait3A_935[%dma_wait3A_919, %dma_wait3A_936] : memref<2x80xi32, #tpu.memory_space<vmem>> -> memref<1x80xi32, #tpu.memory_space<vmem>>
        %dma_wait3A_938 = tpu.memref_squeeze %dma_wait3A_937 : memref<1x80xi32, #tpu.memory_space<vmem>> -> memref<80xi32, #tpu.memory_space<vmem>>
        %dma_wait3A_939 = arith.constant 0 : i32
        %dma_wait3A_940 = tpu.memref_slice %arg3[%dma_wait3A_939] : memref<100000xi32, #tpu.memory_space<hbm>> -> memref<80xi32, #tpu.memory_space<hbm>>
        tpu.wait_dma2 semaphore(%dma_wait3A_931 : memref<!tpu.dma_semaphore, #tpu.memory_space<semaphore_mem>>) src(%dma_wait3A_940 : memref<80xi32, #tpu.memory_space<hbm>>) dst(%dma_wait3A_938 : memref<80xi32, #tpu.memory_space<vmem>>)
        %get3A = arith.constant 3 : i32
        %get3A_941 = arith.constant 0 : i32
        %get3A_942 = arith.index_cast %get3A : i32 to index
        %get3A_943 = arith.index_cast %get3A_941 : i32 to index
        %get3A_944 = arith.constant 0 : index
        %get3A_945 = tpu.vector_load %arg7[%get3A_942, %get3A_943, %get3A_944] {strides = array<i32>} : memref<4x2x80xi32, #tpu.memory_space<vmem>>, vector<16xi32>,
        tpu.vector_store_idx %arg8[%get3A_945], %broadcast_in_dim3A_552 {add = true} : memref<256xf32, #tpu.memory_space<vmem>>[vector<16xi32>], vector<16xf32>,
        %get3A_946 = arith.constant 3 : i32
        %get3A_947 = arith.constant 0 : i32
        %get3A_948 = arith.index_cast %get3A_946 : i32 to index
        %get3A_949 = arith.index_cast %get3A_947 : i32 to index
        %get3A_950 = arith.constant 16 : index
        %get3A_951 = tpu.vector_load %arg7[%get3A_948, %get3A_949, %get3A_950] {strides = array<i32>} : memref<4x2x80xi32, #tpu.memory_space<vmem>>, vector<16xi32>,
        tpu.vector_store_idx %arg8[%get3A_951], %broadcast_in_dim3A_552 {add = true} : memref<256xf32, #tpu.memory_space<vmem>>[vector<16xi32>], vector<16xf32>,
        %get3A_952 = arith.constant 3 : i32
        %get3A_953 = arith.constant 0 : i32
        %get3A_954 = arith.index_cast %get3A_952 : i32 to index
        %get3A_955 = arith.index_cast %get3A_953 : i32 to index
        %get3A_956 = arith.constant 32 : index
        %get3A_957 = tpu.vector_load %arg7[%get3A_954, %get3A_955, %get3A_956] {strides = array<i32>} : memref<4x2x80xi32, #tpu.memory_space<vmem>>, vector<16xi32>,
        tpu.vector_store_idx %arg8[%get3A_957], %broadcast_in_dim3A_552 {add = true} : memref<256xf32, #tpu.memory_space<vmem>>[vector<16xi32>], vector<16xf32>,
        %get3A_958 = arith.constant 3 : i32
        %get3A_959 = arith.constant 0 : i32
        %get3A_960 = arith.index_cast %get3A_958 : i32 to index
        %get3A_961 = arith.index_cast %get3A_959 : i32 to index
        %get3A_962 = arith.constant 48 : index
        %get3A_963 = tpu.vector_load %arg7[%get3A_960, %get3A_961, %get3A_962] {strides = array<i32>} : memref<4x2x80xi32, #tpu.memory_space<vmem>>, vector<16xi32>,
        tpu.vector_store_idx %arg8[%get3A_963], %broadcast_in_dim3A_552 {add = true} : memref<256xf32, #tpu.memory_space<vmem>>[vector<16xi32>], vector<16xf32>,
        %get3A_964 = arith.constant 3 : i32
        %get3A_965 = arith.constant 0 : i32
        %get3A_966 = arith.index_cast %get3A_964 : i32 to index
        %get3A_967 = arith.index_cast %get3A_965 : i32 to index
        %get3A_968 = arith.constant 64 : index
        %get3A_969 = tpu.vector_load %arg7[%get3A_966, %get3A_967, %get3A_968] {strides = array<i32>} : memref<4x2x80xi32, #tpu.memory_space<vmem>>, vector<16xi32>,
        tpu.vector_store_idx %arg8[%get3A_969], %broadcast_in_dim3A_552 {add = true} : memref<256xf32, #tpu.memory_space<vmem>>[vector<16xi32>], vector<16xf32>,
        %get3A_970 = arith.constant 3 : i32
        %get3A_971 = arith.constant 1 : i32
        %get3A_972 = arith.index_cast %get3A_970 : i32 to index
        %get3A_973 = arith.index_cast %get3A_971 : i32 to index
        %get3A_974 = arith.constant 0 : index
        %get3A_975 = tpu.vector_load %arg7[%get3A_972, %get3A_973, %get3A_974] {strides = array<i32>} : memref<4x2x80xi32, #tpu.memory_space<vmem>>, vector<16xi32>,
        tpu.vector_store_idx %arg8[%get3A_975], %broadcast_in_dim3A_552 {add = true} : memref<256xf32, #tpu.memory_space<vmem>>[vector<16xi32>], vector<16xf32>,
        %get3A_976 = arith.constant 3 : i32
        %get3A_977 = arith.constant 1 : i32
        %get3A_978 = arith.index_cast %get3A_976 : i32 to index
        %get3A_979 = arith.index_cast %get3A_977 : i32 to index
        %get3A_980 = arith.constant 16 : index
        %get3A_981 = tpu.vector_load %arg7[%get3A_978, %get3A_979, %get3A_980] {strides = array<i32>} : memref<4x2x80xi32, #tpu.memory_space<vmem>>, vector<16xi32>,
        tpu.vector_store_idx %arg8[%get3A_981], %broadcast_in_dim3A_552 {add = true} : memref<256xf32, #tpu.memory_space<vmem>>[vector<16xi32>], vector<16xf32>,
        %get3A_982 = arith.constant 3 : i32
        %get3A_983 = arith.constant 1 : i32
        %get3A_984 = arith.index_cast %get3A_982 : i32 to index
        %get3A_985 = arith.index_cast %get3A_983 : i32 to index
        %get3A_986 = arith.constant 32 : index
        %get3A_987 = tpu.vector_load %arg7[%get3A_984, %get3A_985, %get3A_986] {strides = array<i32>} : memref<4x2x80xi32, #tpu.memory_space<vmem>>, vector<16xi32>,
        tpu.vector_store_idx %arg8[%get3A_987], %broadcast_in_dim3A_552 {add = true} : memref<256xf32, #tpu.memory_space<vmem>>[vector<16xi32>], vector<16xf32>,
        %get3A_988 = arith.constant 3 : i32
        %get3A_989 = arith.constant 1 : i32
        %get3A_990 = arith.index_cast %get3A_988 : i32 to index
        %get3A_991 = arith.index_cast %get3A_989 : i32 to index
        %get3A_992 = arith.constant 48 : index
        %get3A_993 = tpu.vector_load %arg7[%get3A_990, %get3A_991, %get3A_992] {strides = array<i32>} : memref<4x2x80xi32, #tpu.memory_space<vmem>>, vector<16xi32>,
        tpu.vector_store_idx %arg8[%get3A_993], %broadcast_in_dim3A_552 {add = true} : memref<256xf32, #tpu.memory_space<vmem>>[vector<16xi32>], vector<16xf32>,
        %get3A_994 = arith.constant 3 : i32
        %get3A_995 = arith.constant 1 : i32
        %get3A_996 = arith.index_cast %get3A_994 : i32 to index
        %get3A_997 = arith.index_cast %get3A_995 : i32 to index
        %get3A_998 = arith.constant 64 : index
        %get3A_999 = tpu.vector_load %arg7[%get3A_996, %get3A_997, %get3A_998] {strides = array<i32>} : memref<4x2x80xi32, #tpu.memory_space<vmem>>, vector<16xi32>,
        tpu.vector_store_idx %arg8[%get3A_999], %broadcast_in_dim3A_552 {add = true} : memref<256xf32, #tpu.memory_space<vmem>>[vector<16xi32>], vector<16xf32>,
        %dma_start3A_1000 = arith.constant 3 : i32
        %dma_start3A_1001 = arith.constant 3 : i32
        %dma_start3A_1002 = arith.constant 0 : i32
        %dma_start3A_1003 = arith.constant 3 : i32
        %dma_start3A_1004 = arith.constant 0 : i32
        %dma_start3A_1005 = arith.constant 0 : i32
        %dma_start3A_1006 = tpu.memref_slice %arg6[%dma_start3A_1000, %dma_start3A_1004, %dma_start3A_1005] : memref<4x160x128xf32, #tpu.memory_space<vmem>> -> memref<1x160x128xf32, #tpu.memory_space<vmem>>
        %dma_start3A_1007 = tpu.memref_squeeze %dma_start3A_1006 : memref<1x160x128xf32, #tpu.memory_space<vmem>> -> memref<160x128xf32, #tpu.memory_space<vmem>>
        %dma_start3A_1008 = arith.constant 0 : i32
        %dma_start3A_1009 = arith.constant 0 : i32
        %dma_start3A_1010 = tpu.memref_slice %dma_start3A_1007[%dma_start3A_1008, %dma_start3A_1009] : memref<160x128xf32, #tpu.memory_space<vmem>> -> memref<80x128xf32, #tpu.memory_space<vmem>>
        %dma_start3A_1011 = arith.constant 0 : i32
        %dma_start3A_1012 = arith.constant 0 : i32
        %dma_start3A_1013 = tpu.memref_slice %arg7[%dma_start3A_1001, %dma_start3A_1011, %dma_start3A_1012] : memref<4x2x80xi32, #tpu.memory_space<vmem>> -> memref<1x2x80xi32, #tpu.memory_space<vmem>>
        %dma_start3A_1014 = tpu.memref_squeeze %dma_start3A_1013 : memref<1x2x80xi32, #tpu.memory_space<vmem>> -> memref<2x80xi32, #tpu.memory_space<vmem>>
        %dma_start3A_1015 = arith.constant 0 : i32
        %dma_start3A_1016 = tpu.memref_slice %dma_start3A_1014[%dma_start3A_1002, %dma_start3A_1015] : memref<2x80xi32, #tpu.memory_space<vmem>> -> memref<1x80xi32, #tpu.memory_space<vmem>>
        %dma_start3A_1017 = tpu.memref_squeeze %dma_start3A_1016 : memref<1x80xi32, #tpu.memory_space<vmem>> -> memref<80xi32, #tpu.memory_space<vmem>>
        %dma_start3A_1018 = arith.constant 0 : i32
        %dma_start3A_1019 = arith.constant 0 : i32
        %dma_start3A_1020 = tpu.memref_slice %arg10[%dma_start3A_1018, %dma_start3A_1019] : memref<256x128xf32, #tpu.memory_space<vmem_shared>> -> memref<256x128xf32, #tpu.memory_space<vmem_shared>>
        %dma_start3A_1021 = tpu.memref_slice %arg12[%dma_start3A_1003] : memref<4x!tpu.dma_semaphore, #tpu.memory_space<semaphore_mem>> -> memref<1x!tpu.dma_semaphore, #tpu.memory_space<semaphore_mem>>
        %dma_start3A_1022 = tpu.memref_squeeze %dma_start3A_1021 : memref<1x!tpu.dma_semaphore, #tpu.memory_space<semaphore_mem>> -> memref<!tpu.dma_semaphore, #tpu.memory_space<semaphore_mem>>
        tpu.enqueue_indirect_dma source(%dma_start3A_1010 : memref<80x128xf32, #tpu.memory_space<vmem>>) target(%dma_start3A_1020 : memref<256x128xf32, #tpu.memory_space<vmem_shared>>) offsets(%dma_start3A_1017 : memref<80xi32, #tpu.memory_space<vmem>>) semaphore(%dma_start3A_1022 : memref<!tpu.dma_semaphore, #tpu.memory_space<semaphore_mem>>) {add = true}
        %dma_start3A_1023 = arith.constant 3 : i32
        %dma_start3A_1024 = arith.constant 3 : i32
        %dma_start3A_1025 = arith.constant 1 : i32
        %dma_start3A_1026 = arith.constant 3 : i32
        %dma_start3A_1027 = arith.constant 0 : i32
        %dma_start3A_1028 = arith.constant 0 : i32
        %dma_start3A_1029 = tpu.memref_slice %arg6[%dma_start3A_1023, %dma_start3A_1027, %dma_start3A_1028] : memref<4x160x128xf32, #tpu.memory_space<vmem>> -> memref<1x160x128xf32, #tpu.memory_space<vmem>>
        %dma_start3A_1030 = tpu.memref_squeeze %dma_start3A_1029 : memref<1x160x128xf32, #tpu.memory_space<vmem>> -> memref<160x128xf32, #tpu.memory_space<vmem>>
        %dma_start3A_1031 = arith.constant 80 : i32
        %dma_start3A_1032 = arith.constant 0 : i32
        %dma_start3A_1033 = tpu.memref_slice %dma_start3A_1030[%dma_start3A_1031, %dma_start3A_1032] : memref<160x128xf32, #tpu.memory_space<vmem>> -> memref<80x128xf32, #tpu.memory_space<vmem>>
        %dma_start3A_1034 = arith.constant 0 : i32
        %dma_start3A_1035 = arith.constant 0 : i32
        %dma_start3A_1036 = tpu.memref_slice %arg7[%dma_start3A_1024, %dma_start3A_1034, %dma_start3A_1035] : memref<4x2x80xi32, #tpu.memory_space<vmem>> -> memref<1x2x80xi32, #tpu.memory_space<vmem>>
        %dma_start3A_1037 = tpu.memref_squeeze %dma_start3A_1036 : memref<1x2x80xi32, #tpu.memory_space<vmem>> -> memref<2x80xi32, #tpu.memory_space<vmem>>
        %dma_start3A_1038 = arith.constant 0 : i32
        %dma_start3A_1039 = tpu.memref_slice %dma_start3A_1037[%dma_start3A_1025, %dma_start3A_1038] : memref<2x80xi32, #tpu.memory_space<vmem>> -> memref<1x80xi32, #tpu.memory_space<vmem>>
        %dma_start3A_1040 = tpu.memref_squeeze %dma_start3A_1039 : memref<1x80xi32, #tpu.memory_space<vmem>> -> memref<80xi32, #tpu.memory_space<vmem>>
        %dma_start3A_1041 = arith.constant 0 : i32
        %dma_start3A_1042 = arith.constant 0 : i32
        %dma_start3A_1043 = tpu.memref_slice %arg10[%dma_start3A_1041, %dma_start3A_1042] : memref<256x128xf32, #tpu.memory_space<vmem_shared>> -> memref<256x128xf32, #tpu.memory_space<vmem_shared>>
        %dma_start3A_1044 = tpu.memref_slice %arg12[%dma_start3A_1026] : memref<4x!tpu.dma_semaphore, #tpu.memory_space<semaphore_mem>> -> memref<1x!tpu.dma_semaphore, #tpu.memory_space<semaphore_mem>>
        %dma_start3A_1045 = tpu.memref_squeeze %dma_start3A_1044 : memref<1x!tpu.dma_semaphore, #tpu.memory_space<semaphore_mem>> -> memref<!tpu.dma_semaphore, #tpu.memory_space<semaphore_mem>>
        tpu.enqueue_indirect_dma source(%dma_start3A_1033 : memref<80x128xf32, #tpu.memory_space<vmem>>) target(%dma_start3A_1043 : memref<256x128xf32, #tpu.memory_space<vmem_shared>>) offsets(%dma_start3A_1040 : memref<80xi32, #tpu.memory_space<vmem>>) semaphore(%dma_start3A_1045 : memref<!tpu.dma_semaphore, #tpu.memory_space<semaphore_mem>>) {add = true}
        %dma_wait3A_1046 = arith.constant 3 : i32
        %dma_wait3A_1047 = arith.constant 3 : i32
        %dma_wait3A_1048 = arith.constant 0 : i32
        %dma_wait3A_1049 = arith.constant 3 : i32
        %dma_wait3A_1050 = arith.constant 0 : i32
        %dma_wait3A_1051 = arith.constant 0 : i32
        %dma_wait3A_1052 = tpu.memref_slice %arg6[%dma_wait3A_1046, %dma_wait3A_1050, %dma_wait3A_1051] : memref<4x160x128xf32, #tpu.memory_space<vmem>> -> memref<1x160x128xf32, #tpu.memory_space<vmem>>
        %dma_wait3A_1053 = tpu.memref_squeeze %dma_wait3A_1052 : memref<1x160x128xf32, #tpu.memory_space<vmem>> -> memref<160x128xf32, #tpu.memory_space<vmem>>
        %dma_wait3A_1054 = arith.constant 0 : i32
        %dma_wait3A_1055 = arith.constant 0 : i32
        %dma_wait3A_1056 = tpu.memref_slice %dma_wait3A_1053[%dma_wait3A_1054, %dma_wait3A_1055] : memref<160x128xf32, #tpu.memory_space<vmem>> -> memref<80x128xf32, #tpu.memory_space<vmem>>
        %dma_wait3A_1057 = arith.constant 0 : i32
        %dma_wait3A_1058 = arith.constant 0 : i32
        %dma_wait3A_1059 = tpu.memref_slice %arg7[%dma_wait3A_1047, %dma_wait3A_1057, %dma_wait3A_1058] : memref<4x2x80xi32, #tpu.memory_space<vmem>> -> memref<1x2x80xi32, #tpu.memory_space<vmem>>
        %dma_wait3A_1060 = tpu.memref_squeeze %dma_wait3A_1059 : memref<1x2x80xi32, #tpu.memory_space<vmem>> -> memref<2x80xi32, #tpu.memory_space<vmem>>
        %dma_wait3A_1061 = arith.constant 0 : i32
        %dma_wait3A_1062 = tpu.memref_slice %dma_wait3A_1060[%dma_wait3A_1048, %dma_wait3A_1061] : memref<2x80xi32, #tpu.memory_space<vmem>> -> memref<1x80xi32, #tpu.memory_space<vmem>>
        %dma_wait3A_1063 = tpu.memref_squeeze %dma_wait3A_1062 : memref<1x80xi32, #tpu.memory_space<vmem>> -> memref<80xi32, #tpu.memory_space<vmem>>
        %dma_wait3A_1064 = arith.constant 0 : i32
        %dma_wait3A_1065 = arith.constant 0 : i32
        %dma_wait3A_1066 = tpu.memref_slice %arg10[%dma_wait3A_1064, %dma_wait3A_1065] : memref<256x128xf32, #tpu.memory_space<vmem_shared>> -> memref<256x128xf32, #tpu.memory_space<vmem_shared>>
        %dma_wait3A_1067 = tpu.memref_slice %arg12[%dma_wait3A_1049] : memref<4x!tpu.dma_semaphore, #tpu.memory_space<semaphore_mem>> -> memref<1x!tpu.dma_semaphore, #tpu.memory_space<semaphore_mem>>
        %dma_wait3A_1068 = tpu.memref_squeeze %dma_wait3A_1067 : memref<1x!tpu.dma_semaphore, #tpu.memory_space<semaphore_mem>> -> memref<!tpu.dma_semaphore, #tpu.memory_space<semaphore_mem>>
        tpu.wait_indirect_dma semaphore(%dma_wait3A_1068 : memref<!tpu.dma_semaphore, #tpu.memory_space<semaphore_mem>>) src(%dma_wait3A_1056 : memref<80x128xf32, #tpu.memory_space<vmem>>) dst(%dma_wait3A_1066 : memref<256x128xf32, #tpu.memory_space<vmem_shared>>)
        %dma_wait3A_1069 = arith.constant 3 : i32
        %dma_wait3A_1070 = arith.constant 3 : i32
        %dma_wait3A_1071 = arith.constant 1 : i32
        %dma_wait3A_1072 = arith.constant 3 : i32
        %dma_wait3A_1073 = arith.constant 0 : i32
        %dma_wait3A_1074 = arith.constant 0 : i32
        %dma_wait3A_1075 = tpu.memref_slice %arg6[%dma_wait3A_1069, %dma_wait3A_1073, %dma_wait3A_1074] : memref<4x160x128xf32, #tpu.memory_space<vmem>> -> memref<1x160x128xf32, #tpu.memory_space<vmem>>
        %dma_wait3A_1076 = tpu.memref_squeeze %dma_wait3A_1075 : memref<1x160x128xf32, #tpu.memory_space<vmem>> -> memref<160x128xf32, #tpu.memory_space<vmem>>
        %dma_wait3A_1077 = arith.constant 80 : i32
        %dma_wait3A_1078 = arith.constant 0 : i32
        %dma_wait3A_1079 = tpu.memref_slice %dma_wait3A_1076[%dma_wait3A_1077, %dma_wait3A_1078] : memref<160x128xf32, #tpu.memory_space<vmem>> -> memref<80x128xf32, #tpu.memory_space<vmem>>
        %dma_wait3A_1080 = arith.constant 0 : i32
        %dma_wait3A_1081 = arith.constant 0 : i32
        %dma_wait3A_1082 = tpu.memref_slice %arg7[%dma_wait3A_1070, %dma_wait3A_1080, %dma_wait3A_1081] : memref<4x2x80xi32, #tpu.memory_space<vmem>> -> memref<1x2x80xi32, #tpu.memory_space<vmem>>
        %dma_wait3A_1083 = tpu.memref_squeeze %dma_wait3A_1082 : memref<1x2x80xi32, #tpu.memory_space<vmem>> -> memref<2x80xi32, #tpu.memory_space<vmem>>
        %dma_wait3A_1084 = arith.constant 0 : i32
        %dma_wait3A_1085 = tpu.memref_slice %dma_wait3A_1083[%dma_wait3A_1071, %dma_wait3A_1084] : memref<2x80xi32, #tpu.memory_space<vmem>> -> memref<1x80xi32, #tpu.memory_space<vmem>>
        %dma_wait3A_1086 = tpu.memref_squeeze %dma_wait3A_1085 : memref<1x80xi32, #tpu.memory_space<vmem>> -> memref<80xi32, #tpu.memory_space<vmem>>
        %dma_wait3A_1087 = arith.constant 0 : i32
        %dma_wait3A_1088 = arith.constant 0 : i32
        %dma_wait3A_1089 = tpu.memref_slice %arg10[%dma_wait3A_1087, %dma_wait3A_1088] : memref<256x128xf32, #tpu.memory_space<vmem_shared>> -> memref<256x128xf32, #tpu.memory_space<vmem_shared>>
        %dma_wait3A_1090 = tpu.memref_slice %arg12[%dma_wait3A_1072] : memref<4x!tpu.dma_semaphore, #tpu.memory_space<semaphore_mem>> -> memref<1x!tpu.dma_semaphore, #tpu.memory_space<semaphore_mem>>
        %dma_wait3A_1091 = tpu.memref_squeeze %dma_wait3A_1090 : memref<1x!tpu.dma_semaphore, #tpu.memory_space<semaphore_mem>> -> memref<!tpu.dma_semaphore, #tpu.memory_space<semaphore_mem>>
        tpu.wait_indirect_dma semaphore(%dma_wait3A_1091 : memref<!tpu.dma_semaphore, #tpu.memory_space<semaphore_mem>>) src(%dma_wait3A_1079 : memref<80x128xf32, #tpu.memory_space<vmem>>) dst(%dma_wait3A_1089 : memref<256x128xf32, #tpu.memory_space<vmem_shared>>)
        %add3A_1092 = arith.constant 4 : i32
        %add3A_1093 = arith.addi %add3A_873, %add3A_1092 : i32
        %lt3A_1094 = arith.cmpi slt, %add3A_1093, %add3A_550 : i32
        %convert_element_type3A_1095 = arith.extui %lt3A_1094 : i1 to i32
        %cond3A_1096 = arith.constant 0 : i32
        %cond3A_1097 = arith.cmpi ne, %convert_element_type3A_1095, %cond3A_1096 : i32
        scf.if %cond3A_1097 {
          %add3A_1098 = arith.constant 4 : i32
          %add3A_1099 = arith.addi %add3A_873, %add3A_1098 : i32
          %mul3A_1100 = arith.constant 32 : i32
          %mul3A_1101 = arith.muli %add3A_1099, %mul3A_1100 : i32
          %add3A_1102 = arith.addi %add3A, %mul3A_1101 : i32
          %mul3A_1103 = arith.constant 160 : i32
          %mul3A_1104 = arith.muli %add3A_1102, %mul3A_1103 : i32
          %dma_start3A_1105 = arith.constant 3 : i32
          %dma_start3A_1106 = arith.constant 3 : i32
          %dma_start3A_1107 = arith.constant 0 : i32
          %dma_start3A_1108 = arith.constant 0 : i32
          %dma_start3A_1109 = tpu.memref_slice %arg6[%dma_start3A_1105, %dma_start3A_1107, %dma_start3A_1108] : memref<4x160x128xf32, #tpu.memory_space<vmem>> -> memref<1x160x128xf32, #tpu.memory_space<vmem>>
          %dma_start3A_1110 = tpu.memref_squeeze %dma_start3A_1109 : memref<1x160x128xf32, #tpu.memory_space<vmem>> -> memref<160x128xf32, #tpu.memory_space<vmem>>
          %dma_start3A_1111 = arith.constant 0 : i32
          %dma_start3A_1112 = tpu.memref_slice %arg2[%mul3A_1104, %dma_start3A_1111] : memref<100000x128xf32, #tpu.memory_space<hbm>> -> memref<160x128xf32, #tpu.memory_space<hbm>>
          %dma_start3A_1113 = tpu.memref_slice %arg11[%dma_start3A_1106] : memref<4x!tpu.dma_semaphore, #tpu.memory_space<semaphore_mem>> -> memref<1x!tpu.dma_semaphore, #tpu.memory_space<semaphore_mem>>
          %dma_start3A_1114 = tpu.memref_squeeze %dma_start3A_1113 : memref<1x!tpu.dma_semaphore, #tpu.memory_space<semaphore_mem>> -> memref<!tpu.dma_semaphore, #tpu.memory_space<semaphore_mem>>
          %dma_start3A_1115 = arith.constant 0 : i32
          %dma_start3A_1116 = arith.constant 0 : i32
          %dma_start3A_1117 = tpu.memref_slice %arg6[%dma_start3A_1105, %dma_start3A_1115, %dma_start3A_1116] : memref<4x160x128xf32, #tpu.memory_space<vmem>> -> memref<1x160x128xf32, #tpu.memory_space<vmem>>
          %dma_start3A_1118 = tpu.memref_squeeze %dma_start3A_1117 : memref<1x160x128xf32, #tpu.memory_space<vmem>> -> memref<160x128xf32, #tpu.memory_space<vmem>>
          %dma_start3A_1119 = arith.constant 0 : i32
          %dma_start3A_1120 = tpu.memref_slice %arg2[%mul3A_1104, %dma_start3A_1119] : memref<100000x128xf32, #tpu.memory_space<hbm>> -> memref<160x128xf32, #tpu.memory_space<hbm>>
          tpu.enqueue_dma source(%dma_start3A_1120 : memref<160x128xf32, #tpu.memory_space<hbm>>) target(%dma_start3A_1118 : memref<160x128xf32, #tpu.memory_space<vmem>>) target_semaphore(%dma_start3A_1114 : memref<!tpu.dma_semaphore, #tpu.memory_space<semaphore_mem>>)
          %mul3A_1121 = arith.constant 160 : i32
          %mul3A_1122 = arith.muli %add3A_1102, %mul3A_1121 : i32
          %add3A_1123 = arith.constant 0 : i32
          %add3A_1124 = arith.addi %mul3A_1122, %add3A_1123 : i32
          %dma_start3A_1125 = arith.constant 3 : i32
          %dma_start3A_1126 = arith.constant 0 : i32
          %dma_start3A_1127 = arith.constant 3 : i32
          %dma_start3A_1128 = arith.constant 0 : i32
          %dma_start3A_1129 = arith.constant 0 : i32
          %dma_start3A_1130 = tpu.memref_slice %arg7[%dma_start3A_1125, %dma_start3A_1128, %dma_start3A_1129] : memref<4x2x80xi32, #tpu.memory_space<vmem>> -> memref<1x2x80xi32, #tpu.memory_space<vmem>>
          %dma_start3A_1131 = tpu.memref_squeeze %dma_start3A_1130 : memref<1x2x80xi32, #tpu.memory_space<vmem>> -> memref<2x80xi32, #tpu.memory_space<vmem>>
          %dma_start3A_1132 = arith.constant 0 : i32
          %dma_start3A_1133 = tpu.memref_slice %dma_start3A_1131[%dma_start3A_1126, %dma_start3A_1132] : memref<2x80xi32, #tpu.memory_space<vmem>> -> memref<1x80xi32, #tpu.memory_space<vmem>>
          %dma_start3A_1134 = tpu.memref_squeeze %dma_start3A_1133 : memref<1x80xi32, #tpu.memory_space<vmem>> -> memref<80xi32, #tpu.memory_space<vmem>>
          %dma_start3A_1135 = tpu.memref_slice %arg3[%add3A_1124] : memref<100000xi32, #tpu.memory_space<hbm>> -> memref<80xi32, #tpu.memory_space<hbm>>
          %dma_start3A_1136 = tpu.memref_slice %arg11[%dma_start3A_1127] : memref<4x!tpu.dma_semaphore, #tpu.memory_space<semaphore_mem>> -> memref<1x!tpu.dma_semaphore, #tpu.memory_space<semaphore_mem>>
          %dma_start3A_1137 = tpu.memref_squeeze %dma_start3A_1136 : memref<1x!tpu.dma_semaphore, #tpu.memory_space<semaphore_mem>> -> memref<!tpu.dma_semaphore, #tpu.memory_space<semaphore_mem>>
          %dma_start3A_1138 = arith.constant 0 : i32
          %dma_start3A_1139 = arith.constant 0 : i32
          %dma_start3A_1140 = tpu.memref_slice %arg7[%dma_start3A_1125, %dma_start3A_1138, %dma_start3A_1139] : memref<4x2x80xi32, #tpu.memory_space<vmem>> -> memref<1x2x80xi32, #tpu.memory_space<vmem>>
          %dma_start3A_1141 = tpu.memref_squeeze %dma_start3A_1140 : memref<1x2x80xi32, #tpu.memory_space<vmem>> -> memref<2x80xi32, #tpu.memory_space<vmem>>
          %dma_start3A_1142 = arith.constant 0 : i32
          %dma_start3A_1143 = tpu.memref_slice %dma_start3A_1141[%dma_start3A_1126, %dma_start3A_1142] : memref<2x80xi32, #tpu.memory_space<vmem>> -> memref<1x80xi32, #tpu.memory_space<vmem>>
          %dma_start3A_1144 = tpu.memref_squeeze %dma_start3A_1143 : memref<1x80xi32, #tpu.memory_space<vmem>> -> memref<80xi32, #tpu.memory_space<vmem>>
          %dma_start3A_1145 = tpu.memref_slice %arg3[%add3A_1124] : memref<100000xi32, #tpu.memory_space<hbm>> -> memref<80xi32, #tpu.memory_space<hbm>>
          tpu.enqueue_dma source(%dma_start3A_1145 : memref<80xi32, #tpu.memory_space<hbm>>) target(%dma_start3A_1144 : memref<80xi32, #tpu.memory_space<vmem>>) target_semaphore(%dma_start3A_1137 : memref<!tpu.dma_semaphore, #tpu.memory_space<semaphore_mem>>)
          %mul3A_1146 = arith.constant 160 : i32
          %mul3A_1147 = arith.muli %add3A_1102, %mul3A_1146 : i32
          %add3A_1148 = arith.constant 80 : i32
          %add3A_1149 = arith.addi %mul3A_1147, %add3A_1148 : i32
          %dma_start3A_1150 = arith.constant 3 : i32
          %dma_start3A_1151 = arith.constant 1 : i32
          %dma_start3A_1152 = arith.constant 3 : i32
          %dma_start3A_1153 = arith.constant 0 : i32
          %dma_start3A_1154 = arith.constant 0 : i32
          %dma_start3A_1155 = tpu.memref_slice %arg7[%dma_start3A_1150, %dma_start3A_1153, %dma_start3A_1154] : memref<4x2x80xi32, #tpu.memory_space<vmem>> -> memref<1x2x80xi32, #tpu.memory_space<vmem>>
          %dma_start3A_1156 = tpu.memref_squeeze %dma_start3A_1155 : memref<1x2x80xi32, #tpu.memory_space<vmem>> -> memref<2x80xi32, #tpu.memory_space<vmem>>
          %dma_start3A_1157 = arith.constant 0 : i32
          %dma_start3A_1158 = tpu.memref_slice %dma_start3A_1156[%dma_start3A_1151, %dma_start3A_1157] : memref<2x80xi32, #tpu.memory_space<vmem>> -> memref<1x80xi32, #tpu.memory_space<vmem>>
          %dma_start3A_1159 = tpu.memref_squeeze %dma_start3A_1158 : memref<1x80xi32, #tpu.memory_space<vmem>> -> memref<80xi32, #tpu.memory_space<vmem>>
          %dma_start3A_1160 = tpu.memref_slice %arg3[%add3A_1149] : memref<100000xi32, #tpu.memory_space<hbm>> -> memref<80xi32, #tpu.memory_space<hbm>>
          %dma_start3A_1161 = tpu.memref_slice %arg11[%dma_start3A_1152] : memref<4x!tpu.dma_semaphore, #tpu.memory_space<semaphore_mem>> -> memref<1x!tpu.dma_semaphore, #tpu.memory_space<semaphore_mem>>
          %dma_start3A_1162 = tpu.memref_squeeze %dma_start3A_1161 : memref<1x!tpu.dma_semaphore, #tpu.memory_space<semaphore_mem>> -> memref<!tpu.dma_semaphore, #tpu.memory_space<semaphore_mem>>
          %dma_start3A_1163 = arith.constant 0 : i32
          %dma_start3A_1164 = arith.constant 0 : i32
          %dma_start3A_1165 = tpu.memref_slice %arg7[%dma_start3A_1150, %dma_start3A_1163, %dma_start3A_1164] : memref<4x2x80xi32, #tpu.memory_space<vmem>> -> memref<1x2x80xi32, #tpu.memory_space<vmem>>
          %dma_start3A_1166 = tpu.memref_squeeze %dma_start3A_1165 : memref<1x2x80xi32, #tpu.memory_space<vmem>> -> memref<2x80xi32, #tpu.memory_space<vmem>>
          %dma_start3A_1167 = arith.constant 0 : i32
          %dma_start3A_1168 = tpu.memref_slice %dma_start3A_1166[%dma_start3A_1151, %dma_start3A_1167] : memref<2x80xi32, #tpu.memory_space<vmem>> -> memref<1x80xi32, #tpu.memory_space<vmem>>
          %dma_start3A_1169 = tpu.memref_squeeze %dma_start3A_1168 : memref<1x80xi32, #tpu.memory_space<vmem>> -> memref<80xi32, #tpu.memory_space<vmem>>
          %dma_start3A_1170 = tpu.memref_slice %arg3[%add3A_1149] : memref<100000xi32, #tpu.memory_space<hbm>> -> memref<80xi32, #tpu.memory_space<hbm>>
          tpu.enqueue_dma source(%dma_start3A_1170 : memref<80xi32, #tpu.memory_space<hbm>>) target(%dma_start3A_1169 : memref<80xi32, #tpu.memory_space<vmem>>) target_semaphore(%dma_start3A_1162 : memref<!tpu.dma_semaphore, #tpu.memory_space<semaphore_mem>>)
        } else {
        }
      } else {
      }
    }
    "tpu.region"() ({
      %run_scoped3A = tpu.sem_alloc : memref<!tpu.dma_semaphore, #tpu.memory_space<semaphore_mem>>
      %dma_start3A_853 = arith.constant 0 : i32
      %dma_start3A_854 = tpu.memref_slice %arg5[%add3A, %dma_start3A_853] : memref<32x256xf32, #tpu.memory_space<hbm>> -> memref<1x256xf32, #tpu.memory_space<hbm>>
      %dma_start3A_855 = tpu.memref_squeeze %dma_start3A_854 : memref<1x256xf32, #tpu.memory_space<hbm>> -> memref<256xf32, #tpu.memory_space<hbm>>
      %dma_start3A_856 = arith.constant 0 : i32
      %dma_start3A_857 = tpu.memref_slice %arg5[%add3A, %dma_start3A_856] : memref<32x256xf32, #tpu.memory_space<hbm>> -> memref<1x256xf32, #tpu.memory_space<hbm>>
      %dma_start3A_858 = tpu.memref_squeeze %dma_start3A_857 : memref<1x256xf32, #tpu.memory_space<hbm>> -> memref<256xf32, #tpu.memory_space<hbm>>
      tpu.enqueue_dma source(%arg8 : memref<256xf32, #tpu.memory_space<vmem>>) target(%dma_start3A_858 : memref<256xf32, #tpu.memory_space<hbm>>) target_semaphore(%run_scoped3A : memref<!tpu.dma_semaphore, #tpu.memory_space<semaphore_mem>>)
      %dma_wait3A = arith.constant 0 : i32
      %dma_wait3A_859 = tpu.memref_slice %arg5[%add3A, %dma_wait3A] : memref<32x256xf32, #tpu.memory_space<hbm>> -> memref<1x256xf32, #tpu.memory_space<hbm>>
      %dma_wait3A_860 = tpu.memref_squeeze %dma_wait3A_859 : memref<1x256xf32, #tpu.memory_space<hbm>> -> memref<256xf32, #tpu.memory_space<hbm>>
      %dma_wait3A_861 = arith.constant 0 : i32
      %dma_wait3A_862 = tpu.memref_slice %arg5[%add3A, %dma_wait3A_861] : memref<32x256xf32, #tpu.memory_space<hbm>> -> memref<1x256xf32, #tpu.memory_space<hbm>>
      %dma_wait3A_863 = tpu.memref_squeeze %dma_wait3A_862 : memref<1x256xf32, #tpu.memory_space<hbm>> -> memref<256xf32, #tpu.memory_space<hbm>>
      tpu.wait_dma2 semaphore(%run_scoped3A : memref<!tpu.dma_semaphore, #tpu.memory_space<semaphore_mem>>) src(%arg8 : memref<256xf32, #tpu.memory_space<vmem>>) dst(%dma_wait3A_863 : memref<256xf32, #tpu.memory_space<hbm>>)
      tpu.yield
    }) : () -> ()
    %barrier3A_848 = arith.constant 0 : index
    tpu.barrier barrier_id(%barrier3A_848)
    %mul3A_849 = arith.constant 16 : i32
    %mul3A_850 = arith.muli %arg1, %mul3A_849 : i32
    "tpu.region"() ({
      %run_scoped3A = tpu.sem_alloc : memref<!tpu.dma_semaphore, #tpu.memory_space<semaphore_mem>>
      %dma_start3A_853 = arith.constant 0 : i32
      %dma_start3A_854 = tpu.memref_slice %arg10[%mul3A_850, %dma_start3A_853] : memref<256x128xf32, #tpu.memory_space<vmem_shared>> -> memref<16x128xf32, #tpu.memory_space<vmem_shared>>
      %dma_start3A_855 = arith.constant 0 : i32
      %dma_start3A_856 = tpu.memref_slice %arg10[%mul3A_850, %dma_start3A_855] : memref<256x128xf32, #tpu.memory_space<vmem_shared>> -> memref<16x128xf32, #tpu.memory_space<vmem_shared>>
      tpu.enqueue_dma source(%dma_start3A_856 : memref<16x128xf32, #tpu.memory_space<vmem_shared>>) target(%arg9 : memref<16x128xf32, #tpu.memory_space<vmem>>) target_semaphore(%run_scoped3A : memref<!tpu.dma_semaphore, #tpu.memory_space<semaphore_mem>>)
      %dma_wait3A = arith.constant 0 : i32
      %dma_wait3A_857 = tpu.memref_slice %arg10[%mul3A_850, %dma_wait3A] : memref<256x128xf32, #tpu.memory_space<vmem_shared>> -> memref<16x128xf32, #tpu.memory_space<vmem_shared>>
      %dma_wait3A_858 = arith.constant 0 : i32
      %dma_wait3A_859 = tpu.memref_slice %arg10[%mul3A_850, %dma_wait3A_858] : memref<256x128xf32, #tpu.memory_space<vmem_shared>> -> memref<16x128xf32, #tpu.memory_space<vmem_shared>>
      tpu.wait_dma2 semaphore(%run_scoped3A : memref<!tpu.dma_semaphore, #tpu.memory_space<semaphore_mem>>) src(%dma_wait3A_859 : memref<16x128xf32, #tpu.memory_space<vmem_shared>>) dst(%arg9 : memref<16x128xf32, #tpu.memory_space<vmem>>)
      tpu.yield
    }) : () -> ()
    %mul3A_851 = arith.constant 16 : i32
    %mul3A_852 = arith.muli %arg1, %mul3A_851 : i32
    "tpu.region"() ({
      %run_scoped3A = tpu.sem_alloc : memref<!tpu.dma_semaphore, #tpu.memory_space<semaphore_mem>>
      %dma_start3A_853 = arith.constant 0 : i32
      %dma_start3A_854 = tpu.memref_slice %arg4[%arg0, %mul3A_852, %dma_start3A_853] : memref<2x256x128xf32, #tpu.memory_space<hbm>> -> memref<1x16x128xf32, #tpu.memory_space<hbm>>
      %dma_start3A_855 = tpu.memref_squeeze %dma_start3A_854 : memref<1x16x128xf32, #tpu.memory_space<hbm>> -> memref<16x128xf32, #tpu.memory_space<hbm>>
      %dma_start3A_856 = arith.constant 0 : i32
      %dma_start3A_857 = tpu.memref_slice %arg4[%arg0, %mul3A_852, %dma_start3A_856] : memref<2x256x128xf32, #tpu.memory_space<hbm>> -> memref<1x16x128xf32, #tpu.memory_space<hbm>>
      %dma_start3A_858 = tpu.memref_squeeze %dma_start3A_857 : memref<1x16x128xf32, #tpu.memory_space<hbm>> -> memref<16x128xf32, #tpu.memory_space<hbm>>
      tpu.enqueue_dma source(%arg9 : memref<16x128xf32, #tpu.memory_space<vmem>>) target(%dma_start3A_858 : memref<16x128xf32, #tpu.memory_space<hbm>>) target_semaphore(%run_scoped3A : memref<!tpu.dma_semaphore, #tpu.memory_space<semaphore_mem>>)
      %dma_wait3A = arith.constant 0 : i32
      %dma_wait3A_859 = tpu.memref_slice %arg4[%arg0, %mul3A_852, %dma_wait3A] : memref<2x256x128xf32, #tpu.memory_space<hbm>> -> memref<1x16x128xf32, #tpu.memory_space<hbm>>
      %dma_wait3A_860 = tpu.memref_squeeze %dma_wait3A_859 : memref<1x16x128xf32, #tpu.memory_space<hbm>> -> memref<16x128xf32, #tpu.memory_space<hbm>>
      %dma_wait3A_861 = arith.constant 0 : i32
      %dma_wait3A_862 = tpu.memref_slice %arg4[%arg0, %mul3A_852, %dma_wait3A_861] : memref<2x256x128xf32, #tpu.memory_space<hbm>> -> memref<1x16x128xf32, #tpu.memory_space<hbm>>
      %dma_wait3A_863 = tpu.memref_squeeze %dma_wait3A_862 : memref<1x16x128xf32, #tpu.memory_space<hbm>> -> memref<16x128xf32, #tpu.memory_space<hbm>>
      tpu.wait_dma2 semaphore(%run_scoped3A : memref<!tpu.dma_semaphore, #tpu.memory_space<semaphore_mem>>) src(%arg9 : memref<16x128xf32, #tpu.memory_space<vmem>>) dst(%dma_wait3A_863 : memref<16x128xf32, #tpu.memory_space<hbm>>)
      tpu.yield
    }) : () -> ()
    return
  }
}

module attributes {stable_mosaic.version = 14 : i64} {
  func.func @_mlp_body(%arg0: memref<2x256x128xf32, #tpu.memory_space<vmem>>, %arg1: memref<32x256xf32, #tpu.memory_space<vmem>>, %arg2: memref<256x64xf32, #tpu.memory_space<vmem>>, %arg3: memref<192x256xf32, #tpu.memory_space<vmem>>, %arg4: memref<256xf32, #tpu.memory_space<vmem>>, %arg5: memref<256xf32, #tpu.memory_space<vmem>>, %arg6: memref<256xf32, #tpu.memory_space<vmem>>, %arg7: memref<256x128xf32, #tpu.memory_space<vmem>>, %arg8: memref<128xf32, #tpu.memory_space<vmem>>, %arg9: memref<256x128xf32, #tpu.memory_space<vmem>>) attributes {dimension_semantics = [], scalar_prefetch = 0 : i64, scratch_operands = 0 : i64, tpu.core_type = #tpu.core_type<tc>} {
    %get3A = arith.constant 0 : index
    %get3A_0 = arith.constant 0 : index
    %get3A_1 = arith.constant 0 : index
    %get3A_2 = vector.load %arg0[%get3A, %get3A_0, %get3A_1] : memref<2x256x128xf32, #tpu.memory_space<vmem>>, vector<1x256x128xf32>
    %get3A_3 = vector.shape_cast %get3A_2 : vector<1x256x128xf32> to vector<256x128xf32>
    %get3A_4 = arith.constant 1 : index
    %get3A_5 = arith.constant 0 : index
    %get3A_6 = arith.constant 0 : index
    %get3A_7 = vector.load %arg0[%get3A_4, %get3A_5, %get3A_6] : memref<2x256x128xf32, #tpu.memory_space<vmem>>, vector<1x256x128xf32>
    %get3A_8 = vector.shape_cast %get3A_7 : vector<1x256x128xf32> to vector<256x128xf32>
    %add3A = arith.addf %get3A_3, %get3A_8 : vector<256x128xf32>
    %get3A_9 = arith.constant 0 : index
    %get3A_10 = arith.constant 0 : index
    %get3A_11 = vector.load %arg1[%get3A_9, %get3A_10] : memref<32x256xf32, #tpu.memory_space<vmem>>, vector<32x256xf32>
    %reduce_sum3A = arith.constant dense<0.000000e+00> : vector<256xf32>
    %reduce_sum3A_12 = vector.multi_reduction <add>, %get3A_11, %reduce_sum3A [0] : vector<32x256xf32> to vector<256xf32>
    %broadcast_in_dim3A = vector.shape_cast %reduce_sum3A_12 : vector<256xf32> to vector<256x1xf32>
    %max3A = arith.constant 1.000000e+00 : f32
    %max3A_13 = vector.broadcast %max3A : f32 to vector<256x1xf32>
    %max3A_14 = arith.maximumf %broadcast_in_dim3A, %max3A_13 : vector<256x1xf32>
    %div3A = vector.broadcast %max3A_14 : vector<256x1xf32> to vector<256x128xf32>
    %div3A_15 = arith.divf %add3A, %div3A : vector<256x128xf32>
    %get3A_16 = arith.constant 0 : index
    %get3A_17 = arith.constant 0 : index
    %get3A_18 = vector.load %arg3[%get3A_16, %get3A_17] : memref<192x256xf32, #tpu.memory_space<vmem>>, vector<64x256xf32>
    %get3A_19 = arith.constant 64 : index
    %get3A_20 = arith.constant 0 : index
    %get3A_21 = vector.load %arg3[%get3A_19, %get3A_20] : memref<192x256xf32, #tpu.memory_space<vmem>>, vector<128x256xf32>
    %get3A_22 = arith.constant 0 : index
    %get3A_23 = arith.constant 0 : index
    %get3A_24 = vector.load %arg2[%get3A_22, %get3A_23] : memref<256x64xf32, #tpu.memory_space<vmem>>, vector<256x64xf32>
    %dot_general3A = arith.constant dense<0.000000e+00> : vector<256x256xf32>
    %dot_general3A_25 = tpu.matmul %get3A_24, %get3A_18, %dot_general3A {dimension_numbers = #tpu.dot_dimension_numbers<[1], [0], [0], [1], [0, 0, 1, 1], [], []>, transpose_lhs_hint = false} : vector<256x64xf32>, vector<64x256xf32>, vector<256x256xf32> -> vector<256x256xf32>
    %dot_general3A_26 = arith.constant dense<0.000000e+00> : vector<256x256xf32>
    %dot_general3A_27 = tpu.matmul %div3A_15, %get3A_21, %dot_general3A_26 {dimension_numbers = #tpu.dot_dimension_numbers<[1], [0], [0], [1], [0, 0, 1, 1], [], []>, transpose_lhs_hint = false} : vector<256x128xf32>, vector<128x256xf32>, vector<256x256xf32> -> vector<256x256xf32>
    %add3A_28 = arith.addf %dot_general3A_25, %dot_general3A_27 : vector<256x256xf32>
    %get3A_29 = arith.constant 0 : index
    %get3A_30 = vector.load %arg4[%get3A_29] : memref<256xf32, #tpu.memory_space<vmem>>, vector<256xf32>
    %broadcast_in_dim3A_31 = vector.shape_cast %get3A_30 : vector<256xf32> to vector<1x256xf32>
    %add3A_32 = vector.broadcast %broadcast_in_dim3A_31 : vector<1x256xf32> to vector<256x256xf32>
    %add3A_33 = arith.addf %add3A_28, %add3A_32 : vector<256x256xf32>
    %reduce_sum3A_34 = arith.constant dense<0.000000e+00> : vector<256xf32>
    %reduce_sum3A_35 = vector.multi_reduction <add>, %add3A_33, %reduce_sum3A_34 [1] : vector<256x256xf32> to vector<256xf32>
    %broadcast_in_dim3A_36 = vector.shape_cast %reduce_sum3A_35 : vector<256xf32> to vector<256x1xf32>
    %div3A_37 = arith.constant 2.560000e+02 : f32
    %div3A_38 = vector.broadcast %div3A_37 : f32 to vector<256x1xf32>
    %div3A_39 = arith.divf %broadcast_in_dim3A_36, %div3A_38 : vector<256x1xf32>
    %sub3A = vector.broadcast %div3A_39 : vector<256x1xf32> to vector<256x256xf32>
    %sub3A_40 = arith.subf %add3A_33, %sub3A : vector<256x256xf32>
    %integer_pow3A = arith.mulf %sub3A_40, %sub3A_40 : vector<256x256xf32>
    %reduce_sum3A_41 = arith.constant dense<0.000000e+00> : vector<256xf32>
    %reduce_sum3A_42 = vector.multi_reduction <add>, %integer_pow3A, %reduce_sum3A_41 [1] : vector<256x256xf32> to vector<256xf32>
    %broadcast_in_dim3A_43 = vector.shape_cast %reduce_sum3A_42 : vector<256xf32> to vector<256x1xf32>
    %div3A_44 = arith.constant 2.560000e+02 : f32
    %div3A_45 = vector.broadcast %div3A_44 : f32 to vector<256x1xf32>
    %div3A_46 = arith.divf %broadcast_in_dim3A_43, %div3A_45 : vector<256x1xf32>
    %sub3A_47 = vector.broadcast %div3A_39 : vector<256x1xf32> to vector<256x256xf32>
    %sub3A_48 = arith.subf %add3A_33, %sub3A_47 : vector<256x256xf32>
    %add3A_49 = arith.constant 9.99999974E-6 : f32
    %add3A_50 = vector.broadcast %add3A_49 : f32 to vector<256x1xf32>
    %add3A_51 = arith.addf %div3A_46, %add3A_50 : vector<256x1xf32>
    %rsqrt3A = math.rsqrt %add3A_51 : vector<256x1xf32>
    %mul3A = vector.broadcast %rsqrt3A : vector<256x1xf32> to vector<256x256xf32>
    %mul3A_52 = arith.mulf %sub3A_48, %mul3A : vector<256x256xf32>
    %get3A_53 = arith.constant 0 : index
    %get3A_54 = vector.load %arg5[%get3A_53] : memref<256xf32, #tpu.memory_space<vmem>>, vector<256xf32>
    %broadcast_in_dim3A_55 = vector.shape_cast %get3A_54 : vector<256xf32> to vector<1x256xf32>
    %mul3A_56 = vector.broadcast %broadcast_in_dim3A_55 : vector<1x256xf32> to vector<256x256xf32>
    %mul3A_57 = arith.mulf %mul3A_52, %mul3A_56 : vector<256x256xf32>
    %get3A_58 = arith.constant 0 : index
    %get3A_59 = vector.load %arg6[%get3A_58] : memref<256xf32, #tpu.memory_space<vmem>>, vector<256xf32>
    %broadcast_in_dim3A_60 = vector.shape_cast %get3A_59 : vector<256xf32> to vector<1x256xf32>
    %add3A_61 = vector.broadcast %broadcast_in_dim3A_60 : vector<1x256xf32> to vector<256x256xf32>
    %add3A_62 = arith.addf %mul3A_57, %add3A_61 : vector<256x256xf32>
    %max3A_63 = arith.constant 0.000000e+00 : f32
    %max3A_64 = vector.broadcast %max3A_63 : f32 to vector<256x256xf32>
    %max3A_65 = arith.maximumf %add3A_62, %max3A_64 : vector<256x256xf32>
    %get3A_66 = arith.constant 0 : index
    %get3A_67 = arith.constant 0 : index
    %get3A_68 = vector.load %arg7[%get3A_66, %get3A_67] : memref<256x128xf32, #tpu.memory_space<vmem>>, vector<256x128xf32>
    %dot_general3A_69 = arith.constant dense<0.000000e+00> : vector<256x128xf32>
    %dot_general3A_70 = tpu.matmul %max3A_65, %get3A_68, %dot_general3A_69 {dimension_numbers = #tpu.dot_dimension_numbers<[1], [0], [0], [1], [0, 0, 1, 1], [], []>, transpose_lhs_hint = false} : vector<256x256xf32>, vector<256x128xf32>, vector<256x128xf32> -> vector<256x128xf32>
    %get3A_71 = arith.constant 0 : index
    %get3A_72 = vector.load %arg8[%get3A_71] : memref<128xf32, #tpu.memory_space<vmem>>, vector<128xf32>
    %broadcast_in_dim3A_73 = vector.shape_cast %get3A_72 : vector<128xf32> to vector<1x128xf32>
    %add3A_74 = vector.broadcast %broadcast_in_dim3A_73 : vector<1x128xf32> to vector<256x128xf32>
    %add3A_75 = arith.addf %dot_general3A_70, %add3A_74 : vector<256x128xf32>
    %swap3A = arith.constant 0 : index
    %swap3A_76 = arith.constant 0 : index
    %swap3A_77 = vector.load %arg9[%swap3A, %swap3A_76] : memref<256x128xf32, #tpu.memory_space<vmem>>, vector<256x128xf32>
    tpu.vector_store %arg9[%swap3A, %swap3A_76], %add3A_75 {strides = array<i32>} : memref<256x128xf32, #tpu.memory_space<vmem>>, vector<256x128xf32>,
    return
  }
}

</mosaic_0001>

<sc_bundles>
// kernel: kernel.4.cloned.1.call-start
scs
__scs_entry_jumppad:
0x0: {  	(pc) =	sbr.rel $0x88, $3  }
0x1: {  	(tag) =	ssettag $0x0;
	lr =	simm.s32 $0x1  }
0x2: {  	[smem:$0x3F98] =	sst lr;
	_ =	strace $0xD0000000  }
0x3: {  	_ = 	snop  }
0x4: {  	_ = 	snop  }
0x5: {  	_ = 	snop  }
0x6: {  	_ = 	snop  }
0x7: {  	_ = 	snop  }
__scs_overlays_trampoline_lowered:
0x8: {  	[smem:$0x3FA7] =	sst s0  }
0x9: {  	[smem:$0x3FA8] =	sst s1  }
0xa: {  	[smem:$0x3FA9] =	sst s2  }
0xb: {  	[smem:$0x3FAA] =	sst s3  }
0xc: {  	[smem:$0x3FAB] =	sst s4  }
0xd: {  	[smem:$0x3FAC] =	sst s5  }
0xe: {  	[smem:$0x3FAD] =	sst s6  }
0xf: {  	[smem:$0x3FAE] =	sst s7  }
0x10: {  	[smem:$0x3FAF] =	sst s8  }
0x11: {  	[smem:$0x3FB0] =	sst s9;
	s0 =	simm.s32 @!p0 $0x0  }
0x12: {  	s1 =	sld [smem:$0x3F96];
	s0 =	simm.s32 @p0 $0x1  }
0x13: {  	[smem:$0x3FB1] =	sst s0;
	s0 =	simm.s32 @!p1 $0x0  }
0x14: {  	s2 =	sld [smem:$0x3F95];
	s0 =	simm.s32 @p1 $0x1  }
0x15: {  	[smem:$0x3FB2] =	sst s0;
	s0 =	simm.s32 @!p2 $0x0  }
0x16: {  	s3 =	sld [smem:$0x3FDB];
	s0 =	simm.s32 @p2 $0x1  }
0x17: {  	s4 =	simm.s32 $0x1BF5;
	[smem:$0x3FB4] =	sst s0  }
0x18: {  	s0 =	sld [smem:$0x3F97];
	_ =	swait.ge [sflag:s4], $0x0  }
0x19: {  	s7 =	sld [smem:$0x3F98]  }
0x1a: {  	s8 =	sadd.s32 $0xFFFFE003, lr  }
0x1b: {  	s9 =	sadd.s32 $0xFFFFFEF7, lr;
	s5 =	simm.s32 $0xFFFFFFFF;
	p2 =	slt.u32 s8, $0xFFFFF086  }
0x1c: {  	p1 =	slt.u32 s9, $0xF7A;
	s5 =	simm.s32 @!p2 $0x0  }
0x1d: {  	s5 =	simm.s32 @p1 $0x1;
	p0 =	seq.s32 s7, s2  }
0x1e: {  	s7 =	smul.u32 @!p0 $0xF7A, s2;
	p2 =	seq.s32 @!p0 s5, $0x0  }
0x1f: {  	s9 =	smul.u32 $0xF7A, s1;
	s8 =	simm.s32 @!p0 $0x1BF5;
	p2 =	por !p2, p0  }
0x20: {  	[sflag:s8] =	ssyncset.s32 @!p0 $0xFFFFF086;
	s6 =	sadd.s32 @!p0 s3, s7;
	s7 =	simm.s32 @!p0 $0x108  }
0x21: {  	s3 =	sadd.s32 s3, s9;
	s6 =	sadd.s32 @!p0 $0x88, s6;
	s7 =	simm.s32 @p2 $0x1082  }
0x22: {  	[simem:s7], [sflag:s8] =	dma.local @!p0 [hbm:s6], $0xF7A  }
0x23: {  	s9 =	sor.u32 $0xD0000000, s2;
	s6 =	simm.s32 $0x108;
	_ =	swait.ge @!p0 [sflag:s8], $0x0  }
0x24: {  	s3 =	sadd.s32 $0x88, s3;
	s6 =	simm.s32 @!p1 $0x1082;
	[sflag:s4] =	ssyncset.s32 $0xFFFFF086  }
0x25: {  	[simem:s6], [sflag:s4] =	dma.local [hbm:s3], $0xF7A  }
0x26: {  	[smem:$0x3F98] =	sst s1;
	(tag) =	ssettag s2;
	_ =	strace s9  }
0x27: {  	s1 =	sld [smem:$0x3FA8]  }
0x28: {  	s2 =	sld [smem:$0x3FA9]  }
0x29: {  	s4 =	sld [smem:$0x3FAB]  }
0x2a: {  	p0 =	seq.s32 s5, $0x0;
	s5 =	sld [smem:$0x3FAC]  }
0x2b: {  	s6 =	sld [smem:$0x3FAD]  }
0x2c: {  	s7 =	sld [smem:$0x3FAE]  }
0x2d: {  	s3 =	simm.s32 $0x108;
	s8 =	sld [smem:$0x3FAF]  }
0x2e: {  	s3 =	simm.s32 @!p0 $0x1082;
	s9 =	sld [smem:$0x3FB0]  }
0x2f: {  	lr =	sadd.s32 s0, s3;
	s0 =	sld [smem:$0x3FA7]  }
0x30: {  	s3 =	sld [smem:$0x3FAA]  }
0x31: {  	[smem:$0x3FB3] =	sst s10  }
0x32: {  	s10 =	sld [smem:$0x3FB1];
	_ =	sdelay $0x3  }
0x33: {  	p0 =	seq.s32 s10, $0x1;
	s10 =	sld [smem:$0x3FB3];
	_ =	sdelay $0x3  }
0x34: {  	[smem:$0x3FB3] =	sst s10  }
0x35: {  	s10 =	sld [smem:$0x3FB2];
	_ =	sdelay $0x3  }
0x36: {  	p1 =	seq.s32 s10, $0x1;
	s10 =	sld [smem:$0x3FB3];
	_ =	sdelay $0x3  }
0x37: {  	[smem:$0x3FB3] =	sst s10  }
0x38: {  	s10 =	sld [smem:$0x3FB4]  }
0x39: {  	_ = 	snop;
	(pc) =	sbr.ind lr, $3  }
0x3a: {  	_ = 	snop  }
0x3b: {  	_ = 	snop  }
0x3c: {  	p2 =	seq.s32 s10, $0x1;
	s10 =	sld [smem:$0x3FB3]  }
0x3d: {  	_ =	shalt  }
0x3e: {  	_ =	shalt  }
0x3f: {  	_ =	shalt  }
0x40: {  	_ =	shalt  }
0x41: {  	_ =	shalt  }
0x42: {  	_ =	shalt  }
0x43: {  	_ =	shalt  }
0x44: {  	_ =	shalt  }
0x45: {  	_ =	shalt  }
0x46: {  	_ =	shalt  }
0x47: {  	_ =	shalt  }
0x48: {  	_ =	shalt  }
0x49: {  	_ =	shalt  }
0x4a: {  	_ =	shalt  }
0x4b: {  	_ =	shalt  }
0x4c: {  	_ =	shalt  }
0x4d: {  	_ =	shalt  }
0x4e: {  	_ =	shalt  }
0x4f: {  	_ =	shalt  }
0x50: {  	_ =	shalt  }
0x51: {  	_ =	shalt  }
0x52: {  	_ =	shalt  }
0x53: {  	_ =	shalt  }
0x54: {  	_ =	shalt  }
0x55: {  	_ =	shalt  }
0x56: {  	_ =	shalt  }
0x57: {  	_ =	shalt  }
0x58: {  	_ =	shalt  }
0x59: {  	_ =	shalt  }
0x5a: {  	_ =	shalt  }
0x5b: {  	_ =	shalt  }
0x5c: {  	_ =	shalt  }
0x5d: {  	_ =	shalt  }
0x5e: {  	_ =	shalt  }
0x5f: {  	_ =	shalt  }
0x60: {  	_ =	shalt  }
0x61: {  	_ =	shalt  }
0x62: {  	_ =	shalt  }
0x63: {  	_ =	shalt  }
0x64: {  	_ =	shalt  }
0x65: {  	_ =	shalt  }
0x66: {  	_ =	shalt  }
0x67: {  	_ =	shalt  }
0x68: {  	_ =	shalt  }
0x69: {  	_ =	shalt  }
0x6a: {  	_ =	shalt  }
0x6b: {  	_ =	shalt  }
0x6c: {  	_ =	shalt  }
0x6d: {  	_ =	shalt  }
0x6e: {  	_ =	shalt  }
0x6f: {  	_ =	shalt  }
0x70: {  	_ =	shalt  }
0x71: {  	_ =	shalt  }
0x72: {  	_ =	shalt  }
0x73: {  	_ =	shalt  }
0x74: {  	_ =	shalt  }
0x75: {  	_ =	shalt  }
0x76: {  	_ =	shalt  }
0x77: {  	_ =	shalt  }
0x78: {  	_ =	shalt  }
0x79: {  	_ =	shalt  }
0x7a: {  	_ =	shalt  }
0x7b: {  	_ =	shalt  }
0x7c: {  	_ =	shalt  }
0x7d: {  	_ =	shalt  }
0x7e: {  	_ =	shalt  }
0x7f: {  	_ =	shalt  }
0x80: {  	_ =	shalt  }
0x81: {  	_ =	shalt  }
0x82: {  	_ =	shalt  }
0x83: {  	_ =	shalt  }
0x84: {  	_ =	shalt  }
0x85: {  	_ =	shalt  }
0x86: {  	_ =	shalt  }
0x87: {  	_ =	shalt  }
.Lfunc_end0:
.L_simem_size_0:
called_computation_lowered:
.L_overlay_start_0:
0x88: {  	s2 =	sld [smem:$0x3FD9]  }
0x89: {  	s3 =	sld [smem:$0x3FFE];
	_ =	sdelay $0x1  }
0x8a: {  	s1 =	srdreg.scid  }
0x8b: {  	s0 =	sand.u32 $0x1, s1  }
0x8c: {  	s17 =	sshll.u32 s0, $0xA;
	s2 =	sadd.s32 s3, s2  }
0x8d: {  	s2 =	sadd.s32 s2, s17  }
0x8e: {  	[smem:$0x3FBF] =	sst s2  }
0x8f: {  	_ = 	snop  }
0x90: {  	s2 =	sld [smem:$0x3FC9]  }
0x91: {  	s18 =	sld [smem:$0x3FC7]  }
0x92: {  	s4 =	sld [smem:$0x3FD0];
	(tm) =	ssettm $0x1  }
0x93: {  	s5 =	sld [smem:$0x3FFB];
	_ =	sdelay $0x3  }
0x94: {  	_ =	strace s5  }
0x95: {  	s5 =	sld [smem:$0x3FFC];
	_ =	sdelay $0x3  }
0x96: {  	_ =	strace s5  }
0x97: {  	s5 =	sld [smem:$0x3FFD];
	_ =	sdelay $0x3  }
0x98: {  	_ =	strace s5  }
0x99: {  	_ =	strace $0x8FFFFFFF  }
0x9a: {  	s19 =	sld [smem:$0x3FDB];
	_ =	sdelay $0x1  }
0x9b: {  	s6 =	simm.s32 $_scs_section_size  }
0x9c: {  	s7 =	simm.s32 $_size__tile_overlayer_lowered;
	s8 =	simm.s32 $_tile_overlayer_lowered  }
0x9d: {  	s22 =	simm.s32 $0x1BFF;
	s21 =	sshll.u32 s8, $0x1;
	s5 =	sadd.s32 s6, s19  }
0x9e: {  	s9 =	simm.s32 $0x0;
	s20 =	sshll.u32 s7, $0x1;
	s7 =	sadd.s32 s21, s5  }
0x9f: {  	[timem:s9], [sflag:s22] =	dma.local [hbm:s7], s20  }
0xa0: {  	_ =	swait.ge [sflag:s22], s20  }
0xa1: {  	s6 =	ssub.s32 $0x0, s20;
	[sflag:s22] =	ssyncset.done $0x0  }
0xa2: {  	[sflag:s22] =	ssyncadd.s32 s6;
	_ =	sdelay $0x1  }
0xa3: {  	s23 =	simm.s32 $0x1B8B  }
0xa4: {  	_ =	swait.ge [sflag:s23], $0x1  }
0xa5: {  	[sflag:s23] =	ssyncset.done $0x0  }
0xa6: {  	s25 =	simm.s32 $0x1B8E;
	s24 =	sld [smem:$0x3FFE];
	[sflag:s23] =	ssyncadd.s32 $0xFFFFFFFF  }
0xa7: {  	s26 =	simm.s32 $execute0_lowered;
	[smem:$0x3FD2] =	sst s25  }
0xa8: {  	s7 =	sshll.u32 s26, $0x1;
	_ =	strace $0x80000046;
	[dreg:$0x1] =	wrdreg $0xFFFFFFFF  }
0xa9: {  	s28 =	simm.s32 $_size_execute0_lowered;
	s5 =	sadd.s32 s5, s7;
	[dreg:$0x0] =	wrdreg $0x0  }
0xaa: {  	s7 =	sshll.u32 s28, $0x1;
	[dreg:$0x2] =	wrdreg s5  }
0xab: {  	[dreg:$0x3] =	wrdreg s7  }
0xac: {  	[dreg:$0x4] =	wrdreg $0xC0  }
0xad: {  	_ =	task [dreg:s9], $0x5FFFF  }
0xae: {  	[dreg:$0x1] =	wrdreg $0xFFFFFFFF  }
0xaf: {  	[dreg:$0x0] =	wrdreg $0x60  }
0xb0: {  	[dreg:$0x2] =	wrdreg s2  }
0xb1: {  	[dreg:$0x3] =	wrdreg s18  }
0xb2: {  	[dreg:$0x4] =	wrdreg s24  }
0xb3: {  	[dreg:$0x5] =	wrdreg s4  }
0xb4: {  	[dreg:$0x6] =	wrdreg $0x14D000  }
0xb5: {  	[dreg:$0x7] =	wrdreg $0x9  }
0xb6: {  	_ =	task.clear_ibuf [dreg:s9], $0x8FFFF;
	_ =	strace $0x90000046  }
0xb7: {  	s29 =	simm.s32 $0x9;
	_ =	strace $0x80000048  }
0xb8: {  	_ =	swait.ge [sflag:s29], $0x1  }
0xb9: {  	[sflag:s29] =	ssyncadd.s32 $0xFFFFFFFF  }
0xba: {  	_ =	strace $0x90000048  }
0xbb: {  	_ =	sfence  }
0xbc: {  	s30 =	sld [smem:$0x0];
	_ =	sdelay $0x2  }
0xbd: {  	s31 =	sshll.u32 s1, $0xD;
	s1 =	sshrl.u32 s1, $0x2  }
0xbe: {  	s3 =	sand.u32 $0x4000, s31;
	s1 =	sadd.s32 s1, s30  }
0xbf: {  	s0 =	sor.u32 s3, s0;
	s1 =	sshll.u32 s1, $0x11  }
0xc0: {  	s0 =	sor.u32 s1, s0  }
0xc1: {  	s0 =	sadd.s32 $0x8F2B, s0  }
0xc2: {  	[sflag:s0] =	ssyncadd.remote.s32 $0x1  }
0xc3: {  	_ =	sfence.sel $0xFFFF  }
0xc4: {  	[dreg:$0x0] =	wrdreg $0xFFFFFFFF;
	(pc) =	sbr.abs _section_cstart, $3  }
0xc5: {  	[dreg:$0x1] =	wrdreg $0xFFFFFFFF  }
0xc6: {  	_ =	task.clear_ibuf [dreg:s9], $0x2FFFF;
	_ =	strace $0x9FFFFFFF  }
0xc7: {  	(tm) =	ssettm $0x7FFFFFFF  }
tec
execute0_lowered:
.L_overlay_start_1:
0x0: {  	(tag) =	ssettag $0x1  }
0x1: {  	s16 =	rddreg [dreg:$0x0]  }
0x2: {  	s0 =	rddreg [dreg:$0x1]  }
0x3: {  	s1 =	rddreg [dreg:$0x2]  }
0x4: {  	s14 =	rddreg [dreg:$0x3]  }
0x5: {  	s2 =	rddreg [dreg:$0x4]  }
0x6: {  	s3 =	simm.s32 $0x0;
	s25 =	stileid.u32;
	s4 =	srdreg.scid  }
0x7: {  	[smem:$0x7FF] =	sst s3;
	s17 =	sand.u32 $0x1, s4;
	s19 =	sshll.u32 s25, $0x1  }
0x8: {  	s5 =	sshll.u32 s25, $0x8;
	s21 =	sshll.u32 s25, $0xB;
	s31 =	smul.u32 $0x28, s25  }
0x9: {  	s18 =	sadd.s32 s5, s1;
	s5 =	sadd.s32 s21, s2;
	s21 =	smul.u32 $0x1400, s25  }
0xa: {  	s4 =	simm.s32 $0x14;
	s26 =	sshll.u32 s25, $0x6;
	s28 =	smul.u32 $0xA00, s17  }
0xb: {  	_ =	strace $0x80000047;
	s6 =	ssub.s32 $0x2, s17;
	s30 =	smul.u32 $0xA0, s17  }
0xc: {  	s15 =	sor.u32 s17, s19;
	s29 =	sshll.u32 s17, $0xC;
	s17 =	smul.u32 $0x14, s17  }
0xd: {  	s20 =	sshrl.u32 s6, $0x1;
	s19 =	smul.u32 $0xA0, s15;
	p0 =	slt.u32 s15, $0x11  }
0xe: {  	s7 =	smul.u32 $0xA00, s15;
	s15 =	sshll.u32 s15, $0x4;
	s1 =	ssub.s32 s6, s20  }
0xf: {  	s4 =	simm.s32 @!p0 $0x13;
	s15 =	sand.u32 $0x70, s15;
	s21 =	sadd.s32 s21, s16  }
0x10: {  	s22 =	sshrl.u32 s19, $0x3;
	s7 =	sadd.s32 s16, s7;
	s9 =	sadd.s32 $0x1400, s19  }
0x11: {  	s13 =	sadd.s32 $0x2800, s19;
	s20 =	sadd.s32 $0xFFFFFFFF, s4;
	s23 =	sadd.s32 $0xFFFFFFFE, s4  }
0x12: {  	s24 =	sadd.s32 $0xFFFFFFFD, s4;
	s19 =	sadd.s32 $0x3C00, s19;
	[dreg:$0xd] =	wrdreg s7  }
0x13: {  	s6 =	sadd.s32 s0, s22;
	s10 =	sshll.u32 s9, $0x4;
	[dreg:$0x7] =	wrdreg s20  }
0x14: {  	s11 =	sshrl.u32 s9, $0x3;
	s12 =	sshll.u32 s13, $0x4;
	[dreg:$0x9] =	wrdreg s23  }
0x15: {  	s13 =	sshrl.u32 s13, $0x3;
	[dreg:$0xb] =	wrdreg s24;
	s20 =	sand.u32 $0x300, s26  }
0x16: {  	s22 =	smul.u32 $0x140, s25;
	s23 =	sshll.u32 s19, $0x4;
	s24 =	sadd.s32 s29, s18  }
0x17: {  	s7 =	sadd.s32 s28, s21;
	s19 =	sshrl.u32 s19, $0x3;
	s8 =	sadd.s32 $0xA, s6  }
0x18: {  	s9 =	sadd.s32 s16, s10;
	s10 =	sadd.s32 s0, s11;
	s11 =	sadd.s32 $0x28A, s6  }
0x19: {  	s12 =	sadd.s32 s16, s12;
	s13 =	sadd.s32 s0, s13;
	s14 =	sadd.s32 s14, s20  }
0x1a: {  	s20 =	sadd.s32 s31, s0;
	s18 =	sadd.s32 s0, s19;
	s19 =	sadd.s32 $0x78A, s6  }
0x1b: {  	s25 =	sadd.s32 $0x8C000, s7;
	s14 =	sadd.s32 s15, s14;
	s15 =	sadd.s32 s16, s23  }
0x1c: {  	s22 =	sadd.s32 s30, s22;
	s16 =	sadd.s32 $0x50A, s6;
	s17 =	sadd.s32 s17, s20  }
0x1d: {  	s21 =	sadd.s32 $0x8C50, s22;
	s26 =	sadd.s32 $0x7850, s22;
	s29 =	sadd.s32 $0x6450, s22  }
0x1e: {  	s22 =	sadd.s32 $0x5050, s22;
	s23 =	sshrl.u32 s21, $0x3;
	s20 =	sshrl.u32 s26, $0x3  }
0x1f: {  	s30 =	sshrl.u32 s29, $0x3;
	s21 =	smax.u32 s1, $0x1;
	s28 =	sadd.s32 s23, s0  }
0x20: {  	s22 =	sshrl.u32 s22, $0x3;
	s20 =	sadd.s32 s20, s0;
	[dreg:$0xc] =	wrdreg s28  }
0x21: {  	s31 =	sadd.s32 s30, s0;
	s0 =	sadd.s32 s22, s0;
	[dreg:$0xa] =	wrdreg s20  }
0x22: {  	s23 =	simm.s32 $0x14500;
	s20 =	sadd.s32 $0x1A00, s24;
	[dreg:$0x8] =	wrdreg s31  }
0x23: {  	v0 =	vimm.f32 $0.0e+00;
	[dreg:$0x6] =	wrdreg s0;
	s24 =	simm.s32 $0x9;
	s0 =	simm.s32 $0x0  }
.LBB2_1:
0x24: {  	[tilespmem:$0x14500] =	vst v0  }
0x25: {  	[tilespmem:$0x14510] =	vst v0  }
0x26: {  	[tilespmem:$0x14520] =	vst v0  }
0x27: {  	[tilespmem:$0x14530] =	vst v0  }
0x28: {  	[tilespmem:$0x14540] =	vst v0  }
0x29: {  	[tilespmem:$0x14550] =	vst v0  }
0x2a: {  	[tilespmem:$0x14560] =	vst v0  }
0x2b: {  	[tilespmem:$0x14570] =	vst v0  }
0x2c: {  	[tilespmem:$0x14580] =	vst v0  }
0x2d: {  	[tilespmem:$0x14590] =	vst v0  }
0x2e: {  	[tilespmem:$0x145A0] =	vst v0  }
0x2f: {  	[tilespmem:$0x145B0] =	vst v0  }
0x30: {  	[tilespmem:$0x145C0] =	vst v0  }
0x31: {  	[tilespmem:$0x145D0] =	vst v0  }
0x32: {  	[tilespmem:$0x145E0] =	vst v0  }
0x33: {  	[tilespmem:$0x145F0] =	vst v0  }
0x34: {  	[tilespmem:$0x14600] =	vst v0  }
0x35: {  	[tilespmem:$0x14610] =	vst v0  }
0x36: {  	[tilespmem:$0x14620] =	vst v0  }
0x37: {  	[tilespmem:$0x14630] =	vst v0  }
0x38: {  	[tilespmem:$0x14640] =	vst v0  }
0x39: {  	[tilespmem:$0x14650] =	vst v0  }
0x3a: {  	[tilespmem:$0x14660] =	vst v0  }
0x3b: {  	[tilespmem:$0x14670] =	vst v0  }
0x3c: {  	[tilespmem:$0x14680] =	vst v0  }
0x3d: {  	[tilespmem:$0x14690] =	vst v0  }
0x3e: {  	[tilespmem:$0x146A0] =	vst v0  }
0x3f: {  	[tilespmem:$0x146B0] =	vst v0  }
0x40: {  	[tilespmem:$0x146C0] =	vst v0  }
0x41: {  	[tilespmem:$0x146D0] =	vst v0  }
0x42: {  	[tilespmem:$0x146E0] =	vst v0  }
0x43: {  	[tilespmem:$0x146F0] =	vst v0  }
0x44: {  	[tilespmem:$0x14700] =	vst v0  }
0x45: {  	[tilespmem:$0x14710] =	vst v0  }
0x46: {  	[tilespmem:$0x14720] =	vst v0  }
0x47: {  	[tilespmem:$0x14730] =	vst v0  }
0x48: {  	[tilespmem:$0x14740] =	vst v0  }
0x49: {  	[tilespmem:$0x14750] =	vst v0  }
0x4a: {  	[tilespmem:$0x14760] =	vst v0  }
0x4b: {  	[tilespmem:$0x14770] =	vst v0  }
0x4c: {  	[tilespmem:$0x14780] =	vst v0  }
0x4d: {  	[tilespmem:$0x14790] =	vst v0  }
0x4e: {  	[tilespmem:$0x147A0] =	vst v0  }
0x4f: {  	[tilespmem:$0x147B0] =	vst v0  }
0x50: {  	[tilespmem:$0x147C0] =	vst v0  }
0x51: {  	[tilespmem:$0x147D0] =	vst v0  }
0x52: {  	[tilespmem:$0x147E0] =	vst v0  }
0x53: {  	[tilespmem:$0x147F0] =	vst v0  }
0x54: {  	[tilespmem:$0x14800] =	vst v0  }
0x55: {  	[tilespmem:$0x14810] =	vst v0  }
0x56: {  	[tilespmem:$0x14820] =	vst v0  }
0x57: {  	[tilespmem:$0x14830] =	vst v0  }
0x58: {  	[tilespmem:$0x14840] =	vst v0  }
0x59: {  	[tilespmem:$0x14850] =	vst v0  }
0x5a: {  	[tilespmem:$0x14860] =	vst v0  }
0x5b: {  	[tilespmem:$0x14870] =	vst v0  }
0x5c: {  	[tilespmem:$0x14880] =	vst v0  }
0x5d: {  	[tilespmem:$0x14890] =	vst v0  }
0x5e: {  	[tilespmem:$0x148A0] =	vst v0  }
0x5f: {  	[tilespmem:$0x148B0] =	vst v0  }
0x60: {  	[tilespmem:$0x148C0] =	vst v0  }
0x61: {  	[tilespmem:$0x148D0] =	vst v0  }
0x62: {  	[tilespmem:$0x148E0] =	vst v0  }
0x63: {  	[tilespmem:$0x148F0] =	vst v0  }
0x64: {  	[tilespmem:$0x14900] =	vst v0  }
0x65: {  	[tilespmem:$0x14910] =	vst v0  }
0x66: {  	[tilespmem:$0x14920] =	vst v0  }
0x67: {  	[tilespmem:$0x14930] =	vst v0  }
0x68: {  	[tilespmem:$0x14940] =	vst v0  }
0x69: {  	[tilespmem:$0x14950] =	vst v0  }
0x6a: {  	[tilespmem:$0x14960] =	vst v0  }
0x6b: {  	[tilespmem:$0x14970] =	vst v0  }
0x6c: {  	[tilespmem:$0x14980] =	vst v0  }
0x6d: {  	[tilespmem:$0x14990] =	vst v0  }
0x6e: {  	[tilespmem:$0x149A0] =	vst v0  }
0x6f: {  	[tilespmem:$0x149B0] =	vst v0  }
0x70: {  	[tilespmem:$0x149C0] =	vst v0  }
0x71: {  	[tilespmem:$0x149D0] =	vst v0  }
0x72: {  	[tilespmem:$0x149E0] =	vst v0  }
0x73: {  	[tilespmem:$0x149F0] =	vst v0  }
0x74: {  	[tilespmem:$0x14A00] =	vst v0  }
0x75: {  	[tilespmem:$0x14A10] =	vst v0  }
0x76: {  	[tilespmem:$0x14A20] =	vst v0  }
0x77: {  	[tilespmem:$0x14A30] =	vst v0  }
0x78: {  	[tilespmem:$0x14A40] =	vst v0  }
0x79: {  	[tilespmem:$0x14A50] =	vst v0  }
0x7a: {  	[tilespmem:$0x14A60] =	vst v0  }
0x7b: {  	[tilespmem:$0x14A70] =	vst v0  }
0x7c: {  	[tilespmem:$0x14A80] =	vst v0  }
0x7d: {  	[tilespmem:$0x14A90] =	vst v0  }
0x7e: {  	[tilespmem:$0x14AA0] =	vst v0  }
0x7f: {  	[tilespmem:$0x14AB0] =	vst v0  }
0x80: {  	[tilespmem:$0x14AC0] =	vst v0  }
0x81: {  	[tilespmem:$0x14AD0] =	vst v0  }
0x82: {  	[tilespmem:$0x14AE0] =	vst v0  }
0x83: {  	[tilespmem:$0x14AF0] =	vst v0  }
0x84: {  	[tilespmem:$0x14B00] =	vst v0  }
0x85: {  	[tilespmem:$0x14B10] =	vst v0  }
0x86: {  	[tilespmem:$0x14B20] =	vst v0  }
0x87: {  	[tilespmem:$0x14B30] =	vst v0  }
0x88: {  	[tilespmem:$0x14B40] =	vst v0  }
0x89: {  	[tilespmem:$0x14B50] =	vst v0  }
0x8a: {  	[tilespmem:$0x14B60] =	vst v0  }
0x8b: {  	[tilespmem:$0x14B70] =	vst v0  }
0x8c: {  	[tilespmem:$0x14B80] =	vst v0  }
0x8d: {  	[tilespmem:$0x14B90] =	vst v0  }
0x8e: {  	[tilespmem:$0x14BA0] =	vst v0  }
0x8f: {  	[tilespmem:$0x14BB0] =	vst v0  }
0x90: {  	[tilespmem:$0x14BC0] =	vst v0  }
0x91: {  	[tilespmem:$0x14BD0] =	vst v0  }
0x92: {  	[tilespmem:$0x14BE0] =	vst v0  }
0x93: {  	[tilespmem:$0x14BF0] =	vst v0  }
0x94: {  	[tilespmem:$0x14C00] =	vst v0  }
0x95: {  	[tilespmem:$0x14C10] =	vst v0  }
0x96: {  	[tilespmem:$0x14C20] =	vst v0  }
0x97: {  	[tilespmem:$0x14C30] =	vst v0  }
0x98: {  	[tilespmem:$0x14C40] =	vst v0  }
0x99: {  	[tilespmem:$0x14C50] =	vst v0  }
0x9a: {  	[tilespmem:$0x14C60] =	vst v0  }
0x9b: {  	[tilespmem:$0x14C70] =	vst v0  }
0x9c: {  	[tilespmem:$0x14C80] =	vst v0  }
0x9d: {  	[tilespmem:$0x14C90] =	vst v0  }
0x9e: {  	[tilespmem:$0x14CA0] =	vst v0  }
0x9f: {  	[tilespmem:$0x14CB0] =	vst v0  }
0xa0: {  	[tilespmem:$0x14CC0] =	vst v0  }
0xa1: {  	[tilespmem:$0x14CD0] =	vst v0  }
0xa2: {  	[tilespmem:$0x14CE0] =	vst v0  }
0xa3: {  	[tilespmem:$0x14CF0] =	vst v0  }
0xa4: {  	[tilespmem:$0x14400] =	vst v0  }
0xa5: {  	[tilespmem:$0x14410] =	vst v0  }
0xa6: {  	[tilespmem:$0x14420] =	vst v0  }
0xa7: {  	[tilespmem:$0x14430] =	vst v0  }
0xa8: {  	[tilespmem:$0x14440] =	vst v0  }
0xa9: {  	[tilespmem:$0x14450] =	vst v0  }
0xaa: {  	[tilespmem:$0x14460] =	vst v0  }
0xab: {  	[tilespmem:$0x14470] =	vst v0  }
0xac: {  	[tilespmem:$0x14480] =	vst v0  }
0xad: {  	[tilespmem:$0x14490] =	vst v0  }
0xae: {  	[tilespmem:$0x144A0] =	vst v0  }
0xaf: {  	[tilespmem:$0x144B0] =	vst v0  }
0xb0: {  	[tilespmem:$0x144C0] =	vst v0  }
0xb1: {  	[tilespmem:$0x144D0] =	vst v0  }
0xb2: {  	[tilespmem:$0x144E0] =	vst v0  }
0xb3: {  	[tilespmem:$0x144F0] =	vst v0  }
0xb4: {  	[spmem:s5] =	stream.linear.scatter [tilespmem:s23], [sflag:$0x9], $0x800, $0x38;
	[tilespmem:$0x15500] =	vst v63  }
0xb5: {  	_ =	swait.ge [sflag:s24], $0x800  }
0xb6: {  	[sflag:s24] =	ssyncset.done $0x0  }
0xb7: {  	[sflag:s24] =	ssyncadd.s32 $0xFFFFF800  }
0xb8: {  	[bflag:$0x0] =	sbarrier.arrive $0xFFFF  }
0xb9: {  	s1 =	rddreg [dreg:$0xd]  }
0xba: {  	[tilespmem:s3], [sflag:$0x1] =	stream.linear.gather [hbm4b:s1+s3], $0x5000, $0x38;
	[tilespmem:$0x15500] =	vst v63  }
0xbb: {  	s28 =	simm.s32 $0x14000  }
0xbc: {  	[tilespmem:s28], [sflag:$0x1] =	stream.linear.gather [hbm4b:s6+s3], $0x50, $0x38;
	[tilespmem:$0x15500] =	vst v63  }
0xbd: {  	s29 =	simm.s32 $0x14080  }
0xbe: {  	[tilespmem:s29], [sflag:$0x1] =	stream.linear.gather [hbm4b:s8+s3], $0x50, $0x38;
	[tilespmem:$0x15500] =	vst v63  }
0xbf: {  	s30 =	simm.s32 $0x5000  }
0xc0: {  	[tilespmem:s30], [sflag:$0x2] =	stream.linear.gather [hbm4b:s9+s3], $0x5000, $0x38;
	[tilespmem:$0x15500] =	vst v63  }
0xc1: {  	s31 =	simm.s32 $0x14100  }
0xc2: {  	[tilespmem:s31], [sflag:$0x2] =	stream.linear.gather [hbm4b:s10+s3], $0x50, $0x38;
	[tilespmem:$0x15500] =	vst v63  }
0xc3: {  	s7 =	simm.s32 $0x14180  }
0xc4: {  	[tilespmem:s7], [sflag:$0x2] =	stream.linear.gather [hbm4b:s11+s3], $0x50, $0x38;
	[tilespmem:$0x15500] =	vst v63  }
0xc5: {  	s22 =	simm.s32 $0xA000  }
0xc6: {  	[tilespmem:s22], [sflag:$0x3] =	stream.linear.gather [hbm4b:s12+s3], $0x5000, $0x38;
	[tilespmem:$0x15500] =	vst v63  }
0xc7: {  	s26 =	simm.s32 $0x14200  }
0xc8: {  	[tilespmem:s26], [sflag:$0x3] =	stream.linear.gather [hbm4b:s13+s3], $0x50, $0x38;
	[tilespmem:$0x15500] =	vst v63  }
0xc9: {  	s28 =	simm.s32 $0x14280  }
0xca: {  	[tilespmem:s28], [sflag:$0x3] =	stream.linear.gather [hbm4b:s16+s3], $0x50, $0x38;
	[tilespmem:$0x15500] =	vst v63  }
0xcb: {  	s29 =	simm.s32 $0xF000  }
0xcc: {  	[tilespmem:s29], [sflag:$0x4] =	stream.linear.gather [hbm4b:s15+s3], $0x5000, $0x38;
	[tilespmem:$0x15500] =	vst v63  }
0xcd: {  	s1 =	simm.s32 $0x7;
	s30 =	simm.s32 $0x14300  }
0xce: {  	[tilespmem:s30], [sflag:$0x4] =	stream.linear.gather [hbm4b:s18+s3], $0x50, $0x38;
	[tilespmem:$0x15500] =	vst v63  }
0xcf: {  	s31 =	simm.s32 $0x14380;
	s22 =	smov.u32 s25;
	s26 =	simm.s32 $0x0  }
0xd0: {  	[tilespmem:s31], [sflag:$0x4] =	stream.linear.gather [hbm4b:s19+s3], $0x50, $0x38;
	[tilespmem:$0x15500] =	vst v63  }
.LBB2_2:
0xd1: {  	s28 =	sadd.s32 $0xFFFFFFF9, s1  }
0xd2: {  	p0 =	sge.u32 s28, s4  }
0xd3: {  	s29 =	simm.s32 @!p0 $0x1  }
0xd4: {  	_ =	swait.ge @!p0 [sflag:s29], $0x5000  }
0xd5: {  	[sflag:s29] =	ssyncset.done @!p0 $0x0  }
0xd6: {  	[sflag:s29] =	ssyncadd.s32 @!p0 $0xFFFFB000  }
0xd7: {  	_ =	swait.ge @!p0 [sflag:s29], $0x50  }
0xd8: {  	[sflag:s29] =	ssyncset.done @!p0 $0x0  }
0xd9: {  	[sflag:s29] =	ssyncadd.s32 @!p0 $0xFFFFFFB0  }
0xda: {  	_ =	swait.ge @!p0 [sflag:s29], $0x50  }
0xdb: {  	[sflag:s29] =	ssyncset.done @!p0 $0x0  }
0xdc: {  	[sflag:s29] =	ssyncadd.s32 @!p0 $0xFFFFFFB0  }
0xdd: {  	v1 =	vld @!p0 [tilespmem:$0x14000];
	_ =	sdelay $0x6  }
0xde: {  	v2 =	vimm.f32 @!p0 $1.000000000e+00;
	s29 =	simm.s32 @!p0 $0x14400  }
0xdf: {  	[tilespmem:v1+s29+$0x0] =	vst.idx.add.f32.msk @!p0 $0xffff, v2  }
0xe0: {  	v1 =	vld @!p0 [tilespmem:$0x14010];
	_ =	sdelay $0x7  }
0xe1: {  	[tilespmem:v1+s29+$0x0] =	vst.idx.add.f32.msk @!p0 $0xffff, v2  }
0xe2: {  	v1 =	vld @!p0 [tilespmem:$0x14020];
	_ =	sdelay $0x7  }
0xe3: {  	[tilespmem:v1+s29+$0x0] =	vst.idx.add.f32.msk @!p0 $0xffff, v2  }
0xe4: {  	v1 =	vld @!p0 [tilespmem:$0x14030];
	_ =	sdelay $0x7  }
0xe5: {  	[tilespmem:v1+s29+$0x0] =	vst.idx.add.f32.msk @!p0 $0xffff, v2  }
0xe6: {  	v1 =	vld @!p0 [tilespmem:$0x14040];
	_ =	sdelay $0x7  }
0xe7: {  	[tilespmem:v1+s29+$0x0] =	vst.idx.add.f32.msk @!p0 $0xffff, v2  }
0xe8: {  	v1 =	vld @!p0 [tilespmem:$0x14080];
	_ =	sdelay $0x7  }
0xe9: {  	[tilespmem:v1+s29+$0x0] =	vst.idx.add.f32.msk @!p0 $0xffff, v2  }
0xea: {  	v1 =	vld @!p0 [tilespmem:$0x14090];
	_ =	sdelay $0x7  }
0xeb: {  	[tilespmem:v1+s29+$0x0] =	vst.idx.add.f32.msk @!p0 $0xffff, v2  }
0xec: {  	v1 =	vld @!p0 [tilespmem:$0x140A0];
	_ =	sdelay $0x7  }
0xed: {  	[tilespmem:v1+s29+$0x0] =	vst.idx.add.f32.msk @!p0 $0xffff, v2  }
0xee: {  	v1 =	vld @!p0 [tilespmem:$0x140B0];
	_ =	sdelay $0x7  }
0xef: {  	[tilespmem:v1+s29+$0x0] =	vst.idx.add.f32.msk @!p0 $0xffff, v2  }
0xf0: {  	v1 =	vld @!p0 [tilespmem:$0x140C0];
	_ =	sdelay $0x7  }
0xf1: {  	s30 =	simm.s32 @!p0 $0x14000;
	s31 =	simm.s32 @!p0 $0x0;
	[tilespmem:v1+s29+$0x0] =	vst.idx.add.f32.msk @!p0 $0xffff, v2;
	s29 =	simm.s32 @!p0 $0x50  }
0xf2: {  	[spmem:s2] =	stream.indirect.scatter.add.f32 @!p0 [tilespmem:s31], [sflag:$0x5], $0x80, s30, s29, $0xb8;
	[tilespmem:$0x15500] =	vst v63  }
0xf3: {  	s30 =	simm.s32 @!p0 $0x14080;
	s31 =	simm.s32 @!p0 $0x2800  }
0xf4: {  	[spmem:s2] =	stream.indirect.scatter.add.f32 @!p0 [tilespmem:s31], [sflag:$0x5], $0x80, s30, s29, $0xb8;
	[tilespmem:$0x15500] =	vst v63  }
0xf5: {  	s29 =	simm.s32 @!p0 $0x5  }
0xf6: {  	_ =	swait.ge @!p0 [sflag:s29], $0x2800  }
0xf7: {  	[sflag:s29] =	ssyncset.done @!p0 $0x0  }
0xf8: {  	s30 =	sadd.s32 @!p0 $0xFFFFFFFD, s1;
	[sflag:s29] =	ssyncadd.s32 @!p0 $0xFFFFD800  }
0xf9: {  	p1 =	sge.u32 @!p0 s30, s4;
	_ =	swait.ge @!p0 [sflag:s29], $0x2800  }
0xfa: {  	p1 =	por p1, p0;
	[sflag:s29] =	ssyncset.done @!p0 $0x0  }
0xfb: {  	s30 =	simm.s32 @!p1 $0x0;
	[sflag:s29] =	ssyncadd.s32 @!p0 $0xFFFFD800;
	s29 =	sadd.s32 @!p1 $0xFFFC4000, s22  }
0xfc: {  	[tilespmem:s30], [sflag:$0x1] =	stream.linear.gather @!p1 [hbm4b:s29+s30], $0x5000, $0x38;
	[tilespmem:$0x15500] =	vst v63  }
0xfd: {  	s29 =	sadd.s32 @!p1 s26, s17  }
0xfe: {  	s31 =	simm.s32 @!p1 $0x14000;
	s7 =	rddreg [dreg:$0x6];
	s29 =	sadd.s32 @!p1 $0xA00, s29  }
0xff: {  	[tilespmem:s31], [sflag:$0x1] =	stream.linear.gather @!p1 [hbm4b:s29+s30], $0x50, $0x38;
	[tilespmem:$0x15500] =	vst v63  }
0x100: {  	s29 =	rddreg [dreg:$0x7]  }
0x101: {  	s7 =	sadd.s32 @!p1 s26, s7;
	s31 =	simm.s32 @!p1 $0x14080;
	p0 =	sge.u32 s28, s29  }
0x102: {  	[tilespmem:s31], [sflag:$0x1] =	stream.linear.gather @!p1 [hbm4b:s7+s30], $0x50, $0x38;
	[tilespmem:$0x15500] =	vst v63  }
0x103: {  	s7 =	simm.s32 @!p0 $0x2  }
0x104: {  	_ =	swait.ge @!p0 [sflag:s7], $0x5000  }
0x105: {  	[sflag:s7] =	ssyncset.done @!p0 $0x0  }
0x106: {  	[sflag:s7] =	ssyncadd.s32 @!p0 $0xFFFFB000  }
0x107: {  	_ =	swait.ge @!p0 [sflag:s7], $0x50  }
0x108: {  	[sflag:s7] =	ssyncset.done @!p0 $0x0  }
0x109: {  	[sflag:s7] =	ssyncadd.s32 @!p0 $0xFFFFFFB0  }
0x10a: {  	_ =	swait.ge @!p0 [sflag:s7], $0x50  }
0x10b: {  	[sflag:s7] =	ssyncset.done @!p0 $0x0  }
0x10c: {  	[sflag:s7] =	ssyncadd.s32 @!p0 $0xFFFFFFB0  }
0x10d: {  	v1 =	vld @!p0 [tilespmem:$0x14100];
	_ =	sdelay $0x6  }
0x10e: {  	v2 =	vimm.f32 @!p0 $1.000000000e+00;
	s7 =	simm.s32 @!p0 $0x14400  }
0x10f: {  	[tilespmem:v1+s7+$0x0] =	vst.idx.add.f32.msk @!p0 $0xffff, v2  }
0x110: {  	v1 =	vld @!p0 [tilespmem:$0x14110];
	_ =	sdelay $0x7  }
0x111: {  	[tilespmem:v1+s7+$0x0] =	vst.idx.add.f32.msk @!p0 $0xffff, v2  }
0x112: {  	v1 =	vld @!p0 [tilespmem:$0x14120];
	_ =	sdelay $0x7  }
0x113: {  	[tilespmem:v1+s7+$0x0] =	vst.idx.add.f32.msk @!p0 $0xffff, v2  }
0x114: {  	v1 =	vld @!p0 [tilespmem:$0x14130];
	_ =	sdelay $0x7  }
0x115: {  	[tilespmem:v1+s7+$0x0] =	vst.idx.add.f32.msk @!p0 $0xffff, v2  }
0x116: {  	v1 =	vld @!p0 [tilespmem:$0x14140];
	_ =	sdelay $0x7  }
0x117: {  	[tilespmem:v1+s7+$0x0] =	vst.idx.add.f32.msk @!p0 $0xffff, v2  }
0x118: {  	v1 =	vld @!p0 [tilespmem:$0x14180];
	_ =	sdelay $0x7  }
0x119: {  	[tilespmem:v1+s7+$0x0] =	vst.idx.add.f32.msk @!p0 $0xffff, v2  }
0x11a: {  	v1 =	vld @!p0 [tilespmem:$0x14190];
	_ =	sdelay $0x7  }
0x11b: {  	[tilespmem:v1+s7+$0x0] =	vst.idx.add.f32.msk @!p0 $0xffff, v2  }
0x11c: {  	v1 =	vld @!p0 [tilespmem:$0x141A0];
	_ =	sdelay $0x7  }
0x11d: {  	[tilespmem:v1+s7+$0x0] =	vst.idx.add.f32.msk @!p0 $0xffff, v2  }
0x11e: {  	v1 =	vld @!p0 [tilespmem:$0x141B0];
	_ =	sdelay $0x7  }
0x11f: {  	[tilespmem:v1+s7+$0x0] =	vst.idx.add.f32.msk @!p0 $0xffff, v2  }
0x120: {  	v1 =	vld @!p0 [tilespmem:$0x141C0];
	_ =	sdelay $0x7  }
0x121: {  	s29 =	simm.s32 @!p0 $0x14100;
	s30 =	simm.s32 @!p0 $0x5000;
	[tilespmem:v1+s7+$0x0] =	vst.idx.add.f32.msk @!p0 $0xffff, v2;
	s7 =	simm.s32 @!p0 $0x50  }
0x122: {  	[spmem:s2] =	stream.indirect.scatter.add.f32 @!p0 [tilespmem:s30], [sflag:$0x6], $0x80, s29, s7, $0xb8;
	[tilespmem:$0x15500] =	vst v63  }
0x123: {  	s29 =	simm.s32 @!p0 $0x14180;
	s30 =	simm.s32 @!p0 $0x7800  }
0x124: {  	[spmem:s2] =	stream.indirect.scatter.add.f32 @!p0 [tilespmem:s30], [sflag:$0x6], $0x80, s29, s7, $0xb8;
	[tilespmem:$0x15500] =	vst v63  }
0x125: {  	s7 =	simm.s32 @!p0 $0x6  }
0x126: {  	_ =	swait.ge @!p0 [sflag:s7], $0x2800  }
0x127: {  	[sflag:s7] =	ssyncset.done @!p0 $0x0  }
0x128: {  	[sflag:s7] =	ssyncadd.s32 @!p0 $0xFFFFD800  }
0x129: {  	s29 =	sadd.s32 @!p0 $0xFFFFFFFE, s1;
	_ =	swait.ge @!p0 [sflag:s7], $0x2800  }
0x12a: {  	p1 =	sge.u32 @!p0 s29, s4;
	[sflag:s7] =	ssyncset.done @!p0 $0x0  }
0x12b: {  	[sflag:s7] =	ssyncadd.s32 @!p0 $0xFFFFD800;
	p0 =	por p1, p0  }
0x12c: {  	s7 =	sadd.s32 @!p0 $0xFFFD8000, s22;
	s29 =	simm.s32 @!p0 $0x0;
	s30 =	simm.s32 @!p0 $0x5000  }
0x12d: {  	[tilespmem:s30], [sflag:$0x2] =	stream.linear.gather @!p0 [hbm4b:s7+s29], $0x5000, $0x38;
	[tilespmem:$0x15500] =	vst v63  }
0x12e: {  	s7 =	sadd.s32 @!p0 s26, s17  }
0x12f: {  	s31 =	rddreg [dreg:$0x8];
	s30 =	simm.s32 @!p0 $0x14100;
	s7 =	sadd.s32 @!p0 $0xC80, s7  }
0x130: {  	[tilespmem:s30], [sflag:$0x2] =	stream.linear.gather @!p0 [hbm4b:s7+s29], $0x50, $0x38;
	[tilespmem:$0x15500] =	vst v63  }
0x131: {  	s7 =	rddreg [dreg:$0x9];
	s30 =	sadd.s32 @!p0 s26, s31;
	s31 =	simm.s32 @!p0 $0x14180  }
0x132: {  	[tilespmem:s31], [sflag:$0x2] =	stream.linear.gather @!p0 [hbm4b:s30+s29], $0x50, $0x38;
	[tilespmem:$0x15500] =	vst v63  }
0x133: {  	p0 =	sge.u32 s28, s7  }
0x134: {  	s7 =	simm.s32 @!p0 $0x3  }
0x135: {  	_ =	swait.ge @!p0 [sflag:s7], $0x5000  }
0x136: {  	[sflag:s7] =	ssyncset.done @!p0 $0x0  }
0x137: {  	[sflag:s7] =	ssyncadd.s32 @!p0 $0xFFFFB000  }
0x138: {  	_ =	swait.ge @!p0 [sflag:s7], $0x50  }
0x139: {  	[sflag:s7] =	ssyncset.done @!p0 $0x0  }
0x13a: {  	[sflag:s7] =	ssyncadd.s32 @!p0 $0xFFFFFFB0  }
0x13b: {  	_ =	swait.ge @!p0 [sflag:s7], $0x50  }
0x13c: {  	[sflag:s7] =	ssyncset.done @!p0 $0x0  }
0x13d: {  	[sflag:s7] =	ssyncadd.s32 @!p0 $0xFFFFFFB0  }
0x13e: {  	v1 =	vld @!p0 [tilespmem:$0x14200];
	_ =	sdelay $0x6  }
0x13f: {  	v2 =	vimm.f32 @!p0 $1.000000000e+00;
	s7 =	simm.s32 @!p0 $0x14400  }
0x140: {  	[tilespmem:v1+s7+$0x0] =	vst.idx.add.f32.msk @!p0 $0xffff, v2  }
0x141: {  	v1 =	vld @!p0 [tilespmem:$0x14210];
	_ =	sdelay $0x7  }
0x142: {  	[tilespmem:v1+s7+$0x0] =	vst.idx.add.f32.msk @!p0 $0xffff, v2  }
0x143: {  	v1 =	vld @!p0 [tilespmem:$0x14220];
	_ =	sdelay $0x7  }
0x144: {  	[tilespmem:v1+s7+$0x0] =	vst.idx.add.f32.msk @!p0 $0xffff, v2  }
0x145: {  	v1 =	vld @!p0 [tilespmem:$0x14230];
	_ =	sdelay $0x7  }
0x146: {  	[tilespmem:v1+s7+$0x0] =	vst.idx.add.f32.msk @!p0 $0xffff, v2  }
0x147: {  	v1 =	vld @!p0 [tilespmem:$0x14240];
	_ =	sdelay $0x7  }
0x148: {  	[tilespmem:v1+s7+$0x0] =	vst.idx.add.f32.msk @!p0 $0xffff, v2  }
0x149: {  	v1 =	vld @!p0 [tilespmem:$0x14280];
	_ =	sdelay $0x7  }
0x14a: {  	[tilespmem:v1+s7+$0x0] =	vst.idx.add.f32.msk @!p0 $0xffff, v2  }
0x14b: {  	v1 =	vld @!p0 [tilespmem:$0x14290];
	_ =	sdelay $0x7  }
0x14c: {  	[tilespmem:v1+s7+$0x0] =	vst.idx.add.f32.msk @!p0 $0xffff, v2  }
0x14d: {  	v1 =	vld @!p0 [tilespmem:$0x142A0];
	_ =	sdelay $0x7  }
0x14e: {  	[tilespmem:v1+s7+$0x0] =	vst.idx.add.f32.msk @!p0 $0xffff, v2  }
0x14f: {  	v1 =	vld @!p0 [tilespmem:$0x142B0];
	_ =	sdelay $0x7  }
0x150: {  	[tilespmem:v1+s7+$0x0] =	vst.idx.add.f32.msk @!p0 $0xffff, v2  }
0x151: {  	v1 =	vld @!p0 [tilespmem:$0x142C0];
	_ =	sdelay $0x7  }
0x152: {  	s29 =	simm.s32 @!p0 $0x14200;
	s30 =	simm.s32 @!p0 $0xA000;
	[tilespmem:v1+s7+$0x0] =	vst.idx.add.f32.msk @!p0 $0xffff, v2;
	s7 =	simm.s32 @!p0 $0x50  }
0x153: {  	[spmem:s2] =	stream.indirect.scatter.add.f32 @!p0 [tilespmem:s30], [sflag:$0x7], $0x80, s29, s7, $0xb8;
	[tilespmem:$0x15500] =	vst v63  }
0x154: {  	s29 =	simm.s32 @!p0 $0x14280;
	s30 =	simm.s32 @!p0 $0xC800  }
0x155: {  	[spmem:s2] =	stream.indirect.scatter.add.f32 @!p0 [tilespmem:s30], [sflag:$0x7], $0x80, s29, s7, $0xb8;
	[tilespmem:$0x15500] =	vst v63  }
0x156: {  	s7 =	simm.s32 @!p0 $0x7  }
0x157: {  	_ =	swait.ge @!p0 [sflag:s7], $0x2800  }
0x158: {  	[sflag:s7] =	ssyncset.done @!p0 $0x0  }
0x159: {  	[sflag:s7] =	ssyncadd.s32 @!p0 $0xFFFFD800  }
0x15a: {  	s29 =	sadd.s32 @!p0 $0xFFFFFFFF, s1;
	_ =	swait.ge @!p0 [sflag:s7], $0x2800  }
0x15b: {  	p1 =	sge.u32 @!p0 s29, s4;
	[sflag:s7] =	ssyncset.done @!p0 $0x0  }
0x15c: {  	[sflag:s7] =	ssyncadd.s32 @!p0 $0xFFFFD800;
	p0 =	por p1, p0  }
0x15d: {  	s7 =	sadd.s32 @!p0 $0xFFFEC000, s22;
	s29 =	simm.s32 @!p0 $0x0;
	s30 =	simm.s32 @!p0 $0xA000  }
0x15e: {  	[tilespmem:s30], [sflag:$0x3] =	stream.linear.gather @!p0 [hbm4b:s7+s29], $0x5000, $0x38;
	[tilespmem:$0x15500] =	vst v63  }
0x15f: {  	s7 =	sadd.s32 @!p0 s26, s17  }
0x160: {  	s31 =	rddreg [dreg:$0xa];
	s30 =	simm.s32 @!p0 $0x14200;
	s7 =	sadd.s32 @!p0 $0xF00, s7  }
0x161: {  	[tilespmem:s30], [sflag:$0x3] =	stream.linear.gather @!p0 [hbm4b:s7+s29], $0x50, $0x38;
	[tilespmem:$0x15500] =	vst v63  }
0x162: {  	s7 =	rddreg [dreg:$0xb];
	s30 =	sadd.s32 @!p0 s26, s31;
	s31 =	simm.s32 @!p0 $0x14280  }
0x163: {  	[tilespmem:s31], [sflag:$0x3] =	stream.linear.gather @!p0 [hbm4b:s30+s29], $0x50, $0x38;
	[tilespmem:$0x15500] =	vst v63  }
0x164: {  	p0 =	sge.u32 s28, s7  }
0x165: {  	s7 =	simm.s32 @!p0 $0x4  }
0x166: {  	_ =	swait.ge @!p0 [sflag:s7], $0x5000  }
0x167: {  	[sflag:s7] =	ssyncset.done @!p0 $0x0  }
0x168: {  	[sflag:s7] =	ssyncadd.s32 @!p0 $0xFFFFB000  }
0x169: {  	_ =	swait.ge @!p0 [sflag:s7], $0x50  }
0x16a: {  	[sflag:s7] =	ssyncset.done @!p0 $0x0  }
0x16b: {  	[sflag:s7] =	ssyncadd.s32 @!p0 $0xFFFFFFB0  }
0x16c: {  	_ =	swait.ge @!p0 [sflag:s7], $0x50  }
0x16d: {  	[sflag:s7] =	ssyncset.done @!p0 $0x0  }
0x16e: {  	[sflag:s7] =	ssyncadd.s32 @!p0 $0xFFFFFFB0  }
0x16f: {  	v1 =	vld @!p0 [tilespmem:$0x14300];
	_ =	sdelay $0x6  }
0x170: {  	v2 =	vimm.f32 @!p0 $1.000000000e+00;
	s7 =	simm.s32 @!p0 $0x14400  }
0x171: {  	[tilespmem:v1+s7+$0x0] =	vst.idx.add.f32.msk @!p0 $0xffff, v2  }
0x172: {  	v1 =	vld @!p0 [tilespmem:$0x14310];
	_ =	sdelay $0x7  }
0x173: {  	[tilespmem:v1+s7+$0x0] =	vst.idx.add.f32.msk @!p0 $0xffff, v2  }
0x174: {  	v1 =	vld @!p0 [tilespmem:$0x14320];
	_ =	sdelay $0x7  }
0x175: {  	[tilespmem:v1+s7+$0x0] =	vst.idx.add.f32.msk @!p0 $0xffff, v2  }
0x176: {  	v1 =	vld @!p0 [tilespmem:$0x14330];
	_ =	sdelay $0x7  }
0x177: {  	[tilespmem:v1+s7+$0x0] =	vst.idx.add.f32.msk @!p0 $0xffff, v2  }
0x178: {  	v1 =	vld @!p0 [tilespmem:$0x14340];
	_ =	sdelay $0x7  }
0x179: {  	[tilespmem:v1+s7+$0x0] =	vst.idx.add.f32.msk @!p0 $0xffff, v2  }
0x17a: {  	v1 =	vld @!p0 [tilespmem:$0x14380];
	_ =	sdelay $0x7  }
0x17b: {  	[tilespmem:v1+s7+$0x0] =	vst.idx.add.f32.msk @!p0 $0xffff, v2  }
0x17c: {  	v1 =	vld @!p0 [tilespmem:$0x14390];
	_ =	sdelay $0x7  }
0x17d: {  	[tilespmem:v1+s7+$0x0] =	vst.idx.add.f32.msk @!p0 $0xffff, v2  }
0x17e: {  	v1 =	vld @!p0 [tilespmem:$0x143A0];
	_ =	sdelay $0x7  }
0x17f: {  	[tilespmem:v1+s7+$0x0] =	vst.idx.add.f32.msk @!p0 $0xffff, v2  }
0x180: {  	v1 =	vld @!p0 [tilespmem:$0x143B0];
	_ =	sdelay $0x7  }
0x181: {  	[tilespmem:v1+s7+$0x0] =	vst.idx.add.f32.msk @!p0 $0xffff, v2  }
0x182: {  	v1 =	vld @!p0 [tilespmem:$0x143C0];
	_ =	sdelay $0x7  }
0x183: {  	s28 =	simm.s32 @!p0 $0x14300;
	s29 =	simm.s32 @!p0 $0xF000;
	[tilespmem:v1+s7+$0x0] =	vst.idx.add.f32.msk @!p0 $0xffff, v2;
	s7 =	simm.s32 @!p0 $0x50  }
0x184: {  	[spmem:s2] =	stream.indirect.scatter.add.f32 @!p0 [tilespmem:s29], [sflag:$0x8], $0x80, s28, s7, $0xb8;
	[tilespmem:$0x15500] =	vst v63  }
0x185: {  	s28 =	simm.s32 @!p0 $0x14380;
	s29 =	simm.s32 @!p0 $0x11800  }
0x186: {  	[spmem:s2] =	stream.indirect.scatter.add.f32 @!p0 [tilespmem:s29], [sflag:$0x8], $0x80, s28, s7, $0xb8;
	[tilespmem:$0x15500] =	vst v63  }
0x187: {  	s7 =	simm.s32 @!p0 $0x8  }
0x188: {  	_ =	swait.ge @!p0 [sflag:s7], $0x2800  }
0x189: {  	[sflag:s7] =	ssyncset.done @!p0 $0x0  }
0x18a: {  	[sflag:s7] =	ssyncadd.s32 @!p0 $0xFFFFD800  }
0x18b: {  	p1 =	sge.u32 @!p0 s1, s4;
	_ =	swait.ge @!p0 [sflag:s7], $0x2800  }
0x18c: {  	p1 =	por p1, p0;
	[sflag:s7] =	ssyncset.done @!p0 $0x0  }
0x18d: {  	s28 =	simm.s32 @!p1 $0xF000;
	[sflag:s7] =	ssyncadd.s32 @!p0 $0xFFFFD800;
	s7 =	simm.s32 @!p1 $0x0  }
0x18e: {  	[tilespmem:s28], [sflag:$0x4] =	stream.linear.gather @!p1 [hbm4b:s22+s7], $0x5000, $0x38;
	[tilespmem:$0x15500] =	vst v63  }
0x18f: {  	s28 =	sadd.s32 @!p1 s26, s17  }
0x190: {  	s30 =	simm.s32 @!p1 $0x14300;
	s29 =	rddreg [dreg:$0xc];
	s28 =	sadd.s32 @!p1 $0x1180, s28  }
0x191: {  	[tilespmem:s30], [sflag:$0x4] =	stream.linear.gather @!p1 [hbm4b:s28+s7], $0x50, $0x38;
	[tilespmem:$0x15500] =	vst v63  }
0x192: {  	s28 =	sadd.s32 @!p1 s26, s29;
	s26 =	sadd.s32 $0xA00, s26  }
0x193: {  	p0 =	sne.s32 s26, $0x3200  }
.Ltmp0:
0x194: {  	_ = 	snop;
	(pc) =	sbr.rel @p0 .LBB2_2-.Ltmp0, $3  }
0x195: {  	_ =	sdelay $0x1  }
0x196: {  	s1 =	sadd.s32 $0x4, s1;
	s22 =	sadd.s32 $0x50000, s22;
	s29 =	simm.s32 @!p1 $0x14380  }
0x197: {  	[tilespmem:s29], [sflag:$0x4] =	stream.linear.gather @!p1 [hbm4b:s28+s7], $0x50, $0x38;
	[tilespmem:$0x15500] =	vst v63  }
0x198: {  	s1 =	simm.s32 $0x80;
	s7 =	simm.s32 $0x400;
	s22 =	simm.s32 $0x14400  }
0x199: {  	[hbm4b:s14+s1] =	stream.strided.scatter [tilespmem:s22], [sflag:$0x9], $0x100, s7, s1, $0x38;
	[tilespmem:$0x15500] =	vst v63  }
0x19a: {  	_ =	swait.ge [sflag:s24], $0x100  }
0x19b: {  	[sflag:s24] =	ssyncset.done $0x0  }
0x19c: {  	[sflag:s24] =	ssyncadd.s32 $0xFFFFFF00  }
0x19d: {  	[bflag:$0x0] =	sbarrier.arrive $0xFFFF  }
0x19e: {  	[tilespmem:s23], [sflag:$0x9] =	stream.linear.gather [spmem:s5], $0x800, $0x38;
	[tilespmem:$0x15500] =	vst v63  }
0x19f: {  	s0 =	sadd.s32 $0x1, s0;
	_ =	swait.ge [sflag:s24], $0x800  }
0x1a0: {  	p0 =	sne.s32 s0, s21;
	[sflag:s24] =	ssyncset.done $0x0  }
.Ltmp1:
0x1a1: {  	[sflag:s24] =	ssyncadd.s32 $0xFFFFF800;
	(pc) =	sbr.rel @p0 .LBB2_1-.Ltmp1, $4  }
0x1a2: {  	[hbm4b:s20+s3] =	stream.linear.scatter [tilespmem:s23], [sflag:$0x9], $0x800, $0x38;
	[tilespmem:$0x15500] =	vst v63  }
0x1a3: {  	_ =	swait.ge [sflag:s24], $0x800  }
0x1a4: {  	[sflag:s24] =	ssyncset.done $0x0  }
0x1a5: {  	[sflag:s24] =	ssyncadd.s32 $0xFFFFF800  }
0x1a6: {  	_ =	sfence.sel $0x180000  }
0x1a7: {  	[bflag:$0x0] =	sbarrier.arrive $0xFFFF  }
0x1a8: {  	_ =	strace $0x90000047  }
0x1a9: {  	s0 =	stileid.u32;
	[bflag:$0x2] =	sbarrier.arrive $0xFFFF  }
0x1aa: {  	p0 =	sne.s32 s0, $0x0;
	s0 =	rddreg [dreg:$0x5]  }
0x1ab: {  	s0 =	sadd.s32 @!p0 $0x100000, s0  }
0x1ac: {  	[sflag:s0] =	ssyncadd.tile.s32 @!p0 $0x1;
	_ =	shalt  }
.Lfunc_end2:
_tile_overlayer_lowered:
.L_overlay_start_2:
0x1ad: {  	(tag) =	ssettag $0x2  }
0x1ae: {  	s0 =	rddreg [dreg:$0x0];
	s2 =	stileid.u32  }
0x1af: {  	s1 =	rddreg [dreg:$0x1];
	p0 =	sne.s32 s2, $0x0  }
0x1b0: {  	s3 =	rddreg [dreg:$0x2];
	[bflag:$0x3] =	sbarrier.arrive $0xFFFF;
	s2 =	simm.s32 @!p0 $0x1C09  }
0x1b1: {  	[timem:s3], [sflag:s2] =	dma.local @!p0 [hbm:s0], s1  }
0x1b2: {  	s0 =	simm.s32 @!p0 $0x9  }
0x1b3: {  	_ =	swait.ge @!p0 [sflag:s0], s1  }
0x1b4: {  	s1 =	ssub.s32 @!p0 $0x0, s1;
	[sflag:s0] =	ssyncset.done @!p0 $0x0  }
0x1b5: {  	[sflag:s0] =	ssyncadd.s32 @!p0 s1  }
0x1b6: {  	[bflag:$0x3] =	sbarrier.arrive $0xFFFF  }
0x1b7: {  	_ =	shalt  }

</sc_bundles>
